<compile_context>
chip_gen: v7x
topology: tpu7x:2x2x1
jax: 0.10.2.dev20260603
libtpu: 0.0.44.dev20260713+nightly
codegen_flags: <defaults>
</compile_context>

<pallas_src>
import functools
import jax
import jax.numpy as jnp
from jax import lax
from jax.experimental import pallas as pl
from jax.experimental.pallas import tpu as pltpu
from jax.experimental.pallas import tpu_sc as plsc

N_NODES = 10000
N_EDGES = 160000
D = 256
DH = 128

ROW_BLOCK = 1000
N_BLOCKS = N_NODES // ROW_BLOCK

EC = 128
E_ROWS = N_EDGES // EC
N_SUB = 16
NP = 10112
ROWS_PER_TILE = NP // N_SUB
CNT_W = 8
NLANE = 16

_sc_mesh = plsc.VectorSubcoreMesh(core_axis_name="c", subcore_axis_name="s",
                                  num_cores=2, num_subcores=N_SUB)


def _count_body(e2, ones_hbm, zeros_hbm, out_hbm, acc_sh, idx_v, ones_v):
    c = lax.axis_index("c")
    sid = lax.axis_index("s")
    stripe = pl.ds(sid * ROWS_PER_TILE, ROWS_PER_TILE)
    pltpu.sync_copy(ones_hbm, ones_v)
    pltpu.sync_copy(zeros_hbm.at[stripe], acc_sh.at[stripe])
    plsc.subcore_barrier()

    n_iter = (E_ROWS - sid + N_SUB - 1) // N_SUB

    def body(j, carry):
        r = sid + j * N_SUB
        pltpu.sync_copy(e2.at[c, r], idx_v)
        pltpu.sync_copy(ones_v, acc_sh.at[idx_v], add=True)
        return carry

    lax.fori_loop(0, n_iter, body, 0)
    plsc.subcore_barrier()
    pltpu.sync_copy(acc_sh.at[stripe], out_hbm.at[c, stripe])


_count_call = functools.partial(
    pl.kernel,
    out_type=jax.ShapeDtypeStruct((2, NP, CNT_W), jnp.float32),
    mesh=_sc_mesh,
    compiler_params=pltpu.CompilerParams(use_tc_tiling_on_sc=False),
    scratch_types=[
        pltpu.VMEM_SHARED((NP, CNT_W), jnp.float32),
        pltpu.VMEM((EC,), jnp.int32),
        pltpu.VMEM((EC, CNT_W), jnp.float32),
    ],
)(_count_body)


def _spmm_body(gcat, e2, zeros_hbm, out_cat,
               acc_sh, idx2_v, dst_v, idx1_v, dst1_v, buf, buf1, sg0, sg1):
    c = lax.axis_index("c")
    sid = lax.axis_index("s")
    stripe = pl.ds(sid * ROWS_PER_TILE, ROWS_PER_TILE)
    pltpu.sync_copy(zeros_hbm.at[stripe], acc_sh.at[stripe])
    plsc.subcore_barrier()

    coff = c * NP

    def addoff(ref):
        for k in range(EC // NLANE):
            sl = pl.ds(k * NLANE, NLANE)
            ref[sl] = ref[sl] + coff

    def load_idx(r, idx_ref, dst_ref):
        pltpu.sync_copy(e2.at[0, r], idx_ref)
        pltpu.sync_copy(e2.at[1, r], dst_ref)
        addoff(idx_ref)

    n_iter = (E_ROWS - sid + N_SUB - 1) // N_SUB
    n_pairs = n_iter // 2

    load_idx(sid, idx2_v, dst_v)
    pltpu.async_copy(gcat.at[idx2_v], buf, sg0)

    def body(t, carry):
        a = sid + 2 * t * N_SUB
        b = a + N_SUB
        load_idx(b, idx1_v, dst1_v)
        pltpu.async_copy(gcat.at[idx1_v], buf1, sg1)
        pltpu.make_async_copy(gcat.at[idx2_v], buf, sg0).wait()
        pltpu.sync_copy(buf, acc_sh.at[dst_v], add=True)

        @pl.when(t < n_pairs - 1)
        def _():
            load_idx(b + N_SUB, idx2_v, dst_v)
            pltpu.async_copy(gcat.at[idx2_v], buf, sg0)

        pltpu.make_async_copy(gcat.at[idx1_v], buf1, sg1).wait()
        pltpu.sync_copy(buf1, acc_sh.at[dst1_v], add=True)
        return carry

    lax.fori_loop(0, n_pairs, body, 0)

    @pl.when(n_iter % 2 == 1)
    def _():
        r_last = sid + (n_iter - 1) * N_SUB
        load_idx(r_last, idx2_v, dst_v)
        pltpu.async_copy(gcat.at[idx2_v], buf, sg0).wait()
        pltpu.sync_copy(buf, acc_sh.at[dst_v], add=True)

    plsc.subcore_barrier()
    pltpu.sync_copy(acc_sh.at[stripe], out_cat.at[c, stripe])


_spmm_call = functools.partial(
    pl.kernel,
    out_type=jax.ShapeDtypeStruct((2, NP, DH), jnp.float32),
    mesh=_sc_mesh,
    scratch_types=[
        pltpu.VMEM_SHARED((NP, DH), jnp.float32),
        pltpu.VMEM((EC,), jnp.int32),
        pltpu.VMEM((EC,), jnp.int32),
        pltpu.VMEM((EC,), jnp.int32),
        pltpu.VMEM((EC,), jnp.int32),
        pltpu.VMEM((EC, DH), jnp.float32),
        pltpu.VMEM((EC, DH), jnp.float32),
        pltpu.SemaphoreType.DMA,
        pltpu.SemaphoreType.DMA,
    ],
)(_spmm_body)



def _prep_body(cnt_ref, nf_ref, p_ref, q_ref, g_ref):
    cs = cnt_ref[0, :, 0:1]
    cd = cnt_ref[1, :, 0:1]
    p = jnp.where(cs > 0, lax.rsqrt(cs), 0.0)
    q = jnp.where(cd > 0, lax.rsqrt(cd), 0.0)
    p_ref[...] = jnp.broadcast_to(p, p_ref.shape)
    q_ref[...] = jnp.broadcast_to(q, q_ref.shape)
    g = nf_ref[...] * p
    g_ref[0] = g[:, :DH]
    g_ref[1] = g[:, DH:]


def _mid_body(s_ref, p_ref, q_ref, h_ref, g_ref):
    p = p_ref[:, 0:1]
    q = q_ref[:, 0:1]
    hlo = s_ref[0] * q
    hhi = s_ref[1] * q
    h_ref[...] = jnp.concatenate([hlo, hhi], axis=1)
    g_ref[0] = hlo * p
    g_ref[1] = hhi * p


def _final_body(h0_ref, h1_ref, s2_ref, q_ref,
                w0_ref, w1_ref, w2_ref, b_ref, g_ref, be_ref,
                out_ref, pre_scr, acc_ref):
    ph = pl.program_id(0)
    i = pl.program_id(1)
    blk = pl.ds(i * ROW_BLOCK, ROW_BLOCK)

    @pl.when((ph == 0) & (i == 0))
    def _():
        acc_ref[...] = jnp.zeros_like(acc_ref)

    @pl.when(ph == 0)
    def _():
        q = q_ref[:, 0:1]
        h2 = jnp.concatenate([s2_ref[0] * q, s2_ref[1] * q], axis=1)
        dn = (((1,), (1,)), ((), ()))
        pre = lax.dot_general(h0_ref[...], w0_ref[...], dn,
                              preferred_element_type=jnp.float32)
        pre += lax.dot_general(h1_ref[...], w1_ref[...], dn,
                               preferred_element_type=jnp.float32)
        pre += lax.dot_general(h2, w2_ref[...], dn,
                               preferred_element_type=jnp.float32)
        pre += b_ref[...]
        pre_scr[blk, :] = pre
        acc_ref[0, :] += jnp.sum(pre, axis=0)
        acc_ref[1, :] += jnp.sum(pre * pre, axis=0)
        out_ref[...] = pre

    @pl.when(ph == 1)
    def _():
        mean = acc_ref[0, :] / N_NODES
        var = acc_ref[1, :] / N_NODES - mean * mean
        rstd = lax.rsqrt(var + 1e-5)
        h = (pre_scr[blk, :] - mean) * (rstd * g_ref[...]) + be_ref[...]
        out_ref[...] = h0_ref[...] + jnp.maximum(h, 0.0)


def _row_spec(w=D):
    return pl.BlockSpec((ROW_BLOCK, w), lambda i: (i, 0))


_cat_spec = pl.BlockSpec((2, ROW_BLOCK, DH), lambda i: (0, i, 0))
_pq_spec = pl.BlockSpec((ROW_BLOCK, CNT_W), lambda i: (i, 0))
_cat_shape = jax.ShapeDtypeStruct((2, NP, DH), jnp.float32)
_pq_shape = jax.ShapeDtypeStruct((N_NODES, CNT_W), jnp.float32)


@jax.jit
def kernel(node_feat, edge_index, W0, W1, W2, bias, gamma, beta):
    e2 = edge_index.reshape(2, E_ROWS, EC)
    ones_c = jnp.ones((EC, CNT_W), jnp.float32)
    zeros_c = jnp.zeros((NP, CNT_W), jnp.float32)
    zeros_s = jnp.zeros((NP, DH), jnp.float32)

    cnt = _count_call(e2, ones_c, zeros_c)[:, :N_NODES]

    p8, q8, g0 = pl.pallas_call(
        _prep_body,
        grid=(N_BLOCKS,),
        in_specs=[pl.BlockSpec((2, ROW_BLOCK, CNT_W), lambda i: (0, i, 0)),
                  _row_spec()],
        out_specs=[_pq_spec, _pq_spec, _cat_spec],
        out_shape=[_pq_shape, _pq_shape, _cat_shape],
    )(cnt, node_feat)

    s1 = _spmm_call(g0.reshape(2 * NP, DH), e2, zeros_s)[:, :N_NODES]

    h1, g1 = pl.pallas_call(
        _mid_body,
        grid=(N_BLOCKS,),
        in_specs=[pl.BlockSpec((2, ROW_BLOCK, DH), lambda i: (0, i, 0)),
                  _pq_spec, _pq_spec],
        out_specs=[_row_spec(), _cat_spec],
        out_shape=[jax.ShapeDtypeStruct((N_NODES, D), jnp.float32),
                   _cat_shape],
    )(s1, p8, q8)

    s2 = _spmm_call(g1.reshape(2 * NP, DH), e2, zeros_s)[:, :N_NODES]

    row2 = pl.BlockSpec((ROW_BLOCK, D), lambda ph, i: (i, 0))
    full2 = pl.BlockSpec((D, D), lambda ph, i: (0, 0))
    vec2 = pl.BlockSpec((1, D), lambda ph, i: (0, 0))
    out = pl.pallas_call(
        _final_body,
        grid=(2, N_BLOCKS),
        in_specs=[row2, row2,
                  pl.BlockSpec((2, ROW_BLOCK, DH), lambda ph, i: (0, i, 0)),
                  pl.BlockSpec((ROW_BLOCK, CNT_W), lambda ph, i: (i, 0)),
                  full2, full2, full2, vec2, vec2, vec2],
        out_specs=row2,
        out_shape=jax.ShapeDtypeStruct((N_NODES, D), jnp.float32),
        scratch_shapes=[pltpu.VMEM((N_NODES, D), jnp.float32),
                        pltpu.VMEM((2, D), jnp.float32)],
        compiler_params=pltpu.CompilerParams(
            vmem_limit_bytes=48 * 1024 * 1024),
    )(node_feat, h1, s2, q8, W0, W1, W2, bias.reshape(1, D),
      gamma.reshape(1, D), beta.reshape(1, D))
    return out

# --- scband reference (transcript-rebuilt; emitter-appended) ---
"""Pipeline reference for scband-so-gcnlayer-63307817943429 (READ-ONLY COPY).

The authoritative reference and input builder live on the scoring server;
editing this copy changes nothing except your own understanding.
"""

import jax, jax.numpy as jnp
import numpy as np

N_NODES = 10000
N_EDGES = 160000
D = 256


def setup_inputs(seed: int = 0) -> dict:
    key = jax.random.key(seed)
    ks = jax.random.split(key, 8)
    node_feat = jax.random.normal(ks[0], (N_NODES, D), dtype=jnp.float32)
    edge_index = jax.random.randint(ks[1], (2, N_EDGES), 0, N_NODES, dtype=jnp.int32)
    bound = 1.0 / np.sqrt(D)
    W0 = jax.random.uniform(ks[2], (D, D), minval=-bound, maxval=bound, dtype=jnp.float32)
    W1 = jax.random.uniform(ks[3], (D, D), minval=-bound, maxval=bound, dtype=jnp.float32)
    W2 = jax.random.uniform(ks[4], (D, D), minval=-bound, maxval=bound, dtype=jnp.float32)
    bias = jax.random.uniform(ks[5], (D,), minval=-bound, maxval=bound, dtype=jnp.float32)
    gamma = jnp.ones((D,), dtype=jnp.float32)
    beta = jnp.zeros((D,), dtype=jnp.float32)
    return {"node_feat": node_feat, "edge_index": edge_index, "W0": W0, "W1": W1, "W2": W2, "bias": bias, "gamma": gamma, "beta": beta}


def reference(node_feat, edge_index, W0, W1, W2, bias, gamma, beta):
    N = node_feat.shape[0]
    src = edge_index[0]
    dst = edge_index[1]
    # sqrt of in/out degrees (symmetric normalization)
    in_deg = jnp.sqrt(jnp.bincount(dst, length=N).astype(jnp.float32))
    out_deg = jnp.sqrt(jnp.bincount(src, length=N).astype(jnp.float32))
    h = node_feat
    outs = []
    for W in (W0, W1, W2):
        # linear filter on current hop features (torch Linear: x @ W.T)
        outs.append(h @ W.T)
        # sym-normalized message passing: m_e = h[src] / (out_deg[src] * in_deg[dst])
        norm = (out_deg[src] * in_deg[dst])[:, None]
        m = h[src] / norm
        h = jax.ops.segment_sum(m, dst, num_segments=N)
    h = outs[0] + outs[1] + outs[2] + bias
    # BatchNorm1d (training mode, biased variance, eps=1e-5)
    mean = jnp.mean(h, axis=0)
    var = jnp.var(h, axis=0)
    h = (h - mean) / jnp.sqrt(var + 1e-5) * gamma + beta
    # activation
    h = jax.nn.relu(h)
    # residual (in_dim == out_dim so residual is active)
    h = node_feat + h
    # dropout p=0.0 -> identity
    return h

if __name__ == "__main__":
    import jax
    _d = setup_inputs()
    print(jax.jit(kernel)(*tuple(_d.values())))

</pallas_src>

<mosaic_0001>
#map = affine_map<(d0, d1) -> (0, 0)>
#map1 = affine_map<(d0, d1) -> (0, 0, 0)>
module attributes {stable_mosaic.version = 14 : i64} {
  func.func @_spmm_body(%arg0: i32, %arg1: i32, %arg2: memref<20224x128xf32, #tpu.memory_space<hbm>>, %arg3: memref<2x1250x128xi32, #tpu.memory_space<hbm>>, %arg4: memref<10112x128xf32, #tpu.memory_space<hbm>>, %arg5: memref<2x10112x128xf32, #tpu.memory_space<hbm>>, %arg6: memref<10112x128xf32, #tpu.memory_space<vmem_shared>>, %arg7: memref<128xi32, #tpu.memory_space<vmem>>, %arg8: memref<128xi32, #tpu.memory_space<vmem>>, %arg9: memref<128xi32, #tpu.memory_space<vmem>>, %arg10: memref<128xi32, #tpu.memory_space<vmem>>, %arg11: memref<128x128xf32, #tpu.memory_space<vmem>>, %arg12: memref<128x128xf32, #tpu.memory_space<vmem>>, %arg13: memref<!tpu.dma_semaphore, #tpu.memory_space<semaphore_mem>>, %arg14: memref<!tpu.dma_semaphore, #tpu.memory_space<semaphore_mem>>) attributes {dimension_semantics = [#tpu.dimension_semantics<core_parallel>, #tpu.dimension_semantics<subcore_parallel>], iteration_bounds = array<i64: 2, 16>, scalar_prefetch = 0 : i64, scratch_operands = 9 : i64, tpu.core_type = #tpu.core_type<sc_vector_subcore>, window_params = [{transform_indices = #map}, {transform_indices = #map1}, {transform_indices = #map}, {transform_indices = #map1}]} {
    %mul3A = arith.constant 632 : i32
    %mul3A_0 = arith.muli %arg1, %mul3A : i32
    "tpu.region"() ({
      %run_scoped3A_148 = tpu.sem_alloc : memref<!tpu.dma_semaphore, #tpu.memory_space<semaphore_mem>>
      %dma_start3A_149 = arith.constant 0 : i32
      %dma_start3A_150 = tpu.memref_slice %arg6[%mul3A_0, %dma_start3A_149] : memref<10112x128xf32, #tpu.memory_space<vmem_shared>> -> memref<632x128xf32, #tpu.memory_space<vmem_shared>>
      %dma_start3A_151 = arith.constant 0 : i32
      %dma_start3A_152 = tpu.memref_slice %arg4[%mul3A_0, %dma_start3A_151] : memref<10112x128xf32, #tpu.memory_space<hbm>> -> memref<632x128xf32, #tpu.memory_space<hbm>>
      tpu.enqueue_dma source(%dma_start3A_152 : memref<632x128xf32, #tpu.memory_space<hbm>>) target(%dma_start3A_150 : memref<632x128xf32, #tpu.memory_space<vmem_shared>>) target_semaphore(%run_scoped3A_148 : memref<!tpu.dma_semaphore, #tpu.memory_space<semaphore_mem>>)
      %dma_wait3A = arith.constant 0 : i32
      %dma_wait3A_153 = tpu.memref_slice %arg6[%mul3A_0, %dma_wait3A] : memref<10112x128xf32, #tpu.memory_space<vmem_shared>> -> memref<632x128xf32, #tpu.memory_space<vmem_shared>>
      %dma_wait3A_154 = arith.constant 0 : i32
      %dma_wait3A_155 = tpu.memref_slice %arg4[%mul3A_0, %dma_wait3A_154] : memref<10112x128xf32, #tpu.memory_space<hbm>> -> memref<632x128xf32, #tpu.memory_space<hbm>>
      tpu.wait_dma2 semaphore(%run_scoped3A_148 : memref<!tpu.dma_semaphore, #tpu.memory_space<semaphore_mem>>) src(%dma_wait3A_155 : memref<632x128xf32, #tpu.memory_space<hbm>>) dst(%dma_wait3A_153 : memref<632x128xf32, #tpu.memory_space<vmem_shared>>)
      tpu.yield
    }) : () -> ()
    %barrier3A = arith.constant 0 : index
    tpu.barrier barrier_id(%barrier3A)
    %mul3A_1 = arith.constant 10112 : i32
    %mul3A_2 = arith.muli %arg0, %mul3A_1 : i32
    %sub3A = arith.constant 1250 : i32
    %sub3A_3 = arith.subi %sub3A, %arg1 : i32
    %add3A = arith.constant 16 : i32
    %add3A_4 = arith.addi %sub3A_3, %add3A : i32
    %sub3A_5 = arith.constant 1 : i32
    %sub3A_6 = arith.subi %add3A_4, %sub3A_5 : i32
    %jit3A = arith.constant 16 : i32
    %div3A = arith.divsi %sub3A_6, %jit3A : i32
    %sign3A = arith.constant 0 : i32
    %sign3A_7 = arith.cmpi sgt, %sub3A_6, %sign3A : i32
    %sign3A_8 = arith.extui %sign3A_7 : i1 to i32
    %sign3A_9 = arith.constant 0 : i32
    %sign3A_10 = arith.cmpi slt, %sub3A_6, %sign3A_9 : i32
    %sign3A_11 = arith.extui %sign3A_10 : i1 to i32
    %sign3A_12 = arith.subi %sign3A_8, %sign3A_11 : i32
    %sign3A_13 = arith.constant 0 : i32
    %sign3A_14 = arith.cmpi sgt, %jit3A, %sign3A_13 : i32
    %sign3A_15 = arith.extui %sign3A_14 : i1 to i32
    %sign3A_16 = arith.constant 0 : i32
    %sign3A_17 = arith.cmpi slt, %jit3A, %sign3A_16 : i32
    %sign3A_18 = arith.extui %sign3A_17 : i1 to i32
    %sign3A_19 = arith.subi %sign3A_15, %sign3A_18 : i32
    %ne3A = arith.cmpi ne, %sign3A_12, %sign3A_19 : i32
    %rem3A = arith.remsi %sub3A_6, %jit3A : i32
    %ne3A_20 = arith.constant 0 : i32
    %ne3A_21 = arith.cmpi ne, %rem3A, %ne3A_20 : i32
    %and3A = arith.andi %ne3A, %ne3A_21 : i1
    %sub3A_22 = arith.constant 1 : i32
    %sub3A_23 = arith.subi %div3A, %sub3A_22 : i32
    %select_n3A = arith.select %and3A, %sub3A_23, %div3A : i32
    %jit3A_24 = arith.constant 2 : i32
    %div3A_25 = arith.divsi %select_n3A, %jit3A_24 : i32
    %sign3A_26 = arith.constant 0 : i32
    %sign3A_27 = arith.cmpi sgt, %select_n3A, %sign3A_26 : i32
    %sign3A_28 = arith.extui %sign3A_27 : i1 to i32
    %sign3A_29 = arith.constant 0 : i32
    %sign3A_30 = arith.cmpi slt, %select_n3A, %sign3A_29 : i32
    %sign3A_31 = arith.extui %sign3A_30 : i1 to i32
    %sign3A_32 = arith.subi %sign3A_28, %sign3A_31 : i32
    %sign3A_33 = arith.constant 0 : i32
    %sign3A_34 = arith.cmpi sgt, %jit3A_24, %sign3A_33 : i32
    %sign3A_35 = arith.extui %sign3A_34 : i1 to i32
    %sign3A_36 = arith.constant 0 : i32
    %sign3A_37 = arith.cmpi slt, %jit3A_24, %sign3A_36 : i32
    %sign3A_38 = arith.extui %sign3A_37 : i1 to i32
    %sign3A_39 = arith.subi %sign3A_35, %sign3A_38 : i32
    %ne3A_40 = arith.cmpi ne, %sign3A_32, %sign3A_39 : i32
    %rem3A_41 = arith.remsi %select_n3A, %jit3A_24 : i32
    %ne3A_42 = arith.constant 0 : i32
    %ne3A_43 = arith.cmpi ne, %rem3A_41, %ne3A_42 : i32
    %and3A_44 = arith.andi %ne3A_40, %ne3A_43 : i1
    %sub3A_45 = arith.constant 1 : i32
    %sub3A_46 = arith.subi %div3A_25, %sub3A_45 : i32
    %select_n3A_47 = arith.select %and3A_44, %sub3A_46, %div3A_25 : i32
    %run_scoped3A = arith.constant 0 : i32
    "tpu.region"() ({
      %run_scoped3A_148 = tpu.sem_alloc : memref<!tpu.dma_semaphore, #tpu.memory_space<semaphore_mem>>
      %dma_start3A_149 = arith.constant 0 : i32
      %dma_start3A_150 = tpu.memref_slice %arg3[%run_scoped3A, %arg1, %dma_start3A_149] : memref<2x1250x128xi32, #tpu.memory_space<hbm>> -> memref<1x1x128xi32, #tpu.memory_space<hbm>>
      %dma_start3A_151 = tpu.memref_squeeze %dma_start3A_150 : memref<1x1x128xi32, #tpu.memory_space<hbm>> -> memref<128xi32, #tpu.memory_space<hbm>>
      %dma_start3A_152 = arith.constant 0 : i32
      %dma_start3A_153 = tpu.memref_slice %arg3[%run_scoped3A, %arg1, %dma_start3A_152] : memref<2x1250x128xi32, #tpu.memory_space<hbm>> -> memref<1x1x128xi32, #tpu.memory_space<hbm>>
      %dma_start3A_154 = tpu.memref_squeeze %dma_start3A_153 : memref<1x1x128xi32, #tpu.memory_space<hbm>> -> memref<128xi32, #tpu.memory_space<hbm>>
      tpu.enqueue_dma source(%dma_start3A_154 : memref<128xi32, #tpu.memory_space<hbm>>) target(%arg7 : memref<128xi32, #tpu.memory_space<vmem>>) target_semaphore(%run_scoped3A_148 : memref<!tpu.dma_semaphore, #tpu.memory_space<semaphore_mem>>)
      %dma_wait3A = arith.constant 0 : i32
      %dma_wait3A_155 = tpu.memref_slice %arg3[%run_scoped3A, %arg1, %dma_wait3A] : memref<2x1250x128xi32, #tpu.memory_space<hbm>> -> memref<1x1x128xi32, #tpu.memory_space<hbm>>
      %dma_wait3A_156 = tpu.memref_squeeze %dma_wait3A_155 : memref<1x1x128xi32, #tpu.memory_space<hbm>> -> memref<128xi32, #tpu.memory_space<hbm>>
      %dma_wait3A_157 = arith.constant 0 : i32
      %dma_wait3A_158 = tpu.memref_slice %arg3[%run_scoped3A, %arg1, %dma_wait3A_157] : memref<2x1250x128xi32, #tpu.memory_space<hbm>> -> memref<1x1x128xi32, #tpu.memory_space<hbm>>
      %dma_wait3A_159 = tpu.memref_squeeze %dma_wait3A_158 : memref<1x1x128xi32, #tpu.memory_space<hbm>> -> memref<128xi32, #tpu.memory_space<hbm>>
      tpu.wait_dma2 semaphore(%run_scoped3A_148 : memref<!tpu.dma_semaphore, #tpu.memory_space<semaphore_mem>>) src(%dma_wait3A_159 : memref<128xi32, #tpu.memory_space<hbm>>) dst(%arg7 : memref<128xi32, #tpu.memory_space<vmem>>)
      tpu.yield
    }) : () -> ()
    %run_scoped3A_48 = arith.constant 1 : i32
    "tpu.region"() ({
      %run_scoped3A_148 = tpu.sem_alloc : memref<!tpu.dma_semaphore, #tpu.memory_space<semaphore_mem>>
      %dma_start3A_149 = arith.constant 0 : i32
      %dma_start3A_150 = tpu.memref_slice %arg3[%run_scoped3A_48, %arg1, %dma_start3A_149] : memref<2x1250x128xi32, #tpu.memory_space<hbm>> -> memref<1x1x128xi32, #tpu.memory_space<hbm>>
      %dma_start3A_151 = tpu.memref_squeeze %dma_start3A_150 : memref<1x1x128xi32, #tpu.memory_space<hbm>> -> memref<128xi32, #tpu.memory_space<hbm>>
      %dma_start3A_152 = arith.constant 0 : i32
      %dma_start3A_153 = tpu.memref_slice %arg3[%run_scoped3A_48, %arg1, %dma_start3A_152] : memref<2x1250x128xi32, #tpu.memory_space<hbm>> -> memref<1x1x128xi32, #tpu.memory_space<hbm>>
      %dma_start3A_154 = tpu.memref_squeeze %dma_start3A_153 : memref<1x1x128xi32, #tpu.memory_space<hbm>> -> memref<128xi32, #tpu.memory_space<hbm>>
      tpu.enqueue_dma source(%dma_start3A_154 : memref<128xi32, #tpu.memory_space<hbm>>) target(%arg8 : memref<128xi32, #tpu.memory_space<vmem>>) target_semaphore(%run_scoped3A_148 : memref<!tpu.dma_semaphore, #tpu.memory_space<semaphore_mem>>)
      %dma_wait3A = arith.constant 0 : i32
      %dma_wait3A_155 = tpu.memref_slice %arg3[%run_scoped3A_48, %arg1, %dma_wait3A] : memref<2x1250x128xi32, #tpu.memory_space<hbm>> -> memref<1x1x128xi32, #tpu.memory_space<hbm>>
      %dma_wait3A_156 = tpu.memref_squeeze %dma_wait3A_155 : memref<1x1x128xi32, #tpu.memory_space<hbm>> -> memref<128xi32, #tpu.memory_space<hbm>>
      %dma_wait3A_157 = arith.constant 0 : i32
      %dma_wait3A_158 = tpu.memref_slice %arg3[%run_scoped3A_48, %arg1, %dma_wait3A_157] : memref<2x1250x128xi32, #tpu.memory_space<hbm>> -> memref<1x1x128xi32, #tpu.memory_space<hbm>>
      %dma_wait3A_159 = tpu.memref_squeeze %dma_wait3A_158 : memref<1x1x128xi32, #tpu.memory_space<hbm>> -> memref<128xi32, #tpu.memory_space<hbm>>
      tpu.wait_dma2 semaphore(%run_scoped3A_148 : memref<!tpu.dma_semaphore, #tpu.memory_space<semaphore_mem>>) src(%dma_wait3A_159 : memref<128xi32, #tpu.memory_space<hbm>>) dst(%arg8 : memref<128xi32, #tpu.memory_space<vmem>>)
      tpu.yield
    }) : () -> ()
    %get3A = arith.constant 0 : index
    %get3A_49 = tpu.vector_load %arg7[%get3A] {strides = array<i32>} : memref<128xi32, #tpu.memory_space<vmem>>, vector<16xi32>,
    %get3A_50 = vector.shape_cast %get3A_49 : vector<16xi32> to vector<16xi32>
    %add3A_51 = vector.broadcast %mul3A_2 : i32 to vector<16xi32>
    %add3A_52 = arith.addi %get3A_50, %add3A_51 : vector<16xi32>
    %swap3A = arith.constant 0 : index
    %swap3A_53 = tpu.vector_load %arg7[%swap3A] {strides = array<i32>} : memref<128xi32, #tpu.memory_space<vmem>>, vector<16xi32>,
    %swap3A_54 = vector.shape_cast %swap3A_53 : vector<16xi32> to vector<16xi32>
    %swap3A_55 = vector.shape_cast %add3A_52 : vector<16xi32> to vector<16xi32>
    tpu.vector_store %arg7[%swap3A], %swap3A_55 {strides = array<i32>} : memref<128xi32, #tpu.memory_space<vmem>>, vector<16xi32>,
    %get3A_56 = arith.constant 16 : index
    %get3A_57 = tpu.vector_load %arg7[%get3A_56] {strides = array<i32>} : memref<128xi32, #tpu.memory_space<vmem>>, vector<16xi32>,
    %get3A_58 = vector.shape_cast %get3A_57 : vector<16xi32> to vector<16xi32>
    %add3A_59 = vector.broadcast %mul3A_2 : i32 to vector<16xi32>
    %add3A_60 = arith.addi %get3A_58, %add3A_59 : vector<16xi32>
    %swap3A_61 = arith.constant 16 : index
    %swap3A_62 = tpu.vector_load %arg7[%swap3A_61] {strides = array<i32>} : memref<128xi32, #tpu.memory_space<vmem>>, vector<16xi32>,
    %swap3A_63 = vector.shape_cast %swap3A_62 : vector<16xi32> to vector<16xi32>
    %swap3A_64 = vector.shape_cast %add3A_60 : vector<16xi32> to vector<16xi32>
    tpu.vector_store %arg7[%swap3A_61], %swap3A_64 {strides = array<i32>} : memref<128xi32, #tpu.memory_space<vmem>>, vector<16xi32>,
    %get3A_65 = arith.constant 32 : index
    %get3A_66 = tpu.vector_load %arg7[%get3A_65] {strides = array<i32>} : memref<128xi32, #tpu.memory_space<vmem>>, vector<16xi32>,
    %get3A_67 = vector.shape_cast %get3A_66 : vector<16xi32> to vector<16xi32>
    %add3A_68 = vector.broadcast %mul3A_2 : i32 to vector<16xi32>
    %add3A_69 = arith.addi %get3A_67, %add3A_68 : vector<16xi32>
    %swap3A_70 = arith.constant 32 : index
    %swap3A_71 = tpu.vector_load %arg7[%swap3A_70] {strides = array<i32>} : memref<128xi32, #tpu.memory_space<vmem>>, vector<16xi32>,
    %swap3A_72 = vector.shape_cast %swap3A_71 : vector<16xi32> to vector<16xi32>
    %swap3A_73 = vector.shape_cast %add3A_69 : vector<16xi32> to vector<16xi32>
    tpu.vector_store %arg7[%swap3A_70], %swap3A_73 {strides = array<i32>} : memref<128xi32, #tpu.memory_space<vmem>>, vector<16xi32>,
    %get3A_74 = arith.constant 48 : index
    %get3A_75 = tpu.vector_load %arg7[%get3A_74] {strides = array<i32>} : memref<128xi32, #tpu.memory_space<vmem>>, vector<16xi32>,
    %get3A_76 = vector.shape_cast %get3A_75 : vector<16xi32> to vector<16xi32>
    %add3A_77 = vector.broadcast %mul3A_2 : i32 to vector<16xi32>
    %add3A_78 = arith.addi %get3A_76, %add3A_77 : vector<16xi32>
    %swap3A_79 = arith.constant 48 : index
    %swap3A_80 = tpu.vector_load %arg7[%swap3A_79] {strides = array<i32>} : memref<128xi32, #tpu.memory_space<vmem>>, vector<16xi32>,
    %swap3A_81 = vector.shape_cast %swap3A_80 : vector<16xi32> to vector<16xi32>
    %swap3A_82 = vector.shape_cast %add3A_78 : vector<16xi32> to vector<16xi32>
    tpu.vector_store %arg7[%swap3A_79], %swap3A_82 {strides = array<i32>} : memref<128xi32, #tpu.memory_space<vmem>>, vector<16xi32>,
    %get3A_83 = arith.constant 64 : index
    %get3A_84 = tpu.vector_load %arg7[%get3A_83] {strides = array<i32>} : memref<128xi32, #tpu.memory_space<vmem>>, vector<16xi32>,
    %get3A_85 = vector.shape_cast %get3A_84 : vector<16xi32> to vector<16xi32>
    %add3A_86 = vector.broadcast %mul3A_2 : i32 to vector<16xi32>
    %add3A_87 = arith.addi %get3A_85, %add3A_86 : vector<16xi32>
    %swap3A_88 = arith.constant 64 : index
    %swap3A_89 = tpu.vector_load %arg7[%swap3A_88] {strides = array<i32>} : memref<128xi32, #tpu.memory_space<vmem>>, vector<16xi32>,
    %swap3A_90 = vector.shape_cast %swap3A_89 : vector<16xi32> to vector<16xi32>
    %swap3A_91 = vector.shape_cast %add3A_87 : vector<16xi32> to vector<16xi32>
    tpu.vector_store %arg7[%swap3A_88], %swap3A_91 {strides = array<i32>} : memref<128xi32, #tpu.memory_space<vmem>>, vector<16xi32>,
    %get3A_92 = arith.constant 80 : index
    %get3A_93 = tpu.vector_load %arg7[%get3A_92] {strides = array<i32>} : memref<128xi32, #tpu.memory_space<vmem>>, vector<16xi32>,
    %get3A_94 = vector.shape_cast %get3A_93 : vector<16xi32> to vector<16xi32>
    %add3A_95 = vector.broadcast %mul3A_2 : i32 to vector<16xi32>
    %add3A_96 = arith.addi %get3A_94, %add3A_95 : vector<16xi32>
    %swap3A_97 = arith.constant 80 : index
    %swap3A_98 = tpu.vector_load %arg7[%swap3A_97] {strides = array<i32>} : memref<128xi32, #tpu.memory_space<vmem>>, vector<16xi32>,
    %swap3A_99 = vector.shape_cast %swap3A_98 : vector<16xi32> to vector<16xi32>
    %swap3A_100 = vector.shape_cast %add3A_96 : vector<16xi32> to vector<16xi32>
    tpu.vector_store %arg7[%swap3A_97], %swap3A_100 {strides = array<i32>} : memref<128xi32, #tpu.memory_space<vmem>>, vector<16xi32>,
    %get3A_101 = arith.constant 96 : index
    %get3A_102 = tpu.vector_load %arg7[%get3A_101] {strides = array<i32>} : memref<128xi32, #tpu.memory_space<vmem>>, vector<16xi32>,
    %get3A_103 = vector.shape_cast %get3A_102 : vector<16xi32> to vector<16xi32>
    %add3A_104 = vector.broadcast %mul3A_2 : i32 to vector<16xi32>
    %add3A_105 = arith.addi %get3A_103, %add3A_104 : vector<16xi32>
    %swap3A_106 = arith.constant 96 : index
    %swap3A_107 = tpu.vector_load %arg7[%swap3A_106] {strides = array<i32>} : memref<128xi32, #tpu.memory_space<vmem>>, vector<16xi32>,
    %swap3A_108 = vector.shape_cast %swap3A_107 : vector<16xi32> to vector<16xi32>
    %swap3A_109 = vector.shape_cast %add3A_105 : vector<16xi32> to vector<16xi32>
    tpu.vector_store %arg7[%swap3A_106], %swap3A_109 {strides = array<i32>} : memref<128xi32, #tpu.memory_space<vmem>>, vector<16xi32>,
    %get3A_110 = arith.constant 112 : index
    %get3A_111 = tpu.vector_load %arg7[%get3A_110] {strides = array<i32>} : memref<128xi32, #tpu.memory_space<vmem>>, vector<16xi32>,
    %get3A_112 = vector.shape_cast %get3A_111 : vector<16xi32> to vector<16xi32>
    %add3A_113 = vector.broadcast %mul3A_2 : i32 to vector<16xi32>
    %add3A_114 = arith.addi %get3A_112, %add3A_113 : vector<16xi32>
    %swap3A_115 = arith.constant 112 : index
    %swap3A_116 = tpu.vector_load %arg7[%swap3A_115] {strides = array<i32>} : memref<128xi32, #tpu.memory_space<vmem>>, vector<16xi32>,
    %swap3A_117 = vector.shape_cast %swap3A_116 : vector<16xi32> to vector<16xi32>
    %swap3A_118 = vector.shape_cast %add3A_114 : vector<16xi32> to vector<16xi32>
    tpu.vector_store %arg7[%swap3A_115], %swap3A_118 {strides = array<i32>} : memref<128xi32, #tpu.memory_space<vmem>>, vector<16xi32>,
    %dma_start3A = arith.constant 0 : i32
    %dma_start3A_119 = arith.constant 0 : i32
    %dma_start3A_120 = tpu.memref_slice %arg2[%dma_start3A, %dma_start3A_119] : memref<20224x128xf32, #tpu.memory_space<hbm>> -> memref<20224x128xf32, #tpu.memory_space<hbm>>
    tpu.enqueue_indirect_dma source(%dma_start3A_120 : memref<20224x128xf32, #tpu.memory_space<hbm>>) target(%arg11 : memref<128x128xf32, #tpu.memory_space<vmem>>) offsets(%arg7 : memref<128xi32, #tpu.memory_space<vmem>>) semaphore(%arg13 : memref<!tpu.dma_semaphore, #tpu.memory_space<semaphore_mem>>)
    %while3A = arith.constant 0 : i32
    %while3A_121 = arith.constant 0 : i32
    %while3A_122 = arith.subi %select_n3A_47, %while3A_121 : i32
    %while3A_123 = arith.addi %while3A_121, %while3A_122 : i32
    %while3A_124 = arith.constant 1 : i32
    %while3A_125 = arith.divsi %while3A_122, %while3A_124 : i32
    %while3A_126 = arith.muli %while3A_125, %while3A_124 : i32
    %while3A_127 = arith.addi %while3A_121, %while3A_126 : i32
    %while3A_128 = arith.constant 1 : i32
    scf.for %while3A_148 = %while3A_121 to %while3A_127 step %while3A_128  : i32 {
      %mul3A_149 = arith.constant 2 : i32
      %mul3A_150 = arith.muli %mul3A_149, %while3A_148 : i32
      %mul3A_151 = arith.constant 16 : i32
      %mul3A_152 = arith.muli %mul3A_150, %mul3A_151 : i32
      %add3A_153 = arith.addi %arg1, %mul3A_152 : i32
      %add3A_154 = arith.constant 16 : i32
      %add3A_155 = arith.addi %add3A_153, %add3A_154 : i32
      %run_scoped3A_156 = arith.constant 0 : i32
      "tpu.region"() ({
        %run_scoped3A_244 = tpu.sem_alloc : memref<!tpu.dma_semaphore, #tpu.memory_space<semaphore_mem>>
        %dma_start3A_245 = arith.constant 0 : i32
        %dma_start3A_246 = tpu.memref_slice %arg3[%run_scoped3A_156, %add3A_155, %dma_start3A_245] : memref<2x1250x128xi32, #tpu.memory_space<hbm>> -> memref<1x1x128xi32, #tpu.memory_space<hbm>>
        %dma_start3A_247 = tpu.memref_squeeze %dma_start3A_246 : memref<1x1x128xi32, #tpu.memory_space<hbm>> -> memref<128xi32, #tpu.memory_space<hbm>>
        %dma_start3A_248 = arith.constant 0 : i32
        %dma_start3A_249 = tpu.memref_slice %arg3[%run_scoped3A_156, %add3A_155, %dma_start3A_248] : memref<2x1250x128xi32, #tpu.memory_space<hbm>> -> memref<1x1x128xi32, #tpu.memory_space<hbm>>
        %dma_start3A_250 = tpu.memref_squeeze %dma_start3A_249 : memref<1x1x128xi32, #tpu.memory_space<hbm>> -> memref<128xi32, #tpu.memory_space<hbm>>
        tpu.enqueue_dma source(%dma_start3A_250 : memref<128xi32, #tpu.memory_space<hbm>>) target(%arg9 : memref<128xi32, #tpu.memory_space<vmem>>) target_semaphore(%run_scoped3A_244 : memref<!tpu.dma_semaphore, #tpu.memory_space<semaphore_mem>>)
        %dma_wait3A_251 = arith.constant 0 : i32
        %dma_wait3A_252 = tpu.memref_slice %arg3[%run_scoped3A_156, %add3A_155, %dma_wait3A_251] : memref<2x1250x128xi32, #tpu.memory_space<hbm>> -> memref<1x1x128xi32, #tpu.memory_space<hbm>>
        %dma_wait3A_253 = tpu.memref_squeeze %dma_wait3A_252 : memref<1x1x128xi32, #tpu.memory_space<hbm>> -> memref<128xi32, #tpu.memory_space<hbm>>
        %dma_wait3A_254 = arith.constant 0 : i32
        %dma_wait3A_255 = tpu.memref_slice %arg3[%run_scoped3A_156, %add3A_155, %dma_wait3A_254] : memref<2x1250x128xi32, #tpu.memory_space<hbm>> -> memref<1x1x128xi32, #tpu.memory_space<hbm>>
        %dma_wait3A_256 = tpu.memref_squeeze %dma_wait3A_255 : memref<1x1x128xi32, #tpu.memory_space<hbm>> -> memref<128xi32, #tpu.memory_space<hbm>>
        tpu.wait_dma2 semaphore(%run_scoped3A_244 : memref<!tpu.dma_semaphore, #tpu.memory_space<semaphore_mem>>) src(%dma_wait3A_256 : memref<128xi32, #tpu.memory_space<hbm>>) dst(%arg9 : memref<128xi32, #tpu.memory_space<vmem>>)
        tpu.yield
      }) : () -> ()
      %run_scoped3A_157 = arith.constant 1 : i32
      "tpu.region"() ({
        %run_scoped3A_244 = tpu.sem_alloc : memref<!tpu.dma_semaphore, #tpu.memory_space<semaphore_mem>>
        %dma_start3A_245 = arith.constant 0 : i32
        %dma_start3A_246 = tpu.memref_slice %arg3[%run_scoped3A_157, %add3A_155, %dma_start3A_245] : memref<2x1250x128xi32, #tpu.memory_space<hbm>> -> memref<1x1x128xi32, #tpu.memory_space<hbm>>
        %dma_start3A_247 = tpu.memref_squeeze %dma_start3A_246 : memref<1x1x128xi32, #tpu.memory_space<hbm>> -> memref<128xi32, #tpu.memory_space<hbm>>
        %dma_start3A_248 = arith.constant 0 : i32
        %dma_start3A_249 = tpu.memref_slice %arg3[%run_scoped3A_157, %add3A_155, %dma_start3A_248] : memref<2x1250x128xi32, #tpu.memory_space<hbm>> -> memref<1x1x128xi32, #tpu.memory_space<hbm>>
        %dma_start3A_250 = tpu.memref_squeeze %dma_start3A_249 : memref<1x1x128xi32, #tpu.memory_space<hbm>> -> memref<128xi32, #tpu.memory_space<hbm>>
        tpu.enqueue_dma source(%dma_start3A_250 : memref<128xi32, #tpu.memory_space<hbm>>) target(%arg10 : memref<128xi32, #tpu.memory_space<vmem>>) target_semaphore(%run_scoped3A_244 : memref<!tpu.dma_semaphore, #tpu.memory_space<semaphore_mem>>)
        %dma_wait3A_251 = arith.constant 0 : i32
        %dma_wait3A_252 = tpu.memref_slice %arg3[%run_scoped3A_157, %add3A_155, %dma_wait3A_251] : memref<2x1250x128xi32, #tpu.memory_space<hbm>> -> memref<1x1x128xi32, #tpu.memory_space<hbm>>
        %dma_wait3A_253 = tpu.memref_squeeze %dma_wait3A_252 : memref<1x1x128xi32, #tpu.memory_space<hbm>> -> memref<128xi32, #tpu.memory_space<hbm>>
        %dma_wait3A_254 = arith.constant 0 : i32
        %dma_wait3A_255 = tpu.memref_slice %arg3[%run_scoped3A_157, %add3A_155, %dma_wait3A_254] : memref<2x1250x128xi32, #tpu.memory_space<hbm>> -> memref<1x1x128xi32, #tpu.memory_space<hbm>>
        %dma_wait3A_256 = tpu.memref_squeeze %dma_wait3A_255 : memref<1x1x128xi32, #tpu.memory_space<hbm>> -> memref<128xi32, #tpu.memory_space<hbm>>
        tpu.wait_dma2 semaphore(%run_scoped3A_244 : memref<!tpu.dma_semaphore, #tpu.memory_space<semaphore_mem>>) src(%dma_wait3A_256 : memref<128xi32, #tpu.memory_space<hbm>>) dst(%arg10 : memref<128xi32, #tpu.memory_space<vmem>>)
        tpu.yield
      }) : () -> ()
      %get3A_158 = arith.constant 0 : index
      %get3A_159 = tpu.vector_load %arg9[%get3A_158] {strides = array<i32>} : memref<128xi32, #tpu.memory_space<vmem>>, vector<16xi32>,
      %get3A_160 = vector.shape_cast %get3A_159 : vector<16xi32> to vector<16xi32>
      %add3A_161 = vector.broadcast %mul3A_2 : i32 to vector<16xi32>
      %add3A_162 = arith.addi %get3A_160, %add3A_161 : vector<16xi32>
      %swap3A_163 = arith.constant 0 : index
      %swap3A_164 = tpu.vector_load %arg9[%swap3A_163] {strides = array<i32>} : memref<128xi32, #tpu.memory_space<vmem>>, vector<16xi32>,
      %swap3A_165 = vector.shape_cast %swap3A_164 : vector<16xi32> to vector<16xi32>
      %swap3A_166 = vector.shape_cast %add3A_162 : vector<16xi32> to vector<16xi32>
      tpu.vector_store %arg9[%swap3A_163], %swap3A_166 {strides = array<i32>} : memref<128xi32, #tpu.memory_space<vmem>>, vector<16xi32>,
      %get3A_167 = arith.constant 16 : index
      %get3A_168 = tpu.vector_load %arg9[%get3A_167] {strides = array<i32>} : memref<128xi32, #tpu.memory_space<vmem>>, vector<16xi32>,
      %get3A_169 = vector.shape_cast %get3A_168 : vector<16xi32> to vector<16xi32>
      %add3A_170 = vector.broadcast %mul3A_2 : i32 to vector<16xi32>
      %add3A_171 = arith.addi %get3A_169, %add3A_170 : vector<16xi32>
      %swap3A_172 = arith.constant 16 : index
      %swap3A_173 = tpu.vector_load %arg9[%swap3A_172] {strides = array<i32>} : memref<128xi32, #tpu.memory_space<vmem>>, vector<16xi32>,
      %swap3A_174 = vector.shape_cast %swap3A_173 : vector<16xi32> to vector<16xi32>
      %swap3A_175 = vector.shape_cast %add3A_171 : vector<16xi32> to vector<16xi32>
      tpu.vector_store %arg9[%swap3A_172], %swap3A_175 {strides = array<i32>} : memref<128xi32, #tpu.memory_space<vmem>>, vector<16xi32>,
      %get3A_176 = arith.constant 32 : index
      %get3A_177 = tpu.vector_load %arg9[%get3A_176] {strides = array<i32>} : memref<128xi32, #tpu.memory_space<vmem>>, vector<16xi32>,
      %get3A_178 = vector.shape_cast %get3A_177 : vector<16xi32> to vector<16xi32>
      %add3A_179 = vector.broadcast %mul3A_2 : i32 to vector<16xi32>
      %add3A_180 = arith.addi %get3A_178, %add3A_179 : vector<16xi32>
      %swap3A_181 = arith.constant 32 : index
      %swap3A_182 = tpu.vector_load %arg9[%swap3A_181] {strides = array<i32>} : memref<128xi32, #tpu.memory_space<vmem>>, vector<16xi32>,
      %swap3A_183 = vector.shape_cast %swap3A_182 : vector<16xi32> to vector<16xi32>
      %swap3A_184 = vector.shape_cast %add3A_180 : vector<16xi32> to vector<16xi32>
      tpu.vector_store %arg9[%swap3A_181], %swap3A_184 {strides = array<i32>} : memref<128xi32, #tpu.memory_space<vmem>>, vector<16xi32>,
      %get3A_185 = arith.constant 48 : index
      %get3A_186 = tpu.vector_load %arg9[%get3A_185] {strides = array<i32>} : memref<128xi32, #tpu.memory_space<vmem>>, vector<16xi32>,
      %get3A_187 = vector.shape_cast %get3A_186 : vector<16xi32> to vector<16xi32>
      %add3A_188 = vector.broadcast %mul3A_2 : i32 to vector<16xi32>
      %add3A_189 = arith.addi %get3A_187, %add3A_188 : vector<16xi32>
      %swap3A_190 = arith.constant 48 : index
      %swap3A_191 = tpu.vector_load %arg9[%swap3A_190] {strides = array<i32>} : memref<128xi32, #tpu.memory_space<vmem>>, vector<16xi32>,
      %swap3A_192 = vector.shape_cast %swap3A_191 : vector<16xi32> to vector<16xi32>
      %swap3A_193 = vector.shape_cast %add3A_189 : vector<16xi32> to vector<16xi32>
      tpu.vector_store %arg9[%swap3A_190], %swap3A_193 {strides = array<i32>} : memref<128xi32, #tpu.memory_space<vmem>>, vector<16xi32>,
      %get3A_194 = arith.constant 64 : index
      %get3A_195 = tpu.vector_load %arg9[%get3A_194] {strides = array<i32>} : memref<128xi32, #tpu.memory_space<vmem>>, vector<16xi32>,
      %get3A_196 = vector.shape_cast %get3A_195 : vector<16xi32> to vector<16xi32>
      %add3A_197 = vector.broadcast %mul3A_2 : i32 to vector<16xi32>
      %add3A_198 = arith.addi %get3A_196, %add3A_197 : vector<16xi32>
      %swap3A_199 = arith.constant 64 : index
      %swap3A_200 = tpu.vector_load %arg9[%swap3A_199] {strides = array<i32>} : memref<128xi32, #tpu.memory_space<vmem>>, vector<16xi32>,
      %swap3A_201 = vector.shape_cast %swap3A_200 : vector<16xi32> to vector<16xi32>
      %swap3A_202 = vector.shape_cast %add3A_198 : vector<16xi32> to vector<16xi32>
      tpu.vector_store %arg9[%swap3A_199], %swap3A_202 {strides = array<i32>} : memref<128xi32, #tpu.memory_space<vmem>>, vector<16xi32>,
      %get3A_203 = arith.constant 80 : index
      %get3A_204 = tpu.vector_load %arg9[%get3A_203] {strides = array<i32>} : memref<128xi32, #tpu.memory_space<vmem>>, vector<16xi32>,
      %get3A_205 = vector.shape_cast %get3A_204 : vector<16xi32> to vector<16xi32>
      %add3A_206 = vector.broadcast %mul3A_2 : i32 to vector<16xi32>
      %add3A_207 = arith.addi %get3A_205, %add3A_206 : vector<16xi32>
      %swap3A_208 = arith.constant 80 : index
      %swap3A_209 = tpu.vector_load %arg9[%swap3A_208] {strides = array<i32>} : memref<128xi32, #tpu.memory_space<vmem>>, vector<16xi32>,
      %swap3A_210 = vector.shape_cast %swap3A_209 : vector<16xi32> to vector<16xi32>
      %swap3A_211 = vector.shape_cast %add3A_207 : vector<16xi32> to vector<16xi32>
      tpu.vector_store %arg9[%swap3A_208], %swap3A_211 {strides = array<i32>} : memref<128xi32, #tpu.memory_space<vmem>>, vector<16xi32>,
      %get3A_212 = arith.constant 96 : index
      %get3A_213 = tpu.vector_load %arg9[%get3A_212] {strides = array<i32>} : memref<128xi32, #tpu.memory_space<vmem>>, vector<16xi32>,
      %get3A_214 = vector.shape_cast %get3A_213 : vector<16xi32> to vector<16xi32>
      %add3A_215 = vector.broadcast %mul3A_2 : i32 to vector<16xi32>
      %add3A_216 = arith.addi %get3A_214, %add3A_215 : vector<16xi32>
      %swap3A_217 = arith.constant 96 : index
      %swap3A_218 = tpu.vector_load %arg9[%swap3A_217] {strides = array<i32>} : memref<128xi32, #tpu.memory_space<vmem>>, vector<16xi32>,
      %swap3A_219 = vector.shape_cast %swap3A_218 : vector<16xi32> to vector<16xi32>
      %swap3A_220 = vector.shape_cast %add3A_216 : vector<16xi32> to vector<16xi32>
      tpu.vector_store %arg9[%swap3A_217], %swap3A_220 {strides = array<i32>} : memref<128xi32, #tpu.memory_space<vmem>>, vector<16xi32>,
      %get3A_221 = arith.constant 112 : index
      %get3A_222 = tpu.vector_load %arg9[%get3A_221] {strides = array<i32>} : memref<128xi32, #tpu.memory_space<vmem>>, vector<16xi32>,
      %get3A_223 = vector.shape_cast %get3A_222 : vector<16xi32> to vector<16xi32>
      %add3A_224 = vector.broadcast %mul3A_2 : i32 to vector<16xi32>
      %add3A_225 = arith.addi %get3A_223, %add3A_224 : vector<16xi32>
      %swap3A_226 = arith.constant 112 : index
      %swap3A_227 = tpu.vector_load %arg9[%swap3A_226] {strides = array<i32>} : memref<128xi32, #tpu.memory_space<vmem>>, vector<16xi32>,
      %swap3A_228 = vector.shape_cast %swap3A_227 : vector<16xi32> to vector<16xi32>
      %swap3A_229 = vector.shape_cast %add3A_225 : vector<16xi32> to vector<16xi32>
      tpu.vector_store %arg9[%swap3A_226], %swap3A_229 {strides = array<i32>} : memref<128xi32, #tpu.memory_space<vmem>>, vector<16xi32>,
      %dma_start3A_230 = arith.constant 0 : i32
      %dma_start3A_231 = arith.constant 0 : i32
      %dma_start3A_232 = tpu.memref_slice %arg2[%dma_start3A_230, %dma_start3A_231] : memref<20224x128xf32, #tpu.memory_space<hbm>> -> memref<20224x128xf32, #tpu.memory_space<hbm>>
      tpu.enqueue_indirect_dma source(%dma_start3A_232 : memref<20224x128xf32, #tpu.memory_space<hbm>>) target(%arg12 : memref<128x128xf32, #tpu.memory_space<vmem>>) offsets(%arg9 : memref<128xi32, #tpu.memory_space<vmem>>) semaphore(%arg14 : memref<!tpu.dma_semaphore, #tpu.memory_space<semaphore_mem>>)
      %dma_wait3A = arith.constant 0 : i32
      %dma_wait3A_233 = arith.constant 0 : i32
      %dma_wait3A_234 = tpu.memref_slice %arg2[%dma_wait3A, %dma_wait3A_233] : memref<20224x128xf32, #tpu.memory_space<hbm>> -> memref<20224x128xf32, #tpu.memory_space<hbm>>
      tpu.wait_indirect_dma semaphore(%arg13 : memref<!tpu.dma_semaphore, #tpu.memory_space<semaphore_mem>>) src(%dma_wait3A_234 : memref<20224x128xf32, #tpu.memory_space<hbm>>) dst(%arg11 : memref<128x128xf32, #tpu.memory_space<vmem>>)
      "tpu.region"() ({
        %run_scoped3A_244 = tpu.sem_alloc : memref<!tpu.dma_semaphore, #tpu.memory_space<semaphore_mem>>
        %dma_start3A_245 = arith.constant 0 : i32
        %dma_start3A_246 = arith.constant 0 : i32
        %dma_start3A_247 = tpu.memref_slice %arg6[%dma_start3A_245, %dma_start3A_246] : memref<10112x128xf32, #tpu.memory_space<vmem_shared>> -> memref<10112x128xf32, #tpu.memory_space<vmem_shared>>
        tpu.enqueue_indirect_dma source(%arg11 : memref<128x128xf32, #tpu.memory_space<vmem>>) target(%dma_start3A_247 : memref<10112x128xf32, #tpu.memory_space<vmem_shared>>) offsets(%arg8 : memref<128xi32, #tpu.memory_space<vmem>>) semaphore(%run_scoped3A_244 : memref<!tpu.dma_semaphore, #tpu.memory_space<semaphore_mem>>) {add = true}
        %dma_wait3A_248 = arith.constant 0 : i32
        %dma_wait3A_249 = arith.constant 0 : i32
        %dma_wait3A_250 = tpu.memref_slice %arg6[%dma_wait3A_248, %dma_wait3A_249] : memref<10112x128xf32, #tpu.memory_space<vmem_shared>> -> memref<10112x128xf32, #tpu.memory_space<vmem_shared>>
        tpu.wait_indirect_dma semaphore(%run_scoped3A_244 : memref<!tpu.dma_semaphore, #tpu.memory_space<semaphore_mem>>) src(%arg11 : memref<128x128xf32, #tpu.memory_space<vmem>>) dst(%dma_wait3A_250 : memref<10112x128xf32, #tpu.memory_space<vmem_shared>>)
        tpu.yield
      }) : () -> ()
      %sub3A_235 = arith.constant 1 : i32
      %sub3A_236 = arith.subi %select_n3A_47, %sub3A_235 : i32
      %lt3A_237 = arith.cmpi slt, %while3A_148, %sub3A_236 : i32
      %convert_element_type3A_238 = arith.extui %lt3A_237 : i1 to i32
      %cond3A_239 = arith.constant 0 : i32
      %cond3A_240 = arith.cmpi ne, %convert_element_type3A_238, %cond3A_239 : i32
      scf.if %cond3A_240 {
        %add3A_244 = arith.constant 16 : i32
        %add3A_245 = arith.addi %add3A_155, %add3A_244 : i32
        %run_scoped3A_246 = arith.constant 0 : i32
        "tpu.region"() ({
          %run_scoped3A_323 = tpu.sem_alloc : memref<!tpu.dma_semaphore, #tpu.memory_space<semaphore_mem>>
          %dma_start3A_324 = arith.constant 0 : i32
          %dma_start3A_325 = tpu.memref_slice %arg3[%run_scoped3A_246, %add3A_245, %dma_start3A_324] : memref<2x1250x128xi32, #tpu.memory_space<hbm>> -> memref<1x1x128xi32, #tpu.memory_space<hbm>>
          %dma_start3A_326 = tpu.memref_squeeze %dma_start3A_325 : memref<1x1x128xi32, #tpu.memory_space<hbm>> -> memref<128xi32, #tpu.memory_space<hbm>>
          %dma_start3A_327 = arith.constant 0 : i32
          %dma_start3A_328 = tpu.memref_slice %arg3[%run_scoped3A_246, %add3A_245, %dma_start3A_327] : memref<2x1250x128xi32, #tpu.memory_space<hbm>> -> memref<1x1x128xi32, #tpu.memory_space<hbm>>
          %dma_start3A_329 = tpu.memref_squeeze %dma_start3A_328 : memref<1x1x128xi32, #tpu.memory_space<hbm>> -> memref<128xi32, #tpu.memory_space<hbm>>
          tpu.enqueue_dma source(%dma_start3A_329 : memref<128xi32, #tpu.memory_space<hbm>>) target(%arg7 : memref<128xi32, #tpu.memory_space<vmem>>) target_semaphore(%run_scoped3A_323 : memref<!tpu.dma_semaphore, #tpu.memory_space<semaphore_mem>>)
          %dma_wait3A_330 = arith.constant 0 : i32
          %dma_wait3A_331 = tpu.memref_slice %arg3[%run_scoped3A_246, %add3A_245, %dma_wait3A_330] : memref<2x1250x128xi32, #tpu.memory_space<hbm>> -> memref<1x1x128xi32, #tpu.memory_space<hbm>>
          %dma_wait3A_332 = tpu.memref_squeeze %dma_wait3A_331 : memref<1x1x128xi32, #tpu.memory_space<hbm>> -> memref<128xi32, #tpu.memory_space<hbm>>
          %dma_wait3A_333 = arith.constant 0 : i32
          %dma_wait3A_334 = tpu.memref_slice %arg3[%run_scoped3A_246, %add3A_245, %dma_wait3A_333] : memref<2x1250x128xi32, #tpu.memory_space<hbm>> -> memref<1x1x128xi32, #tpu.memory_space<hbm>>
          %dma_wait3A_335 = tpu.memref_squeeze %dma_wait3A_334 : memref<1x1x128xi32, #tpu.memory_space<hbm>> -> memref<128xi32, #tpu.memory_space<hbm>>
          tpu.wait_dma2 semaphore(%run_scoped3A_323 : memref<!tpu.dma_semaphore, #tpu.memory_space<semaphore_mem>>) src(%dma_wait3A_335 : memref<128xi32, #tpu.memory_space<hbm>>) dst(%arg7 : memref<128xi32, #tpu.memory_space<vmem>>)
          tpu.yield
        }) : () -> ()
        %run_scoped3A_247 = arith.constant 1 : i32
        "tpu.region"() ({
          %run_scoped3A_323 = tpu.sem_alloc : memref<!tpu.dma_semaphore, #tpu.memory_space<semaphore_mem>>
          %dma_start3A_324 = arith.constant 0 : i32
          %dma_start3A_325 = tpu.memref_slice %arg3[%run_scoped3A_247, %add3A_245, %dma_start3A_324] : memref<2x1250x128xi32, #tpu.memory_space<hbm>> -> memref<1x1x128xi32, #tpu.memory_space<hbm>>
          %dma_start3A_326 = tpu.memref_squeeze %dma_start3A_325 : memref<1x1x128xi32, #tpu.memory_space<hbm>> -> memref<128xi32, #tpu.memory_space<hbm>>
          %dma_start3A_327 = arith.constant 0 : i32
          %dma_start3A_328 = tpu.memref_slice %arg3[%run_scoped3A_247, %add3A_245, %dma_start3A_327] : memref<2x1250x128xi32, #tpu.memory_space<hbm>> -> memref<1x1x128xi32, #tpu.memory_space<hbm>>
          %dma_start3A_329 = tpu.memref_squeeze %dma_start3A_328 : memref<1x1x128xi32, #tpu.memory_space<hbm>> -> memref<128xi32, #tpu.memory_space<hbm>>
          tpu.enqueue_dma source(%dma_start3A_329 : memref<128xi32, #tpu.memory_space<hbm>>) target(%arg8 : memref<128xi32, #tpu.memory_space<vmem>>) target_semaphore(%run_scoped3A_323 : memref<!tpu.dma_semaphore, #tpu.memory_space<semaphore_mem>>)
          %dma_wait3A_330 = arith.constant 0 : i32
          %dma_wait3A_331 = tpu.memref_slice %arg3[%run_scoped3A_247, %add3A_245, %dma_wait3A_330] : memref<2x1250x128xi32, #tpu.memory_space<hbm>> -> memref<1x1x128xi32, #tpu.memory_space<hbm>>
          %dma_wait3A_332 = tpu.memref_squeeze %dma_wait3A_331 : memref<1x1x128xi32, #tpu.memory_space<hbm>> -> memref<128xi32, #tpu.memory_space<hbm>>
          %dma_wait3A_333 = arith.constant 0 : i32
          %dma_wait3A_334 = tpu.memref_slice %arg3[%run_scoped3A_247, %add3A_245, %dma_wait3A_333] : memref<2x1250x128xi32, #tpu.memory_space<hbm>> -> memref<1x1x128xi32, #tpu.memory_space<hbm>>
          %dma_wait3A_335 = tpu.memref_squeeze %dma_wait3A_334 : memref<1x1x128xi32, #tpu.memory_space<hbm>> -> memref<128xi32, #tpu.memory_space<hbm>>
          tpu.wait_dma2 semaphore(%run_scoped3A_323 : memref<!tpu.dma_semaphore, #tpu.memory_space<semaphore_mem>>) src(%dma_wait3A_335 : memref<128xi32, #tpu.memory_space<hbm>>) dst(%arg8 : memref<128xi32, #tpu.memory_space<vmem>>)
          tpu.yield
        }) : () -> ()
        %get3A_248 = arith.constant 0 : index
        %get3A_249 = tpu.vector_load %arg7[%get3A_248] {strides = array<i32>} : memref<128xi32, #tpu.memory_space<vmem>>, vector<16xi32>,
        %get3A_250 = vector.shape_cast %get3A_249 : vector<16xi32> to vector<16xi32>
        %add3A_251 = vector.broadcast %mul3A_2 : i32 to vector<16xi32>
        %add3A_252 = arith.addi %get3A_250, %add3A_251 : vector<16xi32>
        %swap3A_253 = arith.constant 0 : index
        %swap3A_254 = tpu.vector_load %arg7[%swap3A_253] {strides = array<i32>} : memref<128xi32, #tpu.memory_space<vmem>>, vector<16xi32>,
        %swap3A_255 = vector.shape_cast %swap3A_254 : vector<16xi32> to vector<16xi32>
        %swap3A_256 = vector.shape_cast %add3A_252 : vector<16xi32> to vector<16xi32>
        tpu.vector_store %arg7[%swap3A_253], %swap3A_256 {strides = array<i32>} : memref<128xi32, #tpu.memory_space<vmem>>, vector<16xi32>,
        %get3A_257 = arith.constant 16 : index
        %get3A_258 = tpu.vector_load %arg7[%get3A_257] {strides = array<i32>} : memref<128xi32, #tpu.memory_space<vmem>>, vector<16xi32>,
        %get3A_259 = vector.shape_cast %get3A_258 : vector<16xi32> to vector<16xi32>
        %add3A_260 = vector.broadcast %mul3A_2 : i32 to vector<16xi32>
        %add3A_261 = arith.addi %get3A_259, %add3A_260 : vector<16xi32>
        %swap3A_262 = arith.constant 16 : index
        %swap3A_263 = tpu.vector_load %arg7[%swap3A_262] {strides = array<i32>} : memref<128xi32, #tpu.memory_space<vmem>>, vector<16xi32>,
        %swap3A_264 = vector.shape_cast %swap3A_263 : vector<16xi32> to vector<16xi32>
        %swap3A_265 = vector.shape_cast %add3A_261 : vector<16xi32> to vector<16xi32>
        tpu.vector_store %arg7[%swap3A_262], %swap3A_265 {strides = array<i32>} : memref<128xi32, #tpu.memory_space<vmem>>, vector<16xi32>,
        %get3A_266 = arith.constant 32 : index
        %get3A_267 = tpu.vector_load %arg7[%get3A_266] {strides = array<i32>} : memref<128xi32, #tpu.memory_space<vmem>>, vector<16xi32>,
        %get3A_268 = vector.shape_cast %get3A_267 : vector<16xi32> to vector<16xi32>
        %add3A_269 = vector.broadcast %mul3A_2 : i32 to vector<16xi32>
        %add3A_270 = arith.addi %get3A_268, %add3A_269 : vector<16xi32>
        %swap3A_271 = arith.constant 32 : index
        %swap3A_272 = tpu.vector_load %arg7[%swap3A_271] {strides = array<i32>} : memref<128xi32, #tpu.memory_space<vmem>>, vector<16xi32>,
        %swap3A_273 = vector.shape_cast %swap3A_272 : vector<16xi32> to vector<16xi32>
        %swap3A_274 = vector.shape_cast %add3A_270 : vector<16xi32> to vector<16xi32>
        tpu.vector_store %arg7[%swap3A_271], %swap3A_274 {strides = array<i32>} : memref<128xi32, #tpu.memory_space<vmem>>, vector<16xi32>,
        %get3A_275 = arith.constant 48 : index
        %get3A_276 = tpu.vector_load %arg7[%get3A_275] {strides = array<i32>} : memref<128xi32, #tpu.memory_space<vmem>>, vector<16xi32>,
        %get3A_277 = vector.shape_cast %get3A_276 : vector<16xi32> to vector<16xi32>
        %add3A_278 = vector.broadcast %mul3A_2 : i32 to vector<16xi32>
        %add3A_279 = arith.addi %get3A_277, %add3A_278 : vector<16xi32>
        %swap3A_280 = arith.constant 48 : index
        %swap3A_281 = tpu.vector_load %arg7[%swap3A_280] {strides = array<i32>} : memref<128xi32, #tpu.memory_space<vmem>>, vector<16xi32>,
        %swap3A_282 = vector.shape_cast %swap3A_281 : vector<16xi32> to vector<16xi32>
        %swap3A_283 = vector.shape_cast %add3A_279 : vector<16xi32> to vector<16xi32>
        tpu.vector_store %arg7[%swap3A_280], %swap3A_283 {strides = array<i32>} : memref<128xi32, #tpu.memory_space<vmem>>, vector<16xi32>,
        %get3A_284 = arith.constant 64 : index
        %get3A_285 = tpu.vector_load %arg7[%get3A_284] {strides = array<i32>} : memref<128xi32, #tpu.memory_space<vmem>>, vector<16xi32>,
        %get3A_286 = vector.shape_cast %get3A_285 : vector<16xi32> to vector<16xi32>
        %add3A_287 = vector.broadcast %mul3A_2 : i32 to vector<16xi32>
        %add3A_288 = arith.addi %get3A_286, %add3A_287 : vector<16xi32>
        %swap3A_289 = arith.constant 64 : index
        %swap3A_290 = tpu.vector_load %arg7[%swap3A_289] {strides = array<i32>} : memref<128xi32, #tpu.memory_space<vmem>>, vector<16xi32>,
        %swap3A_291 = vector.shape_cast %swap3A_290 : vector<16xi32> to vector<16xi32>
        %swap3A_292 = vector.shape_cast %add3A_288 : vector<16xi32> to vector<16xi32>
        tpu.vector_store %arg7[%swap3A_289], %swap3A_292 {strides = array<i32>} : memref<128xi32, #tpu.memory_space<vmem>>, vector<16xi32>,
        %get3A_293 = arith.constant 80 : index
        %get3A_294 = tpu.vector_load %arg7[%get3A_293] {strides = array<i32>} : memref<128xi32, #tpu.memory_space<vmem>>, vector<16xi32>,
        %get3A_295 = vector.shape_cast %get3A_294 : vector<16xi32> to vector<16xi32>
        %add3A_296 = vector.broadcast %mul3A_2 : i32 to vector<16xi32>
        %add3A_297 = arith.addi %get3A_295, %add3A_296 : vector<16xi32>
        %swap3A_298 = arith.constant 80 : index
        %swap3A_299 = tpu.vector_load %arg7[%swap3A_298] {strides = array<i32>} : memref<128xi32, #tpu.memory_space<vmem>>, vector<16xi32>,
        %swap3A_300 = vector.shape_cast %swap3A_299 : vector<16xi32> to vector<16xi32>
        %swap3A_301 = vector.shape_cast %add3A_297 : vector<16xi32> to vector<16xi32>
        tpu.vector_store %arg7[%swap3A_298], %swap3A_301 {strides = array<i32>} : memref<128xi32, #tpu.memory_space<vmem>>, vector<16xi32>,
        %get3A_302 = arith.constant 96 : index
        %get3A_303 = tpu.vector_load %arg7[%get3A_302] {strides = array<i32>} : memref<128xi32, #tpu.memory_space<vmem>>, vector<16xi32>,
        %get3A_304 = vector.shape_cast %get3A_303 : vector<16xi32> to vector<16xi32>
        %add3A_305 = vector.broadcast %mul3A_2 : i32 to vector<16xi32>
        %add3A_306 = arith.addi %get3A_304, %add3A_305 : vector<16xi32>
        %swap3A_307 = arith.constant 96 : index
        %swap3A_308 = tpu.vector_load %arg7[%swap3A_307] {strides = array<i32>} : memref<128xi32, #tpu.memory_space<vmem>>, vector<16xi32>,
        %swap3A_309 = vector.shape_cast %swap3A_308 : vector<16xi32> to vector<16xi32>
        %swap3A_310 = vector.shape_cast %add3A_306 : vector<16xi32> to vector<16xi32>
        tpu.vector_store %arg7[%swap3A_307], %swap3A_310 {strides = array<i32>} : memref<128xi32, #tpu.memory_space<vmem>>, vector<16xi32>,
        %get3A_311 = arith.constant 112 : index
        %get3A_312 = tpu.vector_load %arg7[%get3A_311] {strides = array<i32>} : memref<128xi32, #tpu.memory_space<vmem>>, vector<16xi32>,
        %get3A_313 = vector.shape_cast %get3A_312 : vector<16xi32> to vector<16xi32>
        %add3A_314 = vector.broadcast %mul3A_2 : i32 to vector<16xi32>
        %add3A_315 = arith.addi %get3A_313, %add3A_314 : vector<16xi32>
        %swap3A_316 = arith.constant 112 : index
        %swap3A_317 = tpu.vector_load %arg7[%swap3A_316] {strides = array<i32>} : memref<128xi32, #tpu.memory_space<vmem>>, vector<16xi32>,
        %swap3A_318 = vector.shape_cast %swap3A_317 : vector<16xi32> to vector<16xi32>
        %swap3A_319 = vector.shape_cast %add3A_315 : vector<16xi32> to vector<16xi32>
        tpu.vector_store %arg7[%swap3A_316], %swap3A_319 {strides = array<i32>} : memref<128xi32, #tpu.memory_space<vmem>>, vector<16xi32>,
        %dma_start3A_320 = arith.constant 0 : i32
        %dma_start3A_321 = arith.constant 0 : i32
        %dma_start3A_322 = tpu.memref_slice %arg2[%dma_start3A_320, %dma_start3A_321] : memref<20224x128xf32, #tpu.memory_space<hbm>> -> memref<20224x128xf32, #tpu.memory_space<hbm>>
        tpu.enqueue_indirect_dma source(%dma_start3A_322 : memref<20224x128xf32, #tpu.memory_space<hbm>>) target(%arg11 : memref<128x128xf32, #tpu.memory_space<vmem>>) offsets(%arg7 : memref<128xi32, #tpu.memory_space<vmem>>) semaphore(%arg13 : memref<!tpu.dma_semaphore, #tpu.memory_space<semaphore_mem>>)
      } else {
      }
      %dma_wait3A_241 = arith.constant 0 : i32
      %dma_wait3A_242 = arith.constant 0 : i32
      %dma_wait3A_243 = tpu.memref_slice %arg2[%dma_wait3A_241, %dma_wait3A_242] : memref<20224x128xf32, #tpu.memory_space<hbm>> -> memref<20224x128xf32, #tpu.memory_space<hbm>>
      tpu.wait_indirect_dma semaphore(%arg14 : memref<!tpu.dma_semaphore, #tpu.memory_space<semaphore_mem>>) src(%dma_wait3A_243 : memref<20224x128xf32, #tpu.memory_space<hbm>>) dst(%arg12 : memref<128x128xf32, #tpu.memory_space<vmem>>)
      "tpu.region"() ({
        %run_scoped3A_244 = tpu.sem_alloc : memref<!tpu.dma_semaphore, #tpu.memory_space<semaphore_mem>>
        %dma_start3A_245 = arith.constant 0 : i32
        %dma_start3A_246 = arith.constant 0 : i32
        %dma_start3A_247 = tpu.memref_slice %arg6[%dma_start3A_245, %dma_start3A_246] : memref<10112x128xf32, #tpu.memory_space<vmem_shared>> -> memref<10112x128xf32, #tpu.memory_space<vmem_shared>>
        tpu.enqueue_indirect_dma source(%arg12 : memref<128x128xf32, #tpu.memory_space<vmem>>) target(%dma_start3A_247 : memref<10112x128xf32, #tpu.memory_space<vmem_shared>>) offsets(%arg10 : memref<128xi32, #tpu.memory_space<vmem>>) semaphore(%run_scoped3A_244 : memref<!tpu.dma_semaphore, #tpu.memory_space<semaphore_mem>>) {add = true}
        %dma_wait3A_248 = arith.constant 0 : i32
        %dma_wait3A_249 = arith.constant 0 : i32
        %dma_wait3A_250 = tpu.memref_slice %arg6[%dma_wait3A_248, %dma_wait3A_249] : memref<10112x128xf32, #tpu.memory_space<vmem_shared>> -> memref<10112x128xf32, #tpu.memory_space<vmem_shared>>
        tpu.wait_indirect_dma semaphore(%run_scoped3A_244 : memref<!tpu.dma_semaphore, #tpu.memory_space<semaphore_mem>>) src(%arg12 : memref<128x128xf32, #tpu.memory_space<vmem>>) dst(%dma_wait3A_250 : memref<10112x128xf32, #tpu.memory_space<vmem_shared>>)
        tpu.yield
      }) : () -> ()
    }
    %while3A_129 = arith.constant 1 : i32
    scf.for %while3A_148 = %while3A_127 to %while3A_123 step %while3A_129  : i32 {
      %mul3A_149 = arith.constant 2 : i32
      %mul3A_150 = arith.muli %mul3A_149, %while3A_148 : i32
      %mul3A_151 = arith.constant 16 : i32
      %mul3A_152 = arith.muli %mul3A_150, %mul3A_151 : i32
      %add3A_153 = arith.addi %arg1, %mul3A_152 : i32
      %add3A_154 = arith.constant 16 : i32
      %add3A_155 = arith.addi %add3A_153, %add3A_154 : i32
      %run_scoped3A_156 = arith.constant 0 : i32
      "tpu.region"() ({
        %run_scoped3A_244 = tpu.sem_alloc : memref<!tpu.dma_semaphore, #tpu.memory_space<semaphore_mem>>
        %dma_start3A_245 = arith.constant 0 : i32
        %dma_start3A_246 = tpu.memref_slice %arg3[%run_scoped3A_156, %add3A_155, %dma_start3A_245] : memref<2x1250x128xi32, #tpu.memory_space<hbm>> -> memref<1x1x128xi32, #tpu.memory_space<hbm>>
        %dma_start3A_247 = tpu.memref_squeeze %dma_start3A_246 : memref<1x1x128xi32, #tpu.memory_space<hbm>> -> memref<128xi32, #tpu.memory_space<hbm>>
        %dma_start3A_248 = arith.constant 0 : i32
        %dma_start3A_249 = tpu.memref_slice %arg3[%run_scoped3A_156, %add3A_155, %dma_start3A_248] : memref<2x1250x128xi32, #tpu.memory_space<hbm>> -> memref<1x1x128xi32, #tpu.memory_space<hbm>>
        %dma_start3A_250 = tpu.memref_squeeze %dma_start3A_249 : memref<1x1x128xi32, #tpu.memory_space<hbm>> -> memref<128xi32, #tpu.memory_space<hbm>>
        tpu.enqueue_dma source(%dma_start3A_250 : memref<128xi32, #tpu.memory_space<hbm>>) target(%arg9 : memref<128xi32, #tpu.memory_space<vmem>>) target_semaphore(%run_scoped3A_244 : memref<!tpu.dma_semaphore, #tpu.memory_space<semaphore_mem>>)
        %dma_wait3A_251 = arith.constant 0 : i32
        %dma_wait3A_252 = tpu.memref_slice %arg3[%run_scoped3A_156, %add3A_155, %dma_wait3A_251] : memref<2x1250x128xi32, #tpu.memory_space<hbm>> -> memref<1x1x128xi32, #tpu.memory_space<hbm>>
        %dma_wait3A_253 = tpu.memref_squeeze %dma_wait3A_252 : memref<1x1x128xi32, #tpu.memory_space<hbm>> -> memref<128xi32, #tpu.memory_space<hbm>>
        %dma_wait3A_254 = arith.constant 0 : i32
        %dma_wait3A_255 = tpu.memref_slice %arg3[%run_scoped3A_156, %add3A_155, %dma_wait3A_254] : memref<2x1250x128xi32, #tpu.memory_space<hbm>> -> memref<1x1x128xi32, #tpu.memory_space<hbm>>
        %dma_wait3A_256 = tpu.memref_squeeze %dma_wait3A_255 : memref<1x1x128xi32, #tpu.memory_space<hbm>> -> memref<128xi32, #tpu.memory_space<hbm>>
        tpu.wait_dma2 semaphore(%run_scoped3A_244 : memref<!tpu.dma_semaphore, #tpu.memory_space<semaphore_mem>>) src(%dma_wait3A_256 : memref<128xi32, #tpu.memory_space<hbm>>) dst(%arg9 : memref<128xi32, #tpu.memory_space<vmem>>)
        tpu.yield
      }) : () -> ()
      %run_scoped3A_157 = arith.constant 1 : i32
      "tpu.region"() ({
        %run_scoped3A_244 = tpu.sem_alloc : memref<!tpu.dma_semaphore, #tpu.memory_space<semaphore_mem>>
        %dma_start3A_245 = arith.constant 0 : i32
        %dma_start3A_246 = tpu.memref_slice %arg3[%run_scoped3A_157, %add3A_155, %dma_start3A_245] : memref<2x1250x128xi32, #tpu.memory_space<hbm>> -> memref<1x1x128xi32, #tpu.memory_space<hbm>>
        %dma_start3A_247 = tpu.memref_squeeze %dma_start3A_246 : memref<1x1x128xi32, #tpu.memory_space<hbm>> -> memref<128xi32, #tpu.memory_space<hbm>>
        %dma_start3A_248 = arith.constant 0 : i32
        %dma_start3A_249 = tpu.memref_slice %arg3[%run_scoped3A_157, %add3A_155, %dma_start3A_248] : memref<2x1250x128xi32, #tpu.memory_space<hbm>> -> memref<1x1x128xi32, #tpu.memory_space<hbm>>
        %dma_start3A_250 = tpu.memref_squeeze %dma_start3A_249 : memref<1x1x128xi32, #tpu.memory_space<hbm>> -> memref<128xi32, #tpu.memory_space<hbm>>
        tpu.enqueue_dma source(%dma_start3A_250 : memref<128xi32, #tpu.memory_space<hbm>>) target(%arg10 : memref<128xi32, #tpu.memory_space<vmem>>) target_semaphore(%run_scoped3A_244 : memref<!tpu.dma_semaphore, #tpu.memory_space<semaphore_mem>>)
        %dma_wait3A_251 = arith.constant 0 : i32
        %dma_wait3A_252 = tpu.memref_slice %arg3[%run_scoped3A_157, %add3A_155, %dma_wait3A_251] : memref<2x1250x128xi32, #tpu.memory_space<hbm>> -> memref<1x1x128xi32, #tpu.memory_space<hbm>>
        %dma_wait3A_253 = tpu.memref_squeeze %dma_wait3A_252 : memref<1x1x128xi32, #tpu.memory_space<hbm>> -> memref<128xi32, #tpu.memory_space<hbm>>
        %dma_wait3A_254 = arith.constant 0 : i32
        %dma_wait3A_255 = tpu.memref_slice %arg3[%run_scoped3A_157, %add3A_155, %dma_wait3A_254] : memref<2x1250x128xi32, #tpu.memory_space<hbm>> -> memref<1x1x128xi32, #tpu.memory_space<hbm>>
        %dma_wait3A_256 = tpu.memref_squeeze %dma_wait3A_255 : memref<1x1x128xi32, #tpu.memory_space<hbm>> -> memref<128xi32, #tpu.memory_space<hbm>>
        tpu.wait_dma2 semaphore(%run_scoped3A_244 : memref<!tpu.dma_semaphore, #tpu.memory_space<semaphore_mem>>) src(%dma_wait3A_256 : memref<128xi32, #tpu.memory_space<hbm>>) dst(%arg10 : memref<128xi32, #tpu.memory_space<vmem>>)
        tpu.yield
      }) : () -> ()
      %get3A_158 = arith.constant 0 : index
      %get3A_159 = tpu.vector_load %arg9[%get3A_158] {strides = array<i32>} : memref<128xi32, #tpu.memory_space<vmem>>, vector<16xi32>,
      %get3A_160 = vector.shape_cast %get3A_159 : vector<16xi32> to vector<16xi32>
      %add3A_161 = vector.broadcast %mul3A_2 : i32 to vector<16xi32>
      %add3A_162 = arith.addi %get3A_160, %add3A_161 : vector<16xi32>
      %swap3A_163 = arith.constant 0 : index
      %swap3A_164 = tpu.vector_load %arg9[%swap3A_163] {strides = array<i32>} : memref<128xi32, #tpu.memory_space<vmem>>, vector<16xi32>,
      %swap3A_165 = vector.shape_cast %swap3A_164 : vector<16xi32> to vector<16xi32>
      %swap3A_166 = vector.shape_cast %add3A_162 : vector<16xi32> to vector<16xi32>
      tpu.vector_store %arg9[%swap3A_163], %swap3A_166 {strides = array<i32>} : memref<128xi32, #tpu.memory_space<vmem>>, vector<16xi32>,
      %get3A_167 = arith.constant 16 : index
      %get3A_168 = tpu.vector_load %arg9[%get3A_167] {strides = array<i32>} : memref<128xi32, #tpu.memory_space<vmem>>, vector<16xi32>,
      %get3A_169 = vector.shape_cast %get3A_168 : vector<16xi32> to vector<16xi32>
      %add3A_170 = vector.broadcast %mul3A_2 : i32 to vector<16xi32>
      %add3A_171 = arith.addi %get3A_169, %add3A_170 : vector<16xi32>
      %swap3A_172 = arith.constant 16 : index
      %swap3A_173 = tpu.vector_load %arg9[%swap3A_172] {strides = array<i32>} : memref<128xi32, #tpu.memory_space<vmem>>, vector<16xi32>,
      %swap3A_174 = vector.shape_cast %swap3A_173 : vector<16xi32> to vector<16xi32>
      %swap3A_175 = vector.shape_cast %add3A_171 : vector<16xi32> to vector<16xi32>
      tpu.vector_store %arg9[%swap3A_172], %swap3A_175 {strides = array<i32>} : memref<128xi32, #tpu.memory_space<vmem>>, vector<16xi32>,
      %get3A_176 = arith.constant 32 : index
      %get3A_177 = tpu.vector_load %arg9[%get3A_176] {strides = array<i32>} : memref<128xi32, #tpu.memory_space<vmem>>, vector<16xi32>,
      %get3A_178 = vector.shape_cast %get3A_177 : vector<16xi32> to vector<16xi32>
      %add3A_179 = vector.broadcast %mul3A_2 : i32 to vector<16xi32>
      %add3A_180 = arith.addi %get3A_178, %add3A_179 : vector<16xi32>
      %swap3A_181 = arith.constant 32 : index
      %swap3A_182 = tpu.vector_load %arg9[%swap3A_181] {strides = array<i32>} : memref<128xi32, #tpu.memory_space<vmem>>, vector<16xi32>,
      %swap3A_183 = vector.shape_cast %swap3A_182 : vector<16xi32> to vector<16xi32>
      %swap3A_184 = vector.shape_cast %add3A_180 : vector<16xi32> to vector<16xi32>
      tpu.vector_store %arg9[%swap3A_181], %swap3A_184 {strides = array<i32>} : memref<128xi32, #tpu.memory_space<vmem>>, vector<16xi32>,
      %get3A_185 = arith.constant 48 : index
      %get3A_186 = tpu.vector_load %arg9[%get3A_185] {strides = array<i32>} : memref<128xi32, #tpu.memory_space<vmem>>, vector<16xi32>,
      %get3A_187 = vector.shape_cast %get3A_186 : vector<16xi32> to vector<16xi32>
      %add3A_188 = vector.broadcast %mul3A_2 : i32 to vector<16xi32>
      %add3A_189 = arith.addi %get3A_187, %add3A_188 : vector<16xi32>
      %swap3A_190 = arith.constant 48 : index
      %swap3A_191 = tpu.vector_load %arg9[%swap3A_190] {strides = array<i32>} : memref<128xi32, #tpu.memory_space<vmem>>, vector<16xi32>,
      %swap3A_192 = vector.shape_cast %swap3A_191 : vector<16xi32> to vector<16xi32>
      %swap3A_193 = vector.shape_cast %add3A_189 : vector<16xi32> to vector<16xi32>
      tpu.vector_store %arg9[%swap3A_190], %swap3A_193 {strides = array<i32>} : memref<128xi32, #tpu.memory_space<vmem>>, vector<16xi32>,
      %get3A_194 = arith.constant 64 : index
      %get3A_195 = tpu.vector_load %arg9[%get3A_194] {strides = array<i32>} : memref<128xi32, #tpu.memory_space<vmem>>, vector<16xi32>,
      %get3A_196 = vector.shape_cast %get3A_195 : vector<16xi32> to vector<16xi32>
      %add3A_197 = vector.broadcast %mul3A_2 : i32 to vector<16xi32>
      %add3A_198 = arith.addi %get3A_196, %add3A_197 : vector<16xi32>
      %swap3A_199 = arith.constant 64 : index
      %swap3A_200 = tpu.vector_load %arg9[%swap3A_199] {strides = array<i32>} : memref<128xi32, #tpu.memory_space<vmem>>, vector<16xi32>,
      %swap3A_201 = vector.shape_cast %swap3A_200 : vector<16xi32> to vector<16xi32>
      %swap3A_202 = vector.shape_cast %add3A_198 : vector<16xi32> to vector<16xi32>
      tpu.vector_store %arg9[%swap3A_199], %swap3A_202 {strides = array<i32>} : memref<128xi32, #tpu.memory_space<vmem>>, vector<16xi32>,
      %get3A_203 = arith.constant 80 : index
      %get3A_204 = tpu.vector_load %arg9[%get3A_203] {strides = array<i32>} : memref<128xi32, #tpu.memory_space<vmem>>, vector<16xi32>,
      %get3A_205 = vector.shape_cast %get3A_204 : vector<16xi32> to vector<16xi32>
      %add3A_206 = vector.broadcast %mul3A_2 : i32 to vector<16xi32>
      %add3A_207 = arith.addi %get3A_205, %add3A_206 : vector<16xi32>
      %swap3A_208 = arith.constant 80 : index
      %swap3A_209 = tpu.vector_load %arg9[%swap3A_208] {strides = array<i32>} : memref<128xi32, #tpu.memory_space<vmem>>, vector<16xi32>,
      %swap3A_210 = vector.shape_cast %swap3A_209 : vector<16xi32> to vector<16xi32>
      %swap3A_211 = vector.shape_cast %add3A_207 : vector<16xi32> to vector<16xi32>
      tpu.vector_store %arg9[%swap3A_208], %swap3A_211 {strides = array<i32>} : memref<128xi32, #tpu.memory_space<vmem>>, vector<16xi32>,
      %get3A_212 = arith.constant 96 : index
      %get3A_213 = tpu.vector_load %arg9[%get3A_212] {strides = array<i32>} : memref<128xi32, #tpu.memory_space<vmem>>, vector<16xi32>,
      %get3A_214 = vector.shape_cast %get3A_213 : vector<16xi32> to vector<16xi32>
      %add3A_215 = vector.broadcast %mul3A_2 : i32 to vector<16xi32>
      %add3A_216 = arith.addi %get3A_214, %add3A_215 : vector<16xi32>
      %swap3A_217 = arith.constant 96 : index
      %swap3A_218 = tpu.vector_load %arg9[%swap3A_217] {strides = array<i32>} : memref<128xi32, #tpu.memory_space<vmem>>, vector<16xi32>,
      %swap3A_219 = vector.shape_cast %swap3A_218 : vector<16xi32> to vector<16xi32>
      %swap3A_220 = vector.shape_cast %add3A_216 : vector<16xi32> to vector<16xi32>
      tpu.vector_store %arg9[%swap3A_217], %swap3A_220 {strides = array<i32>} : memref<128xi32, #tpu.memory_space<vmem>>, vector<16xi32>,
      %get3A_221 = arith.constant 112 : index
      %get3A_222 = tpu.vector_load %arg9[%get3A_221] {strides = array<i32>} : memref<128xi32, #tpu.memory_space<vmem>>, vector<16xi32>,
      %get3A_223 = vector.shape_cast %get3A_222 : vector<16xi32> to vector<16xi32>
      %add3A_224 = vector.broadcast %mul3A_2 : i32 to vector<16xi32>
      %add3A_225 = arith.addi %get3A_223, %add3A_224 : vector<16xi32>
      %swap3A_226 = arith.constant 112 : index
      %swap3A_227 = tpu.vector_load %arg9[%swap3A_226] {strides = array<i32>} : memref<128xi32, #tpu.memory_space<vmem>>, vector<16xi32>,
      %swap3A_228 = vector.shape_cast %swap3A_227 : vector<16xi32> to vector<16xi32>
      %swap3A_229 = vector.shape_cast %add3A_225 : vector<16xi32> to vector<16xi32>
      tpu.vector_store %arg9[%swap3A_226], %swap3A_229 {strides = array<i32>} : memref<128xi32, #tpu.memory_space<vmem>>, vector<16xi32>,
      %dma_start3A_230 = arith.constant 0 : i32
      %dma_start3A_231 = arith.constant 0 : i32
      %dma_start3A_232 = tpu.memref_slice %arg2[%dma_start3A_230, %dma_start3A_231] : memref<20224x128xf32, #tpu.memory_space<hbm>> -> memref<20224x128xf32, #tpu.memory_space<hbm>>
      tpu.enqueue_indirect_dma source(%dma_start3A_232 : memref<20224x128xf32, #tpu.memory_space<hbm>>) target(%arg12 : memref<128x128xf32, #tpu.memory_space<vmem>>) offsets(%arg9 : memref<128xi32, #tpu.memory_space<vmem>>) semaphore(%arg14 : memref<!tpu.dma_semaphore, #tpu.memory_space<semaphore_mem>>)
      %dma_wait3A = arith.constant 0 : i32
      %dma_wait3A_233 = arith.constant 0 : i32
      %dma_wait3A_234 = tpu.memref_slice %arg2[%dma_wait3A, %dma_wait3A_233] : memref<20224x128xf32, #tpu.memory_space<hbm>> -> memref<20224x128xf32, #tpu.memory_space<hbm>>
      tpu.wait_indirect_dma semaphore(%arg13 : memref<!tpu.dma_semaphore, #tpu.memory_space<semaphore_mem>>) src(%dma_wait3A_234 : memref<20224x128xf32, #tpu.memory_space<hbm>>) dst(%arg11 : memref<128x128xf32, #tpu.memory_space<vmem>>)
      "tpu.region"() ({
        %run_scoped3A_244 = tpu.sem_alloc : memref<!tpu.dma_semaphore, #tpu.memory_space<semaphore_mem>>
        %dma_start3A_245 = arith.constant 0 : i32
        %dma_start3A_246 = arith.constant 0 : i32
        %dma_start3A_247 = tpu.memref_slice %arg6[%dma_start3A_245, %dma_start3A_246] : memref<10112x128xf32, #tpu.memory_space<vmem_shared>> -> memref<10112x128xf32, #tpu.memory_space<vmem_shared>>
        tpu.enqueue_indirect_dma source(%arg11 : memref<128x128xf32, #tpu.memory_space<vmem>>) target(%dma_start3A_247 : memref<10112x128xf32, #tpu.memory_space<vmem_shared>>) offsets(%arg8 : memref<128xi32, #tpu.memory_space<vmem>>) semaphore(%run_scoped3A_244 : memref<!tpu.dma_semaphore, #tpu.memory_space<semaphore_mem>>) {add = true}
        %dma_wait3A_248 = arith.constant 0 : i32
        %dma_wait3A_249 = arith.constant 0 : i32
        %dma_wait3A_250 = tpu.memref_slice %arg6[%dma_wait3A_248, %dma_wait3A_249] : memref<10112x128xf32, #tpu.memory_space<vmem_shared>> -> memref<10112x128xf32, #tpu.memory_space<vmem_shared>>
        tpu.wait_indirect_dma semaphore(%run_scoped3A_244 : memref<!tpu.dma_semaphore, #tpu.memory_space<semaphore_mem>>) src(%arg11 : memref<128x128xf32, #tpu.memory_space<vmem>>) dst(%dma_wait3A_250 : memref<10112x128xf32, #tpu.memory_space<vmem_shared>>)
        tpu.yield
      }) : () -> ()
      %sub3A_235 = arith.constant 1 : i32
      %sub3A_236 = arith.subi %select_n3A_47, %sub3A_235 : i32
      %lt3A_237 = arith.cmpi slt, %while3A_148, %sub3A_236 : i32
      %convert_element_type3A_238 = arith.extui %lt3A_237 : i1 to i32
      %cond3A_239 = arith.constant 0 : i32
      %cond3A_240 = arith.cmpi ne, %convert_element_type3A_238, %cond3A_239 : i32
      scf.if %cond3A_240 {
        %add3A_244 = arith.constant 16 : i32
        %add3A_245 = arith.addi %add3A_155, %add3A_244 : i32
        %run_scoped3A_246 = arith.constant 0 : i32
        "tpu.region"() ({
          %run_scoped3A_323 = tpu.sem_alloc : memref<!tpu.dma_semaphore, #tpu.memory_space<semaphore_mem>>
          %dma_start3A_324 = arith.constant 0 : i32
          %dma_start3A_325 = tpu.memref_slice %arg3[%run_scoped3A_246, %add3A_245, %dma_start3A_324] : memref<2x1250x128xi32, #tpu.memory_space<hbm>> -> memref<1x1x128xi32, #tpu.memory_space<hbm>>
          %dma_start3A_326 = tpu.memref_squeeze %dma_start3A_325 : memref<1x1x128xi32, #tpu.memory_space<hbm>> -> memref<128xi32, #tpu.memory_space<hbm>>
          %dma_start3A_327 = arith.constant 0 : i32
          %dma_start3A_328 = tpu.memref_slice %arg3[%run_scoped3A_246, %add3A_245, %dma_start3A_327] : memref<2x1250x128xi32, #tpu.memory_space<hbm>> -> memref<1x1x128xi32, #tpu.memory_space<hbm>>
          %dma_start3A_329 = tpu.memref_squeeze %dma_start3A_328 : memref<1x1x128xi32, #tpu.memory_space<hbm>> -> memref<128xi32, #tpu.memory_space<hbm>>
          tpu.enqueue_dma source(%dma_start3A_329 : memref<128xi32, #tpu.memory_space<hbm>>) target(%arg7 : memref<128xi32, #tpu.memory_space<vmem>>) target_semaphore(%run_scoped3A_323 : memref<!tpu.dma_semaphore, #tpu.memory_space<semaphore_mem>>)
          %dma_wait3A_330 = arith.constant 0 : i32
          %dma_wait3A_331 = tpu.memref_slice %arg3[%run_scoped3A_246, %add3A_245, %dma_wait3A_330] : memref<2x1250x128xi32, #tpu.memory_space<hbm>> -> memref<1x1x128xi32, #tpu.memory_space<hbm>>
          %dma_wait3A_332 = tpu.memref_squeeze %dma_wait3A_331 : memref<1x1x128xi32, #tpu.memory_space<hbm>> -> memref<128xi32, #tpu.memory_space<hbm>>
          %dma_wait3A_333 = arith.constant 0 : i32
          %dma_wait3A_334 = tpu.memref_slice %arg3[%run_scoped3A_246, %add3A_245, %dma_wait3A_333] : memref<2x1250x128xi32, #tpu.memory_space<hbm>> -> memref<1x1x128xi32, #tpu.memory_space<hbm>>
          %dma_wait3A_335 = tpu.memref_squeeze %dma_wait3A_334 : memref<1x1x128xi32, #tpu.memory_space<hbm>> -> memref<128xi32, #tpu.memory_space<hbm>>
          tpu.wait_dma2 semaphore(%run_scoped3A_323 : memref<!tpu.dma_semaphore, #tpu.memory_space<semaphore_mem>>) src(%dma_wait3A_335 : memref<128xi32, #tpu.memory_space<hbm>>) dst(%arg7 : memref<128xi32, #tpu.memory_space<vmem>>)
          tpu.yield
        }) : () -> ()
        %run_scoped3A_247 = arith.constant 1 : i32
        "tpu.region"() ({
          %run_scoped3A_323 = tpu.sem_alloc : memref<!tpu.dma_semaphore, #tpu.memory_space<semaphore_mem>>
          %dma_start3A_324 = arith.constant 0 : i32
          %dma_start3A_325 = tpu.memref_slice %arg3[%run_scoped3A_247, %add3A_245, %dma_start3A_324] : memref<2x1250x128xi32, #tpu.memory_space<hbm>> -> memref<1x1x128xi32, #tpu.memory_space<hbm>>
          %dma_start3A_326 = tpu.memref_squeeze %dma_start3A_325 : memref<1x1x128xi32, #tpu.memory_space<hbm>> -> memref<128xi32, #tpu.memory_space<hbm>>
          %dma_start3A_327 = arith.constant 0 : i32
          %dma_start3A_328 = tpu.memref_slice %arg3[%run_scoped3A_247, %add3A_245, %dma_start3A_327] : memref<2x1250x128xi32, #tpu.memory_space<hbm>> -> memref<1x1x128xi32, #tpu.memory_space<hbm>>
          %dma_start3A_329 = tpu.memref_squeeze %dma_start3A_328 : memref<1x1x128xi32, #tpu.memory_space<hbm>> -> memref<128xi32, #tpu.memory_space<hbm>>
          tpu.enqueue_dma source(%dma_start3A_329 : memref<128xi32, #tpu.memory_space<hbm>>) target(%arg8 : memref<128xi32, #tpu.memory_space<vmem>>) target_semaphore(%run_scoped3A_323 : memref<!tpu.dma_semaphore, #tpu.memory_space<semaphore_mem>>)
          %dma_wait3A_330 = arith.constant 0 : i32
          %dma_wait3A_331 = tpu.memref_slice %arg3[%run_scoped3A_247, %add3A_245, %dma_wait3A_330] : memref<2x1250x128xi32, #tpu.memory_space<hbm>> -> memref<1x1x128xi32, #tpu.memory_space<hbm>>
          %dma_wait3A_332 = tpu.memref_squeeze %dma_wait3A_331 : memref<1x1x128xi32, #tpu.memory_space<hbm>> -> memref<128xi32, #tpu.memory_space<hbm>>
          %dma_wait3A_333 = arith.constant 0 : i32
          %dma_wait3A_334 = tpu.memref_slice %arg3[%run_scoped3A_247, %add3A_245, %dma_wait3A_333] : memref<2x1250x128xi32, #tpu.memory_space<hbm>> -> memref<1x1x128xi32, #tpu.memory_space<hbm>>
          %dma_wait3A_335 = tpu.memref_squeeze %dma_wait3A_334 : memref<1x1x128xi32, #tpu.memory_space<hbm>> -> memref<128xi32, #tpu.memory_space<hbm>>
          tpu.wait_dma2 semaphore(%run_scoped3A_323 : memref<!tpu.dma_semaphore, #tpu.memory_space<semaphore_mem>>) src(%dma_wait3A_335 : memref<128xi32, #tpu.memory_space<hbm>>) dst(%arg8 : memref<128xi32, #tpu.memory_space<vmem>>)
          tpu.yield
        }) : () -> ()
        %get3A_248 = arith.constant 0 : index
        %get3A_249 = tpu.vector_load %arg7[%get3A_248] {strides = array<i32>} : memref<128xi32, #tpu.memory_space<vmem>>, vector<16xi32>,
        %get3A_250 = vector.shape_cast %get3A_249 : vector<16xi32> to vector<16xi32>
        %add3A_251 = vector.broadcast %mul3A_2 : i32 to vector<16xi32>
        %add3A_252 = arith.addi %get3A_250, %add3A_251 : vector<16xi32>
        %swap3A_253 = arith.constant 0 : index
        %swap3A_254 = tpu.vector_load %arg7[%swap3A_253] {strides = array<i32>} : memref<128xi32, #tpu.memory_space<vmem>>, vector<16xi32>,
        %swap3A_255 = vector.shape_cast %swap3A_254 : vector<16xi32> to vector<16xi32>
        %swap3A_256 = vector.shape_cast %add3A_252 : vector<16xi32> to vector<16xi32>
        tpu.vector_store %arg7[%swap3A_253], %swap3A_256 {strides = array<i32>} : memref<128xi32, #tpu.memory_space<vmem>>, vector<16xi32>,
        %get3A_257 = arith.constant 16 : index
        %get3A_258 = tpu.vector_load %arg7[%get3A_257] {strides = array<i32>} : memref<128xi32, #tpu.memory_space<vmem>>, vector<16xi32>,
        %get3A_259 = vector.shape_cast %get3A_258 : vector<16xi32> to vector<16xi32>
        %add3A_260 = vector.broadcast %mul3A_2 : i32 to vector<16xi32>
        %add3A_261 = arith.addi %get3A_259, %add3A_260 : vector<16xi32>
        %swap3A_262 = arith.constant 16 : index
        %swap3A_263 = tpu.vector_load %arg7[%swap3A_262] {strides = array<i32>} : memref<128xi32, #tpu.memory_space<vmem>>, vector<16xi32>,
        %swap3A_264 = vector.shape_cast %swap3A_263 : vector<16xi32> to vector<16xi32>
        %swap3A_265 = vector.shape_cast %add3A_261 : vector<16xi32> to vector<16xi32>
        tpu.vector_store %arg7[%swap3A_262], %swap3A_265 {strides = array<i32>} : memref<128xi32, #tpu.memory_space<vmem>>, vector<16xi32>,
        %get3A_266 = arith.constant 32 : index
        %get3A_267 = tpu.vector_load %arg7[%get3A_266] {strides = array<i32>} : memref<128xi32, #tpu.memory_space<vmem>>, vector<16xi32>,
        %get3A_268 = vector.shape_cast %get3A_267 : vector<16xi32> to vector<16xi32>
        %add3A_269 = vector.broadcast %mul3A_2 : i32 to vector<16xi32>
        %add3A_270 = arith.addi %get3A_268, %add3A_269 : vector<16xi32>
        %swap3A_271 = arith.constant 32 : index
        %swap3A_272 = tpu.vector_load %arg7[%swap3A_271] {strides = array<i32>} : memref<128xi32, #tpu.memory_space<vmem>>, vector<16xi32>,
        %swap3A_273 = vector.shape_cast %swap3A_272 : vector<16xi32> to vector<16xi32>
        %swap3A_274 = vector.shape_cast %add3A_270 : vector<16xi32> to vector<16xi32>
        tpu.vector_store %arg7[%swap3A_271], %swap3A_274 {strides = array<i32>} : memref<128xi32, #tpu.memory_space<vmem>>, vector<16xi32>,
        %get3A_275 = arith.constant 48 : index
        %get3A_276 = tpu.vector_load %arg7[%get3A_275] {strides = array<i32>} : memref<128xi32, #tpu.memory_space<vmem>>, vector<16xi32>,
        %get3A_277 = vector.shape_cast %get3A_276 : vector<16xi32> to vector<16xi32>
        %add3A_278 = vector.broadcast %mul3A_2 : i32 to vector<16xi32>
        %add3A_279 = arith.addi %get3A_277, %add3A_278 : vector<16xi32>
        %swap3A_280 = arith.constant 48 : index
        %swap3A_281 = tpu.vector_load %arg7[%swap3A_280] {strides = array<i32>} : memref<128xi32, #tpu.memory_space<vmem>>, vector<16xi32>,
        %swap3A_282 = vector.shape_cast %swap3A_281 : vector<16xi32> to vector<16xi32>
        %swap3A_283 = vector.shape_cast %add3A_279 : vector<16xi32> to vector<16xi32>
        tpu.vector_store %arg7[%swap3A_280], %swap3A_283 {strides = array<i32>} : memref<128xi32, #tpu.memory_space<vmem>>, vector<16xi32>,
        %get3A_284 = arith.constant 64 : index
        %get3A_285 = tpu.vector_load %arg7[%get3A_284] {strides = array<i32>} : memref<128xi32, #tpu.memory_space<vmem>>, vector<16xi32>,
        %get3A_286 = vector.shape_cast %get3A_285 : vector<16xi32> to vector<16xi32>
        %add3A_287 = vector.broadcast %mul3A_2 : i32 to vector<16xi32>
        %add3A_288 = arith.addi %get3A_286, %add3A_287 : vector<16xi32>
        %swap3A_289 = arith.constant 64 : index
        %swap3A_290 = tpu.vector_load %arg7[%swap3A_289] {strides = array<i32>} : memref<128xi32, #tpu.memory_space<vmem>>, vector<16xi32>,
        %swap3A_291 = vector.shape_cast %swap3A_290 : vector<16xi32> to vector<16xi32>
        %swap3A_292 = vector.shape_cast %add3A_288 : vector<16xi32> to vector<16xi32>
        tpu.vector_store %arg7[%swap3A_289], %swap3A_292 {strides = array<i32>} : memref<128xi32, #tpu.memory_space<vmem>>, vector<16xi32>,
        %get3A_293 = arith.constant 80 : index
        %get3A_294 = tpu.vector_load %arg7[%get3A_293] {strides = array<i32>} : memref<128xi32, #tpu.memory_space<vmem>>, vector<16xi32>,
        %get3A_295 = vector.shape_cast %get3A_294 : vector<16xi32> to vector<16xi32>
        %add3A_296 = vector.broadcast %mul3A_2 : i32 to vector<16xi32>
        %add3A_297 = arith.addi %get3A_295, %add3A_296 : vector<16xi32>
        %swap3A_298 = arith.constant 80 : index
        %swap3A_299 = tpu.vector_load %arg7[%swap3A_298] {strides = array<i32>} : memref<128xi32, #tpu.memory_space<vmem>>, vector<16xi32>,
        %swap3A_300 = vector.shape_cast %swap3A_299 : vector<16xi32> to vector<16xi32>
        %swap3A_301 = vector.shape_cast %add3A_297 : vector<16xi32> to vector<16xi32>
        tpu.vector_store %arg7[%swap3A_298], %swap3A_301 {strides = array<i32>} : memref<128xi32, #tpu.memory_space<vmem>>, vector<16xi32>,
        %get3A_302 = arith.constant 96 : index
        %get3A_303 = tpu.vector_load %arg7[%get3A_302] {strides = array<i32>} : memref<128xi32, #tpu.memory_space<vmem>>, vector<16xi32>,
        %get3A_304 = vector.shape_cast %get3A_303 : vector<16xi32> to vector<16xi32>
        %add3A_305 = vector.broadcast %mul3A_2 : i32 to vector<16xi32>
        %add3A_306 = arith.addi %get3A_304, %add3A_305 : vector<16xi32>
        %swap3A_307 = arith.constant 96 : index
        %swap3A_308 = tpu.vector_load %arg7[%swap3A_307] {strides = array<i32>} : memref<128xi32, #tpu.memory_space<vmem>>, vector<16xi32>,
        %swap3A_309 = vector.shape_cast %swap3A_308 : vector<16xi32> to vector<16xi32>
        %swap3A_310 = vector.shape_cast %add3A_306 : vector<16xi32> to vector<16xi32>
        tpu.vector_store %arg7[%swap3A_307], %swap3A_310 {strides = array<i32>} : memref<128xi32, #tpu.memory_space<vmem>>, vector<16xi32>,
        %get3A_311 = arith.constant 112 : index
        %get3A_312 = tpu.vector_load %arg7[%get3A_311] {strides = array<i32>} : memref<128xi32, #tpu.memory_space<vmem>>, vector<16xi32>,
        %get3A_313 = vector.shape_cast %get3A_312 : vector<16xi32> to vector<16xi32>
        %add3A_314 = vector.broadcast %mul3A_2 : i32 to vector<16xi32>
        %add3A_315 = arith.addi %get3A_313, %add3A_314 : vector<16xi32>
        %swap3A_316 = arith.constant 112 : index
        %swap3A_317 = tpu.vector_load %arg7[%swap3A_316] {strides = array<i32>} : memref<128xi32, #tpu.memory_space<vmem>>, vector<16xi32>,
        %swap3A_318 = vector.shape_cast %swap3A_317 : vector<16xi32> to vector<16xi32>
        %swap3A_319 = vector.shape_cast %add3A_315 : vector<16xi32> to vector<16xi32>
        tpu.vector_store %arg7[%swap3A_316], %swap3A_319 {strides = array<i32>} : memref<128xi32, #tpu.memory_space<vmem>>, vector<16xi32>,
        %dma_start3A_320 = arith.constant 0 : i32
        %dma_start3A_321 = arith.constant 0 : i32
        %dma_start3A_322 = tpu.memref_slice %arg2[%dma_start3A_320, %dma_start3A_321] : memref<20224x128xf32, #tpu.memory_space<hbm>> -> memref<20224x128xf32, #tpu.memory_space<hbm>>
        tpu.enqueue_indirect_dma source(%dma_start3A_322 : memref<20224x128xf32, #tpu.memory_space<hbm>>) target(%arg11 : memref<128x128xf32, #tpu.memory_space<vmem>>) offsets(%arg7 : memref<128xi32, #tpu.memory_space<vmem>>) semaphore(%arg13 : memref<!tpu.dma_semaphore, #tpu.memory_space<semaphore_mem>>)
      } else {
      }
      %dma_wait3A_241 = arith.constant 0 : i32
      %dma_wait3A_242 = arith.constant 0 : i32
      %dma_wait3A_243 = tpu.memref_slice %arg2[%dma_wait3A_241, %dma_wait3A_242] : memref<20224x128xf32, #tpu.memory_space<hbm>> -> memref<20224x128xf32, #tpu.memory_space<hbm>>
      tpu.wait_indirect_dma semaphore(%arg14 : memref<!tpu.dma_semaphore, #tpu.memory_space<semaphore_mem>>) src(%dma_wait3A_243 : memref<20224x128xf32, #tpu.memory_space<hbm>>) dst(%arg12 : memref<128x128xf32, #tpu.memory_space<vmem>>)
      "tpu.region"() ({
        %run_scoped3A_244 = tpu.sem_alloc : memref<!tpu.dma_semaphore, #tpu.memory_space<semaphore_mem>>
        %dma_start3A_245 = arith.constant 0 : i32
        %dma_start3A_246 = arith.constant 0 : i32
        %dma_start3A_247 = tpu.memref_slice %arg6[%dma_start3A_245, %dma_start3A_246] : memref<10112x128xf32, #tpu.memory_space<vmem_shared>> -> memref<10112x128xf32, #tpu.memory_space<vmem_shared>>
        tpu.enqueue_indirect_dma source(%arg12 : memref<128x128xf32, #tpu.memory_space<vmem>>) target(%dma_start3A_247 : memref<10112x128xf32, #tpu.memory_space<vmem_shared>>) offsets(%arg10 : memref<128xi32, #tpu.memory_space<vmem>>) semaphore(%run_scoped3A_244 : memref<!tpu.dma_semaphore, #tpu.memory_space<semaphore_mem>>) {add = true}
        %dma_wait3A_248 = arith.constant 0 : i32
        %dma_wait3A_249 = arith.constant 0 : i32
        %dma_wait3A_250 = tpu.memref_slice %arg6[%dma_wait3A_248, %dma_wait3A_249] : memref<10112x128xf32, #tpu.memory_space<vmem_shared>> -> memref<10112x128xf32, #tpu.memory_space<vmem_shared>>
        tpu.wait_indirect_dma semaphore(%run_scoped3A_244 : memref<!tpu.dma_semaphore, #tpu.memory_space<semaphore_mem>>) src(%arg12 : memref<128x128xf32, #tpu.memory_space<vmem>>) dst(%dma_wait3A_250 : memref<10112x128xf32, #tpu.memory_space<vmem_shared>>)
        tpu.yield
      }) : () -> ()
    }
    %jit3A_130 = arith.constant 2 : i32
    %eq3A = arith.constant 0 : i32
    %eq3A_131 = arith.cmpi eq, %jit3A_130, %eq3A : i32
    %jit3A_132 = arith.constant 1 : i32
    %select_n3A_133 = arith.select %eq3A_131, %jit3A_132, %jit3A_130 : i32
    %rem3A_134 = arith.remsi %select_n3A, %select_n3A_133 : i32
    %ne3A_135 = arith.constant 0 : i32
    %ne3A_136 = arith.cmpi ne, %rem3A_134, %ne3A_135 : i32
    %lt3A = arith.constant 0 : i32
    %lt3A_137 = arith.cmpi slt, %rem3A_134, %lt3A : i32
    %lt3A_138 = arith.constant 0 : i32
    %lt3A_139 = arith.cmpi slt, %select_n3A_133, %lt3A_138 : i32
    %ne3A_140 = arith.xori %lt3A_137, %lt3A_139 : i1
    %and3A_141 = arith.andi %ne3A_140, %ne3A_136 : i1
    %add3A_142 = arith.addi %rem3A_134, %select_n3A_133 : i32
    %select_n3A_143 = arith.select %and3A_141, %add3A_142, %rem3A_134 : i32
    %eq3A_144 = arith.constant 1 : i32
    %eq3A_145 = arith.cmpi eq, %select_n3A_143, %eq3A_144 : i32
    %convert_element_type3A = arith.extui %eq3A_145 : i1 to i32
    %cond3A = arith.constant 0 : i32
    %cond3A_146 = arith.cmpi ne, %convert_element_type3A, %cond3A : i32
    scf.if %cond3A_146 {
      %sub3A_148 = arith.constant 1 : i32
      %sub3A_149 = arith.subi %select_n3A, %sub3A_148 : i32
      %mul3A_150 = arith.constant 16 : i32
      %mul3A_151 = arith.muli %sub3A_149, %mul3A_150 : i32
      %add3A_152 = arith.addi %arg1, %mul3A_151 : i32
      %run_scoped3A_153 = arith.constant 0 : i32
      "tpu.region"() ({
        %run_scoped3A_232 = tpu.sem_alloc : memref<!tpu.dma_semaphore, #tpu.memory_space<semaphore_mem>>
        %dma_start3A_233 = arith.constant 0 : i32
        %dma_start3A_234 = tpu.memref_slice %arg3[%run_scoped3A_153, %add3A_152, %dma_start3A_233] : memref<2x1250x128xi32, #tpu.memory_space<hbm>> -> memref<1x1x128xi32, #tpu.memory_space<hbm>>
        %dma_start3A_235 = tpu.memref_squeeze %dma_start3A_234 : memref<1x1x128xi32, #tpu.memory_space<hbm>> -> memref<128xi32, #tpu.memory_space<hbm>>
        %dma_start3A_236 = arith.constant 0 : i32
        %dma_start3A_237 = tpu.memref_slice %arg3[%run_scoped3A_153, %add3A_152, %dma_start3A_236] : memref<2x1250x128xi32, #tpu.memory_space<hbm>> -> memref<1x1x128xi32, #tpu.memory_space<hbm>>
        %dma_start3A_238 = tpu.memref_squeeze %dma_start3A_237 : memref<1x1x128xi32, #tpu.memory_space<hbm>> -> memref<128xi32, #tpu.memory_space<hbm>>
        tpu.enqueue_dma source(%dma_start3A_238 : memref<128xi32, #tpu.memory_space<hbm>>) target(%arg7 : memref<128xi32, #tpu.memory_space<vmem>>) target_semaphore(%run_scoped3A_232 : memref<!tpu.dma_semaphore, #tpu.memory_space<semaphore_mem>>)
        %dma_wait3A_239 = arith.constant 0 : i32
        %dma_wait3A_240 = tpu.memref_slice %arg3[%run_scoped3A_153, %add3A_152, %dma_wait3A_239] : memref<2x1250x128xi32, #tpu.memory_space<hbm>> -> memref<1x1x128xi32, #tpu.memory_space<hbm>>
        %dma_wait3A_241 = tpu.memref_squeeze %dma_wait3A_240 : memref<1x1x128xi32, #tpu.memory_space<hbm>> -> memref<128xi32, #tpu.memory_space<hbm>>
        %dma_wait3A_242 = arith.constant 0 : i32
        %dma_wait3A_243 = tpu.memref_slice %arg3[%run_scoped3A_153, %add3A_152, %dma_wait3A_242] : memref<2x1250x128xi32, #tpu.memory_space<hbm>> -> memref<1x1x128xi32, #tpu.memory_space<hbm>>
        %dma_wait3A_244 = tpu.memref_squeeze %dma_wait3A_243 : memref<1x1x128xi32, #tpu.memory_space<hbm>> -> memref<128xi32, #tpu.memory_space<hbm>>
        tpu.wait_dma2 semaphore(%run_scoped3A_232 : memref<!tpu.dma_semaphore, #tpu.memory_space<semaphore_mem>>) src(%dma_wait3A_244 : memref<128xi32, #tpu.memory_space<hbm>>) dst(%arg7 : memref<128xi32, #tpu.memory_space<vmem>>)
        tpu.yield
      }) : () -> ()
      %run_scoped3A_154 = arith.constant 1 : i32
      "tpu.region"() ({
        %run_scoped3A_232 = tpu.sem_alloc : memref<!tpu.dma_semaphore, #tpu.memory_space<semaphore_mem>>
        %dma_start3A_233 = arith.constant 0 : i32
        %dma_start3A_234 = tpu.memref_slice %arg3[%run_scoped3A_154, %add3A_152, %dma_start3A_233] : memref<2x1250x128xi32, #tpu.memory_space<hbm>> -> memref<1x1x128xi32, #tpu.memory_space<hbm>>
        %dma_start3A_235 = tpu.memref_squeeze %dma_start3A_234 : memref<1x1x128xi32, #tpu.memory_space<hbm>> -> memref<128xi32, #tpu.memory_space<hbm>>
        %dma_start3A_236 = arith.constant 0 : i32
        %dma_start3A_237 = tpu.memref_slice %arg3[%run_scoped3A_154, %add3A_152, %dma_start3A_236] : memref<2x1250x128xi32, #tpu.memory_space<hbm>> -> memref<1x1x128xi32, #tpu.memory_space<hbm>>
        %dma_start3A_238 = tpu.memref_squeeze %dma_start3A_237 : memref<1x1x128xi32, #tpu.memory_space<hbm>> -> memref<128xi32, #tpu.memory_space<hbm>>
        tpu.enqueue_dma source(%dma_start3A_238 : memref<128xi32, #tpu.memory_space<hbm>>) target(%arg8 : memref<128xi32, #tpu.memory_space<vmem>>) target_semaphore(%run_scoped3A_232 : memref<!tpu.dma_semaphore, #tpu.memory_space<semaphore_mem>>)
        %dma_wait3A_239 = arith.constant 0 : i32
        %dma_wait3A_240 = tpu.memref_slice %arg3[%run_scoped3A_154, %add3A_152, %dma_wait3A_239] : memref<2x1250x128xi32, #tpu.memory_space<hbm>> -> memref<1x1x128xi32, #tpu.memory_space<hbm>>
        %dma_wait3A_241 = tpu.memref_squeeze %dma_wait3A_240 : memref<1x1x128xi32, #tpu.memory_space<hbm>> -> memref<128xi32, #tpu.memory_space<hbm>>
        %dma_wait3A_242 = arith.constant 0 : i32
        %dma_wait3A_243 = tpu.memref_slice %arg3[%run_scoped3A_154, %add3A_152, %dma_wait3A_242] : memref<2x1250x128xi32, #tpu.memory_space<hbm>> -> memref<1x1x128xi32, #tpu.memory_space<hbm>>
        %dma_wait3A_244 = tpu.memref_squeeze %dma_wait3A_243 : memref<1x1x128xi32, #tpu.memory_space<hbm>> -> memref<128xi32, #tpu.memory_space<hbm>>
        tpu.wait_dma2 semaphore(%run_scoped3A_232 : memref<!tpu.dma_semaphore, #tpu.memory_space<semaphore_mem>>) src(%dma_wait3A_244 : memref<128xi32, #tpu.memory_space<hbm>>) dst(%arg8 : memref<128xi32, #tpu.memory_space<vmem>>)
        tpu.yield
      }) : () -> ()
      %get3A_155 = arith.constant 0 : index
      %get3A_156 = tpu.vector_load %arg7[%get3A_155] {strides = array<i32>} : memref<128xi32, #tpu.memory_space<vmem>>, vector<16xi32>,
      %get3A_157 = vector.shape_cast %get3A_156 : vector<16xi32> to vector<16xi32>
      %add3A_158 = vector.broadcast %mul3A_2 : i32 to vector<16xi32>
      %add3A_159 = arith.addi %get3A_157, %add3A_158 : vector<16xi32>
      %swap3A_160 = arith.constant 0 : index
      %swap3A_161 = tpu.vector_load %arg7[%swap3A_160] {strides = array<i32>} : memref<128xi32, #tpu.memory_space<vmem>>, vector<16xi32>,
      %swap3A_162 = vector.shape_cast %swap3A_161 : vector<16xi32> to vector<16xi32>
      %swap3A_163 = vector.shape_cast %add3A_159 : vector<16xi32> to vector<16xi32>
      tpu.vector_store %arg7[%swap3A_160], %swap3A_163 {strides = array<i32>} : memref<128xi32, #tpu.memory_space<vmem>>, vector<16xi32>,
      %get3A_164 = arith.constant 16 : index
      %get3A_165 = tpu.vector_load %arg7[%get3A_164] {strides = array<i32>} : memref<128xi32, #tpu.memory_space<vmem>>, vector<16xi32>,
      %get3A_166 = vector.shape_cast %get3A_165 : vector<16xi32> to vector<16xi32>
      %add3A_167 = vector.broadcast %mul3A_2 : i32 to vector<16xi32>
      %add3A_168 = arith.addi %get3A_166, %add3A_167 : vector<16xi32>
      %swap3A_169 = arith.constant 16 : index
      %swap3A_170 = tpu.vector_load %arg7[%swap3A_169] {strides = array<i32>} : memref<128xi32, #tpu.memory_space<vmem>>, vector<16xi32>,
      %swap3A_171 = vector.shape_cast %swap3A_170 : vector<16xi32> to vector<16xi32>
      %swap3A_172 = vector.shape_cast %add3A_168 : vector<16xi32> to vector<16xi32>
      tpu.vector_store %arg7[%swap3A_169], %swap3A_172 {strides = array<i32>} : memref<128xi32, #tpu.memory_space<vmem>>, vector<16xi32>,
      %get3A_173 = arith.constant 32 : index
      %get3A_174 = tpu.vector_load %arg7[%get3A_173] {strides = array<i32>} : memref<128xi32, #tpu.memory_space<vmem>>, vector<16xi32>,
      %get3A_175 = vector.shape_cast %get3A_174 : vector<16xi32> to vector<16xi32>
      %add3A_176 = vector.broadcast %mul3A_2 : i32 to vector<16xi32>
      %add3A_177 = arith.addi %get3A_175, %add3A_176 : vector<16xi32>
      %swap3A_178 = arith.constant 32 : index
      %swap3A_179 = tpu.vector_load %arg7[%swap3A_178] {strides = array<i32>} : memref<128xi32, #tpu.memory_space<vmem>>, vector<16xi32>,
      %swap3A_180 = vector.shape_cast %swap3A_179 : vector<16xi32> to vector<16xi32>
      %swap3A_181 = vector.shape_cast %add3A_177 : vector<16xi32> to vector<16xi32>
      tpu.vector_store %arg7[%swap3A_178], %swap3A_181 {strides = array<i32>} : memref<128xi32, #tpu.memory_space<vmem>>, vector<16xi32>,
      %get3A_182 = arith.constant 48 : index
      %get3A_183 = tpu.vector_load %arg7[%get3A_182] {strides = array<i32>} : memref<128xi32, #tpu.memory_space<vmem>>, vector<16xi32>,
      %get3A_184 = vector.shape_cast %get3A_183 : vector<16xi32> to vector<16xi32>
      %add3A_185 = vector.broadcast %mul3A_2 : i32 to vector<16xi32>
      %add3A_186 = arith.addi %get3A_184, %add3A_185 : vector<16xi32>
      %swap3A_187 = arith.constant 48 : index
      %swap3A_188 = tpu.vector_load %arg7[%swap3A_187] {strides = array<i32>} : memref<128xi32, #tpu.memory_space<vmem>>, vector<16xi32>,
      %swap3A_189 = vector.shape_cast %swap3A_188 : vector<16xi32> to vector<16xi32>
      %swap3A_190 = vector.shape_cast %add3A_186 : vector<16xi32> to vector<16xi32>
      tpu.vector_store %arg7[%swap3A_187], %swap3A_190 {strides = array<i32>} : memref<128xi32, #tpu.memory_space<vmem>>, vector<16xi32>,
      %get3A_191 = arith.constant 64 : index
      %get3A_192 = tpu.vector_load %arg7[%get3A_191] {strides = array<i32>} : memref<128xi32, #tpu.memory_space<vmem>>, vector<16xi32>,
      %get3A_193 = vector.shape_cast %get3A_192 : vector<16xi32> to vector<16xi32>
      %add3A_194 = vector.broadcast %mul3A_2 : i32 to vector<16xi32>
      %add3A_195 = arith.addi %get3A_193, %add3A_194 : vector<16xi32>
      %swap3A_196 = arith.constant 64 : index
      %swap3A_197 = tpu.vector_load %arg7[%swap3A_196] {strides = array<i32>} : memref<128xi32, #tpu.memory_space<vmem>>, vector<16xi32>,
      %swap3A_198 = vector.shape_cast %swap3A_197 : vector<16xi32> to vector<16xi32>
      %swap3A_199 = vector.shape_cast %add3A_195 : vector<16xi32> to vector<16xi32>
      tpu.vector_store %arg7[%swap3A_196], %swap3A_199 {strides = array<i32>} : memref<128xi32, #tpu.memory_space<vmem>>, vector<16xi32>,
      %get3A_200 = arith.constant 80 : index
      %get3A_201 = tpu.vector_load %arg7[%get3A_200] {strides = array<i32>} : memref<128xi32, #tpu.memory_space<vmem>>, vector<16xi32>,
      %get3A_202 = vector.shape_cast %get3A_201 : vector<16xi32> to vector<16xi32>
      %add3A_203 = vector.broadcast %mul3A_2 : i32 to vector<16xi32>
      %add3A_204 = arith.addi %get3A_202, %add3A_203 : vector<16xi32>
      %swap3A_205 = arith.constant 80 : index
      %swap3A_206 = tpu.vector_load %arg7[%swap3A_205] {strides = array<i32>} : memref<128xi32, #tpu.memory_space<vmem>>, vector<16xi32>,
      %swap3A_207 = vector.shape_cast %swap3A_206 : vector<16xi32> to vector<16xi32>
      %swap3A_208 = vector.shape_cast %add3A_204 : vector<16xi32> to vector<16xi32>
      tpu.vector_store %arg7[%swap3A_205], %swap3A_208 {strides = array<i32>} : memref<128xi32, #tpu.memory_space<vmem>>, vector<16xi32>,
      %get3A_209 = arith.constant 96 : index
      %get3A_210 = tpu.vector_load %arg7[%get3A_209] {strides = array<i32>} : memref<128xi32, #tpu.memory_space<vmem>>, vector<16xi32>,
      %get3A_211 = vector.shape_cast %get3A_210 : vector<16xi32> to vector<16xi32>
      %add3A_212 = vector.broadcast %mul3A_2 : i32 to vector<16xi32>
      %add3A_213 = arith.addi %get3A_211, %add3A_212 : vector<16xi32>
      %swap3A_214 = arith.constant 96 : index
      %swap3A_215 = tpu.vector_load %arg7[%swap3A_214] {strides = array<i32>} : memref<128xi32, #tpu.memory_space<vmem>>, vector<16xi32>,
      %swap3A_216 = vector.shape_cast %swap3A_215 : vector<16xi32> to vector<16xi32>
      %swap3A_217 = vector.shape_cast %add3A_213 : vector<16xi32> to vector<16xi32>
      tpu.vector_store %arg7[%swap3A_214], %swap3A_217 {strides = array<i32>} : memref<128xi32, #tpu.memory_space<vmem>>, vector<16xi32>,
      %get3A_218 = arith.constant 112 : index
      %get3A_219 = tpu.vector_load %arg7[%get3A_218] {strides = array<i32>} : memref<128xi32, #tpu.memory_space<vmem>>, vector<16xi32>,
      %get3A_220 = vector.shape_cast %get3A_219 : vector<16xi32> to vector<16xi32>
      %add3A_221 = vector.broadcast %mul3A_2 : i32 to vector<16xi32>
      %add3A_222 = arith.addi %get3A_220, %add3A_221 : vector<16xi32>
      %swap3A_223 = arith.constant 112 : index
      %swap3A_224 = tpu.vector_load %arg7[%swap3A_223] {strides = array<i32>} : memref<128xi32, #tpu.memory_space<vmem>>, vector<16xi32>,
      %swap3A_225 = vector.shape_cast %swap3A_224 : vector<16xi32> to vector<16xi32>
      %swap3A_226 = vector.shape_cast %add3A_222 : vector<16xi32> to vector<16xi32>
      tpu.vector_store %arg7[%swap3A_223], %swap3A_226 {strides = array<i32>} : memref<128xi32, #tpu.memory_space<vmem>>, vector<16xi32>,
      %dma_start3A_227 = arith.constant 0 : i32
      %dma_start3A_228 = arith.constant 0 : i32
      %dma_start3A_229 = tpu.memref_slice %arg2[%dma_start3A_227, %dma_start3A_228] : memref<20224x128xf32, #tpu.memory_space<hbm>> -> memref<20224x128xf32, #tpu.memory_space<hbm>>
      tpu.enqueue_indirect_dma source(%dma_start3A_229 : memref<20224x128xf32, #tpu.memory_space<hbm>>) target(%arg11 : memref<128x128xf32, #tpu.memory_space<vmem>>) offsets(%arg7 : memref<128xi32, #tpu.memory_space<vmem>>) semaphore(%arg13 : memref<!tpu.dma_semaphore, #tpu.memory_space<semaphore_mem>>)
      %dma_wait3A = arith.constant 0 : i32
      %dma_wait3A_230 = arith.constant 0 : i32
      %dma_wait3A_231 = tpu.memref_slice %arg2[%dma_wait3A, %dma_wait3A_230] : memref<20224x128xf32, #tpu.memory_space<hbm>> -> memref<20224x128xf32, #tpu.memory_space<hbm>>
      tpu.wait_indirect_dma semaphore(%arg13 : memref<!tpu.dma_semaphore, #tpu.memory_space<semaphore_mem>>) src(%dma_wait3A_231 : memref<20224x128xf32, #tpu.memory_space<hbm>>) dst(%arg11 : memref<128x128xf32, #tpu.memory_space<vmem>>)
      "tpu.region"() ({
        %run_scoped3A_232 = tpu.sem_alloc : memref<!tpu.dma_semaphore, #tpu.memory_space<semaphore_mem>>
        %dma_start3A_233 = arith.constant 0 : i32
        %dma_start3A_234 = arith.constant 0 : i32
        %dma_start3A_235 = tpu.memref_slice %arg6[%dma_start3A_233, %dma_start3A_234] : memref<10112x128xf32, #tpu.memory_space<vmem_shared>> -> memref<10112x128xf32, #tpu.memory_space<vmem_shared>>
        tpu.enqueue_indirect_dma source(%arg11 : memref<128x128xf32, #tpu.memory_space<vmem>>) target(%dma_start3A_235 : memref<10112x128xf32, #tpu.memory_space<vmem_shared>>) offsets(%arg8 : memref<128xi32, #tpu.memory_space<vmem>>) semaphore(%run_scoped3A_232 : memref<!tpu.dma_semaphore, #tpu.memory_space<semaphore_mem>>) {add = true}
        %dma_wait3A_236 = arith.constant 0 : i32
        %dma_wait3A_237 = arith.constant 0 : i32
        %dma_wait3A_238 = tpu.memref_slice %arg6[%dma_wait3A_236, %dma_wait3A_237] : memref<10112x128xf32, #tpu.memory_space<vmem_shared>> -> memref<10112x128xf32, #tpu.memory_space<vmem_shared>>
        tpu.wait_indirect_dma semaphore(%run_scoped3A_232 : memref<!tpu.dma_semaphore, #tpu.memory_space<semaphore_mem>>) src(%arg11 : memref<128x128xf32, #tpu.memory_space<vmem>>) dst(%dma_wait3A_238 : memref<10112x128xf32, #tpu.memory_space<vmem_shared>>)
        tpu.yield
      }) : () -> ()
    } else {
    }
    %barrier3A_147 = arith.constant 0 : index
    tpu.barrier barrier_id(%barrier3A_147)
    "tpu.region"() ({
      %run_scoped3A_148 = tpu.sem_alloc : memref<!tpu.dma_semaphore, #tpu.memory_space<semaphore_mem>>
      %dma_start3A_149 = arith.constant 0 : i32
      %dma_start3A_150 = tpu.memref_slice %arg5[%arg0, %mul3A_0, %dma_start3A_149] : memref<2x10112x128xf32, #tpu.memory_space<hbm>> -> memref<1x632x128xf32, #tpu.memory_space<hbm>>
      %dma_start3A_151 = tpu.memref_squeeze %dma_start3A_150 : memref<1x632x128xf32, #tpu.memory_space<hbm>> -> memref<632x128xf32, #tpu.memory_space<hbm>>
      %dma_start3A_152 = arith.constant 0 : i32
      %dma_start3A_153 = tpu.memref_slice %arg6[%mul3A_0, %dma_start3A_152] : memref<10112x128xf32, #tpu.memory_space<vmem_shared>> -> memref<632x128xf32, #tpu.memory_space<vmem_shared>>
      tpu.enqueue_dma source(%dma_start3A_153 : memref<632x128xf32, #tpu.memory_space<vmem_shared>>) target(%dma_start3A_151 : memref<632x128xf32, #tpu.memory_space<hbm>>) target_semaphore(%run_scoped3A_148 : memref<!tpu.dma_semaphore, #tpu.memory_space<semaphore_mem>>)
      %dma_wait3A = arith.constant 0 : i32
      %dma_wait3A_154 = tpu.memref_slice %arg5[%arg0, %mul3A_0, %dma_wait3A] : memref<2x10112x128xf32, #tpu.memory_space<hbm>> -> memref<1x632x128xf32, #tpu.memory_space<hbm>>
      %dma_wait3A_155 = tpu.memref_squeeze %dma_wait3A_154 : memref<1x632x128xf32, #tpu.memory_space<hbm>> -> memref<632x128xf32, #tpu.memory_space<hbm>>
      %dma_wait3A_156 = arith.constant 0 : i32
      %dma_wait3A_157 = tpu.memref_slice %arg6[%mul3A_0, %dma_wait3A_156] : memref<10112x128xf32, #tpu.memory_space<vmem_shared>> -> memref<632x128xf32, #tpu.memory_space<vmem_shared>>
      tpu.wait_dma2 semaphore(%run_scoped3A_148 : memref<!tpu.dma_semaphore, #tpu.memory_space<semaphore_mem>>) src(%dma_wait3A_157 : memref<632x128xf32, #tpu.memory_space<vmem_shared>>) dst(%dma_wait3A_155 : memref<632x128xf32, #tpu.memory_space<hbm>>)
      tpu.yield
    }) : () -> ()
    return
  }
}

#map = affine_map<(d0, d1) -> (0, 0, 0)>
#map1 = affine_map<(d0, d1) -> (0, 0)>
module attributes {stable_mosaic.version = 14 : i64} {
  func.func @_count_body(%arg0: i32, %arg1: i32, %arg2: memref<2x1250x128xi32, #tpu.memory_space<hbm>>, %arg3: memref<128x8xf32, #tpu.memory_space<hbm>>, %arg4: memref<10112x8xf32, #tpu.memory_space<hbm>>, %arg5: memref<2x10112x8xf32, #tpu.memory_space<hbm>>, %arg6: memref<10112x8xf32, #tpu.memory_space<vmem_shared>>, %arg7: memref<128xi32, #tpu.memory_space<vmem>>, %arg8: memref<128x8xf32, #tpu.memory_space<vmem>>) attributes {dimension_semantics = [#tpu.dimension_semantics<core_parallel>, #tpu.dimension_semantics<subcore_parallel>], iteration_bounds = array<i64: 2, 16>, scalar_prefetch = 0 : i64, scratch_operands = 3 : i64, tpu.core_type = #tpu.core_type<sc_vector_subcore>, window_params = [{transform_indices = #map}, {transform_indices = #map1}, {transform_indices = #map1}, {transform_indices = #map}]} {
    %mul3A = arith.constant 632 : i32
    %mul3A_0 = arith.muli %arg1, %mul3A : i32
    "tpu.region"() ({
      %run_scoped3A = tpu.sem_alloc : memref<!tpu.dma_semaphore, #tpu.memory_space<semaphore_mem>>
      tpu.enqueue_dma source(%arg3 : memref<128x8xf32, #tpu.memory_space<hbm>>) target(%arg8 : memref<128x8xf32, #tpu.memory_space<vmem>>) target_semaphore(%run_scoped3A : memref<!tpu.dma_semaphore, #tpu.memory_space<semaphore_mem>>)
      tpu.wait_dma2 semaphore(%run_scoped3A : memref<!tpu.dma_semaphore, #tpu.memory_space<semaphore_mem>>) src(%arg3 : memref<128x8xf32, #tpu.memory_space<hbm>>) dst(%arg8 : memref<128x8xf32, #tpu.memory_space<vmem>>)
      tpu.yield
    }) : () -> ()
    "tpu.region"() ({
      %run_scoped3A = tpu.sem_alloc : memref<!tpu.dma_semaphore, #tpu.memory_space<semaphore_mem>>
      %dma_start3A = arith.constant 0 : i32
      %dma_start3A_32 = tpu.memref_slice %arg6[%mul3A_0, %dma_start3A] : memref<10112x8xf32, #tpu.memory_space<vmem_shared>> -> memref<632x8xf32, #tpu.memory_space<vmem_shared>>
      %dma_start3A_33 = arith.constant 0 : i32
      %dma_start3A_34 = tpu.memref_slice %arg4[%mul3A_0, %dma_start3A_33] : memref<10112x8xf32, #tpu.memory_space<hbm>> -> memref<632x8xf32, #tpu.memory_space<hbm>>
      tpu.enqueue_dma source(%dma_start3A_34 : memref<632x8xf32, #tpu.memory_space<hbm>>) target(%dma_start3A_32 : memref<632x8xf32, #tpu.memory_space<vmem_shared>>) target_semaphore(%run_scoped3A : memref<!tpu.dma_semaphore, #tpu.memory_space<semaphore_mem>>)
      %dma_wait3A = arith.constant 0 : i32
      %dma_wait3A_35 = tpu.memref_slice %arg6[%mul3A_0, %dma_wait3A] : memref<10112x8xf32, #tpu.memory_space<vmem_shared>> -> memref<632x8xf32, #tpu.memory_space<vmem_shared>>
      %dma_wait3A_36 = arith.constant 0 : i32
      %dma_wait3A_37 = tpu.memref_slice %arg4[%mul3A_0, %dma_wait3A_36] : memref<10112x8xf32, #tpu.memory_space<hbm>> -> memref<632x8xf32, #tpu.memory_space<hbm>>
      tpu.wait_dma2 semaphore(%run_scoped3A : memref<!tpu.dma_semaphore, #tpu.memory_space<semaphore_mem>>) src(%dma_wait3A_37 : memref<632x8xf32, #tpu.memory_space<hbm>>) dst(%dma_wait3A_35 : memref<632x8xf32, #tpu.memory_space<vmem_shared>>)
      tpu.yield
    }) : () -> ()
    %barrier3A = arith.constant 0 : index
    tpu.barrier barrier_id(%barrier3A)
    %sub3A = arith.constant 1250 : i32
    %sub3A_1 = arith.subi %sub3A, %arg1 : i32
    %add3A = arith.constant 16 : i32
    %add3A_2 = arith.addi %sub3A_1, %add3A : i32
    %sub3A_3 = arith.constant 1 : i32
    %sub3A_4 = arith.subi %add3A_2, %sub3A_3 : i32
    %jit3A = arith.constant 16 : i32
    %div3A = arith.divsi %sub3A_4, %jit3A : i32
    %sign3A = arith.constant 0 : i32
    %sign3A_5 = arith.cmpi sgt, %sub3A_4, %sign3A : i32
    %sign3A_6 = arith.extui %sign3A_5 : i1 to i32
    %sign3A_7 = arith.constant 0 : i32
    %sign3A_8 = arith.cmpi slt, %sub3A_4, %sign3A_7 : i32
    %sign3A_9 = arith.extui %sign3A_8 : i1 to i32
    %sign3A_10 = arith.subi %sign3A_6, %sign3A_9 : i32
    %sign3A_11 = arith.constant 0 : i32
    %sign3A_12 = arith.cmpi sgt, %jit3A, %sign3A_11 : i32
    %sign3A_13 = arith.extui %sign3A_12 : i1 to i32
    %sign3A_14 = arith.constant 0 : i32
    %sign3A_15 = arith.cmpi slt, %jit3A, %sign3A_14 : i32
    %sign3A_16 = arith.extui %sign3A_15 : i1 to i32
    %sign3A_17 = arith.subi %sign3A_13, %sign3A_16 : i32
    %ne3A = arith.cmpi ne, %sign3A_10, %sign3A_17 : i32
    %rem3A = arith.remsi %sub3A_4, %jit3A : i32
    %ne3A_18 = arith.constant 0 : i32
    %ne3A_19 = arith.cmpi ne, %rem3A, %ne3A_18 : i32
    %and3A = arith.andi %ne3A, %ne3A_19 : i1
    %sub3A_20 = arith.constant 1 : i32
    %sub3A_21 = arith.subi %div3A, %sub3A_20 : i32
    %select_n3A = arith.select %and3A, %sub3A_21, %div3A : i32
    %while3A = arith.constant 0 : i32
    %while3A_22 = arith.constant 0 : i32
    %while3A_23 = arith.subi %select_n3A, %while3A_22 : i32
    %while3A_24 = arith.addi %while3A_22, %while3A_23 : i32
    %while3A_25 = arith.constant 1 : i32
    %while3A_26 = arith.divsi %while3A_23, %while3A_25 : i32
    %while3A_27 = arith.muli %while3A_26, %while3A_25 : i32
    %while3A_28 = arith.addi %while3A_22, %while3A_27 : i32
    %while3A_29 = arith.constant 1 : i32
    scf.for %while3A_32 = %while3A_22 to %while3A_28 step %while3A_29  : i32 {
      %mul3A_33 = arith.constant 16 : i32
      %mul3A_34 = arith.muli %while3A_32, %mul3A_33 : i32
      %add3A_35 = arith.addi %arg1, %mul3A_34 : i32
      "tpu.region"() ({
        %run_scoped3A = tpu.sem_alloc : memref<!tpu.dma_semaphore, #tpu.memory_space<semaphore_mem>>
        %dma_start3A = arith.constant 0 : i32
        %dma_start3A_36 = tpu.memref_slice %arg2[%arg0, %add3A_35, %dma_start3A] : memref<2x1250x128xi32, #tpu.memory_space<hbm>> -> memref<1x1x128xi32, #tpu.memory_space<hbm>>
        %dma_start3A_37 = tpu.memref_squeeze %dma_start3A_36 : memref<1x1x128xi32, #tpu.memory_space<hbm>> -> memref<128xi32, #tpu.memory_space<hbm>>
        %dma_start3A_38 = arith.constant 0 : i32
        %dma_start3A_39 = tpu.memref_slice %arg2[%arg0, %add3A_35, %dma_start3A_38] : memref<2x1250x128xi32, #tpu.memory_space<hbm>> -> memref<1x1x128xi32, #tpu.memory_space<hbm>>
        %dma_start3A_40 = tpu.memref_squeeze %dma_start3A_39 : memref<1x1x128xi32, #tpu.memory_space<hbm>> -> memref<128xi32, #tpu.memory_space<hbm>>
        tpu.enqueue_dma source(%dma_start3A_40 : memref<128xi32, #tpu.memory_space<hbm>>) target(%arg7 : memref<128xi32, #tpu.memory_space<vmem>>) target_semaphore(%run_scoped3A : memref<!tpu.dma_semaphore, #tpu.memory_space<semaphore_mem>>)
        %dma_wait3A = arith.constant 0 : i32
        %dma_wait3A_41 = tpu.memref_slice %arg2[%arg0, %add3A_35, %dma_wait3A] : memref<2x1250x128xi32, #tpu.memory_space<hbm>> -> memref<1x1x128xi32, #tpu.memory_space<hbm>>
        %dma_wait3A_42 = tpu.memref_squeeze %dma_wait3A_41 : memref<1x1x128xi32, #tpu.memory_space<hbm>> -> memref<128xi32, #tpu.memory_space<hbm>>
        %dma_wait3A_43 = arith.constant 0 : i32
        %dma_wait3A_44 = tpu.memref_slice %arg2[%arg0, %add3A_35, %dma_wait3A_43] : memref<2x1250x128xi32, #tpu.memory_space<hbm>> -> memref<1x1x128xi32, #tpu.memory_space<hbm>>
        %dma_wait3A_45 = tpu.memref_squeeze %dma_wait3A_44 : memref<1x1x128xi32, #tpu.memory_space<hbm>> -> memref<128xi32, #tpu.memory_space<hbm>>
        tpu.wait_dma2 semaphore(%run_scoped3A : memref<!tpu.dma_semaphore, #tpu.memory_space<semaphore_mem>>) src(%dma_wait3A_45 : memref<128xi32, #tpu.memory_space<hbm>>) dst(%arg7 : memref<128xi32, #tpu.memory_space<vmem>>)
        tpu.yield
      }) : () -> ()
      "tpu.region"() ({
        %run_scoped3A = tpu.sem_alloc : memref<!tpu.dma_semaphore, #tpu.memory_space<semaphore_mem>>
        %dma_start3A = arith.constant 0 : i32
        %dma_start3A_36 = arith.constant 0 : i32
        %dma_start3A_37 = tpu.memref_slice %arg6[%dma_start3A, %dma_start3A_36] : memref<10112x8xf32, #tpu.memory_space<vmem_shared>> -> memref<10112x8xf32, #tpu.memory_space<vmem_shared>>
        tpu.enqueue_indirect_dma source(%arg8 : memref<128x8xf32, #tpu.memory_space<vmem>>) target(%dma_start3A_37 : memref<10112x8xf32, #tpu.memory_space<vmem_shared>>) offsets(%arg7 : memref<128xi32, #tpu.memory_space<vmem>>) semaphore(%run_scoped3A : memref<!tpu.dma_semaphore, #tpu.memory_space<semaphore_mem>>) {add = true}
        %dma_wait3A = arith.constant 0 : i32
        %dma_wait3A_38 = arith.constant 0 : i32
        %dma_wait3A_39 = tpu.memref_slice %arg6[%dma_wait3A, %dma_wait3A_38] : memref<10112x8xf32, #tpu.memory_space<vmem_shared>> -> memref<10112x8xf32, #tpu.memory_space<vmem_shared>>
        tpu.wait_indirect_dma semaphore(%run_scoped3A : memref<!tpu.dma_semaphore, #tpu.memory_space<semaphore_mem>>) src(%arg8 : memref<128x8xf32, #tpu.memory_space<vmem>>) dst(%dma_wait3A_39 : memref<10112x8xf32, #tpu.memory_space<vmem_shared>>)
        tpu.yield
      }) : () -> ()
    }
    %while3A_30 = arith.constant 1 : i32
    scf.for %while3A_32 = %while3A_28 to %while3A_24 step %while3A_30  : i32 {
      %mul3A_33 = arith.constant 16 : i32
      %mul3A_34 = arith.muli %while3A_32, %mul3A_33 : i32
      %add3A_35 = arith.addi %arg1, %mul3A_34 : i32
      "tpu.region"() ({
        %run_scoped3A = tpu.sem_alloc : memref<!tpu.dma_semaphore, #tpu.memory_space<semaphore_mem>>
        %dma_start3A = arith.constant 0 : i32
        %dma_start3A_36 = tpu.memref_slice %arg2[%arg0, %add3A_35, %dma_start3A] : memref<2x1250x128xi32, #tpu.memory_space<hbm>> -> memref<1x1x128xi32, #tpu.memory_space<hbm>>
        %dma_start3A_37 = tpu.memref_squeeze %dma_start3A_36 : memref<1x1x128xi32, #tpu.memory_space<hbm>> -> memref<128xi32, #tpu.memory_space<hbm>>
        %dma_start3A_38 = arith.constant 0 : i32
        %dma_start3A_39 = tpu.memref_slice %arg2[%arg0, %add3A_35, %dma_start3A_38] : memref<2x1250x128xi32, #tpu.memory_space<hbm>> -> memref<1x1x128xi32, #tpu.memory_space<hbm>>
        %dma_start3A_40 = tpu.memref_squeeze %dma_start3A_39 : memref<1x1x128xi32, #tpu.memory_space<hbm>> -> memref<128xi32, #tpu.memory_space<hbm>>
        tpu.enqueue_dma source(%dma_start3A_40 : memref<128xi32, #tpu.memory_space<hbm>>) target(%arg7 : memref<128xi32, #tpu.memory_space<vmem>>) target_semaphore(%run_scoped3A : memref<!tpu.dma_semaphore, #tpu.memory_space<semaphore_mem>>)
        %dma_wait3A = arith.constant 0 : i32
        %dma_wait3A_41 = tpu.memref_slice %arg2[%arg0, %add3A_35, %dma_wait3A] : memref<2x1250x128xi32, #tpu.memory_space<hbm>> -> memref<1x1x128xi32, #tpu.memory_space<hbm>>
        %dma_wait3A_42 = tpu.memref_squeeze %dma_wait3A_41 : memref<1x1x128xi32, #tpu.memory_space<hbm>> -> memref<128xi32, #tpu.memory_space<hbm>>
        %dma_wait3A_43 = arith.constant 0 : i32
        %dma_wait3A_44 = tpu.memref_slice %arg2[%arg0, %add3A_35, %dma_wait3A_43] : memref<2x1250x128xi32, #tpu.memory_space<hbm>> -> memref<1x1x128xi32, #tpu.memory_space<hbm>>
        %dma_wait3A_45 = tpu.memref_squeeze %dma_wait3A_44 : memref<1x1x128xi32, #tpu.memory_space<hbm>> -> memref<128xi32, #tpu.memory_space<hbm>>
        tpu.wait_dma2 semaphore(%run_scoped3A : memref<!tpu.dma_semaphore, #tpu.memory_space<semaphore_mem>>) src(%dma_wait3A_45 : memref<128xi32, #tpu.memory_space<hbm>>) dst(%arg7 : memref<128xi32, #tpu.memory_space<vmem>>)
        tpu.yield
      }) : () -> ()
      "tpu.region"() ({
        %run_scoped3A = tpu.sem_alloc : memref<!tpu.dma_semaphore, #tpu.memory_space<semaphore_mem>>
        %dma_start3A = arith.constant 0 : i32
        %dma_start3A_36 = arith.constant 0 : i32
        %dma_start3A_37 = tpu.memref_slice %arg6[%dma_start3A, %dma_start3A_36] : memref<10112x8xf32, #tpu.memory_space<vmem_shared>> -> memref<10112x8xf32, #tpu.memory_space<vmem_shared>>
        tpu.enqueue_indirect_dma source(%arg8 : memref<128x8xf32, #tpu.memory_space<vmem>>) target(%dma_start3A_37 : memref<10112x8xf32, #tpu.memory_space<vmem_shared>>) offsets(%arg7 : memref<128xi32, #tpu.memory_space<vmem>>) semaphore(%run_scoped3A : memref<!tpu.dma_semaphore, #tpu.memory_space<semaphore_mem>>) {add = true}
        %dma_wait3A = arith.constant 0 : i32
        %dma_wait3A_38 = arith.constant 0 : i32
        %dma_wait3A_39 = tpu.memref_slice %arg6[%dma_wait3A, %dma_wait3A_38] : memref<10112x8xf32, #tpu.memory_space<vmem_shared>> -> memref<10112x8xf32, #tpu.memory_space<vmem_shared>>
        tpu.wait_indirect_dma semaphore(%run_scoped3A : memref<!tpu.dma_semaphore, #tpu.memory_space<semaphore_mem>>) src(%arg8 : memref<128x8xf32, #tpu.memory_space<vmem>>) dst(%dma_wait3A_39 : memref<10112x8xf32, #tpu.memory_space<vmem_shared>>)
        tpu.yield
      }) : () -> ()
    }
    %barrier3A_31 = arith.constant 0 : index
    tpu.barrier barrier_id(%barrier3A_31)
    "tpu.region"() ({
      %run_scoped3A = tpu.sem_alloc : memref<!tpu.dma_semaphore, #tpu.memory_space<semaphore_mem>>
      %dma_start3A = arith.constant 0 : i32
      %dma_start3A_32 = tpu.memref_slice %arg5[%arg0, %mul3A_0, %dma_start3A] : memref<2x10112x8xf32, #tpu.memory_space<hbm>> -> memref<1x632x8xf32, #tpu.memory_space<hbm>>
      %dma_start3A_33 = tpu.memref_squeeze %dma_start3A_32 : memref<1x632x8xf32, #tpu.memory_space<hbm>> -> memref<632x8xf32, #tpu.memory_space<hbm>>
      %dma_start3A_34 = arith.constant 0 : i32
      %dma_start3A_35 = tpu.memref_slice %arg6[%mul3A_0, %dma_start3A_34] : memref<10112x8xf32, #tpu.memory_space<vmem_shared>> -> memref<632x8xf32, #tpu.memory_space<vmem_shared>>
      tpu.enqueue_dma source(%dma_start3A_35 : memref<632x8xf32, #tpu.memory_space<vmem_shared>>) target(%dma_start3A_33 : memref<632x8xf32, #tpu.memory_space<hbm>>) target_semaphore(%run_scoped3A : memref<!tpu.dma_semaphore, #tpu.memory_space<semaphore_mem>>)
      %dma_wait3A = arith.constant 0 : i32
      %dma_wait3A_36 = tpu.memref_slice %arg5[%arg0, %mul3A_0, %dma_wait3A] : memref<2x10112x8xf32, #tpu.memory_space<hbm>> -> memref<1x632x8xf32, #tpu.memory_space<hbm>>
      %dma_wait3A_37 = tpu.memref_squeeze %dma_wait3A_36 : memref<1x632x8xf32, #tpu.memory_space<hbm>> -> memref<632x8xf32, #tpu.memory_space<hbm>>
      %dma_wait3A_38 = arith.constant 0 : i32
      %dma_wait3A_39 = tpu.memref_slice %arg6[%mul3A_0, %dma_wait3A_38] : memref<10112x8xf32, #tpu.memory_space<vmem_shared>> -> memref<632x8xf32, #tpu.memory_space<vmem_shared>>
      tpu.wait_dma2 semaphore(%run_scoped3A : memref<!tpu.dma_semaphore, #tpu.memory_space<semaphore_mem>>) src(%dma_wait3A_39 : memref<632x8xf32, #tpu.memory_space<vmem_shared>>) dst(%dma_wait3A_37 : memref<632x8xf32, #tpu.memory_space<hbm>>)
      tpu.yield
    }) : () -> ()
    return
  }
}

#map = affine_map<(d0, d1) -> (0, 0)>
#map1 = affine_map<(d0, d1) -> (0, 0, 0)>
module attributes {stable_mosaic.version = 14 : i64} {
  func.func @_spmm_body(%arg0: i32, %arg1: i32, %arg2: memref<20224x128xf32, #tpu.memory_space<hbm>>, %arg3: memref<2x1250x128xi32, #tpu.memory_space<hbm>>, %arg4: memref<10112x128xf32, #tpu.memory_space<hbm>>, %arg5: memref<2x10112x128xf32, #tpu.memory_space<hbm>>, %arg6: memref<10112x128xf32, #tpu.memory_space<vmem_shared>>, %arg7: memref<128xi32, #tpu.memory_space<vmem>>, %arg8: memref<128xi32, #tpu.memory_space<vmem>>, %arg9: memref<128xi32, #tpu.memory_space<vmem>>, %arg10: memref<128xi32, #tpu.memory_space<vmem>>, %arg11: memref<128x128xf32, #tpu.memory_space<vmem>>, %arg12: memref<128x128xf32, #tpu.memory_space<vmem>>, %arg13: memref<!tpu.dma_semaphore, #tpu.memory_space<semaphore_mem>>, %arg14: memref<!tpu.dma_semaphore, #tpu.memory_space<semaphore_mem>>) attributes {dimension_semantics = [#tpu.dimension_semantics<core_parallel>, #tpu.dimension_semantics<subcore_parallel>], iteration_bounds = array<i64: 2, 16>, scalar_prefetch = 0 : i64, scratch_operands = 9 : i64, tpu.core_type = #tpu.core_type<sc_vector_subcore>, window_params = [{transform_indices = #map}, {transform_indices = #map1}, {transform_indices = #map}, {transform_indices = #map1}]} {
    %mul3A = arith.constant 632 : i32
    %mul3A_0 = arith.muli %arg1, %mul3A : i32
    "tpu.region"() ({
      %run_scoped3A_148 = tpu.sem_alloc : memref<!tpu.dma_semaphore, #tpu.memory_space<semaphore_mem>>
      %dma_start3A_149 = arith.constant 0 : i32
      %dma_start3A_150 = tpu.memref_slice %arg6[%mul3A_0, %dma_start3A_149] : memref<10112x128xf32, #tpu.memory_space<vmem_shared>> -> memref<632x128xf32, #tpu.memory_space<vmem_shared>>
      %dma_start3A_151 = arith.constant 0 : i32
      %dma_start3A_152 = tpu.memref_slice %arg4[%mul3A_0, %dma_start3A_151] : memref<10112x128xf32, #tpu.memory_space<hbm>> -> memref<632x128xf32, #tpu.memory_space<hbm>>
      tpu.enqueue_dma source(%dma_start3A_152 : memref<632x128xf32, #tpu.memory_space<hbm>>) target(%dma_start3A_150 : memref<632x128xf32, #tpu.memory_space<vmem_shared>>) target_semaphore(%run_scoped3A_148 : memref<!tpu.dma_semaphore, #tpu.memory_space<semaphore_mem>>)
      %dma_wait3A = arith.constant 0 : i32
      %dma_wait3A_153 = tpu.memref_slice %arg6[%mul3A_0, %dma_wait3A] : memref<10112x128xf32, #tpu.memory_space<vmem_shared>> -> memref<632x128xf32, #tpu.memory_space<vmem_shared>>
      %dma_wait3A_154 = arith.constant 0 : i32
      %dma_wait3A_155 = tpu.memref_slice %arg4[%mul3A_0, %dma_wait3A_154] : memref<10112x128xf32, #tpu.memory_space<hbm>> -> memref<632x128xf32, #tpu.memory_space<hbm>>
      tpu.wait_dma2 semaphore(%run_scoped3A_148 : memref<!tpu.dma_semaphore, #tpu.memory_space<semaphore_mem>>) src(%dma_wait3A_155 : memref<632x128xf32, #tpu.memory_space<hbm>>) dst(%dma_wait3A_153 : memref<632x128xf32, #tpu.memory_space<vmem_shared>>)
      tpu.yield
    }) : () -> ()
    %barrier3A = arith.constant 0 : index
    tpu.barrier barrier_id(%barrier3A)
    %mul3A_1 = arith.constant 10112 : i32
    %mul3A_2 = arith.muli %arg0, %mul3A_1 : i32
    %sub3A = arith.constant 1250 : i32
    %sub3A_3 = arith.subi %sub3A, %arg1 : i32
    %add3A = arith.constant 16 : i32
    %add3A_4 = arith.addi %sub3A_3, %add3A : i32
    %sub3A_5 = arith.constant 1 : i32
    %sub3A_6 = arith.subi %add3A_4, %sub3A_5 : i32
    %jit3A = arith.constant 16 : i32
    %div3A = arith.divsi %sub3A_6, %jit3A : i32
    %sign3A = arith.constant 0 : i32
    %sign3A_7 = arith.cmpi sgt, %sub3A_6, %sign3A : i32
    %sign3A_8 = arith.extui %sign3A_7 : i1 to i32
    %sign3A_9 = arith.constant 0 : i32
    %sign3A_10 = arith.cmpi slt, %sub3A_6, %sign3A_9 : i32
    %sign3A_11 = arith.extui %sign3A_10 : i1 to i32
    %sign3A_12 = arith.subi %sign3A_8, %sign3A_11 : i32
    %sign3A_13 = arith.constant 0 : i32
    %sign3A_14 = arith.cmpi sgt, %jit3A, %sign3A_13 : i32
    %sign3A_15 = arith.extui %sign3A_14 : i1 to i32
    %sign3A_16 = arith.constant 0 : i32
    %sign3A_17 = arith.cmpi slt, %jit3A, %sign3A_16 : i32
    %sign3A_18 = arith.extui %sign3A_17 : i1 to i32
    %sign3A_19 = arith.subi %sign3A_15, %sign3A_18 : i32
    %ne3A = arith.cmpi ne, %sign3A_12, %sign3A_19 : i32
    %rem3A = arith.remsi %sub3A_6, %jit3A : i32
    %ne3A_20 = arith.constant 0 : i32
    %ne3A_21 = arith.cmpi ne, %rem3A, %ne3A_20 : i32
    %and3A = arith.andi %ne3A, %ne3A_21 : i1
    %sub3A_22 = arith.constant 1 : i32
    %sub3A_23 = arith.subi %div3A, %sub3A_22 : i32
    %select_n3A = arith.select %and3A, %sub3A_23, %div3A : i32
    %jit3A_24 = arith.constant 2 : i32
    %div3A_25 = arith.divsi %select_n3A, %jit3A_24 : i32
    %sign3A_26 = arith.constant 0 : i32
    %sign3A_27 = arith.cmpi sgt, %select_n3A, %sign3A_26 : i32
    %sign3A_28 = arith.extui %sign3A_27 : i1 to i32
    %sign3A_29 = arith.constant 0 : i32
    %sign3A_30 = arith.cmpi slt, %select_n3A, %sign3A_29 : i32
    %sign3A_31 = arith.extui %sign3A_30 : i1 to i32
    %sign3A_32 = arith.subi %sign3A_28, %sign3A_31 : i32
    %sign3A_33 = arith.constant 0 : i32
    %sign3A_34 = arith.cmpi sgt, %jit3A_24, %sign3A_33 : i32
    %sign3A_35 = arith.extui %sign3A_34 : i1 to i32
    %sign3A_36 = arith.constant 0 : i32
    %sign3A_37 = arith.cmpi slt, %jit3A_24, %sign3A_36 : i32
    %sign3A_38 = arith.extui %sign3A_37 : i1 to i32
    %sign3A_39 = arith.subi %sign3A_35, %sign3A_38 : i32
    %ne3A_40 = arith.cmpi ne, %sign3A_32, %sign3A_39 : i32
    %rem3A_41 = arith.remsi %select_n3A, %jit3A_24 : i32
    %ne3A_42 = arith.constant 0 : i32
    %ne3A_43 = arith.cmpi ne, %rem3A_41, %ne3A_42 : i32
    %and3A_44 = arith.andi %ne3A_40, %ne3A_43 : i1
    %sub3A_45 = arith.constant 1 : i32
    %sub3A_46 = arith.subi %div3A_25, %sub3A_45 : i32
    %select_n3A_47 = arith.select %and3A_44, %sub3A_46, %div3A_25 : i32
    %run_scoped3A = arith.constant 0 : i32
    "tpu.region"() ({
      %run_scoped3A_148 = tpu.sem_alloc : memref<!tpu.dma_semaphore, #tpu.memory_space<semaphore_mem>>
      %dma_start3A_149 = arith.constant 0 : i32
      %dma_start3A_150 = tpu.memref_slice %arg3[%run_scoped3A, %arg1, %dma_start3A_149] : memref<2x1250x128xi32, #tpu.memory_space<hbm>> -> memref<1x1x128xi32, #tpu.memory_space<hbm>>
      %dma_start3A_151 = tpu.memref_squeeze %dma_start3A_150 : memref<1x1x128xi32, #tpu.memory_space<hbm>> -> memref<128xi32, #tpu.memory_space<hbm>>
      %dma_start3A_152 = arith.constant 0 : i32
      %dma_start3A_153 = tpu.memref_slice %arg3[%run_scoped3A, %arg1, %dma_start3A_152] : memref<2x1250x128xi32, #tpu.memory_space<hbm>> -> memref<1x1x128xi32, #tpu.memory_space<hbm>>
      %dma_start3A_154 = tpu.memref_squeeze %dma_start3A_153 : memref<1x1x128xi32, #tpu.memory_space<hbm>> -> memref<128xi32, #tpu.memory_space<hbm>>
      tpu.enqueue_dma source(%dma_start3A_154 : memref<128xi32, #tpu.memory_space<hbm>>) target(%arg7 : memref<128xi32, #tpu.memory_space<vmem>>) target_semaphore(%run_scoped3A_148 : memref<!tpu.dma_semaphore, #tpu.memory_space<semaphore_mem>>)
      %dma_wait3A = arith.constant 0 : i32
      %dma_wait3A_155 = tpu.memref_slice %arg3[%run_scoped3A, %arg1, %dma_wait3A] : memref<2x1250x128xi32, #tpu.memory_space<hbm>> -> memref<1x1x128xi32, #tpu.memory_space<hbm>>
      %dma_wait3A_156 = tpu.memref_squeeze %dma_wait3A_155 : memref<1x1x128xi32, #tpu.memory_space<hbm>> -> memref<128xi32, #tpu.memory_space<hbm>>
      %dma_wait3A_157 = arith.constant 0 : i32
      %dma_wait3A_158 = tpu.memref_slice %arg3[%run_scoped3A, %arg1, %dma_wait3A_157] : memref<2x1250x128xi32, #tpu.memory_space<hbm>> -> memref<1x1x128xi32, #tpu.memory_space<hbm>>
      %dma_wait3A_159 = tpu.memref_squeeze %dma_wait3A_158 : memref<1x1x128xi32, #tpu.memory_space<hbm>> -> memref<128xi32, #tpu.memory_space<hbm>>
      tpu.wait_dma2 semaphore(%run_scoped3A_148 : memref<!tpu.dma_semaphore, #tpu.memory_space<semaphore_mem>>) src(%dma_wait3A_159 : memref<128xi32, #tpu.memory_space<hbm>>) dst(%arg7 : memref<128xi32, #tpu.memory_space<vmem>>)
      tpu.yield
    }) : () -> ()
    %run_scoped3A_48 = arith.constant 1 : i32
    "tpu.region"() ({
      %run_scoped3A_148 = tpu.sem_alloc : memref<!tpu.dma_semaphore, #tpu.memory_space<semaphore_mem>>
      %dma_start3A_149 = arith.constant 0 : i32
      %dma_start3A_150 = tpu.memref_slice %arg3[%run_scoped3A_48, %arg1, %dma_start3A_149] : memref<2x1250x128xi32, #tpu.memory_space<hbm>> -> memref<1x1x128xi32, #tpu.memory_space<hbm>>
      %dma_start3A_151 = tpu.memref_squeeze %dma_start3A_150 : memref<1x1x128xi32, #tpu.memory_space<hbm>> -> memref<128xi32, #tpu.memory_space<hbm>>
      %dma_start3A_152 = arith.constant 0 : i32
      %dma_start3A_153 = tpu.memref_slice %arg3[%run_scoped3A_48, %arg1, %dma_start3A_152] : memref<2x1250x128xi32, #tpu.memory_space<hbm>> -> memref<1x1x128xi32, #tpu.memory_space<hbm>>
      %dma_start3A_154 = tpu.memref_squeeze %dma_start3A_153 : memref<1x1x128xi32, #tpu.memory_space<hbm>> -> memref<128xi32, #tpu.memory_space<hbm>>
      tpu.enqueue_dma source(%dma_start3A_154 : memref<128xi32, #tpu.memory_space<hbm>>) target(%arg8 : memref<128xi32, #tpu.memory_space<vmem>>) target_semaphore(%run_scoped3A_148 : memref<!tpu.dma_semaphore, #tpu.memory_space<semaphore_mem>>)
      %dma_wait3A = arith.constant 0 : i32
      %dma_wait3A_155 = tpu.memref_slice %arg3[%run_scoped3A_48, %arg1, %dma_wait3A] : memref<2x1250x128xi32, #tpu.memory_space<hbm>> -> memref<1x1x128xi32, #tpu.memory_space<hbm>>
      %dma_wait3A_156 = tpu.memref_squeeze %dma_wait3A_155 : memref<1x1x128xi32, #tpu.memory_space<hbm>> -> memref<128xi32, #tpu.memory_space<hbm>>
      %dma_wait3A_157 = arith.constant 0 : i32
      %dma_wait3A_158 = tpu.memref_slice %arg3[%run_scoped3A_48, %arg1, %dma_wait3A_157] : memref<2x1250x128xi32, #tpu.memory_space<hbm>> -> memref<1x1x128xi32, #tpu.memory_space<hbm>>
      %dma_wait3A_159 = tpu.memref_squeeze %dma_wait3A_158 : memref<1x1x128xi32, #tpu.memory_space<hbm>> -> memref<128xi32, #tpu.memory_space<hbm>>
      tpu.wait_dma2 semaphore(%run_scoped3A_148 : memref<!tpu.dma_semaphore, #tpu.memory_space<semaphore_mem>>) src(%dma_wait3A_159 : memref<128xi32, #tpu.memory_space<hbm>>) dst(%arg8 : memref<128xi32, #tpu.memory_space<vmem>>)
      tpu.yield
    }) : () -> ()
    %get3A = arith.constant 0 : index
    %get3A_49 = tpu.vector_load %arg7[%get3A] {strides = array<i32>} : memref<128xi32, #tpu.memory_space<vmem>>, vector<16xi32>,
    %get3A_50 = vector.shape_cast %get3A_49 : vector<16xi32> to vector<16xi32>
    %add3A_51 = vector.broadcast %mul3A_2 : i32 to vector<16xi32>
    %add3A_52 = arith.addi %get3A_50, %add3A_51 : vector<16xi32>
    %swap3A = arith.constant 0 : index
    %swap3A_53 = tpu.vector_load %arg7[%swap3A] {strides = array<i32>} : memref<128xi32, #tpu.memory_space<vmem>>, vector<16xi32>,
    %swap3A_54 = vector.shape_cast %swap3A_53 : vector<16xi32> to vector<16xi32>
    %swap3A_55 = vector.shape_cast %add3A_52 : vector<16xi32> to vector<16xi32>
    tpu.vector_store %arg7[%swap3A], %swap3A_55 {strides = array<i32>} : memref<128xi32, #tpu.memory_space<vmem>>, vector<16xi32>,
    %get3A_56 = arith.constant 16 : index
    %get3A_57 = tpu.vector_load %arg7[%get3A_56] {strides = array<i32>} : memref<128xi32, #tpu.memory_space<vmem>>, vector<16xi32>,
    %get3A_58 = vector.shape_cast %get3A_57 : vector<16xi32> to vector<16xi32>
    %add3A_59 = vector.broadcast %mul3A_2 : i32 to vector<16xi32>
    %add3A_60 = arith.addi %get3A_58, %add3A_59 : vector<16xi32>
    %swap3A_61 = arith.constant 16 : index
    %swap3A_62 = tpu.vector_load %arg7[%swap3A_61] {strides = array<i32>} : memref<128xi32, #tpu.memory_space<vmem>>, vector<16xi32>,
    %swap3A_63 = vector.shape_cast %swap3A_62 : vector<16xi32> to vector<16xi32>
    %swap3A_64 = vector.shape_cast %add3A_60 : vector<16xi32> to vector<16xi32>
    tpu.vector_store %arg7[%swap3A_61], %swap3A_64 {strides = array<i32>} : memref<128xi32, #tpu.memory_space<vmem>>, vector<16xi32>,
    %get3A_65 = arith.constant 32 : index
    %get3A_66 = tpu.vector_load %arg7[%get3A_65] {strides = array<i32>} : memref<128xi32, #tpu.memory_space<vmem>>, vector<16xi32>,
    %get3A_67 = vector.shape_cast %get3A_66 : vector<16xi32> to vector<16xi32>
    %add3A_68 = vector.broadcast %mul3A_2 : i32 to vector<16xi32>
    %add3A_69 = arith.addi %get3A_67, %add3A_68 : vector<16xi32>
    %swap3A_70 = arith.constant 32 : index
    %swap3A_71 = tpu.vector_load %arg7[%swap3A_70] {strides = array<i32>} : memref<128xi32, #tpu.memory_space<vmem>>, vector<16xi32>,
    %swap3A_72 = vector.shape_cast %swap3A_71 : vector<16xi32> to vector<16xi32>
    %swap3A_73 = vector.shape_cast %add3A_69 : vector<16xi32> to vector<16xi32>
    tpu.vector_store %arg7[%swap3A_70], %swap3A_73 {strides = array<i32>} : memref<128xi32, #tpu.memory_space<vmem>>, vector<16xi32>,
    %get3A_74 = arith.constant 48 : index
    %get3A_75 = tpu.vector_load %arg7[%get3A_74] {strides = array<i32>} : memref<128xi32, #tpu.memory_space<vmem>>, vector<16xi32>,
    %get3A_76 = vector.shape_cast %get3A_75 : vector<16xi32> to vector<16xi32>
    %add3A_77 = vector.broadcast %mul3A_2 : i32 to vector<16xi32>
    %add3A_78 = arith.addi %get3A_76, %add3A_77 : vector<16xi32>
    %swap3A_79 = arith.constant 48 : index
    %swap3A_80 = tpu.vector_load %arg7[%swap3A_79] {strides = array<i32>} : memref<128xi32, #tpu.memory_space<vmem>>, vector<16xi32>,
    %swap3A_81 = vector.shape_cast %swap3A_80 : vector<16xi32> to vector<16xi32>
    %swap3A_82 = vector.shape_cast %add3A_78 : vector<16xi32> to vector<16xi32>
    tpu.vector_store %arg7[%swap3A_79], %swap3A_82 {strides = array<i32>} : memref<128xi32, #tpu.memory_space<vmem>>, vector<16xi32>,
    %get3A_83 = arith.constant 64 : index
    %get3A_84 = tpu.vector_load %arg7[%get3A_83] {strides = array<i32>} : memref<128xi32, #tpu.memory_space<vmem>>, vector<16xi32>,
    %get3A_85 = vector.shape_cast %get3A_84 : vector<16xi32> to vector<16xi32>
    %add3A_86 = vector.broadcast %mul3A_2 : i32 to vector<16xi32>
    %add3A_87 = arith.addi %get3A_85, %add3A_86 : vector<16xi32>
    %swap3A_88 = arith.constant 64 : index
    %swap3A_89 = tpu.vector_load %arg7[%swap3A_88] {strides = array<i32>} : memref<128xi32, #tpu.memory_space<vmem>>, vector<16xi32>,
    %swap3A_90 = vector.shape_cast %swap3A_89 : vector<16xi32> to vector<16xi32>
    %swap3A_91 = vector.shape_cast %add3A_87 : vector<16xi32> to vector<16xi32>
    tpu.vector_store %arg7[%swap3A_88], %swap3A_91 {strides = array<i32>} : memref<128xi32, #tpu.memory_space<vmem>>, vector<16xi32>,
    %get3A_92 = arith.constant 80 : index
    %get3A_93 = tpu.vector_load %arg7[%get3A_92] {strides = array<i32>} : memref<128xi32, #tpu.memory_space<vmem>>, vector<16xi32>,
    %get3A_94 = vector.shape_cast %get3A_93 : vector<16xi32> to vector<16xi32>
    %add3A_95 = vector.broadcast %mul3A_2 : i32 to vector<16xi32>
    %add3A_96 = arith.addi %get3A_94, %add3A_95 : vector<16xi32>
    %swap3A_97 = arith.constant 80 : index
    %swap3A_98 = tpu.vector_load %arg7[%swap3A_97] {strides = array<i32>} : memref<128xi32, #tpu.memory_space<vmem>>, vector<16xi32>,
    %swap3A_99 = vector.shape_cast %swap3A_98 : vector<16xi32> to vector<16xi32>
    %swap3A_100 = vector.shape_cast %add3A_96 : vector<16xi32> to vector<16xi32>
    tpu.vector_store %arg7[%swap3A_97], %swap3A_100 {strides = array<i32>} : memref<128xi32, #tpu.memory_space<vmem>>, vector<16xi32>,
    %get3A_101 = arith.constant 96 : index
    %get3A_102 = tpu.vector_load %arg7[%get3A_101] {strides = array<i32>} : memref<128xi32, #tpu.memory_space<vmem>>, vector<16xi32>,
    %get3A_103 = vector.shape_cast %get3A_102 : vector<16xi32> to vector<16xi32>
    %add3A_104 = vector.broadcast %mul3A_2 : i32 to vector<16xi32>
    %add3A_105 = arith.addi %get3A_103, %add3A_104 : vector<16xi32>
    %swap3A_106 = arith.constant 96 : index
    %swap3A_107 = tpu.vector_load %arg7[%swap3A_106] {strides = array<i32>} : memref<128xi32, #tpu.memory_space<vmem>>, vector<16xi32>,
    %swap3A_108 = vector.shape_cast %swap3A_107 : vector<16xi32> to vector<16xi32>
    %swap3A_109 = vector.shape_cast %add3A_105 : vector<16xi32> to vector<16xi32>
    tpu.vector_store %arg7[%swap3A_106], %swap3A_109 {strides = array<i32>} : memref<128xi32, #tpu.memory_space<vmem>>, vector<16xi32>,
    %get3A_110 = arith.constant 112 : index
    %get3A_111 = tpu.vector_load %arg7[%get3A_110] {strides = array<i32>} : memref<128xi32, #tpu.memory_space<vmem>>, vector<16xi32>,
    %get3A_112 = vector.shape_cast %get3A_111 : vector<16xi32> to vector<16xi32>
    %add3A_113 = vector.broadcast %mul3A_2 : i32 to vector<16xi32>
    %add3A_114 = arith.addi %get3A_112, %add3A_113 : vector<16xi32>
    %swap3A_115 = arith.constant 112 : index
    %swap3A_116 = tpu.vector_load %arg7[%swap3A_115] {strides = array<i32>} : memref<128xi32, #tpu.memory_space<vmem>>, vector<16xi32>,
    %swap3A_117 = vector.shape_cast %swap3A_116 : vector<16xi32> to vector<16xi32>
    %swap3A_118 = vector.shape_cast %add3A_114 : vector<16xi32> to vector<16xi32>
    tpu.vector_store %arg7[%swap3A_115], %swap3A_118 {strides = array<i32>} : memref<128xi32, #tpu.memory_space<vmem>>, vector<16xi32>,
    %dma_start3A = arith.constant 0 : i32
    %dma_start3A_119 = arith.constant 0 : i32
    %dma_start3A_120 = tpu.memref_slice %arg2[%dma_start3A, %dma_start3A_119] : memref<20224x128xf32, #tpu.memory_space<hbm>> -> memref<20224x128xf32, #tpu.memory_space<hbm>>
    tpu.enqueue_indirect_dma source(%dma_start3A_120 : memref<20224x128xf32, #tpu.memory_space<hbm>>) target(%arg11 : memref<128x128xf32, #tpu.memory_space<vmem>>) offsets(%arg7 : memref<128xi32, #tpu.memory_space<vmem>>) semaphore(%arg13 : memref<!tpu.dma_semaphore, #tpu.memory_space<semaphore_mem>>)
    %while3A = arith.constant 0 : i32
    %while3A_121 = arith.constant 0 : i32
    %while3A_122 = arith.subi %select_n3A_47, %while3A_121 : i32
    %while3A_123 = arith.addi %while3A_121, %while3A_122 : i32
    %while3A_124 = arith.constant 1 : i32
    %while3A_125 = arith.divsi %while3A_122, %while3A_124 : i32
    %while3A_126 = arith.muli %while3A_125, %while3A_124 : i32
    %while3A_127 = arith.addi %while3A_121, %while3A_126 : i32
    %while3A_128 = arith.constant 1 : i32
    scf.for %while3A_148 = %while3A_121 to %while3A_127 step %while3A_128  : i32 {
      %mul3A_149 = arith.constant 2 : i32
      %mul3A_150 = arith.muli %mul3A_149, %while3A_148 : i32
      %mul3A_151 = arith.constant 16 : i32
      %mul3A_152 = arith.muli %mul3A_150, %mul3A_151 : i32
      %add3A_153 = arith.addi %arg1, %mul3A_152 : i32
      %add3A_154 = arith.constant 16 : i32
      %add3A_155 = arith.addi %add3A_153, %add3A_154 : i32
      %run_scoped3A_156 = arith.constant 0 : i32
      "tpu.region"() ({
        %run_scoped3A_244 = tpu.sem_alloc : memref<!tpu.dma_semaphore, #tpu.memory_space<semaphore_mem>>
        %dma_start3A_245 = arith.constant 0 : i32
        %dma_start3A_246 = tpu.memref_slice %arg3[%run_scoped3A_156, %add3A_155, %dma_start3A_245] : memref<2x1250x128xi32, #tpu.memory_space<hbm>> -> memref<1x1x128xi32, #tpu.memory_space<hbm>>
        %dma_start3A_247 = tpu.memref_squeeze %dma_start3A_246 : memref<1x1x128xi32, #tpu.memory_space<hbm>> -> memref<128xi32, #tpu.memory_space<hbm>>
        %dma_start3A_248 = arith.constant 0 : i32
        %dma_start3A_249 = tpu.memref_slice %arg3[%run_scoped3A_156, %add3A_155, %dma_start3A_248] : memref<2x1250x128xi32, #tpu.memory_space<hbm>> -> memref<1x1x128xi32, #tpu.memory_space<hbm>>
        %dma_start3A_250 = tpu.memref_squeeze %dma_start3A_249 : memref<1x1x128xi32, #tpu.memory_space<hbm>> -> memref<128xi32, #tpu.memory_space<hbm>>
        tpu.enqueue_dma source(%dma_start3A_250 : memref<128xi32, #tpu.memory_space<hbm>>) target(%arg9 : memref<128xi32, #tpu.memory_space<vmem>>) target_semaphore(%run_scoped3A_244 : memref<!tpu.dma_semaphore, #tpu.memory_space<semaphore_mem>>)
        %dma_wait3A_251 = arith.constant 0 : i32
        %dma_wait3A_252 = tpu.memref_slice %arg3[%run_scoped3A_156, %add3A_155, %dma_wait3A_251] : memref<2x1250x128xi32, #tpu.memory_space<hbm>> -> memref<1x1x128xi32, #tpu.memory_space<hbm>>
        %dma_wait3A_253 = tpu.memref_squeeze %dma_wait3A_252 : memref<1x1x128xi32, #tpu.memory_space<hbm>> -> memref<128xi32, #tpu.memory_space<hbm>>
        %dma_wait3A_254 = arith.constant 0 : i32
        %dma_wait3A_255 = tpu.memref_slice %arg3[%run_scoped3A_156, %add3A_155, %dma_wait3A_254] : memref<2x1250x128xi32, #tpu.memory_space<hbm>> -> memref<1x1x128xi32, #tpu.memory_space<hbm>>
        %dma_wait3A_256 = tpu.memref_squeeze %dma_wait3A_255 : memref<1x1x128xi32, #tpu.memory_space<hbm>> -> memref<128xi32, #tpu.memory_space<hbm>>
        tpu.wait_dma2 semaphore(%run_scoped3A_244 : memref<!tpu.dma_semaphore, #tpu.memory_space<semaphore_mem>>) src(%dma_wait3A_256 : memref<128xi32, #tpu.memory_space<hbm>>) dst(%arg9 : memref<128xi32, #tpu.memory_space<vmem>>)
        tpu.yield
      }) : () -> ()
      %run_scoped3A_157 = arith.constant 1 : i32
      "tpu.region"() ({
        %run_scoped3A_244 = tpu.sem_alloc : memref<!tpu.dma_semaphore, #tpu.memory_space<semaphore_mem>>
        %dma_start3A_245 = arith.constant 0 : i32
        %dma_start3A_246 = tpu.memref_slice %arg3[%run_scoped3A_157, %add3A_155, %dma_start3A_245] : memref<2x1250x128xi32, #tpu.memory_space<hbm>> -> memref<1x1x128xi32, #tpu.memory_space<hbm>>
        %dma_start3A_247 = tpu.memref_squeeze %dma_start3A_246 : memref<1x1x128xi32, #tpu.memory_space<hbm>> -> memref<128xi32, #tpu.memory_space<hbm>>
        %dma_start3A_248 = arith.constant 0 : i32
        %dma_start3A_249 = tpu.memref_slice %arg3[%run_scoped3A_157, %add3A_155, %dma_start3A_248] : memref<2x1250x128xi32, #tpu.memory_space<hbm>> -> memref<1x1x128xi32, #tpu.memory_space<hbm>>
        %dma_start3A_250 = tpu.memref_squeeze %dma_start3A_249 : memref<1x1x128xi32, #tpu.memory_space<hbm>> -> memref<128xi32, #tpu.memory_space<hbm>>
        tpu.enqueue_dma source(%dma_start3A_250 : memref<128xi32, #tpu.memory_space<hbm>>) target(%arg10 : memref<128xi32, #tpu.memory_space<vmem>>) target_semaphore(%run_scoped3A_244 : memref<!tpu.dma_semaphore, #tpu.memory_space<semaphore_mem>>)
        %dma_wait3A_251 = arith.constant 0 : i32
        %dma_wait3A_252 = tpu.memref_slice %arg3[%run_scoped3A_157, %add3A_155, %dma_wait3A_251] : memref<2x1250x128xi32, #tpu.memory_space<hbm>> -> memref<1x1x128xi32, #tpu.memory_space<hbm>>
        %dma_wait3A_253 = tpu.memref_squeeze %dma_wait3A_252 : memref<1x1x128xi32, #tpu.memory_space<hbm>> -> memref<128xi32, #tpu.memory_space<hbm>>
        %dma_wait3A_254 = arith.constant 0 : i32
        %dma_wait3A_255 = tpu.memref_slice %arg3[%run_scoped3A_157, %add3A_155, %dma_wait3A_254] : memref<2x1250x128xi32, #tpu.memory_space<hbm>> -> memref<1x1x128xi32, #tpu.memory_space<hbm>>
        %dma_wait3A_256 = tpu.memref_squeeze %dma_wait3A_255 : memref<1x1x128xi32, #tpu.memory_space<hbm>> -> memref<128xi32, #tpu.memory_space<hbm>>
        tpu.wait_dma2 semaphore(%run_scoped3A_244 : memref<!tpu.dma_semaphore, #tpu.memory_space<semaphore_mem>>) src(%dma_wait3A_256 : memref<128xi32, #tpu.memory_space<hbm>>) dst(%arg10 : memref<128xi32, #tpu.memory_space<vmem>>)
        tpu.yield
      }) : () -> ()
      %get3A_158 = arith.constant 0 : index
      %get3A_159 = tpu.vector_load %arg9[%get3A_158] {strides = array<i32>} : memref<128xi32, #tpu.memory_space<vmem>>, vector<16xi32>,
      %get3A_160 = vector.shape_cast %get3A_159 : vector<16xi32> to vector<16xi32>
      %add3A_161 = vector.broadcast %mul3A_2 : i32 to vector<16xi32>
      %add3A_162 = arith.addi %get3A_160, %add3A_161 : vector<16xi32>
      %swap3A_163 = arith.constant 0 : index
      %swap3A_164 = tpu.vector_load %arg9[%swap3A_163] {strides = array<i32>} : memref<128xi32, #tpu.memory_space<vmem>>, vector<16xi32>,
      %swap3A_165 = vector.shape_cast %swap3A_164 : vector<16xi32> to vector<16xi32>
      %swap3A_166 = vector.shape_cast %add3A_162 : vector<16xi32> to vector<16xi32>
      tpu.vector_store %arg9[%swap3A_163], %swap3A_166 {strides = array<i32>} : memref<128xi32, #tpu.memory_space<vmem>>, vector<16xi32>,
      %get3A_167 = arith.constant 16 : index
      %get3A_168 = tpu.vector_load %arg9[%get3A_167] {strides = array<i32>} : memref<128xi32, #tpu.memory_space<vmem>>, vector<16xi32>,
      %get3A_169 = vector.shape_cast %get3A_168 : vector<16xi32> to vector<16xi32>
      %add3A_170 = vector.broadcast %mul3A_2 : i32 to vector<16xi32>
      %add3A_171 = arith.addi %get3A_169, %add3A_170 : vector<16xi32>
      %swap3A_172 = arith.constant 16 : index
      %swap3A_173 = tpu.vector_load %arg9[%swap3A_172] {strides = array<i32>} : memref<128xi32, #tpu.memory_space<vmem>>, vector<16xi32>,
      %swap3A_174 = vector.shape_cast %swap3A_173 : vector<16xi32> to vector<16xi32>
      %swap3A_175 = vector.shape_cast %add3A_171 : vector<16xi32> to vector<16xi32>
      tpu.vector_store %arg9[%swap3A_172], %swap3A_175 {strides = array<i32>} : memref<128xi32, #tpu.memory_space<vmem>>, vector<16xi32>,
      %get3A_176 = arith.constant 32 : index
      %get3A_177 = tpu.vector_load %arg9[%get3A_176] {strides = array<i32>} : memref<128xi32, #tpu.memory_space<vmem>>, vector<16xi32>,
      %get3A_178 = vector.shape_cast %get3A_177 : vector<16xi32> to vector<16xi32>
      %add3A_179 = vector.broadcast %mul3A_2 : i32 to vector<16xi32>
      %add3A_180 = arith.addi %get3A_178, %add3A_179 : vector<16xi32>
      %swap3A_181 = arith.constant 32 : index
      %swap3A_182 = tpu.vector_load %arg9[%swap3A_181] {strides = array<i32>} : memref<128xi32, #tpu.memory_space<vmem>>, vector<16xi32>,
      %swap3A_183 = vector.shape_cast %swap3A_182 : vector<16xi32> to vector<16xi32>
      %swap3A_184 = vector.shape_cast %add3A_180 : vector<16xi32> to vector<16xi32>
      tpu.vector_store %arg9[%swap3A_181], %swap3A_184 {strides = array<i32>} : memref<128xi32, #tpu.memory_space<vmem>>, vector<16xi32>,
      %get3A_185 = arith.constant 48 : index
      %get3A_186 = tpu.vector_load %arg9[%get3A_185] {strides = array<i32>} : memref<128xi32, #tpu.memory_space<vmem>>, vector<16xi32>,
      %get3A_187 = vector.shape_cast %get3A_186 : vector<16xi32> to vector<16xi32>
      %add3A_188 = vector.broadcast %mul3A_2 : i32 to vector<16xi32>
      %add3A_189 = arith.addi %get3A_187, %add3A_188 : vector<16xi32>
      %swap3A_190 = arith.constant 48 : index
      %swap3A_191 = tpu.vector_load %arg9[%swap3A_190] {strides = array<i32>} : memref<128xi32, #tpu.memory_space<vmem>>, vector<16xi32>,
      %swap3A_192 = vector.shape_cast %swap3A_191 : vector<16xi32> to vector<16xi32>
      %swap3A_193 = vector.shape_cast %add3A_189 : vector<16xi32> to vector<16xi32>
      tpu.vector_store %arg9[%swap3A_190], %swap3A_193 {strides = array<i32>} : memref<128xi32, #tpu.memory_space<vmem>>, vector<16xi32>,
      %get3A_194 = arith.constant 64 : index
      %get3A_195 = tpu.vector_load %arg9[%get3A_194] {strides = array<i32>} : memref<128xi32, #tpu.memory_space<vmem>>, vector<16xi32>,
      %get3A_196 = vector.shape_cast %get3A_195 : vector<16xi32> to vector<16xi32>
      %add3A_197 = vector.broadcast %mul3A_2 : i32 to vector<16xi32>
      %add3A_198 = arith.addi %get3A_196, %add3A_197 : vector<16xi32>
      %swap3A_199 = arith.constant 64 : index
      %swap3A_200 = tpu.vector_load %arg9[%swap3A_199] {strides = array<i32>} : memref<128xi32, #tpu.memory_space<vmem>>, vector<16xi32>,
      %swap3A_201 = vector.shape_cast %swap3A_200 : vector<16xi32> to vector<16xi32>
      %swap3A_202 = vector.shape_cast %add3A_198 : vector<16xi32> to vector<16xi32>
      tpu.vector_store %arg9[%swap3A_199], %swap3A_202 {strides = array<i32>} : memref<128xi32, #tpu.memory_space<vmem>>, vector<16xi32>,
      %get3A_203 = arith.constant 80 : index
      %get3A_204 = tpu.vector_load %arg9[%get3A_203] {strides = array<i32>} : memref<128xi32, #tpu.memory_space<vmem>>, vector<16xi32>,
      %get3A_205 = vector.shape_cast %get3A_204 : vector<16xi32> to vector<16xi32>
      %add3A_206 = vector.broadcast %mul3A_2 : i32 to vector<16xi32>
      %add3A_207 = arith.addi %get3A_205, %add3A_206 : vector<16xi32>
      %swap3A_208 = arith.constant 80 : index
      %swap3A_209 = tpu.vector_load %arg9[%swap3A_208] {strides = array<i32>} : memref<128xi32, #tpu.memory_space<vmem>>, vector<16xi32>,
      %swap3A_210 = vector.shape_cast %swap3A_209 : vector<16xi32> to vector<16xi32>
      %swap3A_211 = vector.shape_cast %add3A_207 : vector<16xi32> to vector<16xi32>
      tpu.vector_store %arg9[%swap3A_208], %swap3A_211 {strides = array<i32>} : memref<128xi32, #tpu.memory_space<vmem>>, vector<16xi32>,
      %get3A_212 = arith.constant 96 : index
      %get3A_213 = tpu.vector_load %arg9[%get3A_212] {strides = array<i32>} : memref<128xi32, #tpu.memory_space<vmem>>, vector<16xi32>,
      %get3A_214 = vector.shape_cast %get3A_213 : vector<16xi32> to vector<16xi32>
      %add3A_215 = vector.broadcast %mul3A_2 : i32 to vector<16xi32>
      %add3A_216 = arith.addi %get3A_214, %add3A_215 : vector<16xi32>
      %swap3A_217 = arith.constant 96 : index
      %swap3A_218 = tpu.vector_load %arg9[%swap3A_217] {strides = array<i32>} : memref<128xi32, #tpu.memory_space<vmem>>, vector<16xi32>,
      %swap3A_219 = vector.shape_cast %swap3A_218 : vector<16xi32> to vector<16xi32>
      %swap3A_220 = vector.shape_cast %add3A_216 : vector<16xi32> to vector<16xi32>
      tpu.vector_store %arg9[%swap3A_217], %swap3A_220 {strides = array<i32>} : memref<128xi32, #tpu.memory_space<vmem>>, vector<16xi32>,
      %get3A_221 = arith.constant 112 : index
      %get3A_222 = tpu.vector_load %arg9[%get3A_221] {strides = array<i32>} : memref<128xi32, #tpu.memory_space<vmem>>, vector<16xi32>,
      %get3A_223 = vector.shape_cast %get3A_222 : vector<16xi32> to vector<16xi32>
      %add3A_224 = vector.broadcast %mul3A_2 : i32 to vector<16xi32>
      %add3A_225 = arith.addi %get3A_223, %add3A_224 : vector<16xi32>
      %swap3A_226 = arith.constant 112 : index
      %swap3A_227 = tpu.vector_load %arg9[%swap3A_226] {strides = array<i32>} : memref<128xi32, #tpu.memory_space<vmem>>, vector<16xi32>,
      %swap3A_228 = vector.shape_cast %swap3A_227 : vector<16xi32> to vector<16xi32>
      %swap3A_229 = vector.shape_cast %add3A_225 : vector<16xi32> to vector<16xi32>
      tpu.vector_store %arg9[%swap3A_226], %swap3A_229 {strides = array<i32>} : memref<128xi32, #tpu.memory_space<vmem>>, vector<16xi32>,
      %dma_start3A_230 = arith.constant 0 : i32
      %dma_start3A_231 = arith.constant 0 : i32
      %dma_start3A_232 = tpu.memref_slice %arg2[%dma_start3A_230, %dma_start3A_231] : memref<20224x128xf32, #tpu.memory_space<hbm>> -> memref<20224x128xf32, #tpu.memory_space<hbm>>
      tpu.enqueue_indirect_dma source(%dma_start3A_232 : memref<20224x128xf32, #tpu.memory_space<hbm>>) target(%arg12 : memref<128x128xf32, #tpu.memory_space<vmem>>) offsets(%arg9 : memref<128xi32, #tpu.memory_space<vmem>>) semaphore(%arg14 : memref<!tpu.dma_semaphore, #tpu.memory_space<semaphore_mem>>)
      %dma_wait3A = arith.constant 0 : i32
      %dma_wait3A_233 = arith.constant 0 : i32
      %dma_wait3A_234 = tpu.memref_slice %arg2[%dma_wait3A, %dma_wait3A_233] : memref<20224x128xf32, #tpu.memory_space<hbm>> -> memref<20224x128xf32, #tpu.memory_space<hbm>>
      tpu.wait_indirect_dma semaphore(%arg13 : memref<!tpu.dma_semaphore, #tpu.memory_space<semaphore_mem>>) src(%dma_wait3A_234 : memref<20224x128xf32, #tpu.memory_space<hbm>>) dst(%arg11 : memref<128x128xf32, #tpu.memory_space<vmem>>)
      "tpu.region"() ({
        %run_scoped3A_244 = tpu.sem_alloc : memref<!tpu.dma_semaphore, #tpu.memory_space<semaphore_mem>>
        %dma_start3A_245 = arith.constant 0 : i32
        %dma_start3A_246 = arith.constant 0 : i32
        %dma_start3A_247 = tpu.memref_slice %arg6[%dma_start3A_245, %dma_start3A_246] : memref<10112x128xf32, #tpu.memory_space<vmem_shared>> -> memref<10112x128xf32, #tpu.memory_space<vmem_shared>>
        tpu.enqueue_indirect_dma source(%arg11 : memref<128x128xf32, #tpu.memory_space<vmem>>) target(%dma_start3A_247 : memref<10112x128xf32, #tpu.memory_space<vmem_shared>>) offsets(%arg8 : memref<128xi32, #tpu.memory_space<vmem>>) semaphore(%run_scoped3A_244 : memref<!tpu.dma_semaphore, #tpu.memory_space<semaphore_mem>>) {add = true}
        %dma_wait3A_248 = arith.constant 0 : i32
        %dma_wait3A_249 = arith.constant 0 : i32
        %dma_wait3A_250 = tpu.memref_slice %arg6[%dma_wait3A_248, %dma_wait3A_249] : memref<10112x128xf32, #tpu.memory_space<vmem_shared>> -> memref<10112x128xf32, #tpu.memory_space<vmem_shared>>
        tpu.wait_indirect_dma semaphore(%run_scoped3A_244 : memref<!tpu.dma_semaphore, #tpu.memory_space<semaphore_mem>>) src(%arg11 : memref<128x128xf32, #tpu.memory_space<vmem>>) dst(%dma_wait3A_250 : memref<10112x128xf32, #tpu.memory_space<vmem_shared>>)
        tpu.yield
      }) : () -> ()
      %sub3A_235 = arith.constant 1 : i32
      %sub3A_236 = arith.subi %select_n3A_47, %sub3A_235 : i32
      %lt3A_237 = arith.cmpi slt, %while3A_148, %sub3A_236 : i32
      %convert_element_type3A_238 = arith.extui %lt3A_237 : i1 to i32
      %cond3A_239 = arith.constant 0 : i32
      %cond3A_240 = arith.cmpi ne, %convert_element_type3A_238, %cond3A_239 : i32
      scf.if %cond3A_240 {
        %add3A_244 = arith.constant 16 : i32
        %add3A_245 = arith.addi %add3A_155, %add3A_244 : i32
        %run_scoped3A_246 = arith.constant 0 : i32
        "tpu.region"() ({
          %run_scoped3A_323 = tpu.sem_alloc : memref<!tpu.dma_semaphore, #tpu.memory_space<semaphore_mem>>
          %dma_start3A_324 = arith.constant 0 : i32
          %dma_start3A_325 = tpu.memref_slice %arg3[%run_scoped3A_246, %add3A_245, %dma_start3A_324] : memref<2x1250x128xi32, #tpu.memory_space<hbm>> -> memref<1x1x128xi32, #tpu.memory_space<hbm>>
          %dma_start3A_326 = tpu.memref_squeeze %dma_start3A_325 : memref<1x1x128xi32, #tpu.memory_space<hbm>> -> memref<128xi32, #tpu.memory_space<hbm>>
          %dma_start3A_327 = arith.constant 0 : i32
          %dma_start3A_328 = tpu.memref_slice %arg3[%run_scoped3A_246, %add3A_245, %dma_start3A_327] : memref<2x1250x128xi32, #tpu.memory_space<hbm>> -> memref<1x1x128xi32, #tpu.memory_space<hbm>>
          %dma_start3A_329 = tpu.memref_squeeze %dma_start3A_328 : memref<1x1x128xi32, #tpu.memory_space<hbm>> -> memref<128xi32, #tpu.memory_space<hbm>>
          tpu.enqueue_dma source(%dma_start3A_329 : memref<128xi32, #tpu.memory_space<hbm>>) target(%arg7 : memref<128xi32, #tpu.memory_space<vmem>>) target_semaphore(%run_scoped3A_323 : memref<!tpu.dma_semaphore, #tpu.memory_space<semaphore_mem>>)
          %dma_wait3A_330 = arith.constant 0 : i32
          %dma_wait3A_331 = tpu.memref_slice %arg3[%run_scoped3A_246, %add3A_245, %dma_wait3A_330] : memref<2x1250x128xi32, #tpu.memory_space<hbm>> -> memref<1x1x128xi32, #tpu.memory_space<hbm>>
          %dma_wait3A_332 = tpu.memref_squeeze %dma_wait3A_331 : memref<1x1x128xi32, #tpu.memory_space<hbm>> -> memref<128xi32, #tpu.memory_space<hbm>>
          %dma_wait3A_333 = arith.constant 0 : i32
          %dma_wait3A_334 = tpu.memref_slice %arg3[%run_scoped3A_246, %add3A_245, %dma_wait3A_333] : memref<2x1250x128xi32, #tpu.memory_space<hbm>> -> memref<1x1x128xi32, #tpu.memory_space<hbm>>
          %dma_wait3A_335 = tpu.memref_squeeze %dma_wait3A_334 : memref<1x1x128xi32, #tpu.memory_space<hbm>> -> memref<128xi32, #tpu.memory_space<hbm>>
          tpu.wait_dma2 semaphore(%run_scoped3A_323 : memref<!tpu.dma_semaphore, #tpu.memory_space<semaphore_mem>>) src(%dma_wait3A_335 : memref<128xi32, #tpu.memory_space<hbm>>) dst(%arg7 : memref<128xi32, #tpu.memory_space<vmem>>)
          tpu.yield
        }) : () -> ()
        %run_scoped3A_247 = arith.constant 1 : i32
        "tpu.region"() ({
          %run_scoped3A_323 = tpu.sem_alloc : memref<!tpu.dma_semaphore, #tpu.memory_space<semaphore_mem>>
          %dma_start3A_324 = arith.constant 0 : i32
          %dma_start3A_325 = tpu.memref_slice %arg3[%run_scoped3A_247, %add3A_245, %dma_start3A_324] : memref<2x1250x128xi32, #tpu.memory_space<hbm>> -> memref<1x1x128xi32, #tpu.memory_space<hbm>>
          %dma_start3A_326 = tpu.memref_squeeze %dma_start3A_325 : memref<1x1x128xi32, #tpu.memory_space<hbm>> -> memref<128xi32, #tpu.memory_space<hbm>>
          %dma_start3A_327 = arith.constant 0 : i32
          %dma_start3A_328 = tpu.memref_slice %arg3[%run_scoped3A_247, %add3A_245, %dma_start3A_327] : memref<2x1250x128xi32, #tpu.memory_space<hbm>> -> memref<1x1x128xi32, #tpu.memory_space<hbm>>
          %dma_start3A_329 = tpu.memref_squeeze %dma_start3A_328 : memref<1x1x128xi32, #tpu.memory_space<hbm>> -> memref<128xi32, #tpu.memory_space<hbm>>
          tpu.enqueue_dma source(%dma_start3A_329 : memref<128xi32, #tpu.memory_space<hbm>>) target(%arg8 : memref<128xi32, #tpu.memory_space<vmem>>) target_semaphore(%run_scoped3A_323 : memref<!tpu.dma_semaphore, #tpu.memory_space<semaphore_mem>>)
          %dma_wait3A_330 = arith.constant 0 : i32
          %dma_wait3A_331 = tpu.memref_slice %arg3[%run_scoped3A_247, %add3A_245, %dma_wait3A_330] : memref<2x1250x128xi32, #tpu.memory_space<hbm>> -> memref<1x1x128xi32, #tpu.memory_space<hbm>>
          %dma_wait3A_332 = tpu.memref_squeeze %dma_wait3A_331 : memref<1x1x128xi32, #tpu.memory_space<hbm>> -> memref<128xi32, #tpu.memory_space<hbm>>
          %dma_wait3A_333 = arith.constant 0 : i32
          %dma_wait3A_334 = tpu.memref_slice %arg3[%run_scoped3A_247, %add3A_245, %dma_wait3A_333] : memref<2x1250x128xi32, #tpu.memory_space<hbm>> -> memref<1x1x128xi32, #tpu.memory_space<hbm>>
          %dma_wait3A_335 = tpu.memref_squeeze %dma_wait3A_334 : memref<1x1x128xi32, #tpu.memory_space<hbm>> -> memref<128xi32, #tpu.memory_space<hbm>>
          tpu.wait_dma2 semaphore(%run_scoped3A_323 : memref<!tpu.dma_semaphore, #tpu.memory_space<semaphore_mem>>) src(%dma_wait3A_335 : memref<128xi32, #tpu.memory_space<hbm>>) dst(%arg8 : memref<128xi32, #tpu.memory_space<vmem>>)
          tpu.yield
        }) : () -> ()
        %get3A_248 = arith.constant 0 : index
        %get3A_249 = tpu.vector_load %arg7[%get3A_248] {strides = array<i32>} : memref<128xi32, #tpu.memory_space<vmem>>, vector<16xi32>,
        %get3A_250 = vector.shape_cast %get3A_249 : vector<16xi32> to vector<16xi32>
        %add3A_251 = vector.broadcast %mul3A_2 : i32 to vector<16xi32>
        %add3A_252 = arith.addi %get3A_250, %add3A_251 : vector<16xi32>
        %swap3A_253 = arith.constant 0 : index
        %swap3A_254 = tpu.vector_load %arg7[%swap3A_253] {strides = array<i32>} : memref<128xi32, #tpu.memory_space<vmem>>, vector<16xi32>,
        %swap3A_255 = vector.shape_cast %swap3A_254 : vector<16xi32> to vector<16xi32>
        %swap3A_256 = vector.shape_cast %add3A_252 : vector<16xi32> to vector<16xi32>
        tpu.vector_store %arg7[%swap3A_253], %swap3A_256 {strides = array<i32>} : memref<128xi32, #tpu.memory_space<vmem>>, vector<16xi32>,
        %get3A_257 = arith.constant 16 : index
        %get3A_258 = tpu.vector_load %arg7[%get3A_257] {strides = array<i32>} : memref<128xi32, #tpu.memory_space<vmem>>, vector<16xi32>,
        %get3A_259 = vector.shape_cast %get3A_258 : vector<16xi32> to vector<16xi32>
        %add3A_260 = vector.broadcast %mul3A_2 : i32 to vector<16xi32>
        %add3A_261 = arith.addi %get3A_259, %add3A_260 : vector<16xi32>
        %swap3A_262 = arith.constant 16 : index
        %swap3A_263 = tpu.vector_load %arg7[%swap3A_262] {strides = array<i32>} : memref<128xi32, #tpu.memory_space<vmem>>, vector<16xi32>,
        %swap3A_264 = vector.shape_cast %swap3A_263 : vector<16xi32> to vector<16xi32>
        %swap3A_265 = vector.shape_cast %add3A_261 : vector<16xi32> to vector<16xi32>
        tpu.vector_store %arg7[%swap3A_262], %swap3A_265 {strides = array<i32>} : memref<128xi32, #tpu.memory_space<vmem>>, vector<16xi32>,
        %get3A_266 = arith.constant 32 : index
        %get3A_267 = tpu.vector_load %arg7[%get3A_266] {strides = array<i32>} : memref<128xi32, #tpu.memory_space<vmem>>, vector<16xi32>,
        %get3A_268 = vector.shape_cast %get3A_267 : vector<16xi32> to vector<16xi32>
        %add3A_269 = vector.broadcast %mul3A_2 : i32 to vector<16xi32>
        %add3A_270 = arith.addi %get3A_268, %add3A_269 : vector<16xi32>
        %swap3A_271 = arith.constant 32 : index
        %swap3A_272 = tpu.vector_load %arg7[%swap3A_271] {strides = array<i32>} : memref<128xi32, #tpu.memory_space<vmem>>, vector<16xi32>,
        %swap3A_273 = vector.shape_cast %swap3A_272 : vector<16xi32> to vector<16xi32>
        %swap3A_274 = vector.shape_cast %add3A_270 : vector<16xi32> to vector<16xi32>
        tpu.vector_store %arg7[%swap3A_271], %swap3A_274 {strides = array<i32>} : memref<128xi32, #tpu.memory_space<vmem>>, vector<16xi32>,
        %get3A_275 = arith.constant 48 : index
        %get3A_276 = tpu.vector_load %arg7[%get3A_275] {strides = array<i32>} : memref<128xi32, #tpu.memory_space<vmem>>, vector<16xi32>,
        %get3A_277 = vector.shape_cast %get3A_276 : vector<16xi32> to vector<16xi32>
        %add3A_278 = vector.broadcast %mul3A_2 : i32 to vector<16xi32>
        %add3A_279 = arith.addi %get3A_277, %add3A_278 : vector<16xi32>
        %swap3A_280 = arith.constant 48 : index
        %swap3A_281 = tpu.vector_load %arg7[%swap3A_280] {strides = array<i32>} : memref<128xi32, #tpu.memory_space<vmem>>, vector<16xi32>,
        %swap3A_282 = vector.shape_cast %swap3A_281 : vector<16xi32> to vector<16xi32>
        %swap3A_283 = vector.shape_cast %add3A_279 : vector<16xi32> to vector<16xi32>
        tpu.vector_store %arg7[%swap3A_280], %swap3A_283 {strides = array<i32>} : memref<128xi32, #tpu.memory_space<vmem>>, vector<16xi32>,
        %get3A_284 = arith.constant 64 : index
        %get3A_285 = tpu.vector_load %arg7[%get3A_284] {strides = array<i32>} : memref<128xi32, #tpu.memory_space<vmem>>, vector<16xi32>,
        %get3A_286 = vector.shape_cast %get3A_285 : vector<16xi32> to vector<16xi32>
        %add3A_287 = vector.broadcast %mul3A_2 : i32 to vector<16xi32>
        %add3A_288 = arith.addi %get3A_286, %add3A_287 : vector<16xi32>
        %swap3A_289 = arith.constant 64 : index
        %swap3A_290 = tpu.vector_load %arg7[%swap3A_289] {strides = array<i32>} : memref<128xi32, #tpu.memory_space<vmem>>, vector<16xi32>,
        %swap3A_291 = vector.shape_cast %swap3A_290 : vector<16xi32> to vector<16xi32>
        %swap3A_292 = vector.shape_cast %add3A_288 : vector<16xi32> to vector<16xi32>
        tpu.vector_store %arg7[%swap3A_289], %swap3A_292 {strides = array<i32>} : memref<128xi32, #tpu.memory_space<vmem>>, vector<16xi32>,
        %get3A_293 = arith.constant 80 : index
        %get3A_294 = tpu.vector_load %arg7[%get3A_293] {strides = array<i32>} : memref<128xi32, #tpu.memory_space<vmem>>, vector<16xi32>,
        %get3A_295 = vector.shape_cast %get3A_294 : vector<16xi32> to vector<16xi32>
        %add3A_296 = vector.broadcast %mul3A_2 : i32 to vector<16xi32>
        %add3A_297 = arith.addi %get3A_295, %add3A_296 : vector<16xi32>
        %swap3A_298 = arith.constant 80 : index
        %swap3A_299 = tpu.vector_load %arg7[%swap3A_298] {strides = array<i32>} : memref<128xi32, #tpu.memory_space<vmem>>, vector<16xi32>,
        %swap3A_300 = vector.shape_cast %swap3A_299 : vector<16xi32> to vector<16xi32>
        %swap3A_301 = vector.shape_cast %add3A_297 : vector<16xi32> to vector<16xi32>
        tpu.vector_store %arg7[%swap3A_298], %swap3A_301 {strides = array<i32>} : memref<128xi32, #tpu.memory_space<vmem>>, vector<16xi32>,
        %get3A_302 = arith.constant 96 : index
        %get3A_303 = tpu.vector_load %arg7[%get3A_302] {strides = array<i32>} : memref<128xi32, #tpu.memory_space<vmem>>, vector<16xi32>,
        %get3A_304 = vector.shape_cast %get3A_303 : vector<16xi32> to vector<16xi32>
        %add3A_305 = vector.broadcast %mul3A_2 : i32 to vector<16xi32>
        %add3A_306 = arith.addi %get3A_304, %add3A_305 : vector<16xi32>
        %swap3A_307 = arith.constant 96 : index
        %swap3A_308 = tpu.vector_load %arg7[%swap3A_307] {strides = array<i32>} : memref<128xi32, #tpu.memory_space<vmem>>, vector<16xi32>,
        %swap3A_309 = vector.shape_cast %swap3A_308 : vector<16xi32> to vector<16xi32>
        %swap3A_310 = vector.shape_cast %add3A_306 : vector<16xi32> to vector<16xi32>
        tpu.vector_store %arg7[%swap3A_307], %swap3A_310 {strides = array<i32>} : memref<128xi32, #tpu.memory_space<vmem>>, vector<16xi32>,
        %get3A_311 = arith.constant 112 : index
        %get3A_312 = tpu.vector_load %arg7[%get3A_311] {strides = array<i32>} : memref<128xi32, #tpu.memory_space<vmem>>, vector<16xi32>,
        %get3A_313 = vector.shape_cast %get3A_312 : vector<16xi32> to vector<16xi32>
        %add3A_314 = vector.broadcast %mul3A_2 : i32 to vector<16xi32>
        %add3A_315 = arith.addi %get3A_313, %add3A_314 : vector<16xi32>
        %swap3A_316 = arith.constant 112 : index
        %swap3A_317 = tpu.vector_load %arg7[%swap3A_316] {strides = array<i32>} : memref<128xi32, #tpu.memory_space<vmem>>, vector<16xi32>,
        %swap3A_318 = vector.shape_cast %swap3A_317 : vector<16xi32> to vector<16xi32>
        %swap3A_319 = vector.shape_cast %add3A_315 : vector<16xi32> to vector<16xi32>
        tpu.vector_store %arg7[%swap3A_316], %swap3A_319 {strides = array<i32>} : memref<128xi32, #tpu.memory_space<vmem>>, vector<16xi32>,
        %dma_start3A_320 = arith.constant 0 : i32
        %dma_start3A_321 = arith.constant 0 : i32
        %dma_start3A_322 = tpu.memref_slice %arg2[%dma_start3A_320, %dma_start3A_321] : memref<20224x128xf32, #tpu.memory_space<hbm>> -> memref<20224x128xf32, #tpu.memory_space<hbm>>
        tpu.enqueue_indirect_dma source(%dma_start3A_322 : memref<20224x128xf32, #tpu.memory_space<hbm>>) target(%arg11 : memref<128x128xf32, #tpu.memory_space<vmem>>) offsets(%arg7 : memref<128xi32, #tpu.memory_space<vmem>>) semaphore(%arg13 : memref<!tpu.dma_semaphore, #tpu.memory_space<semaphore_mem>>)
      } else {
      }
      %dma_wait3A_241 = arith.constant 0 : i32
      %dma_wait3A_242 = arith.constant 0 : i32
      %dma_wait3A_243 = tpu.memref_slice %arg2[%dma_wait3A_241, %dma_wait3A_242] : memref<20224x128xf32, #tpu.memory_space<hbm>> -> memref<20224x128xf32, #tpu.memory_space<hbm>>
      tpu.wait_indirect_dma semaphore(%arg14 : memref<!tpu.dma_semaphore, #tpu.memory_space<semaphore_mem>>) src(%dma_wait3A_243 : memref<20224x128xf32, #tpu.memory_space<hbm>>) dst(%arg12 : memref<128x128xf32, #tpu.memory_space<vmem>>)
      "tpu.region"() ({
        %run_scoped3A_244 = tpu.sem_alloc : memref<!tpu.dma_semaphore, #tpu.memory_space<semaphore_mem>>
        %dma_start3A_245 = arith.constant 0 : i32
        %dma_start3A_246 = arith.constant 0 : i32
        %dma_start3A_247 = tpu.memref_slice %arg6[%dma_start3A_245, %dma_start3A_246] : memref<10112x128xf32, #tpu.memory_space<vmem_shared>> -> memref<10112x128xf32, #tpu.memory_space<vmem_shared>>
        tpu.enqueue_indirect_dma source(%arg12 : memref<128x128xf32, #tpu.memory_space<vmem>>) target(%dma_start3A_247 : memref<10112x128xf32, #tpu.memory_space<vmem_shared>>) offsets(%arg10 : memref<128xi32, #tpu.memory_space<vmem>>) semaphore(%run_scoped3A_244 : memref<!tpu.dma_semaphore, #tpu.memory_space<semaphore_mem>>) {add = true}
        %dma_wait3A_248 = arith.constant 0 : i32
        %dma_wait3A_249 = arith.constant 0 : i32
        %dma_wait3A_250 = tpu.memref_slice %arg6[%dma_wait3A_248, %dma_wait3A_249] : memref<10112x128xf32, #tpu.memory_space<vmem_shared>> -> memref<10112x128xf32, #tpu.memory_space<vmem_shared>>
        tpu.wait_indirect_dma semaphore(%run_scoped3A_244 : memref<!tpu.dma_semaphore, #tpu.memory_space<semaphore_mem>>) src(%arg12 : memref<128x128xf32, #tpu.memory_space<vmem>>) dst(%dma_wait3A_250 : memref<10112x128xf32, #tpu.memory_space<vmem_shared>>)
        tpu.yield
      }) : () -> ()
    }
    %while3A_129 = arith.constant 1 : i32
    scf.for %while3A_148 = %while3A_127 to %while3A_123 step %while3A_129  : i32 {
      %mul3A_149 = arith.constant 2 : i32
      %mul3A_150 = arith.muli %mul3A_149, %while3A_148 : i32
      %mul3A_151 = arith.constant 16 : i32
      %mul3A_152 = arith.muli %mul3A_150, %mul3A_151 : i32
      %add3A_153 = arith.addi %arg1, %mul3A_152 : i32
      %add3A_154 = arith.constant 16 : i32
      %add3A_155 = arith.addi %add3A_153, %add3A_154 : i32
      %run_scoped3A_156 = arith.constant 0 : i32
      "tpu.region"() ({
        %run_scoped3A_244 = tpu.sem_alloc : memref<!tpu.dma_semaphore, #tpu.memory_space<semaphore_mem>>
        %dma_start3A_245 = arith.constant 0 : i32
        %dma_start3A_246 = tpu.memref_slice %arg3[%run_scoped3A_156, %add3A_155, %dma_start3A_245] : memref<2x1250x128xi32, #tpu.memory_space<hbm>> -> memref<1x1x128xi32, #tpu.memory_space<hbm>>
        %dma_start3A_247 = tpu.memref_squeeze %dma_start3A_246 : memref<1x1x128xi32, #tpu.memory_space<hbm>> -> memref<128xi32, #tpu.memory_space<hbm>>
        %dma_start3A_248 = arith.constant 0 : i32
        %dma_start3A_249 = tpu.memref_slice %arg3[%run_scoped3A_156, %add3A_155, %dma_start3A_248] : memref<2x1250x128xi32, #tpu.memory_space<hbm>> -> memref<1x1x128xi32, #tpu.memory_space<hbm>>
        %dma_start3A_250 = tpu.memref_squeeze %dma_start3A_249 : memref<1x1x128xi32, #tpu.memory_space<hbm>> -> memref<128xi32, #tpu.memory_space<hbm>>
        tpu.enqueue_dma source(%dma_start3A_250 : memref<128xi32, #tpu.memory_space<hbm>>) target(%arg9 : memref<128xi32, #tpu.memory_space<vmem>>) target_semaphore(%run_scoped3A_244 : memref<!tpu.dma_semaphore, #tpu.memory_space<semaphore_mem>>)
        %dma_wait3A_251 = arith.constant 0 : i32
        %dma_wait3A_252 = tpu.memref_slice %arg3[%run_scoped3A_156, %add3A_155, %dma_wait3A_251] : memref<2x1250x128xi32, #tpu.memory_space<hbm>> -> memref<1x1x128xi32, #tpu.memory_space<hbm>>
        %dma_wait3A_253 = tpu.memref_squeeze %dma_wait3A_252 : memref<1x1x128xi32, #tpu.memory_space<hbm>> -> memref<128xi32, #tpu.memory_space<hbm>>
        %dma_wait3A_254 = arith.constant 0 : i32
        %dma_wait3A_255 = tpu.memref_slice %arg3[%run_scoped3A_156, %add3A_155, %dma_wait3A_254] : memref<2x1250x128xi32, #tpu.memory_space<hbm>> -> memref<1x1x128xi32, #tpu.memory_space<hbm>>
        %dma_wait3A_256 = tpu.memref_squeeze %dma_wait3A_255 : memref<1x1x128xi32, #tpu.memory_space<hbm>> -> memref<128xi32, #tpu.memory_space<hbm>>
        tpu.wait_dma2 semaphore(%run_scoped3A_244 : memref<!tpu.dma_semaphore, #tpu.memory_space<semaphore_mem>>) src(%dma_wait3A_256 : memref<128xi32, #tpu.memory_space<hbm>>) dst(%arg9 : memref<128xi32, #tpu.memory_space<vmem>>)
        tpu.yield
      }) : () -> ()
      %run_scoped3A_157 = arith.constant 1 : i32
      "tpu.region"() ({
        %run_scoped3A_244 = tpu.sem_alloc : memref<!tpu.dma_semaphore, #tpu.memory_space<semaphore_mem>>
        %dma_start3A_245 = arith.constant 0 : i32
        %dma_start3A_246 = tpu.memref_slice %arg3[%run_scoped3A_157, %add3A_155, %dma_start3A_245] : memref<2x1250x128xi32, #tpu.memory_space<hbm>> -> memref<1x1x128xi32, #tpu.memory_space<hbm>>
        %dma_start3A_247 = tpu.memref_squeeze %dma_start3A_246 : memref<1x1x128xi32, #tpu.memory_space<hbm>> -> memref<128xi32, #tpu.memory_space<hbm>>
        %dma_start3A_248 = arith.constant 0 : i32
        %dma_start3A_249 = tpu.memref_slice %arg3[%run_scoped3A_157, %add3A_155, %dma_start3A_248] : memref<2x1250x128xi32, #tpu.memory_space<hbm>> -> memref<1x1x128xi32, #tpu.memory_space<hbm>>
        %dma_start3A_250 = tpu.memref_squeeze %dma_start3A_249 : memref<1x1x128xi32, #tpu.memory_space<hbm>> -> memref<128xi32, #tpu.memory_space<hbm>>
        tpu.enqueue_dma source(%dma_start3A_250 : memref<128xi32, #tpu.memory_space<hbm>>) target(%arg10 : memref<128xi32, #tpu.memory_space<vmem>>) target_semaphore(%run_scoped3A_244 : memref<!tpu.dma_semaphore, #tpu.memory_space<semaphore_mem>>)
        %dma_wait3A_251 = arith.constant 0 : i32
        %dma_wait3A_252 = tpu.memref_slice %arg3[%run_scoped3A_157, %add3A_155, %dma_wait3A_251] : memref<2x1250x128xi32, #tpu.memory_space<hbm>> -> memref<1x1x128xi32, #tpu.memory_space<hbm>>
        %dma_wait3A_253 = tpu.memref_squeeze %dma_wait3A_252 : memref<1x1x128xi32, #tpu.memory_space<hbm>> -> memref<128xi32, #tpu.memory_space<hbm>>
        %dma_wait3A_254 = arith.constant 0 : i32
        %dma_wait3A_255 = tpu.memref_slice %arg3[%run_scoped3A_157, %add3A_155, %dma_wait3A_254] : memref<2x1250x128xi32, #tpu.memory_space<hbm>> -> memref<1x1x128xi32, #tpu.memory_space<hbm>>
        %dma_wait3A_256 = tpu.memref_squeeze %dma_wait3A_255 : memref<1x1x128xi32, #tpu.memory_space<hbm>> -> memref<128xi32, #tpu.memory_space<hbm>>
        tpu.wait_dma2 semaphore(%run_scoped3A_244 : memref<!tpu.dma_semaphore, #tpu.memory_space<semaphore_mem>>) src(%dma_wait3A_256 : memref<128xi32, #tpu.memory_space<hbm>>) dst(%arg10 : memref<128xi32, #tpu.memory_space<vmem>>)
        tpu.yield
      }) : () -> ()
      %get3A_158 = arith.constant 0 : index
      %get3A_159 = tpu.vector_load %arg9[%get3A_158] {strides = array<i32>} : memref<128xi32, #tpu.memory_space<vmem>>, vector<16xi32>,
      %get3A_160 = vector.shape_cast %get3A_159 : vector<16xi32> to vector<16xi32>
      %add3A_161 = vector.broadcast %mul3A_2 : i32 to vector<16xi32>
      %add3A_162 = arith.addi %get3A_160, %add3A_161 : vector<16xi32>
      %swap3A_163 = arith.constant 0 : index
      %swap3A_164 = tpu.vector_load %arg9[%swap3A_163] {strides = array<i32>} : memref<128xi32, #tpu.memory_space<vmem>>, vector<16xi32>,
      %swap3A_165 = vector.shape_cast %swap3A_164 : vector<16xi32> to vector<16xi32>
      %swap3A_166 = vector.shape_cast %add3A_162 : vector<16xi32> to vector<16xi32>
      tpu.vector_store %arg9[%swap3A_163], %swap3A_166 {strides = array<i32>} : memref<128xi32, #tpu.memory_space<vmem>>, vector<16xi32>,
      %get3A_167 = arith.constant 16 : index
      %get3A_168 = tpu.vector_load %arg9[%get3A_167] {strides = array<i32>} : memref<128xi32, #tpu.memory_space<vmem>>, vector<16xi32>,
      %get3A_169 = vector.shape_cast %get3A_168 : vector<16xi32> to vector<16xi32>
      %add3A_170 = vector.broadcast %mul3A_2 : i32 to vector<16xi32>
      %add3A_171 = arith.addi %get3A_169, %add3A_170 : vector<16xi32>
      %swap3A_172 = arith.constant 16 : index
      %swap3A_173 = tpu.vector_load %arg9[%swap3A_172] {strides = array<i32>} : memref<128xi32, #tpu.memory_space<vmem>>, vector<16xi32>,
      %swap3A_174 = vector.shape_cast %swap3A_173 : vector<16xi32> to vector<16xi32>
      %swap3A_175 = vector.shape_cast %add3A_171 : vector<16xi32> to vector<16xi32>
      tpu.vector_store %arg9[%swap3A_172], %swap3A_175 {strides = array<i32>} : memref<128xi32, #tpu.memory_space<vmem>>, vector<16xi32>,
      %get3A_176 = arith.constant 32 : index
      %get3A_177 = tpu.vector_load %arg9[%get3A_176] {strides = array<i32>} : memref<128xi32, #tpu.memory_space<vmem>>, vector<16xi32>,
      %get3A_178 = vector.shape_cast %get3A_177 : vector<16xi32> to vector<16xi32>
      %add3A_179 = vector.broadcast %mul3A_2 : i32 to vector<16xi32>
      %add3A_180 = arith.addi %get3A_178, %add3A_179 : vector<16xi32>
      %swap3A_181 = arith.constant 32 : index
      %swap3A_182 = tpu.vector_load %arg9[%swap3A_181] {strides = array<i32>} : memref<128xi32, #tpu.memory_space<vmem>>, vector<16xi32>,
      %swap3A_183 = vector.shape_cast %swap3A_182 : vector<16xi32> to vector<16xi32>
      %swap3A_184 = vector.shape_cast %add3A_180 : vector<16xi32> to vector<16xi32>
      tpu.vector_store %arg9[%swap3A_181], %swap3A_184 {strides = array<i32>} : memref<128xi32, #tpu.memory_space<vmem>>, vector<16xi32>,
      %get3A_185 = arith.constant 48 : index
      %get3A_186 = tpu.vector_load %arg9[%get3A_185] {strides = array<i32>} : memref<128xi32, #tpu.memory_space<vmem>>, vector<16xi32>,
      %get3A_187 = vector.shape_cast %get3A_186 : vector<16xi32> to vector<16xi32>
      %add3A_188 = vector.broadcast %mul3A_2 : i32 to vector<16xi32>
      %add3A_189 = arith.addi %get3A_187, %add3A_188 : vector<16xi32>
      %swap3A_190 = arith.constant 48 : index
      %swap3A_191 = tpu.vector_load %arg9[%swap3A_190] {strides = array<i32>} : memref<128xi32, #tpu.memory_space<vmem>>, vector<16xi32>,
      %swap3A_192 = vector.shape_cast %swap3A_191 : vector<16xi32> to vector<16xi32>
      %swap3A_193 = vector.shape_cast %add3A_189 : vector<16xi32> to vector<16xi32>
      tpu.vector_store %arg9[%swap3A_190], %swap3A_193 {strides = array<i32>} : memref<128xi32, #tpu.memory_space<vmem>>, vector<16xi32>,
      %get3A_194 = arith.constant 64 : index
      %get3A_195 = tpu.vector_load %arg9[%get3A_194] {strides = array<i32>} : memref<128xi32, #tpu.memory_space<vmem>>, vector<16xi32>,
      %get3A_196 = vector.shape_cast %get3A_195 : vector<16xi32> to vector<16xi32>
      %add3A_197 = vector.broadcast %mul3A_2 : i32 to vector<16xi32>
      %add3A_198 = arith.addi %get3A_196, %add3A_197 : vector<16xi32>
      %swap3A_199 = arith.constant 64 : index
      %swap3A_200 = tpu.vector_load %arg9[%swap3A_199] {strides = array<i32>} : memref<128xi32, #tpu.memory_space<vmem>>, vector<16xi32>,
      %swap3A_201 = vector.shape_cast %swap3A_200 : vector<16xi32> to vector<16xi32>
      %swap3A_202 = vector.shape_cast %add3A_198 : vector<16xi32> to vector<16xi32>
      tpu.vector_store %arg9[%swap3A_199], %swap3A_202 {strides = array<i32>} : memref<128xi32, #tpu.memory_space<vmem>>, vector<16xi32>,
      %get3A_203 = arith.constant 80 : index
      %get3A_204 = tpu.vector_load %arg9[%get3A_203] {strides = array<i32>} : memref<128xi32, #tpu.memory_space<vmem>>, vector<16xi32>,
      %get3A_205 = vector.shape_cast %get3A_204 : vector<16xi32> to vector<16xi32>
      %add3A_206 = vector.broadcast %mul3A_2 : i32 to vector<16xi32>
      %add3A_207 = arith.addi %get3A_205, %add3A_206 : vector<16xi32>
      %swap3A_208 = arith.constant 80 : index
      %swap3A_209 = tpu.vector_load %arg9[%swap3A_208] {strides = array<i32>} : memref<128xi32, #tpu.memory_space<vmem>>, vector<16xi32>,
      %swap3A_210 = vector.shape_cast %swap3A_209 : vector<16xi32> to vector<16xi32>
      %swap3A_211 = vector.shape_cast %add3A_207 : vector<16xi32> to vector<16xi32>
      tpu.vector_store %arg9[%swap3A_208], %swap3A_211 {strides = array<i32>} : memref<128xi32, #tpu.memory_space<vmem>>, vector<16xi32>,
      %get3A_212 = arith.constant 96 : index
      %get3A_213 = tpu.vector_load %arg9[%get3A_212] {strides = array<i32>} : memref<128xi32, #tpu.memory_space<vmem>>, vector<16xi32>,
      %get3A_214 = vector.shape_cast %get3A_213 : vector<16xi32> to vector<16xi32>
      %add3A_215 = vector.broadcast %mul3A_2 : i32 to vector<16xi32>
      %add3A_216 = arith.addi %get3A_214, %add3A_215 : vector<16xi32>
      %swap3A_217 = arith.constant 96 : index
      %swap3A_218 = tpu.vector_load %arg9[%swap3A_217] {strides = array<i32>} : memref<128xi32, #tpu.memory_space<vmem>>, vector<16xi32>,
      %swap3A_219 = vector.shape_cast %swap3A_218 : vector<16xi32> to vector<16xi32>
      %swap3A_220 = vector.shape_cast %add3A_216 : vector<16xi32> to vector<16xi32>
      tpu.vector_store %arg9[%swap3A_217], %swap3A_220 {strides = array<i32>} : memref<128xi32, #tpu.memory_space<vmem>>, vector<16xi32>,
      %get3A_221 = arith.constant 112 : index
      %get3A_222 = tpu.vector_load %arg9[%get3A_221] {strides = array<i32>} : memref<128xi32, #tpu.memory_space<vmem>>, vector<16xi32>,
      %get3A_223 = vector.shape_cast %get3A_222 : vector<16xi32> to vector<16xi32>
      %add3A_224 = vector.broadcast %mul3A_2 : i32 to vector<16xi32>
      %add3A_225 = arith.addi %get3A_223, %add3A_224 : vector<16xi32>
      %swap3A_226 = arith.constant 112 : index
      %swap3A_227 = tpu.vector_load %arg9[%swap3A_226] {strides = array<i32>} : memref<128xi32, #tpu.memory_space<vmem>>, vector<16xi32>,
      %swap3A_228 = vector.shape_cast %swap3A_227 : vector<16xi32> to vector<16xi32>
      %swap3A_229 = vector.shape_cast %add3A_225 : vector<16xi32> to vector<16xi32>
      tpu.vector_store %arg9[%swap3A_226], %swap3A_229 {strides = array<i32>} : memref<128xi32, #tpu.memory_space<vmem>>, vector<16xi32>,
      %dma_start3A_230 = arith.constant 0 : i32
      %dma_start3A_231 = arith.constant 0 : i32
      %dma_start3A_232 = tpu.memref_slice %arg2[%dma_start3A_230, %dma_start3A_231] : memref<20224x128xf32, #tpu.memory_space<hbm>> -> memref<20224x128xf32, #tpu.memory_space<hbm>>
      tpu.enqueue_indirect_dma source(%dma_start3A_232 : memref<20224x128xf32, #tpu.memory_space<hbm>>) target(%arg12 : memref<128x128xf32, #tpu.memory_space<vmem>>) offsets(%arg9 : memref<128xi32, #tpu.memory_space<vmem>>) semaphore(%arg14 : memref<!tpu.dma_semaphore, #tpu.memory_space<semaphore_mem>>)
      %dma_wait3A = arith.constant 0 : i32
      %dma_wait3A_233 = arith.constant 0 : i32
      %dma_wait3A_234 = tpu.memref_slice %arg2[%dma_wait3A, %dma_wait3A_233] : memref<20224x128xf32, #tpu.memory_space<hbm>> -> memref<20224x128xf32, #tpu.memory_space<hbm>>
      tpu.wait_indirect_dma semaphore(%arg13 : memref<!tpu.dma_semaphore, #tpu.memory_space<semaphore_mem>>) src(%dma_wait3A_234 : memref<20224x128xf32, #tpu.memory_space<hbm>>) dst(%arg11 : memref<128x128xf32, #tpu.memory_space<vmem>>)
      "tpu.region"() ({
        %run_scoped3A_244 = tpu.sem_alloc : memref<!tpu.dma_semaphore, #tpu.memory_space<semaphore_mem>>
        %dma_start3A_245 = arith.constant 0 : i32
        %dma_start3A_246 = arith.constant 0 : i32
        %dma_start3A_247 = tpu.memref_slice %arg6[%dma_start3A_245, %dma_start3A_246] : memref<10112x128xf32, #tpu.memory_space<vmem_shared>> -> memref<10112x128xf32, #tpu.memory_space<vmem_shared>>
        tpu.enqueue_indirect_dma source(%arg11 : memref<128x128xf32, #tpu.memory_space<vmem>>) target(%dma_start3A_247 : memref<10112x128xf32, #tpu.memory_space<vmem_shared>>) offsets(%arg8 : memref<128xi32, #tpu.memory_space<vmem>>) semaphore(%run_scoped3A_244 : memref<!tpu.dma_semaphore, #tpu.memory_space<semaphore_mem>>) {add = true}
        %dma_wait3A_248 = arith.constant 0 : i32
        %dma_wait3A_249 = arith.constant 0 : i32
        %dma_wait3A_250 = tpu.memref_slice %arg6[%dma_wait3A_248, %dma_wait3A_249] : memref<10112x128xf32, #tpu.memory_space<vmem_shared>> -> memref<10112x128xf32, #tpu.memory_space<vmem_shared>>
        tpu.wait_indirect_dma semaphore(%run_scoped3A_244 : memref<!tpu.dma_semaphore, #tpu.memory_space<semaphore_mem>>) src(%arg11 : memref<128x128xf32, #tpu.memory_space<vmem>>) dst(%dma_wait3A_250 : memref<10112x128xf32, #tpu.memory_space<vmem_shared>>)
        tpu.yield
      }) : () -> ()
      %sub3A_235 = arith.constant 1 : i32
      %sub3A_236 = arith.subi %select_n3A_47, %sub3A_235 : i32
      %lt3A_237 = arith.cmpi slt, %while3A_148, %sub3A_236 : i32
      %convert_element_type3A_238 = arith.extui %lt3A_237 : i1 to i32
      %cond3A_239 = arith.constant 0 : i32
      %cond3A_240 = arith.cmpi ne, %convert_element_type3A_238, %cond3A_239 : i32
      scf.if %cond3A_240 {
        %add3A_244 = arith.constant 16 : i32
        %add3A_245 = arith.addi %add3A_155, %add3A_244 : i32
        %run_scoped3A_246 = arith.constant 0 : i32
        "tpu.region"() ({
          %run_scoped3A_323 = tpu.sem_alloc : memref<!tpu.dma_semaphore, #tpu.memory_space<semaphore_mem>>
          %dma_start3A_324 = arith.constant 0 : i32
          %dma_start3A_325 = tpu.memref_slice %arg3[%run_scoped3A_246, %add3A_245, %dma_start3A_324] : memref<2x1250x128xi32, #tpu.memory_space<hbm>> -> memref<1x1x128xi32, #tpu.memory_space<hbm>>
          %dma_start3A_326 = tpu.memref_squeeze %dma_start3A_325 : memref<1x1x128xi32, #tpu.memory_space<hbm>> -> memref<128xi32, #tpu.memory_space<hbm>>
          %dma_start3A_327 = arith.constant 0 : i32
          %dma_start3A_328 = tpu.memref_slice %arg3[%run_scoped3A_246, %add3A_245, %dma_start3A_327] : memref<2x1250x128xi32, #tpu.memory_space<hbm>> -> memref<1x1x128xi32, #tpu.memory_space<hbm>>
          %dma_start3A_329 = tpu.memref_squeeze %dma_start3A_328 : memref<1x1x128xi32, #tpu.memory_space<hbm>> -> memref<128xi32, #tpu.memory_space<hbm>>
          tpu.enqueue_dma source(%dma_start3A_329 : memref<128xi32, #tpu.memory_space<hbm>>) target(%arg7 : memref<128xi32, #tpu.memory_space<vmem>>) target_semaphore(%run_scoped3A_323 : memref<!tpu.dma_semaphore, #tpu.memory_space<semaphore_mem>>)
          %dma_wait3A_330 = arith.constant 0 : i32
          %dma_wait3A_331 = tpu.memref_slice %arg3[%run_scoped3A_246, %add3A_245, %dma_wait3A_330] : memref<2x1250x128xi32, #tpu.memory_space<hbm>> -> memref<1x1x128xi32, #tpu.memory_space<hbm>>
          %dma_wait3A_332 = tpu.memref_squeeze %dma_wait3A_331 : memref<1x1x128xi32, #tpu.memory_space<hbm>> -> memref<128xi32, #tpu.memory_space<hbm>>
          %dma_wait3A_333 = arith.constant 0 : i32
          %dma_wait3A_334 = tpu.memref_slice %arg3[%run_scoped3A_246, %add3A_245, %dma_wait3A_333] : memref<2x1250x128xi32, #tpu.memory_space<hbm>> -> memref<1x1x128xi32, #tpu.memory_space<hbm>>
          %dma_wait3A_335 = tpu.memref_squeeze %dma_wait3A_334 : memref<1x1x128xi32, #tpu.memory_space<hbm>> -> memref<128xi32, #tpu.memory_space<hbm>>
          tpu.wait_dma2 semaphore(%run_scoped3A_323 : memref<!tpu.dma_semaphore, #tpu.memory_space<semaphore_mem>>) src(%dma_wait3A_335 : memref<128xi32, #tpu.memory_space<hbm>>) dst(%arg7 : memref<128xi32, #tpu.memory_space<vmem>>)
          tpu.yield
        }) : () -> ()
        %run_scoped3A_247 = arith.constant 1 : i32
        "tpu.region"() ({
          %run_scoped3A_323 = tpu.sem_alloc : memref<!tpu.dma_semaphore, #tpu.memory_space<semaphore_mem>>
          %dma_start3A_324 = arith.constant 0 : i32
          %dma_start3A_325 = tpu.memref_slice %arg3[%run_scoped3A_247, %add3A_245, %dma_start3A_324] : memref<2x1250x128xi32, #tpu.memory_space<hbm>> -> memref<1x1x128xi32, #tpu.memory_space<hbm>>
          %dma_start3A_326 = tpu.memref_squeeze %dma_start3A_325 : memref<1x1x128xi32, #tpu.memory_space<hbm>> -> memref<128xi32, #tpu.memory_space<hbm>>
          %dma_start3A_327 = arith.constant 0 : i32
          %dma_start3A_328 = tpu.memref_slice %arg3[%run_scoped3A_247, %add3A_245, %dma_start3A_327] : memref<2x1250x128xi32, #tpu.memory_space<hbm>> -> memref<1x1x128xi32, #tpu.memory_space<hbm>>
          %dma_start3A_329 = tpu.memref_squeeze %dma_start3A_328 : memref<1x1x128xi32, #tpu.memory_space<hbm>> -> memref<128xi32, #tpu.memory_space<hbm>>
          tpu.enqueue_dma source(%dma_start3A_329 : memref<128xi32, #tpu.memory_space<hbm>>) target(%arg8 : memref<128xi32, #tpu.memory_space<vmem>>) target_semaphore(%run_scoped3A_323 : memref<!tpu.dma_semaphore, #tpu.memory_space<semaphore_mem>>)
          %dma_wait3A_330 = arith.constant 0 : i32
          %dma_wait3A_331 = tpu.memref_slice %arg3[%run_scoped3A_247, %add3A_245, %dma_wait3A_330] : memref<2x1250x128xi32, #tpu.memory_space<hbm>> -> memref<1x1x128xi32, #tpu.memory_space<hbm>>
          %dma_wait3A_332 = tpu.memref_squeeze %dma_wait3A_331 : memref<1x1x128xi32, #tpu.memory_space<hbm>> -> memref<128xi32, #tpu.memory_space<hbm>>
          %dma_wait3A_333 = arith.constant 0 : i32
          %dma_wait3A_334 = tpu.memref_slice %arg3[%run_scoped3A_247, %add3A_245, %dma_wait3A_333] : memref<2x1250x128xi32, #tpu.memory_space<hbm>> -> memref<1x1x128xi32, #tpu.memory_space<hbm>>
          %dma_wait3A_335 = tpu.memref_squeeze %dma_wait3A_334 : memref<1x1x128xi32, #tpu.memory_space<hbm>> -> memref<128xi32, #tpu.memory_space<hbm>>
          tpu.wait_dma2 semaphore(%run_scoped3A_323 : memref<!tpu.dma_semaphore, #tpu.memory_space<semaphore_mem>>) src(%dma_wait3A_335 : memref<128xi32, #tpu.memory_space<hbm>>) dst(%arg8 : memref<128xi32, #tpu.memory_space<vmem>>)
          tpu.yield
        }) : () -> ()
        %get3A_248 = arith.constant 0 : index
        %get3A_249 = tpu.vector_load %arg7[%get3A_248] {strides = array<i32>} : memref<128xi32, #tpu.memory_space<vmem>>, vector<16xi32>,
        %get3A_250 = vector.shape_cast %get3A_249 : vector<16xi32> to vector<16xi32>
        %add3A_251 = vector.broadcast %mul3A_2 : i32 to vector<16xi32>
        %add3A_252 = arith.addi %get3A_250, %add3A_251 : vector<16xi32>
        %swap3A_253 = arith.constant 0 : index
        %swap3A_254 = tpu.vector_load %arg7[%swap3A_253] {strides = array<i32>} : memref<128xi32, #tpu.memory_space<vmem>>, vector<16xi32>,
        %swap3A_255 = vector.shape_cast %swap3A_254 : vector<16xi32> to vector<16xi32>
        %swap3A_256 = vector.shape_cast %add3A_252 : vector<16xi32> to vector<16xi32>
        tpu.vector_store %arg7[%swap3A_253], %swap3A_256 {strides = array<i32>} : memref<128xi32, #tpu.memory_space<vmem>>, vector<16xi32>,
        %get3A_257 = arith.constant 16 : index
        %get3A_258 = tpu.vector_load %arg7[%get3A_257] {strides = array<i32>} : memref<128xi32, #tpu.memory_space<vmem>>, vector<16xi32>,
        %get3A_259 = vector.shape_cast %get3A_258 : vector<16xi32> to vector<16xi32>
        %add3A_260 = vector.broadcast %mul3A_2 : i32 to vector<16xi32>
        %add3A_261 = arith.addi %get3A_259, %add3A_260 : vector<16xi32>
        %swap3A_262 = arith.constant 16 : index
        %swap3A_263 = tpu.vector_load %arg7[%swap3A_262] {strides = array<i32>} : memref<128xi32, #tpu.memory_space<vmem>>, vector<16xi32>,
        %swap3A_264 = vector.shape_cast %swap3A_263 : vector<16xi32> to vector<16xi32>
        %swap3A_265 = vector.shape_cast %add3A_261 : vector<16xi32> to vector<16xi32>
        tpu.vector_store %arg7[%swap3A_262], %swap3A_265 {strides = array<i32>} : memref<128xi32, #tpu.memory_space<vmem>>, vector<16xi32>,
        %get3A_266 = arith.constant 32 : index
        %get3A_267 = tpu.vector_load %arg7[%get3A_266] {strides = array<i32>} : memref<128xi32, #tpu.memory_space<vmem>>, vector<16xi32>,
        %get3A_268 = vector.shape_cast %get3A_267 : vector<16xi32> to vector<16xi32>
        %add3A_269 = vector.broadcast %mul3A_2 : i32 to vector<16xi32>
        %add3A_270 = arith.addi %get3A_268, %add3A_269 : vector<16xi32>
        %swap3A_271 = arith.constant 32 : index
        %swap3A_272 = tpu.vector_load %arg7[%swap3A_271] {strides = array<i32>} : memref<128xi32, #tpu.memory_space<vmem>>, vector<16xi32>,
        %swap3A_273 = vector.shape_cast %swap3A_272 : vector<16xi32> to vector<16xi32>
        %swap3A_274 = vector.shape_cast %add3A_270 : vector<16xi32> to vector<16xi32>
        tpu.vector_store %arg7[%swap3A_271], %swap3A_274 {strides = array<i32>} : memref<128xi32, #tpu.memory_space<vmem>>, vector<16xi32>,
        %get3A_275 = arith.constant 48 : index
        %get3A_276 = tpu.vector_load %arg7[%get3A_275] {strides = array<i32>} : memref<128xi32, #tpu.memory_space<vmem>>, vector<16xi32>,
        %get3A_277 = vector.shape_cast %get3A_276 : vector<16xi32> to vector<16xi32>
        %add3A_278 = vector.broadcast %mul3A_2 : i32 to vector<16xi32>
        %add3A_279 = arith.addi %get3A_277, %add3A_278 : vector<16xi32>
        %swap3A_280 = arith.constant 48 : index
        %swap3A_281 = tpu.vector_load %arg7[%swap3A_280] {strides = array<i32>} : memref<128xi32, #tpu.memory_space<vmem>>, vector<16xi32>,
        %swap3A_282 = vector.shape_cast %swap3A_281 : vector<16xi32> to vector<16xi32>
        %swap3A_283 = vector.shape_cast %add3A_279 : vector<16xi32> to vector<16xi32>
        tpu.vector_store %arg7[%swap3A_280], %swap3A_283 {strides = array<i32>} : memref<128xi32, #tpu.memory_space<vmem>>, vector<16xi32>,
        %get3A_284 = arith.constant 64 : index
        %get3A_285 = tpu.vector_load %arg7[%get3A_284] {strides = array<i32>} : memref<128xi32, #tpu.memory_space<vmem>>, vector<16xi32>,
        %get3A_286 = vector.shape_cast %get3A_285 : vector<16xi32> to vector<16xi32>
        %add3A_287 = vector.broadcast %mul3A_2 : i32 to vector<16xi32>
        %add3A_288 = arith.addi %get3A_286, %add3A_287 : vector<16xi32>
        %swap3A_289 = arith.constant 64 : index
        %swap3A_290 = tpu.vector_load %arg7[%swap3A_289] {strides = array<i32>} : memref<128xi32, #tpu.memory_space<vmem>>, vector<16xi32>,
        %swap3A_291 = vector.shape_cast %swap3A_290 : vector<16xi32> to vector<16xi32>
        %swap3A_292 = vector.shape_cast %add3A_288 : vector<16xi32> to vector<16xi32>
        tpu.vector_store %arg7[%swap3A_289], %swap3A_292 {strides = array<i32>} : memref<128xi32, #tpu.memory_space<vmem>>, vector<16xi32>,
        %get3A_293 = arith.constant 80 : index
        %get3A_294 = tpu.vector_load %arg7[%get3A_293] {strides = array<i32>} : memref<128xi32, #tpu.memory_space<vmem>>, vector<16xi32>,
        %get3A_295 = vector.shape_cast %get3A_294 : vector<16xi32> to vector<16xi32>
        %add3A_296 = vector.broadcast %mul3A_2 : i32 to vector<16xi32>
        %add3A_297 = arith.addi %get3A_295, %add3A_296 : vector<16xi32>
        %swap3A_298 = arith.constant 80 : index
        %swap3A_299 = tpu.vector_load %arg7[%swap3A_298] {strides = array<i32>} : memref<128xi32, #tpu.memory_space<vmem>>, vector<16xi32>,
        %swap3A_300 = vector.shape_cast %swap3A_299 : vector<16xi32> to vector<16xi32>
        %swap3A_301 = vector.shape_cast %add3A_297 : vector<16xi32> to vector<16xi32>
        tpu.vector_store %arg7[%swap3A_298], %swap3A_301 {strides = array<i32>} : memref<128xi32, #tpu.memory_space<vmem>>, vector<16xi32>,
        %get3A_302 = arith.constant 96 : index
        %get3A_303 = tpu.vector_load %arg7[%get3A_302] {strides = array<i32>} : memref<128xi32, #tpu.memory_space<vmem>>, vector<16xi32>,
        %get3A_304 = vector.shape_cast %get3A_303 : vector<16xi32> to vector<16xi32>
        %add3A_305 = vector.broadcast %mul3A_2 : i32 to vector<16xi32>
        %add3A_306 = arith.addi %get3A_304, %add3A_305 : vector<16xi32>
        %swap3A_307 = arith.constant 96 : index
        %swap3A_308 = tpu.vector_load %arg7[%swap3A_307] {strides = array<i32>} : memref<128xi32, #tpu.memory_space<vmem>>, vector<16xi32>,
        %swap3A_309 = vector.shape_cast %swap3A_308 : vector<16xi32> to vector<16xi32>
        %swap3A_310 = vector.shape_cast %add3A_306 : vector<16xi32> to vector<16xi32>
        tpu.vector_store %arg7[%swap3A_307], %swap3A_310 {strides = array<i32>} : memref<128xi32, #tpu.memory_space<vmem>>, vector<16xi32>,
        %get3A_311 = arith.constant 112 : index
        %get3A_312 = tpu.vector_load %arg7[%get3A_311] {strides = array<i32>} : memref<128xi32, #tpu.memory_space<vmem>>, vector<16xi32>,
        %get3A_313 = vector.shape_cast %get3A_312 : vector<16xi32> to vector<16xi32>
        %add3A_314 = vector.broadcast %mul3A_2 : i32 to vector<16xi32>
        %add3A_315 = arith.addi %get3A_313, %add3A_314 : vector<16xi32>
        %swap3A_316 = arith.constant 112 : index
        %swap3A_317 = tpu.vector_load %arg7[%swap3A_316] {strides = array<i32>} : memref<128xi32, #tpu.memory_space<vmem>>, vector<16xi32>,
        %swap3A_318 = vector.shape_cast %swap3A_317 : vector<16xi32> to vector<16xi32>
        %swap3A_319 = vector.shape_cast %add3A_315 : vector<16xi32> to vector<16xi32>
        tpu.vector_store %arg7[%swap3A_316], %swap3A_319 {strides = array<i32>} : memref<128xi32, #tpu.memory_space<vmem>>, vector<16xi32>,
        %dma_start3A_320 = arith.constant 0 : i32
        %dma_start3A_321 = arith.constant 0 : i32
        %dma_start3A_322 = tpu.memref_slice %arg2[%dma_start3A_320, %dma_start3A_321] : memref<20224x128xf32, #tpu.memory_space<hbm>> -> memref<20224x128xf32, #tpu.memory_space<hbm>>
        tpu.enqueue_indirect_dma source(%dma_start3A_322 : memref<20224x128xf32, #tpu.memory_space<hbm>>) target(%arg11 : memref<128x128xf32, #tpu.memory_space<vmem>>) offsets(%arg7 : memref<128xi32, #tpu.memory_space<vmem>>) semaphore(%arg13 : memref<!tpu.dma_semaphore, #tpu.memory_space<semaphore_mem>>)
      } else {
      }
      %dma_wait3A_241 = arith.constant 0 : i32
      %dma_wait3A_242 = arith.constant 0 : i32
      %dma_wait3A_243 = tpu.memref_slice %arg2[%dma_wait3A_241, %dma_wait3A_242] : memref<20224x128xf32, #tpu.memory_space<hbm>> -> memref<20224x128xf32, #tpu.memory_space<hbm>>
      tpu.wait_indirect_dma semaphore(%arg14 : memref<!tpu.dma_semaphore, #tpu.memory_space<semaphore_mem>>) src(%dma_wait3A_243 : memref<20224x128xf32, #tpu.memory_space<hbm>>) dst(%arg12 : memref<128x128xf32, #tpu.memory_space<vmem>>)
      "tpu.region"() ({
        %run_scoped3A_244 = tpu.sem_alloc : memref<!tpu.dma_semaphore, #tpu.memory_space<semaphore_mem>>
        %dma_start3A_245 = arith.constant 0 : i32
        %dma_start3A_246 = arith.constant 0 : i32
        %dma_start3A_247 = tpu.memref_slice %arg6[%dma_start3A_245, %dma_start3A_246] : memref<10112x128xf32, #tpu.memory_space<vmem_shared>> -> memref<10112x128xf32, #tpu.memory_space<vmem_shared>>
        tpu.enqueue_indirect_dma source(%arg12 : memref<128x128xf32, #tpu.memory_space<vmem>>) target(%dma_start3A_247 : memref<10112x128xf32, #tpu.memory_space<vmem_shared>>) offsets(%arg10 : memref<128xi32, #tpu.memory_space<vmem>>) semaphore(%run_scoped3A_244 : memref<!tpu.dma_semaphore, #tpu.memory_space<semaphore_mem>>) {add = true}
        %dma_wait3A_248 = arith.constant 0 : i32
        %dma_wait3A_249 = arith.constant 0 : i32
        %dma_wait3A_250 = tpu.memref_slice %arg6[%dma_wait3A_248, %dma_wait3A_249] : memref<10112x128xf32, #tpu.memory_space<vmem_shared>> -> memref<10112x128xf32, #tpu.memory_space<vmem_shared>>
        tpu.wait_indirect_dma semaphore(%run_scoped3A_244 : memref<!tpu.dma_semaphore, #tpu.memory_space<semaphore_mem>>) src(%arg12 : memref<128x128xf32, #tpu.memory_space<vmem>>) dst(%dma_wait3A_250 : memref<10112x128xf32, #tpu.memory_space<vmem_shared>>)
        tpu.yield
      }) : () -> ()
    }
    %jit3A_130 = arith.constant 2 : i32
    %eq3A = arith.constant 0 : i32
    %eq3A_131 = arith.cmpi eq, %jit3A_130, %eq3A : i32
    %jit3A_132 = arith.constant 1 : i32
    %select_n3A_133 = arith.select %eq3A_131, %jit3A_132, %jit3A_130 : i32
    %rem3A_134 = arith.remsi %select_n3A, %select_n3A_133 : i32
    %ne3A_135 = arith.constant 0 : i32
    %ne3A_136 = arith.cmpi ne, %rem3A_134, %ne3A_135 : i32
    %lt3A = arith.constant 0 : i32
    %lt3A_137 = arith.cmpi slt, %rem3A_134, %lt3A : i32
    %lt3A_138 = arith.constant 0 : i32
    %lt3A_139 = arith.cmpi slt, %select_n3A_133, %lt3A_138 : i32
    %ne3A_140 = arith.xori %lt3A_137, %lt3A_139 : i1
    %and3A_141 = arith.andi %ne3A_140, %ne3A_136 : i1
    %add3A_142 = arith.addi %rem3A_134, %select_n3A_133 : i32
    %select_n3A_143 = arith.select %and3A_141, %add3A_142, %rem3A_134 : i32
    %eq3A_144 = arith.constant 1 : i32
    %eq3A_145 = arith.cmpi eq, %select_n3A_143, %eq3A_144 : i32
    %convert_element_type3A = arith.extui %eq3A_145 : i1 to i32
    %cond3A = arith.constant 0 : i32
    %cond3A_146 = arith.cmpi ne, %convert_element_type3A, %cond3A : i32
    scf.if %cond3A_146 {
      %sub3A_148 = arith.constant 1 : i32
      %sub3A_149 = arith.subi %select_n3A, %sub3A_148 : i32
      %mul3A_150 = arith.constant 16 : i32
      %mul3A_151 = arith.muli %sub3A_149, %mul3A_150 : i32
      %add3A_152 = arith.addi %arg1, %mul3A_151 : i32
      %run_scoped3A_153 = arith.constant 0 : i32
      "tpu.region"() ({
        %run_scoped3A_232 = tpu.sem_alloc : memref<!tpu.dma_semaphore, #tpu.memory_space<semaphore_mem>>
        %dma_start3A_233 = arith.constant 0 : i32
        %dma_start3A_234 = tpu.memref_slice %arg3[%run_scoped3A_153, %add3A_152, %dma_start3A_233] : memref<2x1250x128xi32, #tpu.memory_space<hbm>> -> memref<1x1x128xi32, #tpu.memory_space<hbm>>
        %dma_start3A_235 = tpu.memref_squeeze %dma_start3A_234 : memref<1x1x128xi32, #tpu.memory_space<hbm>> -> memref<128xi32, #tpu.memory_space<hbm>>
        %dma_start3A_236 = arith.constant 0 : i32
        %dma_start3A_237 = tpu.memref_slice %arg3[%run_scoped3A_153, %add3A_152, %dma_start3A_236] : memref<2x1250x128xi32, #tpu.memory_space<hbm>> -> memref<1x1x128xi32, #tpu.memory_space<hbm>>
        %dma_start3A_238 = tpu.memref_squeeze %dma_start3A_237 : memref<1x1x128xi32, #tpu.memory_space<hbm>> -> memref<128xi32, #tpu.memory_space<hbm>>
        tpu.enqueue_dma source(%dma_start3A_238 : memref<128xi32, #tpu.memory_space<hbm>>) target(%arg7 : memref<128xi32, #tpu.memory_space<vmem>>) target_semaphore(%run_scoped3A_232 : memref<!tpu.dma_semaphore, #tpu.memory_space<semaphore_mem>>)
        %dma_wait3A_239 = arith.constant 0 : i32
        %dma_wait3A_240 = tpu.memref_slice %arg3[%run_scoped3A_153, %add3A_152, %dma_wait3A_239] : memref<2x1250x128xi32, #tpu.memory_space<hbm>> -> memref<1x1x128xi32, #tpu.memory_space<hbm>>
        %dma_wait3A_241 = tpu.memref_squeeze %dma_wait3A_240 : memref<1x1x128xi32, #tpu.memory_space<hbm>> -> memref<128xi32, #tpu.memory_space<hbm>>
        %dma_wait3A_242 = arith.constant 0 : i32
        %dma_wait3A_243 = tpu.memref_slice %arg3[%run_scoped3A_153, %add3A_152, %dma_wait3A_242] : memref<2x1250x128xi32, #tpu.memory_space<hbm>> -> memref<1x1x128xi32, #tpu.memory_space<hbm>>
        %dma_wait3A_244 = tpu.memref_squeeze %dma_wait3A_243 : memref<1x1x128xi32, #tpu.memory_space<hbm>> -> memref<128xi32, #tpu.memory_space<hbm>>
        tpu.wait_dma2 semaphore(%run_scoped3A_232 : memref<!tpu.dma_semaphore, #tpu.memory_space<semaphore_mem>>) src(%dma_wait3A_244 : memref<128xi32, #tpu.memory_space<hbm>>) dst(%arg7 : memref<128xi32, #tpu.memory_space<vmem>>)
        tpu.yield
      }) : () -> ()
      %run_scoped3A_154 = arith.constant 1 : i32
      "tpu.region"() ({
        %run_scoped3A_232 = tpu.sem_alloc : memref<!tpu.dma_semaphore, #tpu.memory_space<semaphore_mem>>
        %dma_start3A_233 = arith.constant 0 : i32
        %dma_start3A_234 = tpu.memref_slice %arg3[%run_scoped3A_154, %add3A_152, %dma_start3A_233] : memref<2x1250x128xi32, #tpu.memory_space<hbm>> -> memref<1x1x128xi32, #tpu.memory_space<hbm>>
        %dma_start3A_235 = tpu.memref_squeeze %dma_start3A_234 : memref<1x1x128xi32, #tpu.memory_space<hbm>> -> memref<128xi32, #tpu.memory_space<hbm>>
        %dma_start3A_236 = arith.constant 0 : i32
        %dma_start3A_237 = tpu.memref_slice %arg3[%run_scoped3A_154, %add3A_152, %dma_start3A_236] : memref<2x1250x128xi32, #tpu.memory_space<hbm>> -> memref<1x1x128xi32, #tpu.memory_space<hbm>>
        %dma_start3A_238 = tpu.memref_squeeze %dma_start3A_237 : memref<1x1x128xi32, #tpu.memory_space<hbm>> -> memref<128xi32, #tpu.memory_space<hbm>>
        tpu.enqueue_dma source(%dma_start3A_238 : memref<128xi32, #tpu.memory_space<hbm>>) target(%arg8 : memref<128xi32, #tpu.memory_space<vmem>>) target_semaphore(%run_scoped3A_232 : memref<!tpu.dma_semaphore, #tpu.memory_space<semaphore_mem>>)
        %dma_wait3A_239 = arith.constant 0 : i32
        %dma_wait3A_240 = tpu.memref_slice %arg3[%run_scoped3A_154, %add3A_152, %dma_wait3A_239] : memref<2x1250x128xi32, #tpu.memory_space<hbm>> -> memref<1x1x128xi32, #tpu.memory_space<hbm>>
        %dma_wait3A_241 = tpu.memref_squeeze %dma_wait3A_240 : memref<1x1x128xi32, #tpu.memory_space<hbm>> -> memref<128xi32, #tpu.memory_space<hbm>>
        %dma_wait3A_242 = arith.constant 0 : i32
        %dma_wait3A_243 = tpu.memref_slice %arg3[%run_scoped3A_154, %add3A_152, %dma_wait3A_242] : memref<2x1250x128xi32, #tpu.memory_space<hbm>> -> memref<1x1x128xi32, #tpu.memory_space<hbm>>
        %dma_wait3A_244 = tpu.memref_squeeze %dma_wait3A_243 : memref<1x1x128xi32, #tpu.memory_space<hbm>> -> memref<128xi32, #tpu.memory_space<hbm>>
        tpu.wait_dma2 semaphore(%run_scoped3A_232 : memref<!tpu.dma_semaphore, #tpu.memory_space<semaphore_mem>>) src(%dma_wait3A_244 : memref<128xi32, #tpu.memory_space<hbm>>) dst(%arg8 : memref<128xi32, #tpu.memory_space<vmem>>)
        tpu.yield
      }) : () -> ()
      %get3A_155 = arith.constant 0 : index
      %get3A_156 = tpu.vector_load %arg7[%get3A_155] {strides = array<i32>} : memref<128xi32, #tpu.memory_space<vmem>>, vector<16xi32>,
      %get3A_157 = vector.shape_cast %get3A_156 : vector<16xi32> to vector<16xi32>
      %add3A_158 = vector.broadcast %mul3A_2 : i32 to vector<16xi32>
      %add3A_159 = arith.addi %get3A_157, %add3A_158 : vector<16xi32>
      %swap3A_160 = arith.constant 0 : index
      %swap3A_161 = tpu.vector_load %arg7[%swap3A_160] {strides = array<i32>} : memref<128xi32, #tpu.memory_space<vmem>>, vector<16xi32>,
      %swap3A_162 = vector.shape_cast %swap3A_161 : vector<16xi32> to vector<16xi32>
      %swap3A_163 = vector.shape_cast %add3A_159 : vector<16xi32> to vector<16xi32>
      tpu.vector_store %arg7[%swap3A_160], %swap3A_163 {strides = array<i32>} : memref<128xi32, #tpu.memory_space<vmem>>, vector<16xi32>,
      %get3A_164 = arith.constant 16 : index
      %get3A_165 = tpu.vector_load %arg7[%get3A_164] {strides = array<i32>} : memref<128xi32, #tpu.memory_space<vmem>>, vector<16xi32>,
      %get3A_166 = vector.shape_cast %get3A_165 : vector<16xi32> to vector<16xi32>
      %add3A_167 = vector.broadcast %mul3A_2 : i32 to vector<16xi32>
      %add3A_168 = arith.addi %get3A_166, %add3A_167 : vector<16xi32>
      %swap3A_169 = arith.constant 16 : index
      %swap3A_170 = tpu.vector_load %arg7[%swap3A_169] {strides = array<i32>} : memref<128xi32, #tpu.memory_space<vmem>>, vector<16xi32>,
      %swap3A_171 = vector.shape_cast %swap3A_170 : vector<16xi32> to vector<16xi32>
      %swap3A_172 = vector.shape_cast %add3A_168 : vector<16xi32> to vector<16xi32>
      tpu.vector_store %arg7[%swap3A_169], %swap3A_172 {strides = array<i32>} : memref<128xi32, #tpu.memory_space<vmem>>, vector<16xi32>,
      %get3A_173 = arith.constant 32 : index
      %get3A_174 = tpu.vector_load %arg7[%get3A_173] {strides = array<i32>} : memref<128xi32, #tpu.memory_space<vmem>>, vector<16xi32>,
      %get3A_175 = vector.shape_cast %get3A_174 : vector<16xi32> to vector<16xi32>
      %add3A_176 = vector.broadcast %mul3A_2 : i32 to vector<16xi32>
      %add3A_177 = arith.addi %get3A_175, %add3A_176 : vector<16xi32>
      %swap3A_178 = arith.constant 32 : index
      %swap3A_179 = tpu.vector_load %arg7[%swap3A_178] {strides = array<i32>} : memref<128xi32, #tpu.memory_space<vmem>>, vector<16xi32>,
      %swap3A_180 = vector.shape_cast %swap3A_179 : vector<16xi32> to vector<16xi32>
      %swap3A_181 = vector.shape_cast %add3A_177 : vector<16xi32> to vector<16xi32>
      tpu.vector_store %arg7[%swap3A_178], %swap3A_181 {strides = array<i32>} : memref<128xi32, #tpu.memory_space<vmem>>, vector<16xi32>,
      %get3A_182 = arith.constant 48 : index
      %get3A_183 = tpu.vector_load %arg7[%get3A_182] {strides = array<i32>} : memref<128xi32, #tpu.memory_space<vmem>>, vector<16xi32>,
      %get3A_184 = vector.shape_cast %get3A_183 : vector<16xi32> to vector<16xi32>
      %add3A_185 = vector.broadcast %mul3A_2 : i32 to vector<16xi32>
      %add3A_186 = arith.addi %get3A_184, %add3A_185 : vector<16xi32>
      %swap3A_187 = arith.constant 48 : index
      %swap3A_188 = tpu.vector_load %arg7[%swap3A_187] {strides = array<i32>} : memref<128xi32, #tpu.memory_space<vmem>>, vector<16xi32>,
      %swap3A_189 = vector.shape_cast %swap3A_188 : vector<16xi32> to vector<16xi32>
      %swap3A_190 = vector.shape_cast %add3A_186 : vector<16xi32> to vector<16xi32>
      tpu.vector_store %arg7[%swap3A_187], %swap3A_190 {strides = array<i32>} : memref<128xi32, #tpu.memory_space<vmem>>, vector<16xi32>,
      %get3A_191 = arith.constant 64 : index
      %get3A_192 = tpu.vector_load %arg7[%get3A_191] {strides = array<i32>} : memref<128xi32, #tpu.memory_space<vmem>>, vector<16xi32>,
      %get3A_193 = vector.shape_cast %get3A_192 : vector<16xi32> to vector<16xi32>
      %add3A_194 = vector.broadcast %mul3A_2 : i32 to vector<16xi32>
      %add3A_195 = arith.addi %get3A_193, %add3A_194 : vector<16xi32>
      %swap3A_196 = arith.constant 64 : index
      %swap3A_197 = tpu.vector_load %arg7[%swap3A_196] {strides = array<i32>} : memref<128xi32, #tpu.memory_space<vmem>>, vector<16xi32>,
      %swap3A_198 = vector.shape_cast %swap3A_197 : vector<16xi32> to vector<16xi32>
      %swap3A_199 = vector.shape_cast %add3A_195 : vector<16xi32> to vector<16xi32>
      tpu.vector_store %arg7[%swap3A_196], %swap3A_199 {strides = array<i32>} : memref<128xi32, #tpu.memory_space<vmem>>, vector<16xi32>,
      %get3A_200 = arith.constant 80 : index
      %get3A_201 = tpu.vector_load %arg7[%get3A_200] {strides = array<i32>} : memref<128xi32, #tpu.memory_space<vmem>>, vector<16xi32>,
      %get3A_202 = vector.shape_cast %get3A_201 : vector<16xi32> to vector<16xi32>
      %add3A_203 = vector.broadcast %mul3A_2 : i32 to vector<16xi32>
      %add3A_204 = arith.addi %get3A_202, %add3A_203 : vector<16xi32>
      %swap3A_205 = arith.constant 80 : index
      %swap3A_206 = tpu.vector_load %arg7[%swap3A_205] {strides = array<i32>} : memref<128xi32, #tpu.memory_space<vmem>>, vector<16xi32>,
      %swap3A_207 = vector.shape_cast %swap3A_206 : vector<16xi32> to vector<16xi32>
      %swap3A_208 = vector.shape_cast %add3A_204 : vector<16xi32> to vector<16xi32>
      tpu.vector_store %arg7[%swap3A_205], %swap3A_208 {strides = array<i32>} : memref<128xi32, #tpu.memory_space<vmem>>, vector<16xi32>,
      %get3A_209 = arith.constant 96 : index
      %get3A_210 = tpu.vector_load %arg7[%get3A_209] {strides = array<i32>} : memref<128xi32, #tpu.memory_space<vmem>>, vector<16xi32>,
      %get3A_211 = vector.shape_cast %get3A_210 : vector<16xi32> to vector<16xi32>
      %add3A_212 = vector.broadcast %mul3A_2 : i32 to vector<16xi32>
      %add3A_213 = arith.addi %get3A_211, %add3A_212 : vector<16xi32>
      %swap3A_214 = arith.constant 96 : index
      %swap3A_215 = tpu.vector_load %arg7[%swap3A_214] {strides = array<i32>} : memref<128xi32, #tpu.memory_space<vmem>>, vector<16xi32>,
      %swap3A_216 = vector.shape_cast %swap3A_215 : vector<16xi32> to vector<16xi32>
      %swap3A_217 = vector.shape_cast %add3A_213 : vector<16xi32> to vector<16xi32>
      tpu.vector_store %arg7[%swap3A_214], %swap3A_217 {strides = array<i32>} : memref<128xi32, #tpu.memory_space<vmem>>, vector<16xi32>,
      %get3A_218 = arith.constant 112 : index
      %get3A_219 = tpu.vector_load %arg7[%get3A_218] {strides = array<i32>} : memref<128xi32, #tpu.memory_space<vmem>>, vector<16xi32>,
      %get3A_220 = vector.shape_cast %get3A_219 : vector<16xi32> to vector<16xi32>
      %add3A_221 = vector.broadcast %mul3A_2 : i32 to vector<16xi32>
      %add3A_222 = arith.addi %get3A_220, %add3A_221 : vector<16xi32>
      %swap3A_223 = arith.constant 112 : index
      %swap3A_224 = tpu.vector_load %arg7[%swap3A_223] {strides = array<i32>} : memref<128xi32, #tpu.memory_space<vmem>>, vector<16xi32>,
      %swap3A_225 = vector.shape_cast %swap3A_224 : vector<16xi32> to vector<16xi32>
      %swap3A_226 = vector.shape_cast %add3A_222 : vector<16xi32> to vector<16xi32>
      tpu.vector_store %arg7[%swap3A_223], %swap3A_226 {strides = array<i32>} : memref<128xi32, #tpu.memory_space<vmem>>, vector<16xi32>,
      %dma_start3A_227 = arith.constant 0 : i32
      %dma_start3A_228 = arith.constant 0 : i32
      %dma_start3A_229 = tpu.memref_slice %arg2[%dma_start3A_227, %dma_start3A_228] : memref<20224x128xf32, #tpu.memory_space<hbm>> -> memref<20224x128xf32, #tpu.memory_space<hbm>>
      tpu.enqueue_indirect_dma source(%dma_start3A_229 : memref<20224x128xf32, #tpu.memory_space<hbm>>) target(%arg11 : memref<128x128xf32, #tpu.memory_space<vmem>>) offsets(%arg7 : memref<128xi32, #tpu.memory_space<vmem>>) semaphore(%arg13 : memref<!tpu.dma_semaphore, #tpu.memory_space<semaphore_mem>>)
      %dma_wait3A = arith.constant 0 : i32
      %dma_wait3A_230 = arith.constant 0 : i32
      %dma_wait3A_231 = tpu.memref_slice %arg2[%dma_wait3A, %dma_wait3A_230] : memref<20224x128xf32, #tpu.memory_space<hbm>> -> memref<20224x128xf32, #tpu.memory_space<hbm>>
      tpu.wait_indirect_dma semaphore(%arg13 : memref<!tpu.dma_semaphore, #tpu.memory_space<semaphore_mem>>) src(%dma_wait3A_231 : memref<20224x128xf32, #tpu.memory_space<hbm>>) dst(%arg11 : memref<128x128xf32, #tpu.memory_space<vmem>>)
      "tpu.region"() ({
        %run_scoped3A_232 = tpu.sem_alloc : memref<!tpu.dma_semaphore, #tpu.memory_space<semaphore_mem>>
        %dma_start3A_233 = arith.constant 0 : i32
        %dma_start3A_234 = arith.constant 0 : i32
        %dma_start3A_235 = tpu.memref_slice %arg6[%dma_start3A_233, %dma_start3A_234] : memref<10112x128xf32, #tpu.memory_space<vmem_shared>> -> memref<10112x128xf32, #tpu.memory_space<vmem_shared>>
        tpu.enqueue_indirect_dma source(%arg11 : memref<128x128xf32, #tpu.memory_space<vmem>>) target(%dma_start3A_235 : memref<10112x128xf32, #tpu.memory_space<vmem_shared>>) offsets(%arg8 : memref<128xi32, #tpu.memory_space<vmem>>) semaphore(%run_scoped3A_232 : memref<!tpu.dma_semaphore, #tpu.memory_space<semaphore_mem>>) {add = true}
        %dma_wait3A_236 = arith.constant 0 : i32
        %dma_wait3A_237 = arith.constant 0 : i32
        %dma_wait3A_238 = tpu.memref_slice %arg6[%dma_wait3A_236, %dma_wait3A_237] : memref<10112x128xf32, #tpu.memory_space<vmem_shared>> -> memref<10112x128xf32, #tpu.memory_space<vmem_shared>>
        tpu.wait_indirect_dma semaphore(%run_scoped3A_232 : memref<!tpu.dma_semaphore, #tpu.memory_space<semaphore_mem>>) src(%arg11 : memref<128x128xf32, #tpu.memory_space<vmem>>) dst(%dma_wait3A_238 : memref<10112x128xf32, #tpu.memory_space<vmem_shared>>)
        tpu.yield
      }) : () -> ()
    } else {
    }
    %barrier3A_147 = arith.constant 0 : index
    tpu.barrier barrier_id(%barrier3A_147)
    "tpu.region"() ({
      %run_scoped3A_148 = tpu.sem_alloc : memref<!tpu.dma_semaphore, #tpu.memory_space<semaphore_mem>>
      %dma_start3A_149 = arith.constant 0 : i32
      %dma_start3A_150 = tpu.memref_slice %arg5[%arg0, %mul3A_0, %dma_start3A_149] : memref<2x10112x128xf32, #tpu.memory_space<hbm>> -> memref<1x632x128xf32, #tpu.memory_space<hbm>>
      %dma_start3A_151 = tpu.memref_squeeze %dma_start3A_150 : memref<1x632x128xf32, #tpu.memory_space<hbm>> -> memref<632x128xf32, #tpu.memory_space<hbm>>
      %dma_start3A_152 = arith.constant 0 : i32
      %dma_start3A_153 = tpu.memref_slice %arg6[%mul3A_0, %dma_start3A_152] : memref<10112x128xf32, #tpu.memory_space<vmem_shared>> -> memref<632x128xf32, #tpu.memory_space<vmem_shared>>
      tpu.enqueue_dma source(%dma_start3A_153 : memref<632x128xf32, #tpu.memory_space<vmem_shared>>) target(%dma_start3A_151 : memref<632x128xf32, #tpu.memory_space<hbm>>) target_semaphore(%run_scoped3A_148 : memref<!tpu.dma_semaphore, #tpu.memory_space<semaphore_mem>>)
      %dma_wait3A = arith.constant 0 : i32
      %dma_wait3A_154 = tpu.memref_slice %arg5[%arg0, %mul3A_0, %dma_wait3A] : memref<2x10112x128xf32, #tpu.memory_space<hbm>> -> memref<1x632x128xf32, #tpu.memory_space<hbm>>
      %dma_wait3A_155 = tpu.memref_squeeze %dma_wait3A_154 : memref<1x632x128xf32, #tpu.memory_space<hbm>> -> memref<632x128xf32, #tpu.memory_space<hbm>>
      %dma_wait3A_156 = arith.constant 0 : i32
      %dma_wait3A_157 = tpu.memref_slice %arg6[%mul3A_0, %dma_wait3A_156] : memref<10112x128xf32, #tpu.memory_space<vmem_shared>> -> memref<632x128xf32, #tpu.memory_space<vmem_shared>>
      tpu.wait_dma2 semaphore(%run_scoped3A_148 : memref<!tpu.dma_semaphore, #tpu.memory_space<semaphore_mem>>) src(%dma_wait3A_157 : memref<632x128xf32, #tpu.memory_space<vmem_shared>>) dst(%dma_wait3A_155 : memref<632x128xf32, #tpu.memory_space<hbm>>)
      tpu.yield
    }) : () -> ()
    return
  }
}

module attributes {stable_mosaic.version = 14 : i64} {
  func.func @_prep_body(%arg0: i32, %arg1: memref<2x1000x8xf32, #tpu.memory_space<vmem>>, %arg2: memref<1000x256xf32, #tpu.memory_space<vmem>>, %arg3: memref<1000x8xf32, #tpu.memory_space<vmem>>, %arg4: memref<1000x8xf32, #tpu.memory_space<vmem>>, %arg5: memref<2x1000x128xf32, #tpu.memory_space<vmem>>) attributes {dimension_semantics = [#tpu.dimension_semantics<arbitrary>], iteration_bounds = array<i64: 10>, scalar_prefetch = 0 : i64, scratch_operands = 0 : i64, tpu.core_type = #tpu.core_type<tc>, window_params = [{transform_indices = @transform_0, window_bounds = array<i64: 2, 1000, 8>}, {transform_indices = @transform_1, window_bounds = array<i64: 1000, 256>}, {transform_indices = @transform_2, window_bounds = array<i64: 1000, 8>}, {transform_indices = @transform_3, window_bounds = array<i64: 1000, 8>}, {transform_indices = @transform_4, window_bounds = array<i64: 2, 1000, 128>}]} {
    %get3A = arith.constant 0 : index
    %get3A_0 = arith.constant 0 : index
    %get3A_1 = arith.constant 0 : index
    %get3A_2 = vector.load %arg1[%get3A, %get3A_0, %get3A_1] : memref<2x1000x8xf32, #tpu.memory_space<vmem>>, vector<1x1000x1xf32>
    %get3A_3 = vector.shape_cast %get3A_2 : vector<1x1000x1xf32> to vector<1000x1xf32>
    %get3A_4 = arith.constant 1 : index
    %get3A_5 = arith.constant 0 : index
    %get3A_6 = arith.constant 0 : index
    %get3A_7 = vector.load %arg1[%get3A_4, %get3A_5, %get3A_6] : memref<2x1000x8xf32, #tpu.memory_space<vmem>>, vector<1x1000x1xf32>
    %get3A_8 = vector.shape_cast %get3A_7 : vector<1x1000x1xf32> to vector<1000x1xf32>
    %gt3A = arith.constant 0.000000e+00 : f32
    %gt3A_9 = vector.broadcast %gt3A : f32 to vector<1000x1xf32>
    %gt3A_10 = arith.cmpf ogt, %get3A_3, %gt3A_9 : vector<1000x1xf32>
    %rsqrt3A = math.rsqrt %get3A_3 : vector<1000x1xf32>
    %jit3A = arith.constant 0.000000e+00 : f32
    %broadcast_in_dim3A = vector.broadcast %jit3A : f32 to vector<1000x1xf32>
    %select_n3A = arith.select %gt3A_10, %rsqrt3A, %broadcast_in_dim3A : vector<1000x1xi1>, vector<1000x1xf32>
    %gt3A_11 = arith.constant 0.000000e+00 : f32
    %gt3A_12 = vector.broadcast %gt3A_11 : f32 to vector<1000x1xf32>
    %gt3A_13 = arith.cmpf ogt, %get3A_8, %gt3A_12 : vector<1000x1xf32>
    %rsqrt3A_14 = math.rsqrt %get3A_8 : vector<1000x1xf32>
    %jit3A_15 = arith.constant 0.000000e+00 : f32
    %broadcast_in_dim3A_16 = vector.broadcast %jit3A_15 : f32 to vector<1000x1xf32>
    %select_n3A_17 = arith.select %gt3A_13, %rsqrt3A_14, %broadcast_in_dim3A_16 : vector<1000x1xi1>, vector<1000x1xf32>
    %broadcast_in_dim3A_18 = vector.shape_cast %select_n3A : vector<1000x1xf32> to vector<1000x1xf32>
    %broadcast_in_dim3A_19 = vector.broadcast %broadcast_in_dim3A_18 : vector<1000x1xf32> to vector<1000x8xf32>
    %swap3A = arith.constant 0 : index
    %swap3A_20 = arith.constant 0 : index
    %swap3A_21 = vector.load %arg3[%swap3A, %swap3A_20] : memref<1000x8xf32, #tpu.memory_space<vmem>>, vector<1000x8xf32>
    tpu.vector_store %arg3[%swap3A, %swap3A_20], %broadcast_in_dim3A_19 {strides = array<i32>} : memref<1000x8xf32, #tpu.memory_space<vmem>>, vector<1000x8xf32>,
    %broadcast_in_dim3A_22 = vector.shape_cast %select_n3A_17 : vector<1000x1xf32> to vector<1000x1xf32>
    %broadcast_in_dim3A_23 = vector.broadcast %broadcast_in_dim3A_22 : vector<1000x1xf32> to vector<1000x8xf32>
    %swap3A_24 = arith.constant 0 : index
    %swap3A_25 = arith.constant 0 : index
    %swap3A_26 = vector.load %arg4[%swap3A_24, %swap3A_25] : memref<1000x8xf32, #tpu.memory_space<vmem>>, vector<1000x8xf32>
    tpu.vector_store %arg4[%swap3A_24, %swap3A_25], %broadcast_in_dim3A_23 {strides = array<i32>} : memref<1000x8xf32, #tpu.memory_space<vmem>>, vector<1000x8xf32>,
    %get3A_27 = arith.constant 0 : index
    %get3A_28 = arith.constant 0 : index
    %get3A_29 = vector.load %arg2[%get3A_27, %get3A_28] : memref<1000x256xf32, #tpu.memory_space<vmem>>, vector<1000x256xf32>
    %mul3A = vector.broadcast %select_n3A : vector<1000x1xf32> to vector<1000x256xf32>
    %mul3A_30 = arith.mulf %get3A_29, %mul3A : vector<1000x256xf32>
    %slice3A = vector.extract_strided_slice %mul3A_30 {offsets = [0, 0], sizes = [1000, 128], strides = [1, 1]} : vector<1000x256xf32> to vector<1000x128xf32>
    %swap3A_31 = arith.constant 0 : index
    %swap3A_32 = arith.constant 0 : index
    %swap3A_33 = arith.constant 0 : index
    %swap3A_34 = vector.load %arg5[%swap3A_31, %swap3A_32, %swap3A_33] : memref<2x1000x128xf32, #tpu.memory_space<vmem>>, vector<1x1000x128xf32>
    %swap3A_35 = vector.shape_cast %swap3A_34 : vector<1x1000x128xf32> to vector<1000x128xf32>
    %swap3A_36 = vector.shape_cast %slice3A : vector<1000x128xf32> to vector<1x1000x128xf32>
    tpu.vector_store %arg5[%swap3A_31, %swap3A_32, %swap3A_33], %swap3A_36 {strides = array<i32>} : memref<2x1000x128xf32, #tpu.memory_space<vmem>>, vector<1x1000x128xf32>,
    %slice3A_37 = vector.extract_strided_slice %mul3A_30 {offsets = [0, 128], sizes = [1000, 128], strides = [1, 1]} : vector<1000x256xf32> to vector<1000x128xf32>
    %swap3A_38 = arith.constant 1 : index
    %swap3A_39 = arith.constant 0 : index
    %swap3A_40 = arith.constant 0 : index
    %swap3A_41 = vector.load %arg5[%swap3A_38, %swap3A_39, %swap3A_40] : memref<2x1000x128xf32, #tpu.memory_space<vmem>>, vector<1x1000x128xf32>
    %swap3A_42 = vector.shape_cast %swap3A_41 : vector<1x1000x128xf32> to vector<1000x128xf32>
    %swap3A_43 = vector.shape_cast %slice3A_37 : vector<1000x128xf32> to vector<1x1000x128xf32>
    tpu.vector_store %arg5[%swap3A_38, %swap3A_39, %swap3A_40], %swap3A_43 {strides = array<i32>} : memref<2x1000x128xf32, #tpu.memory_space<vmem>>, vector<1x1000x128xf32>,
    return
  }
  func.func @transform_0(%arg0: i32) -> (i32, i32, i32) {
    %c0_i32 = arith.constant 0 : i32
    %c0_i32_0 = arith.constant 0 : i32
    %c0_i32_1 = arith.constant 0 : i32
    return %c0_i32, %arg0, %c0_i32_0 : i32, i32, i32
  }
  func.func @transform_1(%arg0: i32) -> (i32, i32) {
    %c0_i32 = arith.constant 0 : i32
    %c0_i32_0 = arith.constant 0 : i32
    return %arg0, %c0_i32 : i32, i32
  }
  func.func @transform_2(%arg0: i32) -> (i32, i32) {
    %c0_i32 = arith.constant 0 : i32
    %c0_i32_0 = arith.constant 0 : i32
    return %arg0, %c0_i32 : i32, i32
  }
  func.func @transform_3(%arg0: i32) -> (i32, i32) {
    %c0_i32 = arith.constant 0 : i32
    %c0_i32_0 = arith.constant 0 : i32
    return %arg0, %c0_i32 : i32, i32
  }
  func.func @transform_4(%arg0: i32) -> (i32, i32, i32) {
    %c0_i32 = arith.constant 0 : i32
    %c0_i32_0 = arith.constant 0 : i32
    %c0_i32_1 = arith.constant 0 : i32
    return %c0_i32, %arg0, %c0_i32_0 : i32, i32, i32
  }
}

module attributes {stable_mosaic.version = 14 : i64} {
  func.func @_mid_body(%arg0: i32, %arg1: memref<2x1000x128xf32, #tpu.memory_space<vmem>>, %arg2: memref<1000x8xf32, #tpu.memory_space<vmem>>, %arg3: memref<1000x8xf32, #tpu.memory_space<vmem>>, %arg4: memref<1000x256xf32, #tpu.memory_space<vmem>>, %arg5: memref<2x1000x128xf32, #tpu.memory_space<vmem>>) attributes {dimension_semantics = [#tpu.dimension_semantics<arbitrary>], iteration_bounds = array<i64: 10>, scalar_prefetch = 0 : i64, scratch_operands = 0 : i64, tpu.core_type = #tpu.core_type<tc>, window_params = [{transform_indices = @transform_0, window_bounds = array<i64: 2, 1000, 128>}, {transform_indices = @transform_1, window_bounds = array<i64: 1000, 8>}, {transform_indices = @transform_2, window_bounds = array<i64: 1000, 8>}, {transform_indices = @transform_3, window_bounds = array<i64: 1000, 256>}, {transform_indices = @transform_4, window_bounds = array<i64: 2, 1000, 128>}]} {
    %get3A = arith.constant 0 : index
    %get3A_0 = arith.constant 0 : index
    %get3A_1 = vector.load %arg2[%get3A, %get3A_0] : memref<1000x8xf32, #tpu.memory_space<vmem>>, vector<1000x1xf32>
    %get3A_2 = arith.constant 0 : index
    %get3A_3 = arith.constant 0 : index
    %get3A_4 = vector.load %arg3[%get3A_2, %get3A_3] : memref<1000x8xf32, #tpu.memory_space<vmem>>, vector<1000x1xf32>
    %get3A_5 = arith.constant 0 : index
    %get3A_6 = arith.constant 0 : index
    %get3A_7 = arith.constant 0 : index
    %get3A_8 = vector.load %arg1[%get3A_5, %get3A_6, %get3A_7] : memref<2x1000x128xf32, #tpu.memory_space<vmem>>, vector<1x1000x128xf32>
    %get3A_9 = vector.shape_cast %get3A_8 : vector<1x1000x128xf32> to vector<1000x128xf32>
    %mul3A = vector.broadcast %get3A_4 : vector<1000x1xf32> to vector<1000x128xf32>
    %mul3A_10 = arith.mulf %get3A_9, %mul3A : vector<1000x128xf32>
    %get3A_11 = arith.constant 1 : index
    %get3A_12 = arith.constant 0 : index
    %get3A_13 = arith.constant 0 : index
    %get3A_14 = vector.load %arg1[%get3A_11, %get3A_12, %get3A_13] : memref<2x1000x128xf32, #tpu.memory_space<vmem>>, vector<1x1000x128xf32>
    %get3A_15 = vector.shape_cast %get3A_14 : vector<1x1000x128xf32> to vector<1000x128xf32>
    %mul3A_16 = vector.broadcast %get3A_4 : vector<1000x1xf32> to vector<1000x128xf32>
    %mul3A_17 = arith.mulf %get3A_15, %mul3A_16 : vector<1000x128xf32>
    %concatenate3A = tpu.concatenate %mul3A_10, %mul3A_17 in 1 : vector<1000x128xf32>, vector<1000x128xf32> -> vector<1000x256xf32>
    %swap3A = arith.constant 0 : index
    %swap3A_18 = arith.constant 0 : index
    %swap3A_19 = vector.load %arg4[%swap3A, %swap3A_18] : memref<1000x256xf32, #tpu.memory_space<vmem>>, vector<1000x256xf32>
    tpu.vector_store %arg4[%swap3A, %swap3A_18], %concatenate3A {strides = array<i32>} : memref<1000x256xf32, #tpu.memory_space<vmem>>, vector<1000x256xf32>,
    %mul3A_20 = vector.broadcast %get3A_1 : vector<1000x1xf32> to vector<1000x128xf32>
    %mul3A_21 = arith.mulf %mul3A_10, %mul3A_20 : vector<1000x128xf32>
    %swap3A_22 = arith.constant 0 : index
    %swap3A_23 = arith.constant 0 : index
    %swap3A_24 = arith.constant 0 : index
    %swap3A_25 = vector.load %arg5[%swap3A_22, %swap3A_23, %swap3A_24] : memref<2x1000x128xf32, #tpu.memory_space<vmem>>, vector<1x1000x128xf32>
    %swap3A_26 = vector.shape_cast %swap3A_25 : vector<1x1000x128xf32> to vector<1000x128xf32>
    %swap3A_27 = vector.shape_cast %mul3A_21 : vector<1000x128xf32> to vector<1x1000x128xf32>
    tpu.vector_store %arg5[%swap3A_22, %swap3A_23, %swap3A_24], %swap3A_27 {strides = array<i32>} : memref<2x1000x128xf32, #tpu.memory_space<vmem>>, vector<1x1000x128xf32>,
    %mul3A_28 = vector.broadcast %get3A_1 : vector<1000x1xf32> to vector<1000x128xf32>
    %mul3A_29 = arith.mulf %mul3A_17, %mul3A_28 : vector<1000x128xf32>
    %swap3A_30 = arith.constant 1 : index
    %swap3A_31 = arith.constant 0 : index
    %swap3A_32 = arith.constant 0 : index
    %swap3A_33 = vector.load %arg5[%swap3A_30, %swap3A_31, %swap3A_32] : memref<2x1000x128xf32, #tpu.memory_space<vmem>>, vector<1x1000x128xf32>
    %swap3A_34 = vector.shape_cast %swap3A_33 : vector<1x1000x128xf32> to vector<1000x128xf32>
    %swap3A_35 = vector.shape_cast %mul3A_29 : vector<1000x128xf32> to vector<1x1000x128xf32>
    tpu.vector_store %arg5[%swap3A_30, %swap3A_31, %swap3A_32], %swap3A_35 {strides = array<i32>} : memref<2x1000x128xf32, #tpu.memory_space<vmem>>, vector<1x1000x128xf32>,
    return
  }
  func.func @transform_0(%arg0: i32) -> (i32, i32, i32) {
    %c0_i32 = arith.constant 0 : i32
    %c0_i32_0 = arith.constant 0 : i32
    %c0_i32_1 = arith.constant 0 : i32
    return %c0_i32, %arg0, %c0_i32_0 : i32, i32, i32
  }
  func.func @transform_1(%arg0: i32) -> (i32, i32) {
    %c0_i32 = arith.constant 0 : i32
    %c0_i32_0 = arith.constant 0 : i32
    return %arg0, %c0_i32 : i32, i32
  }
  func.func @transform_2(%arg0: i32) -> (i32, i32) {
    %c0_i32 = arith.constant 0 : i32
    %c0_i32_0 = arith.constant 0 : i32
    return %arg0, %c0_i32 : i32, i32
  }
  func.func @transform_3(%arg0: i32) -> (i32, i32) {
    %c0_i32 = arith.constant 0 : i32
    %c0_i32_0 = arith.constant 0 : i32
    return %arg0, %c0_i32 : i32, i32
  }
  func.func @transform_4(%arg0: i32) -> (i32, i32, i32) {
    %c0_i32 = arith.constant 0 : i32
    %c0_i32_0 = arith.constant 0 : i32
    %c0_i32_1 = arith.constant 0 : i32
    return %c0_i32, %arg0, %c0_i32_0 : i32, i32, i32
  }
}

module attributes {stable_mosaic.version = 14 : i64} {
  func.func @_final_body(%arg0: i32, %arg1: i32, %arg2: memref<1000x256xf32, #tpu.memory_space<vmem>>, %arg3: memref<1000x256xf32, #tpu.memory_space<vmem>>, %arg4: memref<2x1000x128xf32, #tpu.memory_space<vmem>>, %arg5: memref<1000x8xf32, #tpu.memory_space<vmem>>, %arg6: memref<256x256xf32, #tpu.memory_space<vmem>>, %arg7: memref<256x256xf32, #tpu.memory_space<vmem>>, %arg8: memref<256x256xf32, #tpu.memory_space<vmem>>, %arg9: memref<1x256xf32, #tpu.memory_space<vmem>>, %arg10: memref<1x256xf32, #tpu.memory_space<vmem>>, %arg11: memref<1x256xf32, #tpu.memory_space<vmem>>, %arg12: memref<1000x256xf32, #tpu.memory_space<vmem>>, %arg13: memref<10000x256xf32, #tpu.memory_space<vmem>>, %arg14: memref<2x256xf32, #tpu.memory_space<vmem>>) attributes {dimension_semantics = [#tpu.dimension_semantics<arbitrary>, #tpu.dimension_semantics<arbitrary>], iteration_bounds = array<i64: 2, 10>, scalar_prefetch = 0 : i64, scratch_operands = 2 : i64, tpu.core_type = #tpu.core_type<tc>, window_params = [{transform_indices = @transform_0, window_bounds = array<i64: 1000, 256>}, {transform_indices = @transform_1, window_bounds = array<i64: 1000, 256>}, {transform_indices = @transform_2, window_bounds = array<i64: 2, 1000, 128>}, {transform_indices = @transform_3, window_bounds = array<i64: 1000, 8>}, {pipeline_mode = #tpu.pipeline_mode<synchronous>, transform_indices = @transform_4, window_bounds = array<i64: 256, 256>}, {pipeline_mode = #tpu.pipeline_mode<synchronous>, transform_indices = @transform_5, window_bounds = array<i64: 256, 256>}, {pipeline_mode = #tpu.pipeline_mode<synchronous>, transform_indices = @transform_6, window_bounds = array<i64: 256, 256>}, {pipeline_mode = #tpu.pipeline_mode<synchronous>, transform_indices = @transform_7, window_bounds = array<i64: 1, 256>}, {pipeline_mode = #tpu.pipeline_mode<synchronous>, transform_indices = @transform_8, window_bounds = array<i64: 1, 256>}, {pipeline_mode = #tpu.pipeline_mode<synchronous>, transform_indices = @transform_9, window_bounds = array<i64: 1, 256>}, {transform_indices = @transform_10, window_bounds = array<i64: 1000, 256>}]} {
    %mul3A = arith.constant 1000 : i32
    %mul3A_0 = arith.muli %arg1, %mul3A : i32
    %eq3A = arith.constant 0 : i32
    %eq3A_1 = arith.cmpi eq, %arg0, %eq3A : i32
    %eq3A_2 = arith.constant 0 : i32
    %eq3A_3 = arith.cmpi eq, %arg1, %eq3A_2 : i32
    %and3A = arith.andi %eq3A_1, %eq3A_3 : i1
    %convert_element_type3A = arith.extui %and3A : i1 to i32
    %cond3A = arith.constant 0 : i32
    %cond3A_4 = arith.cmpi ne, %convert_element_type3A, %cond3A : i32
    scf.if %cond3A_4 {
      %broadcast_in_dim3A = arith.constant 0.000000e+00 : f32
      %broadcast_in_dim3A_15 = vector.broadcast %broadcast_in_dim3A : f32 to vector<2x256xf32>
      %swap3A = arith.constant 0 : index
      %swap3A_16 = arith.constant 0 : index
      %swap3A_17 = vector.load %arg14[%swap3A, %swap3A_16] : memref<2x256xf32, #tpu.memory_space<vmem>>, vector<2x256xf32>
      tpu.vector_store %arg14[%swap3A, %swap3A_16], %broadcast_in_dim3A_15 {strides = array<i32>} : memref<2x256xf32, #tpu.memory_space<vmem>>, vector<2x256xf32>,
    } else {
    }
    %eq3A_5 = arith.constant 0 : i32
    %eq3A_6 = arith.cmpi eq, %arg0, %eq3A_5 : i32
    %convert_element_type3A_7 = arith.extui %eq3A_6 : i1 to i32
    %cond3A_8 = arith.constant 0 : i32
    %cond3A_9 = arith.cmpi ne, %convert_element_type3A_7, %cond3A_8 : i32
    scf.if %cond3A_9 {
      %get3A = arith.constant 0 : index
      %get3A_15 = arith.constant 0 : index
      %get3A_16 = vector.load %arg5[%get3A, %get3A_15] : memref<1000x8xf32, #tpu.memory_space<vmem>>, vector<1000x1xf32>
      %get3A_17 = arith.constant 0 : index
      %get3A_18 = arith.constant 0 : index
      %get3A_19 = arith.constant 0 : index
      %get3A_20 = vector.load %arg4[%get3A_17, %get3A_18, %get3A_19] : memref<2x1000x128xf32, #tpu.memory_space<vmem>>, vector<1x1000x128xf32>
      %get3A_21 = vector.shape_cast %get3A_20 : vector<1x1000x128xf32> to vector<1000x128xf32>
      %mul3A_22 = vector.broadcast %get3A_16 : vector<1000x1xf32> to vector<1000x128xf32>
      %mul3A_23 = arith.mulf %get3A_21, %mul3A_22 : vector<1000x128xf32>
      %get3A_24 = arith.constant 1 : index
      %get3A_25 = arith.constant 0 : index
      %get3A_26 = arith.constant 0 : index
      %get3A_27 = vector.load %arg4[%get3A_24, %get3A_25, %get3A_26] : memref<2x1000x128xf32, #tpu.memory_space<vmem>>, vector<1x1000x128xf32>
      %get3A_28 = vector.shape_cast %get3A_27 : vector<1x1000x128xf32> to vector<1000x128xf32>
      %mul3A_29 = vector.broadcast %get3A_16 : vector<1000x1xf32> to vector<1000x128xf32>
      %mul3A_30 = arith.mulf %get3A_28, %mul3A_29 : vector<1000x128xf32>
      %concatenate3A = tpu.concatenate %mul3A_23, %mul3A_30 in 1 : vector<1000x128xf32>, vector<1000x128xf32> -> vector<1000x256xf32>
      %get3A_31 = arith.constant 0 : index
      %get3A_32 = arith.constant 0 : index
      %get3A_33 = vector.load %arg2[%get3A_31, %get3A_32] : memref<1000x256xf32, #tpu.memory_space<vmem>>, vector<1000x256xf32>
      %get3A_34 = arith.constant 0 : index
      %get3A_35 = arith.constant 0 : index
      %get3A_36 = vector.load %arg6[%get3A_34, %get3A_35] : memref<256x256xf32, #tpu.memory_space<vmem>>, vector<256x256xf32>
      %dot_general3A = arith.constant dense<0.000000e+00> : vector<1000x256xf32>
      %dot_general3A_37 = tpu.matmul %get3A_33, %get3A_36, %dot_general3A {dimension_numbers = #tpu.dot_dimension_numbers<[1], [1], [0], [0], [0, 0, 1, 0], [], []>, transpose_lhs_hint = false} : vector<1000x256xf32>, vector<256x256xf32>, vector<1000x256xf32> -> vector<1000x256xf32>
      %get3A_38 = arith.constant 0 : index
      %get3A_39 = arith.constant 0 : index
      %get3A_40 = vector.load %arg3[%get3A_38, %get3A_39] : memref<1000x256xf32, #tpu.memory_space<vmem>>, vector<1000x256xf32>
      %get3A_41 = arith.constant 0 : index
      %get3A_42 = arith.constant 0 : index
      %get3A_43 = vector.load %arg7[%get3A_41, %get3A_42] : memref<256x256xf32, #tpu.memory_space<vmem>>, vector<256x256xf32>
      %dot_general3A_44 = arith.constant dense<0.000000e+00> : vector<1000x256xf32>
      %dot_general3A_45 = tpu.matmul %get3A_40, %get3A_43, %dot_general3A_44 {dimension_numbers = #tpu.dot_dimension_numbers<[1], [1], [0], [0], [0, 0, 1, 0], [], []>, transpose_lhs_hint = false} : vector<1000x256xf32>, vector<256x256xf32>, vector<1000x256xf32> -> vector<1000x256xf32>
      %add3A = arith.addf %dot_general3A_37, %dot_general3A_45 : vector<1000x256xf32>
      %get3A_46 = arith.constant 0 : index
      %get3A_47 = arith.constant 0 : index
      %get3A_48 = vector.load %arg8[%get3A_46, %get3A_47] : memref<256x256xf32, #tpu.memory_space<vmem>>, vector<256x256xf32>
      %dot_general3A_49 = arith.constant dense<0.000000e+00> : vector<1000x256xf32>
      %dot_general3A_50 = tpu.matmul %concatenate3A, %get3A_48, %dot_general3A_49 {dimension_numbers = #tpu.dot_dimension_numbers<[1], [1], [0], [0], [0, 0, 1, 0], [], []>, transpose_lhs_hint = false} : vector<1000x256xf32>, vector<256x256xf32>, vector<1000x256xf32> -> vector<1000x256xf32>
      %add3A_51 = arith.addf %add3A, %dot_general3A_50 : vector<1000x256xf32>
      %get3A_52 = arith.constant 0 : index
      %get3A_53 = arith.constant 0 : index
      %get3A_54 = vector.load %arg9[%get3A_52, %get3A_53] : memref<1x256xf32, #tpu.memory_space<vmem>>, vector<1x256xf32>
      %add3A_55 = vector.broadcast %get3A_54 : vector<1x256xf32> to vector<1000x256xf32>
      %add3A_56 = arith.addf %add3A_51, %add3A_55 : vector<1000x256xf32>
      %swap3A = arith.index_cast %mul3A_0 : i32 to index
      %swap3A_57 = arith.constant 0 : index
      %swap3A_58 = vector.load %arg13[%swap3A, %swap3A_57] : memref<10000x256xf32, #tpu.memory_space<vmem>>, vector<1000x256xf32>
      tpu.vector_store %arg13[%swap3A, %swap3A_57], %add3A_56 {strides = array<i32>} : memref<10000x256xf32, #tpu.memory_space<vmem>>, vector<1000x256xf32>,
      %get3A_59 = arith.constant 0 : index
      %get3A_60 = arith.constant 0 : index
      %get3A_61 = vector.load %arg14[%get3A_59, %get3A_60] : memref<2x256xf32, #tpu.memory_space<vmem>>, vector<1x256xf32>
      %get3A_62 = vector.shape_cast %get3A_61 : vector<1x256xf32> to vector<256xf32>
      %reduce_sum3A = arith.constant dense<0.000000e+00> : vector<256xf32>
      %reduce_sum3A_63 = vector.multi_reduction <add>, %add3A_56, %reduce_sum3A [0] : vector<1000x256xf32> to vector<256xf32>
      %add3A_64 = arith.addf %get3A_62, %reduce_sum3A_63 : vector<256xf32>
      %swap3A_65 = arith.constant 0 : index
      %swap3A_66 = arith.constant 0 : index
      %swap3A_67 = vector.load %arg14[%swap3A_65, %swap3A_66] : memref<2x256xf32, #tpu.memory_space<vmem>>, vector<1x256xf32>
      %swap3A_68 = vector.shape_cast %swap3A_67 : vector<1x256xf32> to vector<256xf32>
      %swap3A_69 = vector.shape_cast %add3A_64 : vector<256xf32> to vector<1x256xf32>
      tpu.vector_store %arg14[%swap3A_65, %swap3A_66], %swap3A_69 {strides = array<i32>} : memref<2x256xf32, #tpu.memory_space<vmem>>, vector<1x256xf32>,
      %get3A_70 = arith.constant 1 : index
      %get3A_71 = arith.constant 0 : index
      %get3A_72 = vector.load %arg14[%get3A_70, %get3A_71] : memref<2x256xf32, #tpu.memory_space<vmem>>, vector<1x256xf32>
      %get3A_73 = vector.shape_cast %get3A_72 : vector<1x256xf32> to vector<256xf32>
      %mul3A_74 = arith.mulf %add3A_56, %add3A_56 : vector<1000x256xf32>
      %reduce_sum3A_75 = arith.constant dense<0.000000e+00> : vector<256xf32>
      %reduce_sum3A_76 = vector.multi_reduction <add>, %mul3A_74, %reduce_sum3A_75 [0] : vector<1000x256xf32> to vector<256xf32>
      %add3A_77 = arith.addf %get3A_73, %reduce_sum3A_76 : vector<256xf32>
      %swap3A_78 = arith.constant 1 : index
      %swap3A_79 = arith.constant 0 : index
      %swap3A_80 = vector.load %arg14[%swap3A_78, %swap3A_79] : memref<2x256xf32, #tpu.memory_space<vmem>>, vector<1x256xf32>
      %swap3A_81 = vector.shape_cast %swap3A_80 : vector<1x256xf32> to vector<256xf32>
      %swap3A_82 = vector.shape_cast %add3A_77 : vector<256xf32> to vector<1x256xf32>
      tpu.vector_store %arg14[%swap3A_78, %swap3A_79], %swap3A_82 {strides = array<i32>} : memref<2x256xf32, #tpu.memory_space<vmem>>, vector<1x256xf32>,
      %swap3A_83 = arith.constant 0 : index
      %swap3A_84 = arith.constant 0 : index
      %swap3A_85 = vector.load %arg12[%swap3A_83, %swap3A_84] : memref<1000x256xf32, #tpu.memory_space<vmem>>, vector<1000x256xf32>
      tpu.vector_store %arg12[%swap3A_83, %swap3A_84], %add3A_56 {strides = array<i32>} : memref<1000x256xf32, #tpu.memory_space<vmem>>, vector<1000x256xf32>,
    } else {
    }
    %eq3A_10 = arith.constant 1 : i32
    %eq3A_11 = arith.cmpi eq, %arg0, %eq3A_10 : i32
    %convert_element_type3A_12 = arith.extui %eq3A_11 : i1 to i32
    %cond3A_13 = arith.constant 0 : i32
    %cond3A_14 = arith.cmpi ne, %convert_element_type3A_12, %cond3A_13 : i32
    scf.if %cond3A_14 {
      %get3A = arith.constant 0 : index
      %get3A_15 = arith.constant 0 : index
      %get3A_16 = vector.load %arg14[%get3A, %get3A_15] : memref<2x256xf32, #tpu.memory_space<vmem>>, vector<1x256xf32>
      %get3A_17 = vector.shape_cast %get3A_16 : vector<1x256xf32> to vector<256xf32>
      %div3A = arith.constant 1.000000e+04 : f32
      %div3A_18 = vector.broadcast %div3A : f32 to vector<256xf32>
      %div3A_19 = arith.divf %get3A_17, %div3A_18 : vector<256xf32>
      %get3A_20 = arith.constant 1 : index
      %get3A_21 = arith.constant 0 : index
      %get3A_22 = vector.load %arg14[%get3A_20, %get3A_21] : memref<2x256xf32, #tpu.memory_space<vmem>>, vector<1x256xf32>
      %get3A_23 = vector.shape_cast %get3A_22 : vector<1x256xf32> to vector<256xf32>
      %div3A_24 = arith.constant 1.000000e+04 : f32
      %div3A_25 = vector.broadcast %div3A_24 : f32 to vector<256xf32>
      %div3A_26 = arith.divf %get3A_23, %div3A_25 : vector<256xf32>
      %mul3A_27 = arith.mulf %div3A_19, %div3A_19 : vector<256xf32>
      %sub3A = arith.subf %div3A_26, %mul3A_27 : vector<256xf32>
      %add3A = arith.constant 9.99999974E-6 : f32
      %add3A_28 = vector.broadcast %add3A : f32 to vector<256xf32>
      %add3A_29 = arith.addf %sub3A, %add3A_28 : vector<256xf32>
      %rsqrt3A = math.rsqrt %add3A_29 : vector<256xf32>
      %get3A_30 = arith.index_cast %mul3A_0 : i32 to index
      %get3A_31 = arith.constant 0 : index
      %get3A_32 = vector.load %arg13[%get3A_30, %get3A_31] : memref<10000x256xf32, #tpu.memory_space<vmem>>, vector<1000x256xf32>
      %broadcast_in_dim3A = vector.shape_cast %div3A_19 : vector<256xf32> to vector<1x256xf32>
      %sub3A_33 = vector.broadcast %broadcast_in_dim3A : vector<1x256xf32> to vector<1000x256xf32>
      %sub3A_34 = arith.subf %get3A_32, %sub3A_33 : vector<1000x256xf32>
      %get3A_35 = arith.constant 0 : index
      %get3A_36 = arith.constant 0 : index
      %get3A_37 = vector.load %arg10[%get3A_35, %get3A_36] : memref<1x256xf32, #tpu.memory_space<vmem>>, vector<1x256xf32>
      %broadcast_in_dim3A_38 = vector.shape_cast %rsqrt3A : vector<256xf32> to vector<1x256xf32>
      %mul3A_39 = arith.mulf %broadcast_in_dim3A_38, %get3A_37 : vector<1x256xf32>
      %mul3A_40 = vector.broadcast %mul3A_39 : vector<1x256xf32> to vector<1000x256xf32>
      %mul3A_41 = arith.mulf %sub3A_34, %mul3A_40 : vector<1000x256xf32>
      %get3A_42 = arith.constant 0 : index
      %get3A_43 = arith.constant 0 : index
      %get3A_44 = vector.load %arg11[%get3A_42, %get3A_43] : memref<1x256xf32, #tpu.memory_space<vmem>>, vector<1x256xf32>
      %add3A_45 = vector.broadcast %get3A_44 : vector<1x256xf32> to vector<1000x256xf32>
      %add3A_46 = arith.addf %mul3A_41, %add3A_45 : vector<1000x256xf32>
      %get3A_47 = arith.constant 0 : index
      %get3A_48 = arith.constant 0 : index
      %get3A_49 = vector.load %arg2[%get3A_47, %get3A_48] : memref<1000x256xf32, #tpu.memory_space<vmem>>, vector<1000x256xf32>
      %max3A = arith.constant 0.000000e+00 : f32
      %max3A_50 = vector.broadcast %max3A : f32 to vector<1000x256xf32>
      %max3A_51 = arith.maximumf %add3A_46, %max3A_50 : vector<1000x256xf32>
      %add3A_52 = arith.addf %get3A_49, %max3A_51 : vector<1000x256xf32>
      %swap3A = arith.constant 0 : index
      %swap3A_53 = arith.constant 0 : index
      %swap3A_54 = vector.load %arg12[%swap3A, %swap3A_53] : memref<1000x256xf32, #tpu.memory_space<vmem>>, vector<1000x256xf32>
      tpu.vector_store %arg12[%swap3A, %swap3A_53], %add3A_52 {strides = array<i32>} : memref<1000x256xf32, #tpu.memory_space<vmem>>, vector<1000x256xf32>,
    } else {
    }
    return
  }
  func.func @transform_0(%arg0: i32, %arg1: i32) -> (i32, i32) {
    %c0_i32 = arith.constant 0 : i32
    %c0_i32_0 = arith.constant 0 : i32
    return %arg1, %c0_i32 : i32, i32
  }
  func.func @transform_1(%arg0: i32, %arg1: i32) -> (i32, i32) {
    %c0_i32 = arith.constant 0 : i32
    %c0_i32_0 = arith.constant 0 : i32
    return %arg1, %c0_i32 : i32, i32
  }
  func.func @transform_2(%arg0: i32, %arg1: i32) -> (i32, i32, i32) {
    %c0_i32 = arith.constant 0 : i32
    %c0_i32_0 = arith.constant 0 : i32
    %c0_i32_1 = arith.constant 0 : i32
    return %c0_i32, %arg1, %c0_i32_0 : i32, i32, i32
  }
  func.func @transform_3(%arg0: i32, %arg1: i32) -> (i32, i32) {
    %c0_i32 = arith.constant 0 : i32
    %c0_i32_0 = arith.constant 0 : i32
    return %arg1, %c0_i32 : i32, i32
  }
  func.func @transform_4(%arg0: i32, %arg1: i32) -> (i32, i32) {
    %c0_i32 = arith.constant 0 : i32
    %c0_i32_0 = arith.constant 0 : i32
    %c0_i32_1 = arith.constant 0 : i32
    return %c0_i32, %c0_i32_0 : i32, i32
  }
  func.func @transform_5(%arg0: i32, %arg1: i32) -> (i32, i32) {
    %c0_i32 = arith.constant 0 : i32
    %c0_i32_0 = arith.constant 0 : i32
    %c0_i32_1 = arith.constant 0 : i32
    return %c0_i32, %c0_i32_0 : i32, i32
  }
  func.func @transform_6(%arg0: i32, %arg1: i32) -> (i32, i32) {
    %c0_i32 = arith.constant 0 : i32
    %c0_i32_0 = arith.constant 0 : i32
    %c0_i32_1 = arith.constant 0 : i32
    return %c0_i32, %c0_i32_0 : i32, i32
  }
  func.func @transform_7(%arg0: i32, %arg1: i32) -> (i32, i32) {
    %c0_i32 = arith.constant 0 : i32
    %c0_i32_0 = arith.constant 0 : i32
    %c0_i32_1 = arith.constant 0 : i32
    return %c0_i32, %c0_i32_0 : i32, i32
  }
  func.func @transform_8(%arg0: i32, %arg1: i32) -> (i32, i32) {
    %c0_i32 = arith.constant 0 : i32
    %c0_i32_0 = arith.constant 0 : i32
    %c0_i32_1 = arith.constant 0 : i32
    return %c0_i32, %c0_i32_0 : i32, i32
  }
  func.func @transform_9(%arg0: i32, %arg1: i32) -> (i32, i32) {
    %c0_i32 = arith.constant 0 : i32
    %c0_i32_0 = arith.constant 0 : i32
    %c0_i32_1 = arith.constant 0 : i32
    return %c0_i32, %c0_i32_0 : i32, i32
  }
  func.func @transform_10(%arg0: i32, %arg1: i32) -> (i32, i32) {
    %c0_i32 = arith.constant 0 : i32
    %c0_i32_0 = arith.constant 0 : i32
    return %arg1, %c0_i32 : i32, i32
  }
}

</mosaic_0001>

<sc_bundles>
// kernel: kernel.11.cloned.1.call-start
scs
__scs_entry_jumppad:
0x0: {  	(pc) =	sbr.rel $0x88, $3  }
0x1: {  	(tag) =	ssettag $0x0;
	lr =	simm.s32 $0x1  }
0x2: {  	[smem:$0x3F99] =	sst lr;
	_ =	strace $0xD0000000  }
0x3: {  	_ = 	snop  }
0x4: {  	_ = 	snop  }
0x5: {  	_ = 	snop  }
0x6: {  	_ = 	snop  }
0x7: {  	_ = 	snop  }
__scs_overlays_trampoline_lowered:
0x8: {  	[smem:$0x3FA8] =	sst s0  }
0x9: {  	[smem:$0x3FA9] =	sst s1  }
0xa: {  	[smem:$0x3FAA] =	sst s2  }
0xb: {  	[smem:$0x3FAB] =	sst s3  }
0xc: {  	[smem:$0x3FAC] =	sst s4  }
0xd: {  	[smem:$0x3FAD] =	sst s5  }
0xe: {  	[smem:$0x3FAE] =	sst s6  }
0xf: {  	[smem:$0x3FAF] =	sst s7  }
0x10: {  	[smem:$0x3FB0] =	sst s8  }
0x11: {  	[smem:$0x3FB1] =	sst s9;
	s0 =	simm.s32 @!p0 $0x0  }
0x12: {  	s1 =	sld [smem:$0x3F97];
	s0 =	simm.s32 @p0 $0x1  }
0x13: {  	[smem:$0x3FB2] =	sst s0;
	s0 =	simm.s32 @!p1 $0x0  }
0x14: {  	s2 =	sld [smem:$0x3F96];
	s0 =	simm.s32 @p1 $0x1  }
0x15: {  	[smem:$0x3FB3] =	sst s0;
	s0 =	simm.s32 @!p2 $0x0  }
0x16: {  	s3 =	sld [smem:$0x3FDB];
	s0 =	simm.s32 @p2 $0x1  }
0x17: {  	s4 =	simm.s32 $0x1BF5;
	[smem:$0x3FB5] =	sst s0  }
0x18: {  	s0 =	sld [smem:$0x3F98];
	_ =	swait.ge [sflag:s4], $0x0  }
0x19: {  	s7 =	sld [smem:$0x3F99]  }
0x1a: {  	s8 =	sadd.s32 $0xFFFFE003, lr  }
0x1b: {  	s9 =	sadd.s32 $0xFFFFFEF7, lr;
	s5 =	simm.s32 $0xFFFFFFFF;
	p2 =	slt.u32 s8, $0xFFFFF086  }
0x1c: {  	p1 =	slt.u32 s9, $0xF7A;
	s5 =	simm.s32 @!p2 $0x0  }
0x1d: {  	s5 =	simm.s32 @p1 $0x1;
	p0 =	seq.s32 s7, s2  }
0x1e: {  	s7 =	smul.u32 @!p0 $0xF7A, s2;
	p2 =	seq.s32 @!p0 s5, $0x0  }
0x1f: {  	s9 =	smul.u32 $0xF7A, s1;
	s8 =	simm.s32 @!p0 $0x1BF5;
	p2 =	por !p2, p0  }
0x20: {  	[sflag:s8] =	ssyncset.s32 @!p0 $0xFFFFF086;
	s6 =	sadd.s32 @!p0 s3, s7;
	s7 =	simm.s32 @!p0 $0x108  }
0x21: {  	s3 =	sadd.s32 s3, s9;
	s6 =	sadd.s32 @!p0 $0x88, s6;
	s7 =	simm.s32 @p2 $0x1082  }
0x22: {  	[simem:s7], [sflag:s8] =	dma.local @!p0 [hbm:s6], $0xF7A  }
0x23: {  	s9 =	sor.u32 $0xD0000000, s2;
	s6 =	simm.s32 $0x108;
	_ =	swait.ge @!p0 [sflag:s8], $0x0  }
0x24: {  	s3 =	sadd.s32 $0x88, s3;
	s6 =	simm.s32 @!p1 $0x1082;
	[sflag:s4] =	ssyncset.s32 $0xFFFFF086  }
0x25: {  	[simem:s6], [sflag:s4] =	dma.local [hbm:s3], $0xF7A  }
0x26: {  	[smem:$0x3F99] =	sst s1;
	(tag) =	ssettag s2;
	_ =	strace s9  }
0x27: {  	s1 =	sld [smem:$0x3FA9]  }
0x28: {  	s2 =	sld [smem:$0x3FAA]  }
0x29: {  	s4 =	sld [smem:$0x3FAC]  }
0x2a: {  	p0 =	seq.s32 s5, $0x0;
	s5 =	sld [smem:$0x3FAD]  }
0x2b: {  	s6 =	sld [smem:$0x3FAE]  }
0x2c: {  	s7 =	sld [smem:$0x3FAF]  }
0x2d: {  	s3 =	simm.s32 $0x108;
	s8 =	sld [smem:$0x3FB0]  }
0x2e: {  	s3 =	simm.s32 @!p0 $0x1082;
	s9 =	sld [smem:$0x3FB1]  }
0x2f: {  	lr =	sadd.s32 s0, s3;
	s0 =	sld [smem:$0x3FA8]  }
0x30: {  	s3 =	sld [smem:$0x3FAB]  }
0x31: {  	[smem:$0x3FB4] =	sst s10  }
0x32: {  	s10 =	sld [smem:$0x3FB2];
	_ =	sdelay $0x3  }
0x33: {  	p0 =	seq.s32 s10, $0x1;
	s10 =	sld [smem:$0x3FB4];
	_ =	sdelay $0x3  }
0x34: {  	[smem:$0x3FB4] =	sst s10  }
0x35: {  	s10 =	sld [smem:$0x3FB3];
	_ =	sdelay $0x3  }
0x36: {  	p1 =	seq.s32 s10, $0x1;
	s10 =	sld [smem:$0x3FB4];
	_ =	sdelay $0x3  }
0x37: {  	[smem:$0x3FB4] =	sst s10  }
0x38: {  	s10 =	sld [smem:$0x3FB5]  }
0x39: {  	_ = 	snop;
	(pc) =	sbr.ind lr, $3  }
0x3a: {  	_ = 	snop  }
0x3b: {  	_ = 	snop  }
0x3c: {  	p2 =	seq.s32 s10, $0x1;
	s10 =	sld [smem:$0x3FB4]  }
0x3d: {  	_ =	shalt  }
0x3e: {  	_ =	shalt  }
0x3f: {  	_ =	shalt  }
0x40: {  	_ =	shalt  }
0x41: {  	_ =	shalt  }
0x42: {  	_ =	shalt  }
0x43: {  	_ =	shalt  }
0x44: {  	_ =	shalt  }
0x45: {  	_ =	shalt  }
0x46: {  	_ =	shalt  }
0x47: {  	_ =	shalt  }
0x48: {  	_ =	shalt  }
0x49: {  	_ =	shalt  }
0x4a: {  	_ =	shalt  }
0x4b: {  	_ =	shalt  }
0x4c: {  	_ =	shalt  }
0x4d: {  	_ =	shalt  }
0x4e: {  	_ =	shalt  }
0x4f: {  	_ =	shalt  }
0x50: {  	_ =	shalt  }
0x51: {  	_ =	shalt  }
0x52: {  	_ =	shalt  }
0x53: {  	_ =	shalt  }
0x54: {  	_ =	shalt  }
0x55: {  	_ =	shalt  }
0x56: {  	_ =	shalt  }
0x57: {  	_ =	shalt  }
0x58: {  	_ =	shalt  }
0x59: {  	_ =	shalt  }
0x5a: {  	_ =	shalt  }
0x5b: {  	_ =	shalt  }
0x5c: {  	_ =	shalt  }
0x5d: {  	_ =	shalt  }
0x5e: {  	_ =	shalt  }
0x5f: {  	_ =	shalt  }
0x60: {  	_ =	shalt  }
0x61: {  	_ =	shalt  }
0x62: {  	_ =	shalt  }
0x63: {  	_ =	shalt  }
0x64: {  	_ =	shalt  }
0x65: {  	_ =	shalt  }
0x66: {  	_ =	shalt  }
0x67: {  	_ =	shalt  }
0x68: {  	_ =	shalt  }
0x69: {  	_ =	shalt  }
0x6a: {  	_ =	shalt  }
0x6b: {  	_ =	shalt  }
0x6c: {  	_ =	shalt  }
0x6d: {  	_ =	shalt  }
0x6e: {  	_ =	shalt  }
0x6f: {  	_ =	shalt  }
0x70: {  	_ =	shalt  }
0x71: {  	_ =	shalt  }
0x72: {  	_ =	shalt  }
0x73: {  	_ =	shalt  }
0x74: {  	_ =	shalt  }
0x75: {  	_ =	shalt  }
0x76: {  	_ =	shalt  }
0x77: {  	_ =	shalt  }
0x78: {  	_ =	shalt  }
0x79: {  	_ =	shalt  }
0x7a: {  	_ =	shalt  }
0x7b: {  	_ =	shalt  }
0x7c: {  	_ =	shalt  }
0x7d: {  	_ =	shalt  }
0x7e: {  	_ =	shalt  }
0x7f: {  	_ =	shalt  }
0x80: {  	_ =	shalt  }
0x81: {  	_ =	shalt  }
0x82: {  	_ =	shalt  }
0x83: {  	_ =	shalt  }
0x84: {  	_ =	shalt  }
0x85: {  	_ =	shalt  }
0x86: {  	_ =	shalt  }
0x87: {  	_ =	shalt  }
.Lfunc_end0:
.L_simem_size_0:
called_computation.1_lowered:
.L_overlay_start_0:
0x88: {  	s2 =	sld [smem:$0x3FD9]  }
0x89: {  	s3 =	sld [smem:$0x3FFE];
	_ =	sdelay $0x1  }
0x8a: {  	s1 =	srdreg.scid  }
0x8b: {  	s0 =	sand.u32 $0x1, s1  }
0x8c: {  	s16 =	sshll.u32 s0, $0xA;
	s2 =	sadd.s32 s3, s2  }
0x8d: {  	s2 =	sadd.s32 s2, s16  }
0x8e: {  	[smem:$0x3FC0] =	sst s2  }
0x8f: {  	_ = 	snop  }
0x90: {  	(tm) =	ssettm $0x1  }
0x91: {  	s17 =	sld [smem:$0x3FFB];
	_ =	sdelay $0x3  }
0x92: {  	_ =	strace s17  }
0x93: {  	s2 =	sld [smem:$0x3FFC];
	_ =	sdelay $0x3  }
0x94: {  	_ =	strace s2  }
0x95: {  	s2 =	sld [smem:$0x3FFD];
	_ =	sdelay $0x3  }
0x96: {  	_ =	strace s2  }
0x97: {  	_ =	strace $0x8FFFFFFF  }
0x98: {  	s18 =	sld [smem:$0x3FDB];
	_ =	sdelay $0x1  }
0x99: {  	s19 =	simm.s32 $_scs_section_size  }
0x9a: {  	s4 =	simm.s32 $_size__tile_overlayer_lowered;
	s5 =	simm.s32 $_tile_overlayer_lowered  }
0x9b: {  	s22 =	simm.s32 $0x1BFF;
	s21 =	sshll.u32 s5, $0x1;
	s2 =	sadd.s32 s19, s18  }
0x9c: {  	s6 =	simm.s32 $0x0;
	s20 =	sshll.u32 s4, $0x1;
	s4 =	sadd.s32 s21, s2  }
0x9d: {  	[timem:s6], [sflag:s22] =	dma.local [hbm:s4], s20  }
0x9e: {  	_ =	swait.ge [sflag:s22], s20  }
0x9f: {  	s3 =	ssub.s32 $0x0, s20;
	[sflag:s22] =	ssyncset.done $0x0  }
0xa0: {  	[sflag:s22] =	ssyncadd.s32 s3;
	_ =	sdelay $0x1  }
0xa1: {  	s23 =	simm.s32 $0x1B8B  }
0xa2: {  	_ =	swait.ge [sflag:s23], $0x1  }
0xa3: {  	[sflag:s23] =	ssyncset.done $0x0  }
0xa4: {  	s25 =	simm.s32 $0x1B8E;
	s24 =	sld [smem:$0x3FFE];
	[sflag:s23] =	ssyncadd.s32 $0xFFFFFFFF  }
0xa5: {  	s26 =	simm.s32 $execute0_lowered;
	[smem:$0x3FD2] =	sst s25  }
0xa6: {  	s4 =	sshll.u32 s26, $0x1;
	_ =	strace $0x80000049;
	[dreg:$0x1] =	wrdreg $0xFFFFFFFF  }
0xa7: {  	s28 =	simm.s32 $_size_execute0_lowered;
	s2 =	sadd.s32 s2, s4;
	[dreg:$0x0] =	wrdreg $0x0  }
0xa8: {  	s4 =	sshll.u32 s28, $0x1;
	[dreg:$0x2] =	wrdreg s2  }
0xa9: {  	[dreg:$0x3] =	wrdreg s4  }
0xaa: {  	[dreg:$0x4] =	wrdreg $0xC0  }
0xab: {  	_ =	task [dreg:s6], $0x5FFFF  }
0xac: {  	[dreg:$0x1] =	wrdreg $0xFFFFFFFF  }
0xad: {  	[dreg:$0x0] =	wrdreg $0x60  }
0xae: {  	[dreg:$0x2] =	wrdreg s24  }
0xaf: {  	[dreg:$0x3] =	wrdreg $0x0  }
0xb0: {  	[dreg:$0x4] =	wrdreg $0x9  }
0xb1: {  	_ =	task.clear_ibuf [dreg:s6], $0x5FFFF;
	_ =	strace $0x90000049  }
0xb2: {  	s29 =	simm.s32 $0x9;
	_ =	strace $0x8000004B  }
0xb3: {  	_ =	swait.ge [sflag:s29], $0x1  }
0xb4: {  	[sflag:s29] =	ssyncadd.s32 $0xFFFFFFFF  }
0xb5: {  	_ =	strace $0x9000004B  }
0xb6: {  	_ =	sfence  }
0xb7: {  	s30 =	sld [smem:$0x0];
	_ =	sdelay $0x2  }
0xb8: {  	s31 =	sshll.u32 s1, $0xD;
	s1 =	sshrl.u32 s1, $0x2  }
0xb9: {  	s3 =	sand.u32 $0x4000, s31;
	s1 =	sadd.s32 s1, s30  }
0xba: {  	s0 =	sor.u32 s3, s0;
	s1 =	sshll.u32 s1, $0x11  }
0xbb: {  	s0 =	sor.u32 s1, s0  }
0xbc: {  	s0 =	sadd.s32 $0x8F2B, s0  }
0xbd: {  	[sflag:s0] =	ssyncadd.remote.s32 $0x1  }
0xbe: {  	_ =	sfence.sel $0xFFFF  }
0xbf: {  	[dreg:$0x0] =	wrdreg $0xFFFFFFFF;
	(pc) =	sbr.abs _section_cstart, $3  }
0xc0: {  	[dreg:$0x1] =	wrdreg $0xFFFFFFFF  }
0xc1: {  	_ =	task.clear_ibuf [dreg:s6], $0x2FFFF;
	_ =	strace $0x9FFFFFFF  }
0xc2: {  	(tm) =	ssettm $0x7FFFFFFF  }
0xc3: {  	_ =	shalt  }
tec
execute0_lowered:
.L_overlay_start_1:
0x0: {  	(tag) =	ssettag $0x1  }
0x1: {  	s0 =	rddreg [dreg:$0x0]  }
0x2: {  	s2 =	rddreg [dreg:$0x1]  }
0x3: {  	s11 =	stileid.u32;
	s1 =	srdreg.scid;
	s3 =	simm.s32 $0x0  }
0x4: {  	s28 =	simm.s32 $0x1;
	s29 =	simm.s32 $0x2;
	s30 =	simm.s32 $0x0  }
0x5: {  	s6 =	smul.u32 $0x13C00, s11;
	s1 =	sand.u32 $0x1, s1;
	[smem:$0x7FF] =	sst s3  }
0x6: {  	s4 =	sadd.s32 $0x13800, s0;
	s5 =	sadd.s32 $0x9A00, s0;
	s18 =	smul.u32 $0x4F000, s11  }
0x7: {  	s21 =	sshll.u32 s11, $0x6;
	s16 =	sshll.u32 s11, $0x7;
	s22 =	sshll.u32 s11, $0x4  }
0x8: {  	p0 =	sgt.u32 s11, $0x1;
	s7 =	smul.u32 $0x13C000, s1;
	_ =	strace $0x8000004A  }
0x9: {  	s9 =	ssub.s32 $0x2, s1;
	s1 =	smul.u32 $0x2780, s1;
	s10 =	sadd.s32 $0x27400, s16  }
0xa: {  	s14 =	sand.u32 $0x400, s16;
	s15 =	sor.u32 $0x27C00, s16;
	s17 =	sor.u32 $0x28400, s16  }
0xb: {  	s25 =	sshrl.u32 s16, $0x3;
	s16 =	sor.u32 $0x1000, s16;
	s8 =	sshrl.u32 s6, $0x3  }
0xc: {  	s19 =	sshrl.u32 s9, $0x1;
	s10 =	sshrl.u32 s10, $0x3;
	s26 =	sadd.s32 s14, s15  }
0xd: {  	s17 =	sadd.s32 s14, s17;
	s6 =	sadd.s32 s6, s7;
	s8 =	sadd.s32 s8, s0  }
0xe: {  	s7 =	sshrl.u32 s18, $0x2;
	s10 =	sadd.s32 s5, s10;
	s31 =	sshrl.u32 s17, $0x3  }
0xf: {  	s6 =	sshrl.u32 s6, $0x3;
	s20 =	sadd.s32 s7, s2;
	s8 =	sadd.s32 $0x62800, s8  }
0x10: {  	s7 =	sor.u32 $0x1C03, s21;
	[dreg:$0x4] =	wrdreg s10;
	s17 =	sadd.s32 s31, s5  }
0x11: {  	s21 =	simm.s32 $0x13C80;
	s0 =	sadd.s32 s6, s0;
	s6 =	ssub.s32 s9, s19  }
0x12: {  	[dreg:$0x3] =	wrdreg s8;
	s8 =	sadd.s32 s5, s22;
	s18 =	sshrl.u32 s20, $0x3  }
0x13: {  	s19 =	simm.s32 $0x3;
	s20 =	simm.s32 $0x13C00;
	s23 =	sadd.s32 $0x4E00, s8  }
0x14: {  	s22 =	simm.s32 $0x80;
	s24 =	sadd.s32 $0x9C80, s8;
	[dreg:$0x5] =	wrdreg s23  }
0x15: {  	s0 =	sadd.s32 $0x8A000, s0;
	s13 =	smax.u32 s6, $0x1;
	[dreg:$0x6] =	wrdreg s24  }
0x16: {  	s6 =	sshrl.u32 s26, $0x3;
	s26 =	simm.s32 $0x17E00;
	[dreg:$0x7] =	wrdreg s0  }
0x17: {  	s0 =	sadd.s32 s25, s5;
	s15 =	sadd.s32 s6, s5;
	s23 =	simm.s32 $0x13E00  }
0x18: {  	v0 =	vmov s1;
	s24 =	simm.s32 $0x13D00;
	s25 =	simm.s32 $0x13D80;
	s14 =	sadd.s32 $0x100, s0  }
.LBB2_1:
0x19: {  	s0 =	rddreg [dreg:$0x3]  }
0x1a: {  	[spmem:s18], [sflag:s7] =	dma.local [hbm:s0], $0x2780  }
0x1b: {  	_ =	swait.ge [sflag:s19], $0x2780  }
0x1c: {  	[sflag:s19] =	ssyncset.done $0x0  }
0x1d: {  	[sflag:s19] =	ssyncadd.s32 $0xFFFFD880  }
0x1e: {  	[bflag:$0x0] =	sbarrier.arrive $0xFFFF  }
0x1f: {  	[tilespmem:s20], [sflag:$0x3] =	stream.linear.gather [hbm4b:s8+s3], $0x80, $0x38;
	[tilespmem:$0x1BE00] =	vst v63  }
0x20: {  	_ =	swait.ge [sflag:s19], $0x80  }
0x21: {  	[sflag:s19] =	ssyncset.done $0x0  }
0x22: {  	s10 =	rddreg [dreg:$0x4];
	[sflag:s19] =	ssyncadd.s32 $0xFFFFFF80  }
0x23: {  	[tilespmem:s21], [sflag:$0x3] =	stream.linear.gather [hbm4b:s10+s3], $0x80, $0x38;
	[tilespmem:$0x1BE00] =	vst v63  }
0x24: {  	_ =	swait.ge [sflag:s19], $0x80  }
0x25: {  	[sflag:s19] =	ssyncset.done $0x0  }
0x26: {  	[sflag:s19] =	ssyncadd.s32 $0xFFFFFF80  }
0x27: {  	v1 =	vld [tilespmem:$0x13C00]  }
0x28: {  	v2 =	vld [tilespmem:$0x13C10]  }
0x29: {  	v3 =	vld [tilespmem:$0x13C20]  }
0x2a: {  	v4 =	vld [tilespmem:$0x13C30]  }
0x2b: {  	v5 =	vld [tilespmem:$0x13C40]  }
0x2c: {  	v6 =	vld [tilespmem:$0x13C50];
	v1 =	vadd.s32 v0, v1  }
0x2d: {  	[tilespmem:$0x13C00] =	vst v1;
	v1 =	vadd.s32 v0, v2;
	v2 =	vld [tilespmem:$0x13C60]  }
0x2e: {  	[tilespmem:$0x13C10] =	vst v1;
	v1 =	vadd.s32 v0, v3;
	v3 =	vld [tilespmem:$0x13C70]  }
0x2f: {  	[tilespmem:$0x13C20] =	vst v1;
	v1 =	vadd.s32 v0, v4  }
0x30: {  	[tilespmem:$0x13C30] =	vst v1;
	v1 =	vadd.s32 v0, v5  }
0x31: {  	[tilespmem:$0x13C40] =	vst v1;
	v1 =	vadd.s32 v0, v6  }
0x32: {  	[tilespmem:$0x13C50] =	vst v1;
	v1 =	vadd.s32 v0, v2  }
0x33: {  	[tilespmem:$0x13C60] =	vst v1;
	v1 =	vadd.s32 v0, v3  }
0x34: {  	[tilespmem:$0x13C70] =	vst v1  }
0x35: {  	[tilespmem:s23], [sflag:$0x1] =	stream.indirect.gather [hbm4b:s4+s22], $0x80, s20, s22, $0xb8;
	[tilespmem:$0x1BE00] =	vst v63  }
0x36: {  	s11 =	sadd.s32 $0x0, s14  }
0x37: {  	[tilespmem:s24], [sflag:$0x3] =	stream.linear.gather [hbm4b:s11+s3], $0x80, $0x38;
	[tilespmem:$0x1BE00] =	vst v63  }
0x38: {  	_ =	swait.ge [sflag:s19], $0x80  }
0x39: {  	[sflag:s19] =	ssyncset.done $0x0  }
0x3a: {  	s12 =	sadd.s32 $0x0, s15;
	[sflag:s19] =	ssyncadd.s32 $0xFFFFFF80  }
0x3b: {  	[tilespmem:s25], [sflag:$0x3] =	stream.linear.gather [hbm4b:s12+s3], $0x80, $0x38;
	[tilespmem:$0x1BE00] =	vst v63  }
0x3c: {  	_ =	swait.ge [sflag:s19], $0x80  }
0x3d: {  	[sflag:s19] =	ssyncset.done $0x0  }
0x3e: {  	[sflag:s19] =	ssyncadd.s32 $0xFFFFFF80  }
0x3f: {  	v1 =	vld [tilespmem:$0x13D10]  }
0x40: {  	v2 =	vld [tilespmem:$0x13D30]  }
0x41: {  	v3 =	vld [tilespmem:$0x13D70]  }
0x42: {  	v61 =	vld [tilespmem:$0x13D40]  }
0x43: {  	v62 =	vld [tilespmem:$0x13D50]  }
0x44: {  	v7 =	vld [tilespmem:$0x13D00];
	v1 =	vadd.s32 v0, v1  }
0x45: {  	v63 =	vld [tilespmem:$0x13D60];
	[tilespmem:$0x13D10] =	vst v1;
	v1 =	vadd.s32 v0, v2  }
0x46: {  	v2 =	vld [tilespmem:$0x13D20];
	[tilespmem:$0x13D30] =	vst v1;
	v1 =	vadd.s32 v0, v3  }
0x47: {  	v3 =	vadd.s32 v0, v61;
	[tilespmem:$0x13D70] =	vst v1  }
0x48: {  	[tilespmem:$0x13D40] =	vst v3;
	v1 =	vadd.s32 v0, v62  }
0x49: {  	v3 =	vadd.s32 v0, v7;
	[tilespmem:$0x13D50] =	vst v1  }
0x4a: {  	v1 =	vadd.s32 v0, v63;
	[tilespmem:$0x13D00] =	vst v3  }
0x4b: {  	[tilespmem:$0x13D60] =	vst v1;
	v1 =	vadd.s32 v0, v2  }
0x4c: {  	[tilespmem:$0x13D20] =	vst v1  }
0x4d: {  	[tilespmem:s26], [sflag:$0x2] =	stream.indirect.gather [hbm4b:s4+s22], $0x80, s24, s22, $0xb8;
	[tilespmem:$0x1BE00] =	vst v63  }
0x4e: {  	_ =	swait.ge [sflag:s28], $0x4000  }
0x4f: {  	[sflag:s28] =	ssyncset.done $0x0  }
0x50: {  	p1 =	por $0x0, $0x0;
	[sflag:s28] =	ssyncadd.s32 $0xFFFFC000  }
0x51: {  	[spmem:s2] =	stream.indirect.scatter.add.f32 [tilespmem:s23], [sflag:$0x3], $0x80, s21, s22, $0xb8;
	[tilespmem:$0x1BE00] =	vst v63  }
0x52: {  	s0 =	sshrl.u32 @!p1 s16, $0x3;
	_ =	swait.ge [sflag:s19], $0x4000  }
0x53: {  	s1 =	simm.s32 @!p1 $0x0;
	s6 =	simm.s32 @!p1 $0x13C00;
	[sflag:s19] =	ssyncset.done $0x0  }
0x54: {  	s9 =	simm.s32 @!p1 $0x3;
	s0 =	sadd.s32 @!p1 s5, s0;
	[sflag:s19] =	ssyncadd.s32 $0xFFFFC000  }
0x55: {  	[tilespmem:s6], [sflag:$0x3] =	stream.linear.gather @!p1 [hbm4b:s0+s1], $0x80, $0x38;
	[tilespmem:$0x1BE00] =	vst v63  }
0x56: {  	_ =	swait.ge @!p1 [sflag:s9], $0x80  }
0x57: {  	[sflag:s9] =	ssyncset.done @!p1 $0x0  }
0x58: {  	s31 =	simm.s32 @!p1 $0x13C80;
	s0 =	sadd.s32 @!p1 $0x0, s17;
	[sflag:s9] =	ssyncadd.s32 @!p1 $0xFFFFFF80  }
0x59: {  	[tilespmem:s31], [sflag:$0x3] =	stream.linear.gather @!p1 [hbm4b:s0+s1], $0x80, $0x38;
	[tilespmem:$0x1BE00] =	vst v63  }
0x5a: {  	_ =	swait.ge @!p1 [sflag:s9], $0x80  }
0x5b: {  	[sflag:s9] =	ssyncset.done @!p1 $0x0  }
0x5c: {  	[sflag:s9] =	ssyncadd.s32 @!p1 $0xFFFFFF80  }
0x5d: {  	v1 =	vld @!p1 [tilespmem:$0x13C00]  }
0x5e: {  	v2 =	vld @!p1 [tilespmem:$0x13C10]  }
0x5f: {  	v3 =	vld @!p1 [tilespmem:$0x13C20]  }
0x60: {  	v4 =	vld @!p1 [tilespmem:$0x13C50]  }
0x61: {  	v5 =	vld @!p1 [tilespmem:$0x13C40]  }
0x62: {  	v6 =	vld @!p1 [tilespmem:$0x13C30];
	v1 =	vadd.s32 @!p1 v0, v1  }
0x63: {  	[tilespmem:$0x13C00] =	vst @!p1 v1;
	v1 =	vadd.s32 @!p1 v0, v2;
	v2 =	vld @!p1 [tilespmem:$0x13C60]  }
0x64: {  	[tilespmem:$0x13C10] =	vst @!p1 v1;
	v1 =	vadd.s32 @!p1 v0, v3;
	v3 =	vld @!p1 [tilespmem:$0x13C70]  }
0x65: {  	[tilespmem:$0x13C20] =	vst @!p1 v1;
	v1 =	vadd.s32 @!p1 v0, v4  }
0x66: {  	v4 =	vadd.s32 @!p1 v0, v5;
	[tilespmem:$0x13C50] =	vst @!p1 v1  }
0x67: {  	v1 =	vadd.s32 @!p1 v0, v6;
	[tilespmem:$0x13C40] =	vst @!p1 v4  }
0x68: {  	[tilespmem:$0x13C30] =	vst @!p1 v1;
	v1 =	vadd.s32 @!p1 v0, v2  }
0x69: {  	[tilespmem:$0x13C60] =	vst @!p1 v1;
	v1 =	vadd.s32 @!p1 v0, v3  }
0x6a: {  	s0 =	simm.s32 @!p1 $0x80;
	s1 =	simm.s32 @!p1 $0x13E00;
	[tilespmem:$0x13C70] =	vst @!p1 v1  }
0x6b: {  	[tilespmem:s1], [sflag:$0x1] =	stream.indirect.gather @!p1 [hbm4b:s4+s0], $0x80, s6, s0, $0xb8;
	[tilespmem:$0x1BE00] =	vst v63  }
0x6c: {  	_ =	swait.ge [sflag:s29], $0x4000  }
0x6d: {  	s31 =	simm.s32 $0x200;
	[sflag:s29] =	ssyncset.done $0x0  }
0x6e: {  	s1 =	simm.s32 $0x400;
	s0 =	sadd.s32 $0x1000, s16;
	[sflag:s29] =	ssyncadd.s32 $0xFFFFC000  }
.LBB2_2:
0x6f: {  	[spmem:s2] =	stream.indirect.scatter.add.f32 [tilespmem:s26], [sflag:$0x3], $0x80, s25, s22, $0xb8;
	[tilespmem:$0x1BE00] =	vst v63  }
0x70: {  	s9 =	smov.u32 s1;
	_ =	swait.ge [sflag:s19], $0x4000  }
0x71: {  	s1 =	sadd.s32 $0x200, s1;
	[sflag:s19] =	ssyncset.done $0x0  }
0x72: {  	s6 =	sadd.s32 s31, s14;
	p1 =	sne.s32 s1, $0x4E00;
	[sflag:s19] =	ssyncadd.s32 $0xFFFFC000  }
0x73: {  	[tilespmem:s24], [sflag:$0x3] =	stream.linear.gather [hbm4b:s6+s3], $0x80, $0x38;
	[tilespmem:$0x1BE00] =	vst v63  }
0x74: {  	_ =	swait.ge [sflag:s19], $0x80  }
0x75: {  	[sflag:s19] =	ssyncset.done $0x0  }
0x76: {  	s6 =	sadd.s32 s31, s15;
	[sflag:s19] =	ssyncadd.s32 $0xFFFFFF80  }
0x77: {  	[tilespmem:s25], [sflag:$0x3] =	stream.linear.gather [hbm4b:s6+s3], $0x80, $0x38;
	[tilespmem:$0x1BE00] =	vst v63  }
0x78: {  	_ =	swait.ge [sflag:s19], $0x80  }
0x79: {  	[sflag:s19] =	ssyncset.done $0x0  }
0x7a: {  	[sflag:s19] =	ssyncadd.s32 $0xFFFFFF80  }
0x7b: {  	v1 =	vld [tilespmem:$0x13D30]  }
0x7c: {  	v2 =	vld [tilespmem:$0x13D10]  }
0x7d: {  	p2 =	seq.s32 s31, $0x4C00;
	v3 =	vld [tilespmem:$0x13D20]  }
0x7e: {  	s10 =	simm.s32 @!p2 $0x0;
	s6 =	sshrl.u32 @!p2 s0, $0x3;
	v4 =	vld [tilespmem:$0x13D70]  }
0x7f: {  	s11 =	sadd.s32 @!p2 s5, s6;
	s6 =	simm.s32 @!p2 $0x13C00;
	v5 =	vld [tilespmem:$0x13D40]  }
0x80: {  	s12 =	simm.s32 @!p2 $0x3;
	v6 =	vld [tilespmem:$0x13D50]  }
0x81: {  	v2 =	vadd.s32 v0, v2;
	v7 =	vld [tilespmem:$0x13D60]  }
0x82: {  	v1 =	vadd.s32 v0, v1;
	v8 =	vld [tilespmem:$0x13D00];
	[tilespmem:$0x13D10] =	vst v2  }
0x83: {  	[tilespmem:$0x13D30] =	vst v1;
	v1 =	vadd.s32 v0, v4  }
0x84: {  	v2 =	vadd.s32 v0, v5;
	[tilespmem:$0x13D70] =	vst v1  }
0x85: {  	[tilespmem:$0x13D40] =	vst v2;
	v1 =	vadd.s32 v0, v6  }
0x86: {  	v2 =	vadd.s32 v0, v3;
	[tilespmem:$0x13D50] =	vst v1;
	v1 =	vadd.s32 v0, v7  }
0x87: {  	v3 =	vadd.s32 v0, v8;
	[tilespmem:$0x13D60] =	vst v1  }
0x88: {  	[tilespmem:$0x13D00] =	vst v3  }
0x89: {  	[tilespmem:$0x13D20] =	vst v2  }
0x8a: {  	[tilespmem:s26], [sflag:$0x2] =	stream.indirect.gather [hbm4b:s4+s22], $0x80, s24, s22, $0xb8;
	[tilespmem:$0x1BE00] =	vst v63  }
0x8b: {  	_ =	swait.ge [sflag:s28], $0x4000  }
0x8c: {  	[sflag:s28] =	ssyncset.done $0x0  }
0x8d: {  	[sflag:s28] =	ssyncadd.s32 $0xFFFFC000  }
0x8e: {  	[spmem:s2] =	stream.indirect.scatter.add.f32 [tilespmem:s23], [sflag:$0x3], $0x80, s21, s22, $0xb8;
	[tilespmem:$0x1BE00] =	vst v63  }
0x8f: {  	_ =	swait.ge [sflag:s19], $0x4000  }
0x90: {  	[sflag:s19] =	ssyncset.done $0x0  }
0x91: {  	[sflag:s19] =	ssyncadd.s32 $0xFFFFC000  }
0x92: {  	[tilespmem:s6], [sflag:$0x3] =	stream.linear.gather @!p2 [hbm4b:s11+s10], $0x80, $0x38;
	[tilespmem:$0x1BE00] =	vst v63  }
0x93: {  	_ =	swait.ge @!p2 [sflag:s12], $0x80  }
0x94: {  	[sflag:s12] =	ssyncset.done @!p2 $0x0  }
0x95: {  	s11 =	sadd.s32 @!p2 s31, s17;
	s31 =	simm.s32 @!p2 $0x13C80;
	[sflag:s12] =	ssyncadd.s32 @!p2 $0xFFFFFF80  }
0x96: {  	[tilespmem:s31], [sflag:$0x3] =	stream.linear.gather @!p2 [hbm4b:s11+s10], $0x80, $0x38;
	[tilespmem:$0x1BE00] =	vst v63  }
0x97: {  	s31 =	smov.u32 s9;
	_ =	swait.ge @!p2 [sflag:s12], $0x80  }
0x98: {  	[sflag:s12] =	ssyncset.done @!p2 $0x0  }
0x99: {  	[sflag:s12] =	ssyncadd.s32 @!p2 $0xFFFFFF80  }
0x9a: {  	v1 =	vld @!p2 [tilespmem:$0x13C00]  }
0x9b: {  	v2 =	vld @!p2 [tilespmem:$0x13C10]  }
0x9c: {  	v3 =	vld @!p2 [tilespmem:$0x13C20]  }
0x9d: {  	v4 =	vld @!p2 [tilespmem:$0x13C50]  }
0x9e: {  	v5 =	vld @!p2 [tilespmem:$0x13C40]  }
0x9f: {  	v1 =	vadd.s32 @!p2 v0, v1;
	v6 =	vld @!p2 [tilespmem:$0x13C30]  }
0xa0: {  	[tilespmem:$0x13C00] =	vst @!p2 v1;
	v1 =	vadd.s32 @!p2 v0, v2;
	v2 =	vld @!p2 [tilespmem:$0x13C60]  }
0xa1: {  	[tilespmem:$0x13C10] =	vst @!p2 v1;
	v1 =	vadd.s32 @!p2 v0, v3;
	v3 =	vld @!p2 [tilespmem:$0x13C70]  }
0xa2: {  	[tilespmem:$0x13C20] =	vst @!p2 v1;
	v1 =	vadd.s32 @!p2 v0, v4  }
0xa3: {  	v4 =	vadd.s32 @!p2 v0, v5;
	[tilespmem:$0x13C50] =	vst @!p2 v1  }
0xa4: {  	v1 =	vadd.s32 @!p2 v0, v6;
	[tilespmem:$0x13C40] =	vst @!p2 v4  }
0xa5: {  	[tilespmem:$0x13C30] =	vst @!p2 v1;
	v1 =	vadd.s32 @!p2 v0, v2  }
0xa6: {  	s0 =	sadd.s32 $0x1000, s0;
	[tilespmem:$0x13C60] =	vst @!p2 v1;
	v1 =	vadd.s32 @!p2 v0, v3  }
.Ltmp0:
0xa7: {  	s9 =	simm.s32 @!p2 $0x80;
	s10 =	simm.s32 @!p2 $0x13E00;
	[tilespmem:$0x13C70] =	vst @!p2 v1;
	(pc) =	sbr.rel @p1 .LBB2_2-.Ltmp0, $4  }
0xa8: {  	[tilespmem:s10], [sflag:$0x1] =	stream.indirect.gather @!p2 [hbm4b:s4+s9], $0x80, s6, s9, $0xb8;
	[tilespmem:$0x1BE00] =	vst v63  }
0xa9: {  	_ =	swait.ge [sflag:s29], $0x4000  }
0xaa: {  	[sflag:s29] =	ssyncset.done $0x0  }
0xab: {  	[sflag:s29] =	ssyncadd.s32 $0xFFFFC000  }
0xac: {  	[spmem:s2] =	stream.indirect.scatter.add.f32 [tilespmem:s26], [sflag:$0x3], $0x80, s25, s22, $0xb8;
	[tilespmem:$0x1BE00] =	vst v63  }
0xad: {  	_ =	swait.ge [sflag:s19], $0x4000  }
0xae: {  	[sflag:s19] =	ssyncset.done $0x0  }
0xaf: {  	s1 =	sadd.s32 s31, s14;
	[sflag:s19] =	ssyncadd.s32 $0xFFFFC000  }
0xb0: {  	[tilespmem:s24], [sflag:$0x3] =	stream.linear.gather [hbm4b:s1+s3], $0x80, $0x38;
	[tilespmem:$0x1BE00] =	vst v63  }
0xb1: {  	_ =	swait.ge [sflag:s19], $0x80  }
0xb2: {  	[sflag:s19] =	ssyncset.done $0x0  }
0xb3: {  	s12 =	sadd.s32 s31, s15;
	[sflag:s19] =	ssyncadd.s32 $0xFFFFFF80  }
0xb4: {  	[tilespmem:s25], [sflag:$0x3] =	stream.linear.gather [hbm4b:s12+s3], $0x80, $0x38;
	[tilespmem:$0x1BE00] =	vst v63  }
0xb5: {  	_ =	swait.ge [sflag:s19], $0x80  }
0xb6: {  	[sflag:s19] =	ssyncset.done $0x0  }
0xb7: {  	[sflag:s19] =	ssyncadd.s32 $0xFFFFFF80  }
0xb8: {  	v1 =	vld [tilespmem:$0x13D10]  }
0xb9: {  	v2 =	vld [tilespmem:$0x13D30]  }
0xba: {  	v3 =	vld [tilespmem:$0x13D70]  }
0xbb: {  	v4 =	vld [tilespmem:$0x13D40]  }
0xbc: {  	v5 =	vld [tilespmem:$0x13D50]  }
0xbd: {  	v7 =	vld [tilespmem:$0x13D00];
	v1 =	vadd.s32 v0, v1  }
0xbe: {  	v6 =	vld [tilespmem:$0x13D60];
	[tilespmem:$0x13D10] =	vst v1;
	v1 =	vadd.s32 v0, v2  }
0xbf: {  	v2 =	vld [tilespmem:$0x13D20];
	[tilespmem:$0x13D30] =	vst v1;
	v1 =	vadd.s32 v0, v3  }
0xc0: {  	v3 =	vadd.s32 v0, v4;
	[tilespmem:$0x13D70] =	vst v1  }
0xc1: {  	[tilespmem:$0x13D40] =	vst v3;
	v1 =	vadd.s32 v0, v5  }
0xc2: {  	v3 =	vadd.s32 v0, v7;
	[tilespmem:$0x13D50] =	vst v1  }
0xc3: {  	v1 =	vadd.s32 v0, v6;
	[tilespmem:$0x13D00] =	vst v3  }
0xc4: {  	[tilespmem:$0x13D60] =	vst v1;
	v1 =	vadd.s32 v0, v2  }
0xc5: {  	[tilespmem:$0x13D20] =	vst v1  }
0xc6: {  	[tilespmem:s26], [sflag:$0x2] =	stream.indirect.gather [hbm4b:s4+s22], $0x80, s24, s22, $0xb8;
	[tilespmem:$0x1BE00] =	vst v63  }
0xc7: {  	_ =	swait.ge [sflag:s28], $0x4000  }
0xc8: {  	[sflag:s28] =	ssyncset.done $0x0  }
0xc9: {  	p1 =	seq.s32 s31, $0x4C00;
	[sflag:s28] =	ssyncadd.s32 $0xFFFFC000  }
0xca: {  	[spmem:s2] =	stream.indirect.scatter.add.f32 [tilespmem:s23], [sflag:$0x3], $0x80, s21, s22, $0xb8;
	[tilespmem:$0x1BE00] =	vst v63  }
0xcb: {  	s0 =	sshrl.u32 @!p1 s0, $0x3;
	_ =	swait.ge [sflag:s19], $0x4000  }
0xcc: {  	s6 =	simm.s32 @!p1 $0x13C00;
	s9 =	simm.s32 @!p1 $0x3;
	[sflag:s19] =	ssyncset.done $0x0  }
0xcd: {  	s0 =	sadd.s32 @!p1 s5, s0;
	s1 =	simm.s32 @!p1 $0x0;
	[sflag:s19] =	ssyncadd.s32 $0xFFFFC000  }
0xce: {  	[tilespmem:s6], [sflag:$0x3] =	stream.linear.gather @!p1 [hbm4b:s0+s1], $0x80, $0x38;
	[tilespmem:$0x1BE00] =	vst v63  }
0xcf: {  	_ =	swait.ge @!p1 [sflag:s9], $0x80  }
0xd0: {  	[sflag:s9] =	ssyncset.done @!p1 $0x0  }
0xd1: {  	s10 =	simm.s32 @!p1 $0x13C80;
	s0 =	sadd.s32 @!p1 s31, s17;
	[sflag:s9] =	ssyncadd.s32 @!p1 $0xFFFFFF80  }
0xd2: {  	[tilespmem:s10], [sflag:$0x3] =	stream.linear.gather @!p1 [hbm4b:s0+s1], $0x80, $0x38;
	[tilespmem:$0x1BE00] =	vst v63  }
0xd3: {  	_ =	swait.ge @!p1 [sflag:s9], $0x80  }
0xd4: {  	[sflag:s9] =	ssyncset.done @!p1 $0x0  }
0xd5: {  	[sflag:s9] =	ssyncadd.s32 @!p1 $0xFFFFFF80  }
0xd6: {  	v1 =	vld @!p1 [tilespmem:$0x13C00]  }
0xd7: {  	v2 =	vld @!p1 [tilespmem:$0x13C10]  }
0xd8: {  	v3 =	vld @!p1 [tilespmem:$0x13C20]  }
0xd9: {  	v4 =	vld @!p1 [tilespmem:$0x13C50]  }
0xda: {  	v5 =	vld @!p1 [tilespmem:$0x13C40]  }
0xdb: {  	v6 =	vld @!p1 [tilespmem:$0x13C30];
	v1 =	vadd.s32 @!p1 v0, v1  }
0xdc: {  	[tilespmem:$0x13C00] =	vst @!p1 v1;
	v1 =	vadd.s32 @!p1 v0, v2;
	v2 =	vld @!p1 [tilespmem:$0x13C60]  }
0xdd: {  	[tilespmem:$0x13C10] =	vst @!p1 v1;
	v1 =	vadd.s32 @!p1 v0, v3;
	v3 =	vld @!p1 [tilespmem:$0x13C70]  }
0xde: {  	[tilespmem:$0x13C20] =	vst @!p1 v1;
	v1 =	vadd.s32 @!p1 v0, v4  }
0xdf: {  	v4 =	vadd.s32 @!p1 v0, v5;
	[tilespmem:$0x13C50] =	vst @!p1 v1  }
0xe0: {  	v1 =	vadd.s32 @!p1 v0, v6;
	[tilespmem:$0x13C40] =	vst @!p1 v4  }
0xe1: {  	[tilespmem:$0x13C30] =	vst @!p1 v1;
	v1 =	vadd.s32 @!p1 v0, v2  }
0xe2: {  	[tilespmem:$0x13C60] =	vst @!p1 v1;
	v1 =	vadd.s32 @!p1 v0, v3  }
0xe3: {  	s0 =	simm.s32 @!p1 $0x80;
	s1 =	simm.s32 @!p1 $0x13E00;
	[tilespmem:$0x13C70] =	vst @!p1 v1  }
0xe4: {  	[tilespmem:s1], [sflag:$0x1] =	stream.indirect.gather @!p1 [hbm4b:s4+s0], $0x80, s6, s0, $0xb8;
	[tilespmem:$0x1BE00] =	vst v63  }
0xe5: {  	_ =	swait.ge [sflag:s29], $0x4000  }
0xe6: {  	[sflag:s29] =	ssyncset.done $0x0  }
0xe7: {  	[sflag:s29] =	ssyncadd.s32 $0xFFFFC000  }
0xe8: {  	[spmem:s2] =	stream.indirect.scatter.add.f32 [tilespmem:s26], [sflag:$0x3], $0x80, s25, s22, $0xb8;
	[tilespmem:$0x1BE00] =	vst v63  }
0xe9: {  	_ =	swait.ge [sflag:s19], $0x4000  }
0xea: {  	s0 =	simm.s32 @!p0 $0x0;
	[sflag:s19] =	ssyncset.done $0x0  }
0xeb: {  	s1 =	simm.s32 @!p0 $0x13C00;
	s6 =	rddreg [dreg:$0x5];
	[sflag:s19] =	ssyncadd.s32 $0xFFFFC000  }
0xec: {  	[tilespmem:s1], [sflag:$0x3] =	stream.linear.gather @!p0 [hbm4b:s6+s0], $0x80, $0x38;
	[tilespmem:$0x1BE00] =	vst v63  }
0xed: {  	s6 =	simm.s32 @!p0 $0x3  }
0xee: {  	_ =	swait.ge @!p0 [sflag:s6], $0x80  }
0xef: {  	[sflag:s6] =	ssyncset.done @!p0 $0x0  }
0xf0: {  	s9 =	simm.s32 @!p0 $0x13C80;
	s10 =	rddreg [dreg:$0x6];
	[sflag:s6] =	ssyncadd.s32 @!p0 $0xFFFFFF80  }
0xf1: {  	[tilespmem:s9], [sflag:$0x3] =	stream.linear.gather @!p0 [hbm4b:s10+s0], $0x80, $0x38;
	[tilespmem:$0x1BE00] =	vst v63  }
0xf2: {  	_ =	swait.ge @!p0 [sflag:s6], $0x80  }
0xf3: {  	[sflag:s6] =	ssyncset.done @!p0 $0x0  }
0xf4: {  	[sflag:s6] =	ssyncadd.s32 @!p0 $0xFFFFFF80  }
0xf5: {  	v1 =	vld @!p0 [tilespmem:$0x13C00]  }
0xf6: {  	v2 =	vld @!p0 [tilespmem:$0x13C10]  }
0xf7: {  	v3 =	vld @!p0 [tilespmem:$0x13C20]  }
0xf8: {  	v4 =	vld @!p0 [tilespmem:$0x13C30]  }
0xf9: {  	v5 =	vld @!p0 [tilespmem:$0x13C40]  }
0xfa: {  	v6 =	vld @!p0 [tilespmem:$0x13C50];
	v1 =	vadd.s32 @!p0 v0, v1  }
0xfb: {  	[tilespmem:$0x13C00] =	vst @!p0 v1;
	v1 =	vadd.s32 @!p0 v0, v2;
	v2 =	vld @!p0 [tilespmem:$0x13C60]  }
0xfc: {  	[tilespmem:$0x13C10] =	vst @!p0 v1;
	v1 =	vadd.s32 @!p0 v0, v3;
	v3 =	vld @!p0 [tilespmem:$0x13C70]  }
0xfd: {  	[tilespmem:$0x13C20] =	vst @!p0 v1;
	v1 =	vadd.s32 @!p0 v0, v4  }
0xfe: {  	[tilespmem:$0x13C30] =	vst @!p0 v1;
	v1 =	vadd.s32 @!p0 v0, v5  }
0xff: {  	[tilespmem:$0x13C40] =	vst @!p0 v1;
	v1 =	vadd.s32 @!p0 v0, v6  }
0x100: {  	[tilespmem:$0x13C50] =	vst @!p0 v1;
	v1 =	vadd.s32 @!p0 v0, v2  }
0x101: {  	[tilespmem:$0x13C60] =	vst @!p0 v1;
	v1 =	vadd.s32 @!p0 v0, v3  }
0x102: {  	s0 =	simm.s32 @!p0 $0x80;
	s10 =	simm.s32 @!p0 $0x13E00;
	[tilespmem:$0x13C70] =	vst @!p0 v1  }
0x103: {  	[tilespmem:s10], [sflag:$0x1] =	stream.indirect.gather @!p0 [hbm4b:s4+s0], $0x80, s1, s0, $0xb8;
	[tilespmem:$0x1BE00] =	vst v63  }
0x104: {  	s1 =	simm.s32 @!p0 $0x1  }
0x105: {  	_ =	swait.ge @!p0 [sflag:s1], $0x4000  }
0x106: {  	[sflag:s1] =	ssyncset.done @!p0 $0x0  }
0x107: {  	[sflag:s1] =	ssyncadd.s32 @!p0 $0xFFFFC000  }
0x108: {  	[spmem:s2] =	stream.indirect.scatter.add.f32 @!p0 [tilespmem:s10], [sflag:$0x3], $0x80, s9, s0, $0xb8;
	[tilespmem:$0x1BE00] =	vst v63  }
0x109: {  	_ =	swait.ge @!p0 [sflag:s6], $0x4000  }
0x10a: {  	[sflag:s6] =	ssyncset.done @!p0 $0x0  }
0x10b: {  	s30 =	sadd.s32 $0x1, s30;
	[sflag:s6] =	ssyncadd.s32 @!p0 $0xFFFFC000  }
0x10c: {  	p1 =	sne.s32 s30, s13;
	[bflag:$0x0] =	sbarrier.arrive $0xFFFF  }
.Ltmp1:
0x10d: {  	s31 =	rddreg [dreg:$0x7];
	(pc) =	sbr.rel @p1 .LBB2_1-.Ltmp1, $4  }
0x10e: {  	[hbm:s31], [sflag:s7] =	dma.local [spmem:s18], $0x2780  }
0x10f: {  	_ =	swait.ge [sflag:s19], $0x2780  }
0x110: {  	[sflag:s19] =	ssyncset.done $0x0  }
0x111: {  	[sflag:s19] =	ssyncadd.s32 $0xFFFFD880  }
0x112: {  	_ =	sfence.sel $0x180000  }
0x113: {  	[bflag:$0x0] =	sbarrier.arrive $0xFFFF  }
0x114: {  	_ =	strace $0x9000004A  }
0x115: {  	s0 =	stileid.u32;
	[bflag:$0x2] =	sbarrier.arrive $0xFFFF  }
0x116: {  	p0 =	sne.s32 s0, $0x0;
	s0 =	rddreg [dreg:$0x2]  }
0x117: {  	s0 =	sadd.s32 @!p0 $0x100000, s0  }
0x118: {  	[sflag:s0] =	ssyncadd.tile.s32 @!p0 $0x1;
	_ =	shalt  }
.Lfunc_end2:
_tile_overlayer_lowered:
.L_overlay_start_2:
0x119: {  	(tag) =	ssettag $0x2  }
0x11a: {  	s0 =	rddreg [dreg:$0x0];
	s2 =	stileid.u32  }
0x11b: {  	s1 =	rddreg [dreg:$0x1];
	p0 =	sne.s32 s2, $0x0  }
0x11c: {  	s3 =	rddreg [dreg:$0x2];
	[bflag:$0x3] =	sbarrier.arrive $0xFFFF;
	s2 =	simm.s32 @!p0 $0x1C03  }
0x11d: {  	[timem:s3], [sflag:s2] =	dma.local @!p0 [hbm:s0], s1  }
0x11e: {  	s0 =	simm.s32 @!p0 $0x3  }
0x11f: {  	_ =	swait.ge @!p0 [sflag:s0], s1  }
0x120: {  	s1 =	ssub.s32 @!p0 $0x0, s1;
	[sflag:s0] =	ssyncset.done @!p0 $0x0  }
0x121: {  	[sflag:s0] =	ssyncadd.s32 @!p0 s1  }
0x122: {  	[bflag:$0x3] =	sbarrier.arrive $0xFFFF  }
0x123: {  	_ =	shalt  }

// kernel: kernel.14.cloned.1.call-start
scs
__scs_entry_jumppad:
0x0: {  	(pc) =	sbr.rel $0x88, $3  }
0x1: {  	(tag) =	ssettag $0x0;
	lr =	simm.s32 $0x1  }
0x2: {  	[smem:$0x3F99] =	sst lr;
	_ =	strace $0xD0000000  }
0x3: {  	_ = 	snop  }
0x4: {  	_ = 	snop  }
0x5: {  	_ = 	snop  }
0x6: {  	_ = 	snop  }
0x7: {  	_ = 	snop  }
__scs_overlays_trampoline_lowered:
0x8: {  	[smem:$0x3FA8] =	sst s0  }
0x9: {  	[smem:$0x3FA9] =	sst s1  }
0xa: {  	[smem:$0x3FAA] =	sst s2  }
0xb: {  	[smem:$0x3FAB] =	sst s3  }
0xc: {  	[smem:$0x3FAC] =	sst s4  }
0xd: {  	[smem:$0x3FAD] =	sst s5  }
0xe: {  	[smem:$0x3FAE] =	sst s6  }
0xf: {  	[smem:$0x3FAF] =	sst s7  }
0x10: {  	[smem:$0x3FB0] =	sst s8  }
0x11: {  	[smem:$0x3FB1] =	sst s9;
	s0 =	simm.s32 @!p0 $0x0  }
0x12: {  	s1 =	sld [smem:$0x3F97];
	s0 =	simm.s32 @p0 $0x1  }
0x13: {  	[smem:$0x3FB2] =	sst s0;
	s0 =	simm.s32 @!p1 $0x0  }
0x14: {  	s2 =	sld [smem:$0x3F96];
	s0 =	simm.s32 @p1 $0x1  }
0x15: {  	[smem:$0x3FB3] =	sst s0;
	s0 =	simm.s32 @!p2 $0x0  }
0x16: {  	s3 =	sld [smem:$0x3FDB];
	s0 =	simm.s32 @p2 $0x1  }
0x17: {  	s4 =	simm.s32 $0x1BF5;
	[smem:$0x3FB5] =	sst s0  }
0x18: {  	s0 =	sld [smem:$0x3F98];
	_ =	swait.ge [sflag:s4], $0x0  }
0x19: {  	s7 =	sld [smem:$0x3F99]  }
0x1a: {  	s8 =	sadd.s32 $0xFFFFE003, lr  }
0x1b: {  	s9 =	sadd.s32 $0xFFFFFEF7, lr;
	s5 =	simm.s32 $0xFFFFFFFF;
	p2 =	slt.u32 s8, $0xFFFFF086  }
0x1c: {  	p1 =	slt.u32 s9, $0xF7A;
	s5 =	simm.s32 @!p2 $0x0  }
0x1d: {  	s5 =	simm.s32 @p1 $0x1;
	p0 =	seq.s32 s7, s2  }
0x1e: {  	s7 =	smul.u32 @!p0 $0xF7A, s2;
	p2 =	seq.s32 @!p0 s5, $0x0  }
0x1f: {  	s9 =	smul.u32 $0xF7A, s1;
	s8 =	simm.s32 @!p0 $0x1BF5;
	p2 =	por !p2, p0  }
0x20: {  	[sflag:s8] =	ssyncset.s32 @!p0 $0xFFFFF086;
	s6 =	sadd.s32 @!p0 s3, s7;
	s7 =	simm.s32 @!p0 $0x108  }
0x21: {  	s3 =	sadd.s32 s3, s9;
	s6 =	sadd.s32 @!p0 $0x88, s6;
	s7 =	simm.s32 @p2 $0x1082  }
0x22: {  	[simem:s7], [sflag:s8] =	dma.local @!p0 [hbm:s6], $0xF7A  }
0x23: {  	s9 =	sor.u32 $0xD0000000, s2;
	s6 =	simm.s32 $0x108;
	_ =	swait.ge @!p0 [sflag:s8], $0x0  }
0x24: {  	s3 =	sadd.s32 $0x88, s3;
	s6 =	simm.s32 @!p1 $0x1082;
	[sflag:s4] =	ssyncset.s32 $0xFFFFF086  }
0x25: {  	[simem:s6], [sflag:s4] =	dma.local [hbm:s3], $0xF7A  }
0x26: {  	[smem:$0x3F99] =	sst s1;
	(tag) =	ssettag s2;
	_ =	strace s9  }
0x27: {  	s1 =	sld [smem:$0x3FA9]  }
0x28: {  	s2 =	sld [smem:$0x3FAA]  }
0x29: {  	s4 =	sld [smem:$0x3FAC]  }
0x2a: {  	p0 =	seq.s32 s5, $0x0;
	s5 =	sld [smem:$0x3FAD]  }
0x2b: {  	s6 =	sld [smem:$0x3FAE]  }
0x2c: {  	s7 =	sld [smem:$0x3FAF]  }
0x2d: {  	s3 =	simm.s32 $0x108;
	s8 =	sld [smem:$0x3FB0]  }
0x2e: {  	s3 =	simm.s32 @!p0 $0x1082;
	s9 =	sld [smem:$0x3FB1]  }
0x2f: {  	lr =	sadd.s32 s0, s3;
	s0 =	sld [smem:$0x3FA8]  }
0x30: {  	s3 =	sld [smem:$0x3FAB]  }
0x31: {  	[smem:$0x3FB4] =	sst s10  }
0x32: {  	s10 =	sld [smem:$0x3FB2];
	_ =	sdelay $0x3  }
0x33: {  	p0 =	seq.s32 s10, $0x1;
	s10 =	sld [smem:$0x3FB4];
	_ =	sdelay $0x3  }
0x34: {  	[smem:$0x3FB4] =	sst s10  }
0x35: {  	s10 =	sld [smem:$0x3FB3];
	_ =	sdelay $0x3  }
0x36: {  	p1 =	seq.s32 s10, $0x1;
	s10 =	sld [smem:$0x3FB4];
	_ =	sdelay $0x3  }
0x37: {  	[smem:$0x3FB4] =	sst s10  }
0x38: {  	s10 =	sld [smem:$0x3FB5]  }
0x39: {  	_ = 	snop;
	(pc) =	sbr.ind lr, $3  }
0x3a: {  	_ = 	snop  }
0x3b: {  	_ = 	snop  }
0x3c: {  	p2 =	seq.s32 s10, $0x1;
	s10 =	sld [smem:$0x3FB4]  }
0x3d: {  	_ =	shalt  }
0x3e: {  	_ =	shalt  }
0x3f: {  	_ =	shalt  }
0x40: {  	_ =	shalt  }
0x41: {  	_ =	shalt  }
0x42: {  	_ =	shalt  }
0x43: {  	_ =	shalt  }
0x44: {  	_ =	shalt  }
0x45: {  	_ =	shalt  }
0x46: {  	_ =	shalt  }
0x47: {  	_ =	shalt  }
0x48: {  	_ =	shalt  }
0x49: {  	_ =	shalt  }
0x4a: {  	_ =	shalt  }
0x4b: {  	_ =	shalt  }
0x4c: {  	_ =	shalt  }
0x4d: {  	_ =	shalt  }
0x4e: {  	_ =	shalt  }
0x4f: {  	_ =	shalt  }
0x50: {  	_ =	shalt  }
0x51: {  	_ =	shalt  }
0x52: {  	_ =	shalt  }
0x53: {  	_ =	shalt  }
0x54: {  	_ =	shalt  }
0x55: {  	_ =	shalt  }
0x56: {  	_ =	shalt  }
0x57: {  	_ =	shalt  }
0x58: {  	_ =	shalt  }
0x59: {  	_ =	shalt  }
0x5a: {  	_ =	shalt  }
0x5b: {  	_ =	shalt  }
0x5c: {  	_ =	shalt  }
0x5d: {  	_ =	shalt  }
0x5e: {  	_ =	shalt  }
0x5f: {  	_ =	shalt  }
0x60: {  	_ =	shalt  }
0x61: {  	_ =	shalt  }
0x62: {  	_ =	shalt  }
0x63: {  	_ =	shalt  }
0x64: {  	_ =	shalt  }
0x65: {  	_ =	shalt  }
0x66: {  	_ =	shalt  }
0x67: {  	_ =	shalt  }
0x68: {  	_ =	shalt  }
0x69: {  	_ =	shalt  }
0x6a: {  	_ =	shalt  }
0x6b: {  	_ =	shalt  }
0x6c: {  	_ =	shalt  }
0x6d: {  	_ =	shalt  }
0x6e: {  	_ =	shalt  }
0x6f: {  	_ =	shalt  }
0x70: {  	_ =	shalt  }
0x71: {  	_ =	shalt  }
0x72: {  	_ =	shalt  }
0x73: {  	_ =	shalt  }
0x74: {  	_ =	shalt  }
0x75: {  	_ =	shalt  }
0x76: {  	_ =	shalt  }
0x77: {  	_ =	shalt  }
0x78: {  	_ =	shalt  }
0x79: {  	_ =	shalt  }
0x7a: {  	_ =	shalt  }
0x7b: {  	_ =	shalt  }
0x7c: {  	_ =	shalt  }
0x7d: {  	_ =	shalt  }
0x7e: {  	_ =	shalt  }
0x7f: {  	_ =	shalt  }
0x80: {  	_ =	shalt  }
0x81: {  	_ =	shalt  }
0x82: {  	_ =	shalt  }
0x83: {  	_ =	shalt  }
0x84: {  	_ =	shalt  }
0x85: {  	_ =	shalt  }
0x86: {  	_ =	shalt  }
0x87: {  	_ =	shalt  }
.Lfunc_end0:
.L_simem_size_0:
called_computation.2_lowered:
.L_overlay_start_0:
0x88: {  	s2 =	sld [smem:$0x3FD9]  }
0x89: {  	s3 =	sld [smem:$0x3FFE];
	_ =	sdelay $0x1  }
0x8a: {  	s1 =	srdreg.scid  }
0x8b: {  	s0 =	sand.u32 $0x1, s1  }
0x8c: {  	s16 =	sshll.u32 s0, $0xA;
	s2 =	sadd.s32 s3, s2  }
0x8d: {  	s2 =	sadd.s32 s2, s16  }
0x8e: {  	[smem:$0x3FC0] =	sst s2  }
0x8f: {  	_ = 	snop  }
0x90: {  	(tm) =	ssettm $0x1  }
0x91: {  	s17 =	sld [smem:$0x3FFB];
	_ =	sdelay $0x3  }
0x92: {  	_ =	strace s17  }
0x93: {  	s2 =	sld [smem:$0x3FFC];
	_ =	sdelay $0x3  }
0x94: {  	_ =	strace s2  }
0x95: {  	s2 =	sld [smem:$0x3FFD];
	_ =	sdelay $0x3  }
0x96: {  	_ =	strace s2  }
0x97: {  	_ =	strace $0x8FFFFFFF  }
0x98: {  	s18 =	sld [smem:$0x3FDB];
	_ =	sdelay $0x1  }
0x99: {  	s19 =	simm.s32 $_scs_section_size  }
0x9a: {  	s4 =	simm.s32 $_size__tile_overlayer_lowered;
	s5 =	simm.s32 $_tile_overlayer_lowered  }
0x9b: {  	s22 =	simm.s32 $0x1BFF;
	s21 =	sshll.u32 s5, $0x1;
	s2 =	sadd.s32 s19, s18  }
0x9c: {  	s6 =	simm.s32 $0x0;
	s20 =	sshll.u32 s4, $0x1;
	s4 =	sadd.s32 s21, s2  }
0x9d: {  	[timem:s6], [sflag:s22] =	dma.local [hbm:s4], s20  }
0x9e: {  	_ =	swait.ge [sflag:s22], s20  }
0x9f: {  	s3 =	ssub.s32 $0x0, s20;
	[sflag:s22] =	ssyncset.done $0x0  }
0xa0: {  	[sflag:s22] =	ssyncadd.s32 s3;
	_ =	sdelay $0x1  }
0xa1: {  	s23 =	simm.s32 $0x1B8B  }
0xa2: {  	_ =	swait.ge [sflag:s23], $0x1  }
0xa3: {  	[sflag:s23] =	ssyncset.done $0x0  }
0xa4: {  	s25 =	simm.s32 $0x1B8E;
	s24 =	sld [smem:$0x3FFE];
	[sflag:s23] =	ssyncadd.s32 $0xFFFFFFFF  }
0xa5: {  	s26 =	simm.s32 $execute0_lowered;
	[smem:$0x3FD2] =	sst s25  }
0xa6: {  	s4 =	sshll.u32 s26, $0x1;
	_ =	strace $0x8000004C;
	[dreg:$0x1] =	wrdreg $0xFFFFFFFF  }
0xa7: {  	s28 =	simm.s32 $_size_execute0_lowered;
	s2 =	sadd.s32 s2, s4;
	[dreg:$0x0] =	wrdreg $0x0  }
0xa8: {  	s4 =	sshll.u32 s28, $0x1;
	[dreg:$0x2] =	wrdreg s2  }
0xa9: {  	[dreg:$0x3] =	wrdreg s4  }
0xaa: {  	[dreg:$0x4] =	wrdreg $0xC0  }
0xab: {  	_ =	task [dreg:s6], $0x5FFFF  }
0xac: {  	[dreg:$0x1] =	wrdreg $0xFFFFFFFF  }
0xad: {  	[dreg:$0x0] =	wrdreg $0x60  }
0xae: {  	[dreg:$0x2] =	wrdreg s24  }
0xaf: {  	[dreg:$0x3] =	wrdreg $0x0  }
0xb0: {  	[dreg:$0x4] =	wrdreg $0x9  }
0xb1: {  	_ =	task.clear_ibuf [dreg:s6], $0x5FFFF;
	_ =	strace $0x9000004C  }
0xb2: {  	s29 =	simm.s32 $0x9;
	_ =	strace $0x8000004E  }
0xb3: {  	_ =	swait.ge [sflag:s29], $0x1  }
0xb4: {  	[sflag:s29] =	ssyncadd.s32 $0xFFFFFFFF  }
0xb5: {  	_ =	strace $0x9000004E  }
0xb6: {  	_ =	sfence  }
0xb7: {  	s30 =	sld [smem:$0x0];
	_ =	sdelay $0x2  }
0xb8: {  	s31 =	sshll.u32 s1, $0xD;
	s1 =	sshrl.u32 s1, $0x2  }
0xb9: {  	s3 =	sand.u32 $0x4000, s31;
	s1 =	sadd.s32 s1, s30  }
0xba: {  	s0 =	sor.u32 s3, s0;
	s1 =	sshll.u32 s1, $0x11  }
0xbb: {  	s0 =	sor.u32 s1, s0  }
0xbc: {  	s0 =	sadd.s32 $0x8F2B, s0  }
0xbd: {  	[sflag:s0] =	ssyncadd.remote.s32 $0x1  }
0xbe: {  	_ =	sfence.sel $0xFFFF  }
0xbf: {  	[dreg:$0x0] =	wrdreg $0xFFFFFFFF;
	(pc) =	sbr.abs _section_cstart, $3  }
0xc0: {  	[dreg:$0x1] =	wrdreg $0xFFFFFFFF  }
0xc1: {  	_ =	task.clear_ibuf [dreg:s6], $0x2FFFF;
	_ =	strace $0x9FFFFFFF  }
0xc2: {  	(tm) =	ssettm $0x7FFFFFFF  }
0xc3: {  	_ =	shalt  }
tec
execute0_lowered:
.L_overlay_start_1:
0x0: {  	(tag) =	ssettag $0x1  }
0x1: {  	s0 =	rddreg [dreg:$0x0]  }
0x2: {  	s2 =	rddreg [dreg:$0x1]  }
0x3: {  	s11 =	stileid.u32;
	s1 =	srdreg.scid;
	s3 =	simm.s32 $0x0  }
0x4: {  	s28 =	simm.s32 $0x1;
	s29 =	simm.s32 $0x2;
	s30 =	simm.s32 $0x0  }
0x5: {  	s6 =	smul.u32 $0x13C00, s11;
	s1 =	sand.u32 $0x1, s1;
	[smem:$0x7FF] =	sst s3  }
0x6: {  	s4 =	sadd.s32 $0x13800, s0;
	s5 =	sadd.s32 $0x9A00, s0;
	s18 =	smul.u32 $0x4F000, s11  }
0x7: {  	s21 =	sshll.u32 s11, $0x6;
	s16 =	sshll.u32 s11, $0x7;
	s22 =	sshll.u32 s11, $0x4  }
0x8: {  	p0 =	sgt.u32 s11, $0x1;
	s7 =	smul.u32 $0x13C000, s1;
	_ =	strace $0x8000004D  }
0x9: {  	s9 =	ssub.s32 $0x2, s1;
	s1 =	smul.u32 $0x2780, s1;
	s10 =	sadd.s32 $0x27400, s16  }
0xa: {  	s14 =	sand.u32 $0x400, s16;
	s15 =	sor.u32 $0x27C00, s16;
	s17 =	sor.u32 $0x28400, s16  }
0xb: {  	s25 =	sshrl.u32 s16, $0x3;
	s16 =	sor.u32 $0x1000, s16;
	s8 =	sshrl.u32 s6, $0x3  }
0xc: {  	s19 =	sshrl.u32 s9, $0x1;
	s10 =	sshrl.u32 s10, $0x3;
	s26 =	sadd.s32 s14, s15  }
0xd: {  	s17 =	sadd.s32 s14, s17;
	s6 =	sadd.s32 s6, s7;
	s8 =	sadd.s32 s8, s0  }
0xe: {  	s7 =	sshrl.u32 s18, $0x2;
	s10 =	sadd.s32 s5, s10;
	s31 =	sshrl.u32 s17, $0x3  }
0xf: {  	s6 =	sshrl.u32 s6, $0x3;
	s20 =	sadd.s32 s7, s2;
	s8 =	sadd.s32 $0x62800, s8  }
0x10: {  	s7 =	sor.u32 $0x1C03, s21;
	[dreg:$0x4] =	wrdreg s10;
	s17 =	sadd.s32 s31, s5  }
0x11: {  	s21 =	simm.s32 $0x13C80;
	s0 =	sadd.s32 s6, s0;
	s6 =	ssub.s32 s9, s19  }
0x12: {  	[dreg:$0x3] =	wrdreg s8;
	s8 =	sadd.s32 s5, s22;
	s18 =	sshrl.u32 s20, $0x3  }
0x13: {  	s19 =	simm.s32 $0x3;
	s20 =	simm.s32 $0x13C00;
	s23 =	sadd.s32 $0x4E00, s8  }
0x14: {  	s22 =	simm.s32 $0x80;
	s24 =	sadd.s32 $0x9C80, s8;
	[dreg:$0x5] =	wrdreg s23  }
0x15: {  	s0 =	sadd.s32 $0xD8200, s0;
	s13 =	smax.u32 s6, $0x1;
	[dreg:$0x6] =	wrdreg s24  }
0x16: {  	s6 =	sshrl.u32 s26, $0x3;
	s26 =	simm.s32 $0x17E00;
	[dreg:$0x7] =	wrdreg s0  }
0x17: {  	s0 =	sadd.s32 s25, s5;
	s15 =	sadd.s32 s6, s5;
	s23 =	simm.s32 $0x13E00  }
0x18: {  	v0 =	vmov s1;
	s24 =	simm.s32 $0x13D00;
	s25 =	simm.s32 $0x13D80;
	s14 =	sadd.s32 $0x100, s0  }
.LBB2_1:
0x19: {  	s0 =	rddreg [dreg:$0x3]  }
0x1a: {  	[spmem:s18], [sflag:s7] =	dma.local [hbm:s0], $0x2780  }
0x1b: {  	_ =	swait.ge [sflag:s19], $0x2780  }
0x1c: {  	[sflag:s19] =	ssyncset.done $0x0  }
0x1d: {  	[sflag:s19] =	ssyncadd.s32 $0xFFFFD880  }
0x1e: {  	[bflag:$0x0] =	sbarrier.arrive $0xFFFF  }
0x1f: {  	[tilespmem:s20], [sflag:$0x3] =	stream.linear.gather [hbm4b:s8+s3], $0x80, $0x38;
	[tilespmem:$0x1BE00] =	vst v63  }
0x20: {  	_ =	swait.ge [sflag:s19], $0x80  }
0x21: {  	[sflag:s19] =	ssyncset.done $0x0  }
0x22: {  	s10 =	rddreg [dreg:$0x4];
	[sflag:s19] =	ssyncadd.s32 $0xFFFFFF80  }
0x23: {  	[tilespmem:s21], [sflag:$0x3] =	stream.linear.gather [hbm4b:s10+s3], $0x80, $0x38;
	[tilespmem:$0x1BE00] =	vst v63  }
0x24: {  	_ =	swait.ge [sflag:s19], $0x80  }
0x25: {  	[sflag:s19] =	ssyncset.done $0x0  }
0x26: {  	[sflag:s19] =	ssyncadd.s32 $0xFFFFFF80  }
0x27: {  	v1 =	vld [tilespmem:$0x13C00]  }
0x28: {  	v2 =	vld [tilespmem:$0x13C10]  }
0x29: {  	v3 =	vld [tilespmem:$0x13C20]  }
0x2a: {  	v4 =	vld [tilespmem:$0x13C30]  }
0x2b: {  	v5 =	vld [tilespmem:$0x13C40]  }
0x2c: {  	v6 =	vld [tilespmem:$0x13C50];
	v1 =	vadd.s32 v0, v1  }
0x2d: {  	[tilespmem:$0x13C00] =	vst v1;
	v1 =	vadd.s32 v0, v2;
	v2 =	vld [tilespmem:$0x13C60]  }
0x2e: {  	[tilespmem:$0x13C10] =	vst v1;
	v1 =	vadd.s32 v0, v3;
	v3 =	vld [tilespmem:$0x13C70]  }
0x2f: {  	[tilespmem:$0x13C20] =	vst v1;
	v1 =	vadd.s32 v0, v4  }
0x30: {  	[tilespmem:$0x13C30] =	vst v1;
	v1 =	vadd.s32 v0, v5  }
0x31: {  	[tilespmem:$0x13C40] =	vst v1;
	v1 =	vadd.s32 v0, v6  }
0x32: {  	[tilespmem:$0x13C50] =	vst v1;
	v1 =	vadd.s32 v0, v2  }
0x33: {  	[tilespmem:$0x13C60] =	vst v1;
	v1 =	vadd.s32 v0, v3  }
0x34: {  	[tilespmem:$0x13C70] =	vst v1  }
0x35: {  	[tilespmem:s23], [sflag:$0x1] =	stream.indirect.gather [hbm4b:s4+s22], $0x80, s20, s22, $0xb8;
	[tilespmem:$0x1BE00] =	vst v63  }
0x36: {  	s11 =	sadd.s32 $0x0, s14  }
0x37: {  	[tilespmem:s24], [sflag:$0x3] =	stream.linear.gather [hbm4b:s11+s3], $0x80, $0x38;
	[tilespmem:$0x1BE00] =	vst v63  }
0x38: {  	_ =	swait.ge [sflag:s19], $0x80  }
0x39: {  	[sflag:s19] =	ssyncset.done $0x0  }
0x3a: {  	s12 =	sadd.s32 $0x0, s15;
	[sflag:s19] =	ssyncadd.s32 $0xFFFFFF80  }
0x3b: {  	[tilespmem:s25], [sflag:$0x3] =	stream.linear.gather [hbm4b:s12+s3], $0x80, $0x38;
	[tilespmem:$0x1BE00] =	vst v63  }
0x3c: {  	_ =	swait.ge [sflag:s19], $0x80  }
0x3d: {  	[sflag:s19] =	ssyncset.done $0x0  }
0x3e: {  	[sflag:s19] =	ssyncadd.s32 $0xFFFFFF80  }
0x3f: {  	v1 =	vld [tilespmem:$0x13D10]  }
0x40: {  	v2 =	vld [tilespmem:$0x13D30]  }
0x41: {  	v3 =	vld [tilespmem:$0x13D70]  }
0x42: {  	v61 =	vld [tilespmem:$0x13D40]  }
0x43: {  	v62 =	vld [tilespmem:$0x13D50]  }
0x44: {  	v7 =	vld [tilespmem:$0x13D00];
	v1 =	vadd.s32 v0, v1  }
0x45: {  	v63 =	vld [tilespmem:$0x13D60];
	[tilespmem:$0x13D10] =	vst v1;
	v1 =	vadd.s32 v0, v2  }
0x46: {  	v2 =	vld [tilespmem:$0x13D20];
	[tilespmem:$0x13D30] =	vst v1;
	v1 =	vadd.s32 v0, v3  }
0x47: {  	v3 =	vadd.s32 v0, v61;
	[tilespmem:$0x13D70] =	vst v1  }
0x48: {  	[tilespmem:$0x13D40] =	vst v3;
	v1 =	vadd.s32 v0, v62  }
0x49: {  	v3 =	vadd.s32 v0, v7;
	[tilespmem:$0x13D50] =	vst v1  }
0x4a: {  	v1 =	vadd.s32 v0, v63;
	[tilespmem:$0x13D00] =	vst v3  }
0x4b: {  	[tilespmem:$0x13D60] =	vst v1;
	v1 =	vadd.s32 v0, v2  }
0x4c: {  	[tilespmem:$0x13D20] =	vst v1  }
0x4d: {  	[tilespmem:s26], [sflag:$0x2] =	stream.indirect.gather [hbm4b:s4+s22], $0x80, s24, s22, $0xb8;
	[tilespmem:$0x1BE00] =	vst v63  }
0x4e: {  	_ =	swait.ge [sflag:s28], $0x4000  }
0x4f: {  	[sflag:s28] =	ssyncset.done $0x0  }
0x50: {  	p1 =	por $0x0, $0x0;
	[sflag:s28] =	ssyncadd.s32 $0xFFFFC000  }
0x51: {  	[spmem:s2] =	stream.indirect.scatter.add.f32 [tilespmem:s23], [sflag:$0x3], $0x80, s21, s22, $0xb8;
	[tilespmem:$0x1BE00] =	vst v63  }
0x52: {  	s0 =	sshrl.u32 @!p1 s16, $0x3;
	_ =	swait.ge [sflag:s19], $0x4000  }
0x53: {  	s1 =	simm.s32 @!p1 $0x0;
	s6 =	simm.s32 @!p1 $0x13C00;
	[sflag:s19] =	ssyncset.done $0x0  }
0x54: {  	s9 =	simm.s32 @!p1 $0x3;
	s0 =	sadd.s32 @!p1 s5, s0;
	[sflag:s19] =	ssyncadd.s32 $0xFFFFC000  }
0x55: {  	[tilespmem:s6], [sflag:$0x3] =	stream.linear.gather @!p1 [hbm4b:s0+s1], $0x80, $0x38;
	[tilespmem:$0x1BE00] =	vst v63  }
0x56: {  	_ =	swait.ge @!p1 [sflag:s9], $0x80  }
0x57: {  	[sflag:s9] =	ssyncset.done @!p1 $0x0  }
0x58: {  	s31 =	simm.s32 @!p1 $0x13C80;
	s0 =	sadd.s32 @!p1 $0x0, s17;
	[sflag:s9] =	ssyncadd.s32 @!p1 $0xFFFFFF80  }
0x59: {  	[tilespmem:s31], [sflag:$0x3] =	stream.linear.gather @!p1 [hbm4b:s0+s1], $0x80, $0x38;
	[tilespmem:$0x1BE00] =	vst v63  }
0x5a: {  	_ =	swait.ge @!p1 [sflag:s9], $0x80  }
0x5b: {  	[sflag:s9] =	ssyncset.done @!p1 $0x0  }
0x5c: {  	[sflag:s9] =	ssyncadd.s32 @!p1 $0xFFFFFF80  }
0x5d: {  	v1 =	vld @!p1 [tilespmem:$0x13C00]  }
0x5e: {  	v2 =	vld @!p1 [tilespmem:$0x13C10]  }
0x5f: {  	v3 =	vld @!p1 [tilespmem:$0x13C20]  }
0x60: {  	v4 =	vld @!p1 [tilespmem:$0x13C50]  }
0x61: {  	v5 =	vld @!p1 [tilespmem:$0x13C40]  }
0x62: {  	v6 =	vld @!p1 [tilespmem:$0x13C30];
	v1 =	vadd.s32 @!p1 v0, v1  }
0x63: {  	[tilespmem:$0x13C00] =	vst @!p1 v1;
	v1 =	vadd.s32 @!p1 v0, v2;
	v2 =	vld @!p1 [tilespmem:$0x13C60]  }
0x64: {  	[tilespmem:$0x13C10] =	vst @!p1 v1;
	v1 =	vadd.s32 @!p1 v0, v3;
	v3 =	vld @!p1 [tilespmem:$0x13C70]  }
0x65: {  	[tilespmem:$0x13C20] =	vst @!p1 v1;
	v1 =	vadd.s32 @!p1 v0, v4  }
0x66: {  	v4 =	vadd.s32 @!p1 v0, v5;
	[tilespmem:$0x13C50] =	vst @!p1 v1  }
0x67: {  	v1 =	vadd.s32 @!p1 v0, v6;
	[tilespmem:$0x13C40] =	vst @!p1 v4  }
0x68: {  	[tilespmem:$0x13C30] =	vst @!p1 v1;
	v1 =	vadd.s32 @!p1 v0, v2  }
0x69: {  	[tilespmem:$0x13C60] =	vst @!p1 v1;
	v1 =	vadd.s32 @!p1 v0, v3  }
0x6a: {  	s0 =	simm.s32 @!p1 $0x80;
	s1 =	simm.s32 @!p1 $0x13E00;
	[tilespmem:$0x13C70] =	vst @!p1 v1  }
0x6b: {  	[tilespmem:s1], [sflag:$0x1] =	stream.indirect.gather @!p1 [hbm4b:s4+s0], $0x80, s6, s0, $0xb8;
	[tilespmem:$0x1BE00] =	vst v63  }
0x6c: {  	_ =	swait.ge [sflag:s29], $0x4000  }
0x6d: {  	s31 =	simm.s32 $0x200;
	[sflag:s29] =	ssyncset.done $0x0  }
0x6e: {  	s1 =	simm.s32 $0x400;
	s0 =	sadd.s32 $0x1000, s16;
	[sflag:s29] =	ssyncadd.s32 $0xFFFFC000  }
.LBB2_2:
0x6f: {  	[spmem:s2] =	stream.indirect.scatter.add.f32 [tilespmem:s26], [sflag:$0x3], $0x80, s25, s22, $0xb8;
	[tilespmem:$0x1BE00] =	vst v63  }
0x70: {  	s9 =	smov.u32 s1;
	_ =	swait.ge [sflag:s19], $0x4000  }
0x71: {  	s1 =	sadd.s32 $0x200, s1;
	[sflag:s19] =	ssyncset.done $0x0  }
0x72: {  	s6 =	sadd.s32 s31, s14;
	p1 =	sne.s32 s1, $0x4E00;
	[sflag:s19] =	ssyncadd.s32 $0xFFFFC000  }
0x73: {  	[tilespmem:s24], [sflag:$0x3] =	stream.linear.gather [hbm4b:s6+s3], $0x80, $0x38;
	[tilespmem:$0x1BE00] =	vst v63  }
0x74: {  	_ =	swait.ge [sflag:s19], $0x80  }
0x75: {  	[sflag:s19] =	ssyncset.done $0x0  }
0x76: {  	s6 =	sadd.s32 s31, s15;
	[sflag:s19] =	ssyncadd.s32 $0xFFFFFF80  }
0x77: {  	[tilespmem:s25], [sflag:$0x3] =	stream.linear.gather [hbm4b:s6+s3], $0x80, $0x38;
	[tilespmem:$0x1BE00] =	vst v63  }
0x78: {  	_ =	swait.ge [sflag:s19], $0x80  }
0x79: {  	[sflag:s19] =	ssyncset.done $0x0  }
0x7a: {  	[sflag:s19] =	ssyncadd.s32 $0xFFFFFF80  }
0x7b: {  	v1 =	vld [tilespmem:$0x13D30]  }
0x7c: {  	v2 =	vld [tilespmem:$0x13D10]  }
0x7d: {  	p2 =	seq.s32 s31, $0x4C00;
	v3 =	vld [tilespmem:$0x13D20]  }
0x7e: {  	s10 =	simm.s32 @!p2 $0x0;
	s6 =	sshrl.u32 @!p2 s0, $0x3;
	v4 =	vld [tilespmem:$0x13D70]  }
0x7f: {  	s11 =	sadd.s32 @!p2 s5, s6;
	s6 =	simm.s32 @!p2 $0x13C00;
	v5 =	vld [tilespmem:$0x13D40]  }
0x80: {  	s12 =	simm.s32 @!p2 $0x3;
	v6 =	vld [tilespmem:$0x13D50]  }
0x81: {  	v2 =	vadd.s32 v0, v2;
	v7 =	vld [tilespmem:$0x13D60]  }
0x82: {  	v1 =	vadd.s32 v0, v1;
	v8 =	vld [tilespmem:$0x13D00];
	[tilespmem:$0x13D10] =	vst v2  }
0x83: {  	[tilespmem:$0x13D30] =	vst v1;
	v1 =	vadd.s32 v0, v4  }
0x84: {  	v2 =	vadd.s32 v0, v5;
	[tilespmem:$0x13D70] =	vst v1  }
0x85: {  	[tilespmem:$0x13D40] =	vst v2;
	v1 =	vadd.s32 v0, v6  }
0x86: {  	v2 =	vadd.s32 v0, v3;
	[tilespmem:$0x13D50] =	vst v1;
	v1 =	vadd.s32 v0, v7  }
0x87: {  	v3 =	vadd.s32 v0, v8;
	[tilespmem:$0x13D60] =	vst v1  }
0x88: {  	[tilespmem:$0x13D00] =	vst v3  }
0x89: {  	[tilespmem:$0x13D20] =	vst v2  }
0x8a: {  	[tilespmem:s26], [sflag:$0x2] =	stream.indirect.gather [hbm4b:s4+s22], $0x80, s24, s22, $0xb8;
	[tilespmem:$0x1BE00] =	vst v63  }
0x8b: {  	_ =	swait.ge [sflag:s28], $0x4000  }
0x8c: {  	[sflag:s28] =	ssyncset.done $0x0  }
0x8d: {  	[sflag:s28] =	ssyncadd.s32 $0xFFFFC000  }
0x8e: {  	[spmem:s2] =	stream.indirect.scatter.add.f32 [tilespmem:s23], [sflag:$0x3], $0x80, s21, s22, $0xb8;
	[tilespmem:$0x1BE00] =	vst v63  }
0x8f: {  	_ =	swait.ge [sflag:s19], $0x4000  }
0x90: {  	[sflag:s19] =	ssyncset.done $0x0  }
0x91: {  	[sflag:s19] =	ssyncadd.s32 $0xFFFFC000  }
0x92: {  	[tilespmem:s6], [sflag:$0x3] =	stream.linear.gather @!p2 [hbm4b:s11+s10], $0x80, $0x38;
	[tilespmem:$0x1BE00] =	vst v63  }
0x93: {  	_ =	swait.ge @!p2 [sflag:s12], $0x80  }
0x94: {  	[sflag:s12] =	ssyncset.done @!p2 $0x0  }
0x95: {  	s11 =	sadd.s32 @!p2 s31, s17;
	s31 =	simm.s32 @!p2 $0x13C80;
	[sflag:s12] =	ssyncadd.s32 @!p2 $0xFFFFFF80  }
0x96: {  	[tilespmem:s31], [sflag:$0x3] =	stream.linear.gather @!p2 [hbm4b:s11+s10], $0x80, $0x38;
	[tilespmem:$0x1BE00] =	vst v63  }
0x97: {  	s31 =	smov.u32 s9;
	_ =	swait.ge @!p2 [sflag:s12], $0x80  }
0x98: {  	[sflag:s12] =	ssyncset.done @!p2 $0x0  }
0x99: {  	[sflag:s12] =	ssyncadd.s32 @!p2 $0xFFFFFF80  }
0x9a: {  	v1 =	vld @!p2 [tilespmem:$0x13C00]  }
0x9b: {  	v2 =	vld @!p2 [tilespmem:$0x13C10]  }
0x9c: {  	v3 =	vld @!p2 [tilespmem:$0x13C20]  }
0x9d: {  	v4 =	vld @!p2 [tilespmem:$0x13C50]  }
0x9e: {  	v5 =	vld @!p2 [tilespmem:$0x13C40]  }
0x9f: {  	v1 =	vadd.s32 @!p2 v0, v1;
	v6 =	vld @!p2 [tilespmem:$0x13C30]  }
0xa0: {  	[tilespmem:$0x13C00] =	vst @!p2 v1;
	v1 =	vadd.s32 @!p2 v0, v2;
	v2 =	vld @!p2 [tilespmem:$0x13C60]  }
0xa1: {  	[tilespmem:$0x13C10] =	vst @!p2 v1;
	v1 =	vadd.s32 @!p2 v0, v3;
	v3 =	vld @!p2 [tilespmem:$0x13C70]  }
0xa2: {  	[tilespmem:$0x13C20] =	vst @!p2 v1;
	v1 =	vadd.s32 @!p2 v0, v4  }
0xa3: {  	v4 =	vadd.s32 @!p2 v0, v5;
	[tilespmem:$0x13C50] =	vst @!p2 v1  }
0xa4: {  	v1 =	vadd.s32 @!p2 v0, v6;
	[tilespmem:$0x13C40] =	vst @!p2 v4  }
0xa5: {  	[tilespmem:$0x13C30] =	vst @!p2 v1;
	v1 =	vadd.s32 @!p2 v0, v2  }
0xa6: {  	s0 =	sadd.s32 $0x1000, s0;
	[tilespmem:$0x13C60] =	vst @!p2 v1;
	v1 =	vadd.s32 @!p2 v0, v3  }
.Ltmp0:
0xa7: {  	s9 =	simm.s32 @!p2 $0x80;
	s10 =	simm.s32 @!p2 $0x13E00;
	[tilespmem:$0x13C70] =	vst @!p2 v1;
	(pc) =	sbr.rel @p1 .LBB2_2-.Ltmp0, $4  }
0xa8: {  	[tilespmem:s10], [sflag:$0x1] =	stream.indirect.gather @!p2 [hbm4b:s4+s9], $0x80, s6, s9, $0xb8;
	[tilespmem:$0x1BE00] =	vst v63  }
0xa9: {  	_ =	swait.ge [sflag:s29], $0x4000  }
0xaa: {  	[sflag:s29] =	ssyncset.done $0x0  }
0xab: {  	[sflag:s29] =	ssyncadd.s32 $0xFFFFC000  }
0xac: {  	[spmem:s2] =	stream.indirect.scatter.add.f32 [tilespmem:s26], [sflag:$0x3], $0x80, s25, s22, $0xb8;
	[tilespmem:$0x1BE00] =	vst v63  }
0xad: {  	_ =	swait.ge [sflag:s19], $0x4000  }
0xae: {  	[sflag:s19] =	ssyncset.done $0x0  }
0xaf: {  	s1 =	sadd.s32 s31, s14;
	[sflag:s19] =	ssyncadd.s32 $0xFFFFC000  }
0xb0: {  	[tilespmem:s24], [sflag:$0x3] =	stream.linear.gather [hbm4b:s1+s3], $0x80, $0x38;
	[tilespmem:$0x1BE00] =	vst v63  }
0xb1: {  	_ =	swait.ge [sflag:s19], $0x80  }
0xb2: {  	[sflag:s19] =	ssyncset.done $0x0  }
0xb3: {  	s12 =	sadd.s32 s31, s15;
	[sflag:s19] =	ssyncadd.s32 $0xFFFFFF80  }
0xb4: {  	[tilespmem:s25], [sflag:$0x3] =	stream.linear.gather [hbm4b:s12+s3], $0x80, $0x38;
	[tilespmem:$0x1BE00] =	vst v63  }
0xb5: {  	_ =	swait.ge [sflag:s19], $0x80  }
0xb6: {  	[sflag:s19] =	ssyncset.done $0x0  }
0xb7: {  	[sflag:s19] =	ssyncadd.s32 $0xFFFFFF80  }
0xb8: {  	v1 =	vld [tilespmem:$0x13D10]  }
0xb9: {  	v2 =	vld [tilespmem:$0x13D30]  }
0xba: {  	v3 =	vld [tilespmem:$0x13D70]  }
0xbb: {  	v4 =	vld [tilespmem:$0x13D40]  }
0xbc: {  	v5 =	vld [tilespmem:$0x13D50]  }
0xbd: {  	v7 =	vld [tilespmem:$0x13D00];
	v1 =	vadd.s32 v0, v1  }
0xbe: {  	v6 =	vld [tilespmem:$0x13D60];
	[tilespmem:$0x13D10] =	vst v1;
	v1 =	vadd.s32 v0, v2  }
0xbf: {  	v2 =	vld [tilespmem:$0x13D20];
	[tilespmem:$0x13D30] =	vst v1;
	v1 =	vadd.s32 v0, v3  }
0xc0: {  	v3 =	vadd.s32 v0, v4;
	[tilespmem:$0x13D70] =	vst v1  }
0xc1: {  	[tilespmem:$0x13D40] =	vst v3;
	v1 =	vadd.s32 v0, v5  }
0xc2: {  	v3 =	vadd.s32 v0, v7;
	[tilespmem:$0x13D50] =	vst v1  }
0xc3: {  	v1 =	vadd.s32 v0, v6;
	[tilespmem:$0x13D00] =	vst v3  }
0xc4: {  	[tilespmem:$0x13D60] =	vst v1;
	v1 =	vadd.s32 v0, v2  }
0xc5: {  	[tilespmem:$0x13D20] =	vst v1  }
0xc6: {  	[tilespmem:s26], [sflag:$0x2] =	stream.indirect.gather [hbm4b:s4+s22], $0x80, s24, s22, $0xb8;
	[tilespmem:$0x1BE00] =	vst v63  }
0xc7: {  	_ =	swait.ge [sflag:s28], $0x4000  }
0xc8: {  	[sflag:s28] =	ssyncset.done $0x0  }
0xc9: {  	p1 =	seq.s32 s31, $0x4C00;
	[sflag:s28] =	ssyncadd.s32 $0xFFFFC000  }
0xca: {  	[spmem:s2] =	stream.indirect.scatter.add.f32 [tilespmem:s23], [sflag:$0x3], $0x80, s21, s22, $0xb8;
	[tilespmem:$0x1BE00] =	vst v63  }
0xcb: {  	s0 =	sshrl.u32 @!p1 s0, $0x3;
	_ =	swait.ge [sflag:s19], $0x4000  }
0xcc: {  	s6 =	simm.s32 @!p1 $0x13C00;
	s9 =	simm.s32 @!p1 $0x3;
	[sflag:s19] =	ssyncset.done $0x0  }
0xcd: {  	s0 =	sadd.s32 @!p1 s5, s0;
	s1 =	simm.s32 @!p1 $0x0;
	[sflag:s19] =	ssyncadd.s32 $0xFFFFC000  }
0xce: {  	[tilespmem:s6], [sflag:$0x3] =	stream.linear.gather @!p1 [hbm4b:s0+s1], $0x80, $0x38;
	[tilespmem:$0x1BE00] =	vst v63  }
0xcf: {  	_ =	swait.ge @!p1 [sflag:s9], $0x80  }
0xd0: {  	[sflag:s9] =	ssyncset.done @!p1 $0x0  }
0xd1: {  	s10 =	simm.s32 @!p1 $0x13C80;
	s0 =	sadd.s32 @!p1 s31, s17;
	[sflag:s9] =	ssyncadd.s32 @!p1 $0xFFFFFF80  }
0xd2: {  	[tilespmem:s10], [sflag:$0x3] =	stream.linear.gather @!p1 [hbm4b:s0+s1], $0x80, $0x38;
	[tilespmem:$0x1BE00] =	vst v63  }
0xd3: {  	_ =	swait.ge @!p1 [sflag:s9], $0x80  }
0xd4: {  	[sflag:s9] =	ssyncset.done @!p1 $0x0  }
0xd5: {  	[sflag:s9] =	ssyncadd.s32 @!p1 $0xFFFFFF80  }
0xd6: {  	v1 =	vld @!p1 [tilespmem:$0x13C00]  }
0xd7: {  	v2 =	vld @!p1 [tilespmem:$0x13C10]  }
0xd8: {  	v3 =	vld @!p1 [tilespmem:$0x13C20]  }
0xd9: {  	v4 =	vld @!p1 [tilespmem:$0x13C50]  }
0xda: {  	v5 =	vld @!p1 [tilespmem:$0x13C40]  }
0xdb: {  	v6 =	vld @!p1 [tilespmem:$0x13C30];
	v1 =	vadd.s32 @!p1 v0, v1  }
0xdc: {  	[tilespmem:$0x13C00] =	vst @!p1 v1;
	v1 =	vadd.s32 @!p1 v0, v2;
	v2 =	vld @!p1 [tilespmem:$0x13C60]  }
0xdd: {  	[tilespmem:$0x13C10] =	vst @!p1 v1;
	v1 =	vadd.s32 @!p1 v0, v3;
	v3 =	vld @!p1 [tilespmem:$0x13C70]  }
0xde: {  	[tilespmem:$0x13C20] =	vst @!p1 v1;
	v1 =	vadd.s32 @!p1 v0, v4  }
0xdf: {  	v4 =	vadd.s32 @!p1 v0, v5;
	[tilespmem:$0x13C50] =	vst @!p1 v1  }
0xe0: {  	v1 =	vadd.s32 @!p1 v0, v6;
	[tilespmem:$0x13C40] =	vst @!p1 v4  }
0xe1: {  	[tilespmem:$0x13C30] =	vst @!p1 v1;
	v1 =	vadd.s32 @!p1 v0, v2  }
0xe2: {  	[tilespmem:$0x13C60] =	vst @!p1 v1;
	v1 =	vadd.s32 @!p1 v0, v3  }
0xe3: {  	s0 =	simm.s32 @!p1 $0x80;
	s1 =	simm.s32 @!p1 $0x13E00;
	[tilespmem:$0x13C70] =	vst @!p1 v1  }
0xe4: {  	[tilespmem:s1], [sflag:$0x1] =	stream.indirect.gather @!p1 [hbm4b:s4+s0], $0x80, s6, s0, $0xb8;
	[tilespmem:$0x1BE00] =	vst v63  }
0xe5: {  	_ =	swait.ge [sflag:s29], $0x4000  }
0xe6: {  	[sflag:s29] =	ssyncset.done $0x0  }
0xe7: {  	[sflag:s29] =	ssyncadd.s32 $0xFFFFC000  }
0xe8: {  	[spmem:s2] =	stream.indirect.scatter.add.f32 [tilespmem:s26], [sflag:$0x3], $0x80, s25, s22, $0xb8;
	[tilespmem:$0x1BE00] =	vst v63  }
0xe9: {  	_ =	swait.ge [sflag:s19], $0x4000  }
0xea: {  	s0 =	simm.s32 @!p0 $0x0;
	[sflag:s19] =	ssyncset.done $0x0  }
0xeb: {  	s1 =	simm.s32 @!p0 $0x13C00;
	s6 =	rddreg [dreg:$0x5];
	[sflag:s19] =	ssyncadd.s32 $0xFFFFC000  }
0xec: {  	[tilespmem:s1], [sflag:$0x3] =	stream.linear.gather @!p0 [hbm4b:s6+s0], $0x80, $0x38;
	[tilespmem:$0x1BE00] =	vst v63  }
0xed: {  	s6 =	simm.s32 @!p0 $0x3  }
0xee: {  	_ =	swait.ge @!p0 [sflag:s6], $0x80  }
0xef: {  	[sflag:s6] =	ssyncset.done @!p0 $0x0  }
0xf0: {  	s9 =	simm.s32 @!p0 $0x13C80;
	s10 =	rddreg [dreg:$0x6];
	[sflag:s6] =	ssyncadd.s32 @!p0 $0xFFFFFF80  }
0xf1: {  	[tilespmem:s9], [sflag:$0x3] =	stream.linear.gather @!p0 [hbm4b:s10+s0], $0x80, $0x38;
	[tilespmem:$0x1BE00] =	vst v63  }
0xf2: {  	_ =	swait.ge @!p0 [sflag:s6], $0x80  }
0xf3: {  	[sflag:s6] =	ssyncset.done @!p0 $0x0  }
0xf4: {  	[sflag:s6] =	ssyncadd.s32 @!p0 $0xFFFFFF80  }
0xf5: {  	v1 =	vld @!p0 [tilespmem:$0x13C00]  }
0xf6: {  	v2 =	vld @!p0 [tilespmem:$0x13C10]  }
0xf7: {  	v3 =	vld @!p0 [tilespmem:$0x13C20]  }
0xf8: {  	v4 =	vld @!p0 [tilespmem:$0x13C30]  }
0xf9: {  	v5 =	vld @!p0 [tilespmem:$0x13C40]  }
0xfa: {  	v6 =	vld @!p0 [tilespmem:$0x13C50];
	v1 =	vadd.s32 @!p0 v0, v1  }
0xfb: {  	[tilespmem:$0x13C00] =	vst @!p0 v1;
	v1 =	vadd.s32 @!p0 v0, v2;
	v2 =	vld @!p0 [tilespmem:$0x13C60]  }
0xfc: {  	[tilespmem:$0x13C10] =	vst @!p0 v1;
	v1 =	vadd.s32 @!p0 v0, v3;
	v3 =	vld @!p0 [tilespmem:$0x13C70]  }
0xfd: {  	[tilespmem:$0x13C20] =	vst @!p0 v1;
	v1 =	vadd.s32 @!p0 v0, v4  }
0xfe: {  	[tilespmem:$0x13C30] =	vst @!p0 v1;
	v1 =	vadd.s32 @!p0 v0, v5  }
0xff: {  	[tilespmem:$0x13C40] =	vst @!p0 v1;
	v1 =	vadd.s32 @!p0 v0, v6  }
0x100: {  	[tilespmem:$0x13C50] =	vst @!p0 v1;
	v1 =	vadd.s32 @!p0 v0, v2  }
0x101: {  	[tilespmem:$0x13C60] =	vst @!p0 v1;
	v1 =	vadd.s32 @!p0 v0, v3  }
0x102: {  	s0 =	simm.s32 @!p0 $0x80;
	s10 =	simm.s32 @!p0 $0x13E00;
	[tilespmem:$0x13C70] =	vst @!p0 v1  }
0x103: {  	[tilespmem:s10], [sflag:$0x1] =	stream.indirect.gather @!p0 [hbm4b:s4+s0], $0x80, s1, s0, $0xb8;
	[tilespmem:$0x1BE00] =	vst v63  }
0x104: {  	s1 =	simm.s32 @!p0 $0x1  }
0x105: {  	_ =	swait.ge @!p0 [sflag:s1], $0x4000  }
0x106: {  	[sflag:s1] =	ssyncset.done @!p0 $0x0  }
0x107: {  	[sflag:s1] =	ssyncadd.s32 @!p0 $0xFFFFC000  }
0x108: {  	[spmem:s2] =	stream.indirect.scatter.add.f32 @!p0 [tilespmem:s10], [sflag:$0x3], $0x80, s9, s0, $0xb8;
	[tilespmem:$0x1BE00] =	vst v63  }
0x109: {  	_ =	swait.ge @!p0 [sflag:s6], $0x4000  }
0x10a: {  	[sflag:s6] =	ssyncset.done @!p0 $0x0  }
0x10b: {  	s30 =	sadd.s32 $0x1, s30;
	[sflag:s6] =	ssyncadd.s32 @!p0 $0xFFFFC000  }
0x10c: {  	p1 =	sne.s32 s30, s13;
	[bflag:$0x0] =	sbarrier.arrive $0xFFFF  }
.Ltmp1:
0x10d: {  	s31 =	rddreg [dreg:$0x7];
	(pc) =	sbr.rel @p1 .LBB2_1-.Ltmp1, $4  }
0x10e: {  	[hbm:s31], [sflag:s7] =	dma.local [spmem:s18], $0x2780  }
0x10f: {  	_ =	swait.ge [sflag:s19], $0x2780  }
0x110: {  	[sflag:s19] =	ssyncset.done $0x0  }
0x111: {  	[sflag:s19] =	ssyncadd.s32 $0xFFFFD880  }
0x112: {  	_ =	sfence.sel $0x180000  }
0x113: {  	[bflag:$0x0] =	sbarrier.arrive $0xFFFF  }
0x114: {  	_ =	strace $0x9000004D  }
0x115: {  	s0 =	stileid.u32;
	[bflag:$0x2] =	sbarrier.arrive $0xFFFF  }
0x116: {  	p0 =	sne.s32 s0, $0x0;
	s0 =	rddreg [dreg:$0x2]  }
0x117: {  	s0 =	sadd.s32 @!p0 $0x100000, s0  }
0x118: {  	[sflag:s0] =	ssyncadd.tile.s32 @!p0 $0x1;
	_ =	shalt  }
.Lfunc_end2:
_tile_overlayer_lowered:
.L_overlay_start_2:
0x119: {  	(tag) =	ssettag $0x2  }
0x11a: {  	s0 =	rddreg [dreg:$0x0];
	s2 =	stileid.u32  }
0x11b: {  	s1 =	rddreg [dreg:$0x1];
	p0 =	sne.s32 s2, $0x0  }
0x11c: {  	s3 =	rddreg [dreg:$0x2];
	[bflag:$0x3] =	sbarrier.arrive $0xFFFF;
	s2 =	simm.s32 @!p0 $0x1C03  }
0x11d: {  	[timem:s3], [sflag:s2] =	dma.local @!p0 [hbm:s0], s1  }
0x11e: {  	s0 =	simm.s32 @!p0 $0x3  }
0x11f: {  	_ =	swait.ge @!p0 [sflag:s0], s1  }
0x120: {  	s1 =	ssub.s32 @!p0 $0x0, s1;
	[sflag:s0] =	ssyncset.done @!p0 $0x0  }
0x121: {  	[sflag:s0] =	ssyncadd.s32 @!p0 s1  }
0x122: {  	[bflag:$0x3] =	sbarrier.arrive $0xFFFF  }
0x123: {  	_ =	shalt  }

// kernel: kernel.8.cloned.1.call-start
scs
__scs_entry_jumppad:
0x0: {  	(pc) =	sbr.rel $0x88, $3  }
0x1: {  	(tag) =	ssettag $0x0;
	lr =	simm.s32 $0x1  }
0x2: {  	[smem:$0x3F99] =	sst lr;
	_ =	strace $0xD0000000  }
0x3: {  	_ = 	snop  }
0x4: {  	_ = 	snop  }
0x5: {  	_ = 	snop  }
0x6: {  	_ = 	snop  }
0x7: {  	_ = 	snop  }
__scs_overlays_trampoline_lowered:
0x8: {  	[smem:$0x3FA8] =	sst s0  }
0x9: {  	[smem:$0x3FA9] =	sst s1  }
0xa: {  	[smem:$0x3FAA] =	sst s2  }
0xb: {  	[smem:$0x3FAB] =	sst s3  }
0xc: {  	[smem:$0x3FAC] =	sst s4  }
0xd: {  	[smem:$0x3FAD] =	sst s5  }
0xe: {  	[smem:$0x3FAE] =	sst s6  }
0xf: {  	[smem:$0x3FAF] =	sst s7  }
0x10: {  	[smem:$0x3FB0] =	sst s8  }
0x11: {  	[smem:$0x3FB1] =	sst s9;
	s0 =	simm.s32 @!p0 $0x0  }
0x12: {  	s1 =	sld [smem:$0x3F97];
	s0 =	simm.s32 @p0 $0x1  }
0x13: {  	[smem:$0x3FB2] =	sst s0;
	s0 =	simm.s32 @!p1 $0x0  }
0x14: {  	s2 =	sld [smem:$0x3F96];
	s0 =	simm.s32 @p1 $0x1  }
0x15: {  	[smem:$0x3FB3] =	sst s0;
	s0 =	simm.s32 @!p2 $0x0  }
0x16: {  	s3 =	sld [smem:$0x3FDB];
	s0 =	simm.s32 @p2 $0x1  }
0x17: {  	s4 =	simm.s32 $0x1BF5;
	[smem:$0x3FB5] =	sst s0  }
0x18: {  	s0 =	sld [smem:$0x3F98];
	_ =	swait.ge [sflag:s4], $0x0  }
0x19: {  	s7 =	sld [smem:$0x3F99]  }
0x1a: {  	s8 =	sadd.s32 $0xFFFFE003, lr  }
0x1b: {  	s9 =	sadd.s32 $0xFFFFFEF7, lr;
	s5 =	simm.s32 $0xFFFFFFFF;
	p2 =	slt.u32 s8, $0xFFFFF086  }
0x1c: {  	p1 =	slt.u32 s9, $0xF7A;
	s5 =	simm.s32 @!p2 $0x0  }
0x1d: {  	s5 =	simm.s32 @p1 $0x1;
	p0 =	seq.s32 s7, s2  }
0x1e: {  	s7 =	smul.u32 @!p0 $0xF7A, s2;
	p2 =	seq.s32 @!p0 s5, $0x0  }
0x1f: {  	s9 =	smul.u32 $0xF7A, s1;
	s8 =	simm.s32 @!p0 $0x1BF5;
	p2 =	por !p2, p0  }
0x20: {  	[sflag:s8] =	ssyncset.s32 @!p0 $0xFFFFF086;
	s6 =	sadd.s32 @!p0 s3, s7;
	s7 =	simm.s32 @!p0 $0x108  }
0x21: {  	s3 =	sadd.s32 s3, s9;
	s6 =	sadd.s32 @!p0 $0x88, s6;
	s7 =	simm.s32 @p2 $0x1082  }
0x22: {  	[simem:s7], [sflag:s8] =	dma.local @!p0 [hbm:s6], $0xF7A  }
0x23: {  	s9 =	sor.u32 $0xD0000000, s2;
	s6 =	simm.s32 $0x108;
	_ =	swait.ge @!p0 [sflag:s8], $0x0  }
0x24: {  	s3 =	sadd.s32 $0x88, s3;
	s6 =	simm.s32 @!p1 $0x1082;
	[sflag:s4] =	ssyncset.s32 $0xFFFFF086  }
0x25: {  	[simem:s6], [sflag:s4] =	dma.local [hbm:s3], $0xF7A  }
0x26: {  	[smem:$0x3F99] =	sst s1;
	(tag) =	ssettag s2;
	_ =	strace s9  }
0x27: {  	s1 =	sld [smem:$0x3FA9]  }
0x28: {  	s2 =	sld [smem:$0x3FAA]  }
0x29: {  	s4 =	sld [smem:$0x3FAC]  }
0x2a: {  	p0 =	seq.s32 s5, $0x0;
	s5 =	sld [smem:$0x3FAD]  }
0x2b: {  	s6 =	sld [smem:$0x3FAE]  }
0x2c: {  	s7 =	sld [smem:$0x3FAF]  }
0x2d: {  	s3 =	simm.s32 $0x108;
	s8 =	sld [smem:$0x3FB0]  }
0x2e: {  	s3 =	simm.s32 @!p0 $0x1082;
	s9 =	sld [smem:$0x3FB1]  }
0x2f: {  	lr =	sadd.s32 s0, s3;
	s0 =	sld [smem:$0x3FA8]  }
0x30: {  	s3 =	sld [smem:$0x3FAB]  }
0x31: {  	[smem:$0x3FB4] =	sst s10  }
0x32: {  	s10 =	sld [smem:$0x3FB2];
	_ =	sdelay $0x3  }
0x33: {  	p0 =	seq.s32 s10, $0x1;
	s10 =	sld [smem:$0x3FB4];
	_ =	sdelay $0x3  }
0x34: {  	[smem:$0x3FB4] =	sst s10  }
0x35: {  	s10 =	sld [smem:$0x3FB3];
	_ =	sdelay $0x3  }
0x36: {  	p1 =	seq.s32 s10, $0x1;
	s10 =	sld [smem:$0x3FB4];
	_ =	sdelay $0x3  }
0x37: {  	[smem:$0x3FB4] =	sst s10  }
0x38: {  	s10 =	sld [smem:$0x3FB5]  }
0x39: {  	_ = 	snop;
	(pc) =	sbr.ind lr, $3  }
0x3a: {  	_ = 	snop  }
0x3b: {  	_ = 	snop  }
0x3c: {  	p2 =	seq.s32 s10, $0x1;
	s10 =	sld [smem:$0x3FB4]  }
0x3d: {  	_ =	shalt  }
0x3e: {  	_ =	shalt  }
0x3f: {  	_ =	shalt  }
0x40: {  	_ =	shalt  }
0x41: {  	_ =	shalt  }
0x42: {  	_ =	shalt  }
0x43: {  	_ =	shalt  }
0x44: {  	_ =	shalt  }
0x45: {  	_ =	shalt  }
0x46: {  	_ =	shalt  }
0x47: {  	_ =	shalt  }
0x48: {  	_ =	shalt  }
0x49: {  	_ =	shalt  }
0x4a: {  	_ =	shalt  }
0x4b: {  	_ =	shalt  }
0x4c: {  	_ =	shalt  }
0x4d: {  	_ =	shalt  }
0x4e: {  	_ =	shalt  }
0x4f: {  	_ =	shalt  }
0x50: {  	_ =	shalt  }
0x51: {  	_ =	shalt  }
0x52: {  	_ =	shalt  }
0x53: {  	_ =	shalt  }
0x54: {  	_ =	shalt  }
0x55: {  	_ =	shalt  }
0x56: {  	_ =	shalt  }
0x57: {  	_ =	shalt  }
0x58: {  	_ =	shalt  }
0x59: {  	_ =	shalt  }
0x5a: {  	_ =	shalt  }
0x5b: {  	_ =	shalt  }
0x5c: {  	_ =	shalt  }
0x5d: {  	_ =	shalt  }
0x5e: {  	_ =	shalt  }
0x5f: {  	_ =	shalt  }
0x60: {  	_ =	shalt  }
0x61: {  	_ =	shalt  }
0x62: {  	_ =	shalt  }
0x63: {  	_ =	shalt  }
0x64: {  	_ =	shalt  }
0x65: {  	_ =	shalt  }
0x66: {  	_ =	shalt  }
0x67: {  	_ =	shalt  }
0x68: {  	_ =	shalt  }
0x69: {  	_ =	shalt  }
0x6a: {  	_ =	shalt  }
0x6b: {  	_ =	shalt  }
0x6c: {  	_ =	shalt  }
0x6d: {  	_ =	shalt  }
0x6e: {  	_ =	shalt  }
0x6f: {  	_ =	shalt  }
0x70: {  	_ =	shalt  }
0x71: {  	_ =	shalt  }
0x72: {  	_ =	shalt  }
0x73: {  	_ =	shalt  }
0x74: {  	_ =	shalt  }
0x75: {  	_ =	shalt  }
0x76: {  	_ =	shalt  }
0x77: {  	_ =	shalt  }
0x78: {  	_ =	shalt  }
0x79: {  	_ =	shalt  }
0x7a: {  	_ =	shalt  }
0x7b: {  	_ =	shalt  }
0x7c: {  	_ =	shalt  }
0x7d: {  	_ =	shalt  }
0x7e: {  	_ =	shalt  }
0x7f: {  	_ =	shalt  }
0x80: {  	_ =	shalt  }
0x81: {  	_ =	shalt  }
0x82: {  	_ =	shalt  }
0x83: {  	_ =	shalt  }
0x84: {  	_ =	shalt  }
0x85: {  	_ =	shalt  }
0x86: {  	_ =	shalt  }
0x87: {  	_ =	shalt  }
.Lfunc_end0:
.L_simem_size_0:
called_computation_lowered:
.L_overlay_start_0:
0x88: {  	s2 =	sld [smem:$0x3FD9]  }
0x89: {  	s3 =	sld [smem:$0x3FFE];
	_ =	sdelay $0x1  }
0x8a: {  	s1 =	srdreg.scid  }
0x8b: {  	s0 =	sand.u32 $0x1, s1  }
0x8c: {  	s17 =	sshll.u32 s0, $0xA;
	s2 =	sadd.s32 s3, s2  }
0x8d: {  	s2 =	sadd.s32 s2, s17  }
0x8e: {  	[smem:$0x3FC0] =	sst s2  }
0x8f: {  	_ = 	snop  }
0x90: {  	s2 =	sld [smem:$0x3FD0];
	(tm) =	ssettm $0x1  }
0x91: {  	s18 =	sld [smem:$0x3FFB];
	_ =	sdelay $0x3  }
0x92: {  	_ =	strace s18  }
0x93: {  	s3 =	sld [smem:$0x3FFC];
	_ =	sdelay $0x3  }
0x94: {  	_ =	strace s3  }
0x95: {  	s3 =	sld [smem:$0x3FFD];
	_ =	sdelay $0x3  }
0x96: {  	_ =	strace s3  }
0x97: {  	_ =	strace $0x8FFFFFFF  }
0x98: {  	s19 =	sld [smem:$0x3FDB];
	_ =	sdelay $0x1  }
0x99: {  	s4 =	simm.s32 $_scs_section_size  }
0x9a: {  	s5 =	simm.s32 $_size__tile_overlayer_lowered;
	s6 =	simm.s32 $_tile_overlayer_lowered  }
0x9b: {  	s22 =	simm.s32 $0x1BFF;
	s21 =	sshll.u32 s6, $0x1;
	s3 =	sadd.s32 s4, s19  }
0x9c: {  	s7 =	simm.s32 $0x0;
	s20 =	sshll.u32 s5, $0x1;
	s5 =	sadd.s32 s21, s3  }
0x9d: {  	[timem:s7], [sflag:s22] =	dma.local [hbm:s5], s20  }
0x9e: {  	_ =	swait.ge [sflag:s22], s20  }
0x9f: {  	s4 =	ssub.s32 $0x0, s20;
	[sflag:s22] =	ssyncset.done $0x0  }
0xa0: {  	[sflag:s22] =	ssyncadd.s32 s4;
	_ =	sdelay $0x1  }
0xa1: {  	s23 =	simm.s32 $0x1B8B  }
0xa2: {  	_ =	swait.ge [sflag:s23], $0x1  }
0xa3: {  	[sflag:s23] =	ssyncset.done $0x0  }
0xa4: {  	s25 =	simm.s32 $0x1B8E;
	s24 =	sld [smem:$0x3FFE];
	[sflag:s23] =	ssyncadd.s32 $0xFFFFFFFF  }
0xa5: {  	s26 =	simm.s32 $execute0_lowered;
	[smem:$0x3FD2] =	sst s25  }
0xa6: {  	s5 =	sshll.u32 s26, $0x1;
	_ =	strace $0x80000046;
	[dreg:$0x1] =	wrdreg $0xFFFFFFFF  }
0xa7: {  	s28 =	simm.s32 $_size_execute0_lowered;
	s3 =	sadd.s32 s3, s5;
	[dreg:$0x0] =	wrdreg $0x0  }
0xa8: {  	s5 =	sshll.u32 s28, $0x1;
	[dreg:$0x2] =	wrdreg s3  }
0xa9: {  	[dreg:$0x3] =	wrdreg s5  }
0xaa: {  	[dreg:$0x4] =	wrdreg $0xC0  }
0xab: {  	_ =	task [dreg:s7], $0x5FFFF  }
0xac: {  	[dreg:$0x1] =	wrdreg $0xFFFFFFFF  }
0xad: {  	[dreg:$0x0] =	wrdreg $0x60  }
0xae: {  	[dreg:$0x2] =	wrdreg s2  }
0xaf: {  	[dreg:$0x3] =	wrdreg s24  }
0xb0: {  	[dreg:$0x4] =	wrdreg $0x0  }
0xb1: {  	[dreg:$0x5] =	wrdreg $0x9  }
0xb2: {  	_ =	task.clear_ibuf [dreg:s7], $0x6FFFF;
	_ =	strace $0x90000046  }
0xb3: {  	s29 =	simm.s32 $0x9;
	_ =	strace $0x80000048  }
0xb4: {  	_ =	swait.ge [sflag:s29], $0x1  }
0xb5: {  	[sflag:s29] =	ssyncadd.s32 $0xFFFFFFFF  }
0xb6: {  	_ =	strace $0x90000048  }
0xb7: {  	_ =	sfence  }
0xb8: {  	s30 =	sld [smem:$0x0];
	_ =	sdelay $0x2  }
0xb9: {  	s31 =	sshll.u32 s1, $0xD;
	s1 =	sshrl.u32 s1, $0x2  }
0xba: {  	s3 =	sand.u32 $0x4000, s31;
	s1 =	sadd.s32 s1, s30  }
0xbb: {  	s0 =	sor.u32 s3, s0;
	s1 =	sshll.u32 s1, $0x11  }
0xbc: {  	s0 =	sor.u32 s1, s0  }
0xbd: {  	s0 =	sadd.s32 $0x8F2B, s0  }
0xbe: {  	[sflag:s0] =	ssyncadd.remote.s32 $0x1  }
0xbf: {  	_ =	sfence.sel $0xFFFF  }
0xc0: {  	[dreg:$0x0] =	wrdreg $0xFFFFFFFF;
	(pc) =	sbr.abs _section_cstart, $3  }
0xc1: {  	[dreg:$0x1] =	wrdreg $0xFFFFFFFF  }
0xc2: {  	_ =	task.clear_ibuf [dreg:s7], $0x2FFFF;
	_ =	strace $0x9FFFFFFF  }
0xc3: {  	(tm) =	ssettm $0x7FFFFFFF  }
tec
execute0_lowered:
.L_overlay_start_1:
0x0: {  	(tag) =	ssettag $0x1  }
0x1: {  	s9 =	rddreg [dreg:$0x0]  }
0x2: {  	s5 =	rddreg [dreg:$0x1]  }
0x3: {  	s2 =	rddreg [dreg:$0x2]  }
0x4: {  	s0 =	rddreg [dreg:$0x3]  }
0x5: {  	s1 =	stileid.u32;
	s4 =	srdreg.scid;
	s3 =	simm.s32 $0x0  }
0x6: {  	s14 =	simm.s32 $0x13C0;
	s15 =	simm.s32 $0x80;
	s16 =	simm.s32 $0x0  }
0x7: {  	s6 =	smul.u32 $0x13C0, s1;
	s7 =	sand.u32 $0x1, s4;
	[smem:$0x7FF] =	sst s3  }
0x8: {  	s4 =	sadd.s32 $0x2000, s5;
	s28 =	ssub.s32 $0x4F1, s1;
	s29 =	sshll.u32 s1, $0x7  }
0x9: {  	s31 =	sshll.u32 s1, $0x6;
	s8 =	smul.u32 $0x13C00, s7;
	_ =	strace $0x80000047  }
0xa: {  	s11 =	ssub.s32 $0x2, s7;
	s7 =	smul.u32 $0x27100, s7;
	s10 =	sshrl.u32 s6, $0x3  }
0xb: {  	s12 =	sshrl.u32 s11, $0x1;
	s13 =	sadd.s32 s6, s2;
	s8 =	sadd.s32 s6, s8  }
0xc: {  	s10 =	sadd.s32 s10, s5;
	s11 =	ssub.s32 s11, s12;
	s6 =	sshrl.u32 s28, $0x4  }
0xd: {  	s30 =	sadd.s32 s29, s7;
	s12 =	sor.u32 $0x1C01, s31;
	s8 =	sshrl.u32 s8, $0x3  }
0xe: {  	s13 =	sshrl.u32 s13, $0x3;
	s8 =	sadd.s32 s8, s5;
	s5 =	sadd.s32 $0x2200, s10  }
0xf: {  	s10 =	sshrl.u32 s30, $0x3;
	s7 =	sadd.s32 $0x4A00, s8;
	s8 =	smax.u32 s11, $0x1  }
0x10: {  	s9 =	sadd.s32 s10, s9;
	s10 =	simm.s32 $0x1440;
	s11 =	simm.s32 $0x1  }
.LBB2_1:
0x11: {  	[tilespmem:s10], [sflag:$0x1] =	stream.linear.gather [hbm4b:s4+s3], $0x400, $0x38;
	[tilespmem:$0x1840] =	vst v63  }
0x12: {  	_ =	swait.ge [sflag:s11], $0x400  }
0x13: {  	[sflag:s11] =	ssyncset.done $0x0  }
0x14: {  	[sflag:s11] =	ssyncadd.s32 $0xFFFFFC00  }
0x15: {  	[spmem:s13], [sflag:s12] =	dma.local [hbm:s5], $0x278  }
0x16: {  	_ =	swait.ge [sflag:s11], $0x278  }
0x17: {  	[sflag:s11] =	ssyncset.done $0x0  }
0x18: {  	[sflag:s11] =	ssyncadd.s32 $0xFFFFFD88  }
0x19: {  	[bflag:$0x0] =	sbarrier.arrive $0xFFFF  }
0x1a: {  	[tilespmem:s14], [sflag:$0x1] =	stream.linear.gather [hbm4b:s9+s3], $0x80, $0x38;
	[tilespmem:$0x1840] =	vst v63  }
0x1b: {  	p0 =	sne.s32 s6, $0x1;
	_ =	swait.ge [sflag:s11], $0x80  }
.Ltmp0:
0x1c: {  	[sflag:s11] =	ssyncset.done $0x0;
	(pc) =	sbr.rel @!p0 .LBB2_3-.Ltmp0, $4  }
0x1d: {  	[sflag:s11] =	ssyncadd.s32 $0xFFFFFF80  }
0x1e: {  	[spmem:s2] =	stream.indirect.scatter.add.f32 [tilespmem:s10], [sflag:$0x1], $0x8, s14, s15, $0xb8;
	[tilespmem:$0x1840] =	vst v63  }
0x1f: {  	_ =	swait.ge [sflag:s11], $0x400  }
0x20: {  	s17 =	sadd.s32 $0xFFFFFFFF, s6;
	s18 =	smov.u32 s9;
	[sflag:s11] =	ssyncset.done $0x0  }
.LBB2_2:
0x21: {  	p0 =	sne.s32 s17, $0x1;
	[sflag:s11] =	ssyncadd.s32 $0xFFFFFC00;
	s18 =	sadd.s32 $0x100, s18  }
0x22: {  	[tilespmem:s14], [sflag:$0x1] =	stream.linear.gather [hbm4b:s18+s3], $0x80, $0x38;
	[tilespmem:$0x1840] =	vst v63  }
0x23: {  	s17 =	sadd.s32 $0xFFFFFFFF, s17;
	_ =	swait.ge [sflag:s11], $0x80  }
.Ltmp1:
0x24: {  	[sflag:s11] =	ssyncset.done $0x0;
	(pc) =	sbr.rel @p0 .LBB2_2-.Ltmp1, $4  }
0x25: {  	[sflag:s11] =	ssyncadd.s32 $0xFFFFFF80  }
0x26: {  	[spmem:s2] =	stream.indirect.scatter.add.f32 [tilespmem:s10], [sflag:$0x1], $0x8, s14, s15, $0xb8;
	[tilespmem:$0x1840] =	vst v63  }
0x27: {  	_ =	swait.ge [sflag:s11], $0x400  }
0x28: {  	[sflag:s11] =	ssyncset.done $0x0  }
.LBB2_3:
0x29: {  	s16 =	sadd.s32 $0x1, s16  }
0x2a: {  	[sflag:s11] =	ssyncadd.s32 $0xFFFFFC00;
	p0 =	sne.s32 s16, s8  }
.Ltmp2:
0x2b: {  	[bflag:$0x0] =	sbarrier.arrive $0xFFFF;
	(pc) =	sbr.rel @p0 .LBB2_1-.Ltmp2, $4  }
0x2c: {  	[hbm:s7], [sflag:s12] =	dma.local [spmem:s13], $0x278  }
0x2d: {  	_ =	swait.ge [sflag:s11], $0x278  }
0x2e: {  	[sflag:s11] =	ssyncset.done $0x0  }
0x2f: {  	[sflag:s11] =	ssyncadd.s32 $0xFFFFFD88  }
0x30: {  	_ =	sfence.sel $0x180000  }
0x31: {  	[bflag:$0x0] =	sbarrier.arrive $0xFFFF  }
0x32: {  	p0 =	sne.s32 s1, $0x0;
	_ =	strace $0x90000047  }
0x33: {  	s0 =	sadd.s32 @!p0 $0x100000, s0;
	[bflag:$0x2] =	sbarrier.arrive $0xFFFF  }
0x34: {  	[sflag:s0] =	ssyncadd.tile.s32 @!p0 $0x1;
	_ =	shalt  }
.Lfunc_end2:
_tile_overlayer_lowered:
.L_overlay_start_2:
0x35: {  	(tag) =	ssettag $0x2  }
0x36: {  	s0 =	rddreg [dreg:$0x0];
	s2 =	stileid.u32  }
0x37: {  	s1 =	rddreg [dreg:$0x1];
	p0 =	sne.s32 s2, $0x0  }
0x38: {  	s3 =	rddreg [dreg:$0x2];
	[bflag:$0x3] =	sbarrier.arrive $0xFFFF;
	s2 =	simm.s32 @!p0 $0x1C01  }
0x39: {  	[timem:s3], [sflag:s2] =	dma.local @!p0 [hbm:s0], s1  }
0x3a: {  	s0 =	simm.s32 @!p0 $0x1  }
0x3b: {  	_ =	swait.ge @!p0 [sflag:s0], s1  }
0x3c: {  	s1 =	ssub.s32 @!p0 $0x0, s1;
	[sflag:s0] =	ssyncset.done @!p0 $0x0  }
0x3d: {  	[sflag:s0] =	ssyncadd.s32 @!p0 s1  }
0x3e: {  	[bflag:$0x3] =	sbarrier.arrive $0xFFFF  }
0x3f: {  	_ =	shalt  }

</sc_bundles>
